<compile_context>
chip_gen: v7x
topology: tpu7x:2x2x1
jax: 0.10.2.dev20260603
libtpu: 0.0.44.dev20260713+nightly
codegen_flags: <defaults>
</compile_context>

<pallas_src>
import functools

import jax
import jax.numpy as jnp
from jax import lax
from jax.experimental import pallas as pl
from jax.experimental.pallas import tpu as pltpu
from jax.experimental.pallas import tpu_sc as plsc

CH = 64
N_FREQS = 4
N_FREQS_XYZ = 10
GRID = (160, 160, 160)

NC, NS, L = 2, 16, 16
NW = NC * NS

C = 128
G = C // L
NROW = 8 * C
NIR = NROW // 128


def _sc_lookup(px, py, pz, map_flat, table):
    B = px.shape[0]
    P = B // NW
    nch = P // C
    gx, gy, gz = GRID

    mesh = plsc.VectorSubcoreMesh(core_axis_name="c", subcore_axis_name="s")

    @functools.partial(
        pl.kernel,
        out_type=[
            jax.ShapeDtypeStruct((B, CH), jnp.float32),
            jax.ShapeDtypeStruct((B,), jnp.int32),
        ],
        mesh=mesh,
        scratch_types=[
            pltpu.VMEM((C,), jnp.float32),
            pltpu.VMEM((C,), jnp.float32),
            pltpu.VMEM((C,), jnp.float32),
            pltpu.VMEM((NIR, 128), jnp.int32),
            pltpu.VMEM((NIR, 128), jnp.int32),
            pltpu.VMEM((NROW,), jnp.float32),
            pltpu.VMEM((NIR, 128), jnp.int32),
            pltpu.VMEM((NROW, CH), jnp.float32),
            pltpu.VMEM((C, CH), jnp.float32),
            pltpu.VMEM((C,), jnp.int32),
            pltpu.SemaphoreType.DMA,
        ],
        compiler_params=pltpu.CompilerParams(
            needs_layout_passes=False, use_tc_tiling_on_sc=False),
    )
    def body(px_h, py_h, pz_h, map_h, tab_h, feat_h, mask_h,
             xv, yv, zv, fidx, mval, wbuf, tidx, rows, featb, maskb, sem):
        wid = lax.axis_index("s") * NC + lax.axis_index("c")
        iota = lax.iota(jnp.int32, L)

        def chunk_body(ci, _):
            start = wid * P + ci * C
            pltpu.sync_copy(px_h.at[pl.ds(start, C)], xv)
            pltpu.sync_copy(py_h.at[pl.ds(start, C)], yv)
            pltpu.sync_copy(pz_h.at[pl.ds(start, C)], zv)

            for g in range(G):
                x = xv[pl.ds(g * L, L)]
                y = yv[pl.ds(g * L, L)]
                z = zv[pl.ds(g * L, L)]
                bx = x.astype(jnp.int32)
                by = y.astype(jnp.int32)
                bz = z.astype(jnp.int32)
                fx = x - bx.astype(jnp.float32)
                fy = y - by.astype(jnp.float32)
                fz = z - bz.astype(jnp.float32)
                ix = (jnp.minimum(jnp.maximum(bx, 0), gx - 1),
                      jnp.minimum(jnp.maximum(bx + 1, 0), gx - 1))
                iy = (jnp.minimum(jnp.maximum(by, 0), gy - 1),
                      jnp.minimum(jnp.maximum(by + 1, 0), gy - 1))
                iz = (jnp.minimum(jnp.maximum(bz, 0), gz - 1),
                      jnp.minimum(jnp.maximum(bz + 1, 0), gz - 1))
                wx = (1.0 - fx, fx)
                wy = (1.0 - fy, fy)
                wz = (1.0 - fz, fz)
                for dx in (0, 1):
                    rx = ix[dx] * (gy * gz)
                    for dy in (0, 1):
                        ry = rx + iy[dy] * gz
                        for dz in (0, 1):
                            k = dx * 4 + dy * 2 + dz
                            fidx[g, pl.ds(k * L, L)] = ry + iz[dz]
                            wbuf[pl.ds(g * 128 + k * L, L)] = (
                                wx[dx] * wy[dy] * wz[dz])

            descs = [pltpu.async_copy(map_h.at[fidx.at[j]], mval.at[j], sem)
                     for j in range(NIR)]
            for d in descs:
                d.wait()

            for g in range(G):
                macc = jnp.zeros((L,), jnp.int32)
                for k in range(8):
                    v = mval[g, pl.ds(k * L, L)]
                    valid = v >= 0
                    w = wbuf[pl.ds(g * 128 + k * L, L)]
                    wbuf[pl.ds(g * 128 + k * L, L)] = jnp.where(valid, w, 0.0)
                    tidx[g, pl.ds(k * L, L)] = jnp.maximum(v, 0)
                    macc = jnp.where(valid, 1, macc)
                maskb[pl.ds(g * L, L)] = macc

            descs = [pltpu.async_copy(tab_h.at[tidx.at[j]],
                                      rows.at[pl.ds(j * 128, 128)], sem)
                     for j in range(NIR)]
            for d in descs:
                d.wait()

            for g in range(G):
                ws = [wbuf[pl.ds(g * 128 + k * L, L)] for k in range(8)]
                ridx = [g * 128 + k * L + iota for k in range(8)]
                pidx = g * L + iota

                def ch_body(ch, _, ws=ws, ridx=ridx, pidx=pidx):
                    chv = jnp.full((L,), ch, jnp.int32)
                    acc = ws[0] * plsc.load_gather(rows, [ridx[0], chv])
                    for k in range(1, 8):
                        acc += ws[k] * plsc.load_gather(rows, [ridx[k], chv])
                    plsc.store_scatter(featb, [pidx, chv], acc)
                    return _

                lax.fori_loop(0, CH, ch_body, 0)

            pltpu.sync_copy(featb, feat_h.at[pl.ds(start, C)])
            pltpu.sync_copy(maskb, mask_h.at[pl.ds(start, C)])
            return _

        lax.fori_loop(0, nch, chunk_body, 0)

    return body(px, py, pz, map_flat, table)


def _pe_body(feat_ref, xyz_ref, out_ref):
    f = feat_ref[...]
    s1 = jnp.sin(f)
    c1 = jnp.cos(f)
    s2 = 2.0 * s1 * c1
    c2 = 1.0 - 2.0 * s1 * s1
    s4 = 2.0 * s2 * c2
    c4 = 1.0 - 2.0 * s2 * s2
    s8 = 2.0 * s4 * c4
    c8 = 1.0 - 2.0 * s4 * s4
    x = xyz_ref[...]
    parts = [f, s1, c1, s2, c2, s4, c4, s8, c8, x]
    s = jnp.sin(x)
    c = jnp.cos(x)
    for k in range(N_FREQS_XYZ):
        parts.append(s)
        parts.append(c)
        if k < N_FREQS_XYZ - 1:
            s, c = 2.0 * s * c, 1.0 - 2.0 * s * s
    out_ref[...] = jnp.concatenate(parts, axis=1)


def _pe_call(feat, xyz):
    B = feat.shape[0]
    R = 512
    dout = CH * (2 * N_FREQS + 1) + 3 * (2 * N_FREQS_XYZ + 1)
    return pl.pallas_call(
        _pe_body,
        grid=(B // R,),
        in_specs=[
            pl.BlockSpec((R, CH), lambda i: (i, 0)),
            pl.BlockSpec((R, 3), lambda i: (i, 0)),
        ],
        out_specs=pl.BlockSpec((R, dout), lambda i: (i, 0)),
        out_shape=jax.ShapeDtypeStruct((B, dout), jnp.float32),
    )(feat, xyz)


def kernel(xyz, table, voxel_idx_map, voxel_size, voxel_offset):
    pos = (xyz + voxel_offset) / voxel_size
    post = pos.T
    map_flat = voxel_idx_map.reshape(-1)
    feat, mask_i = _sc_lookup(post[0], post[1], post[2], map_flat, table)
    out = _pe_call(feat, xyz)
    return out, mask_i != 0

# --- scband reference (transcript-rebuilt; emitter-appended) ---
"""Pipeline reference for scband-embedding-voxel-41961830482624 (READ-ONLY COPY).

The authoritative reference and input builder live on the scoring server;
editing this copy changes nothing except your own understanding.
"""

import jax, jax.numpy as jnp
import numpy as np

CHANNELS = 64
N_FREQS = 4
MAX_VOXELS = 1000000
GRID = (160, 160, 160)
B = 131072


def setup_inputs(seed: int = 0) -> dict:
    key = jax.random.key(seed)
    k1, k2, k3, k4 = jax.random.split(key, 4)
    xyz = jax.random.uniform(k1, (B, 3), dtype=jnp.float32)
    table = jax.random.normal(k2, (MAX_VOXELS, CHANNELS), dtype=jnp.float32) * 0.01
    idx = jax.random.randint(k3, GRID, 0, MAX_VOXELS, dtype=jnp.int32)
    occ = jax.random.uniform(k4, GRID) < 0.3
    voxel_idx_map = jnp.where(occ, idx, jnp.int32(-1))
    return {"xyz": xyz, "table": table, "voxel_idx_map": voxel_idx_map,
            "voxel_size": 1.0 / 150.0, "voxel_offset": 0.0}


def _pe(x, n_freqs):
    # Embeds x to (x, sin(2^k x), cos(2^k x), ...) with logscale freq bands
    outs = [x]
    for k in range(n_freqs):
        f = float(2 ** k)
        outs.append(jnp.sin(f * x))
        outs.append(jnp.cos(f * x))
    return jnp.concatenate(outs, axis=-1)


def _voxel_features(xyz, table, voxel_idx_map, voxel_size, voxel_offset):
    gx, gy, gz = voxel_idx_map.shape
    pos = (xyz + voxel_offset) / voxel_size
    base = jnp.floor(pos)
    frac = pos - base
    base_i = base.astype(jnp.int32)
    feat = jnp.zeros((xyz.shape[0], table.shape[1]), dtype=table.dtype)
    any_valid = jnp.zeros((xyz.shape[0],), dtype=bool)
    for dx in (0, 1):
        for dy in (0, 1):
            for dz in (0, 1):
                cx = jnp.clip(base_i[:, 0] + dx, 0, gx - 1)
                cy = jnp.clip(base_i[:, 1] + dy, 0, gy - 1)
                cz = jnp.clip(base_i[:, 2] + dz, 0, gz - 1)
                idx = voxel_idx_map[cx, cy, cz]
                valid = idx >= 0
                any_valid = jnp.logical_or(any_valid, valid)
                corner_f = jnp.take(table, jnp.maximum(idx, 0), axis=0)
                corner_f = corner_f * valid[:, None].astype(table.dtype)
                wx = frac[:, 0] if dx == 1 else 1.0 - frac[:, 0]
                wy = frac[:, 1] if dy == 1 else 1.0 - frac[:, 1]
                wz = frac[:, 2] if dz == 1 else 1.0 - frac[:, 2]
                w = (wx * wy * wz)[:, None]
                feat = feat + w * corner_f
    return feat, any_valid


def reference(xyz, table, voxel_idx_map, voxel_size, voxel_offset):
    feat, mask = _voxel_features(xyz, table, voxel_idx_map, voxel_size, voxel_offset)
    emb_feat = _pe(feat, N_FREQS)          # [B, 64*(2*4+1)] = [B, 576]
    emb_xyz = _pe(xyz, 10)                 # [B, 3*(2*10+1)] = [B, 63]
    out = jnp.concatenate([emb_feat, emb_xyz], axis=-1)  # [B, 639]
    return out, mask

if __name__ == "__main__":
    import jax
    _d = setup_inputs()
    print(jax.jit(kernel)(*tuple(_d.values())))

</pallas_src>

<mosaic_0001>
#map = affine_map<(d0, d1) -> (0)>
#map1 = affine_map<(d0, d1) -> (0, 0)>
module attributes {stable_mosaic.version = 14 : i64} {
  func.func @body(%arg0: i32, %arg1: i32, %arg2: memref<131072xf32, #tpu.memory_space<hbm>>, %arg3: memref<131072xf32, #tpu.memory_space<hbm>>, %arg4: memref<131072xf32, #tpu.memory_space<hbm>>, %arg5: memref<4096000xi32, #tpu.memory_space<hbm>>, %arg6: memref<1000000x64xf32, #tpu.memory_space<hbm>>, %arg7: memref<131072x64xf32, #tpu.memory_space<hbm>>, %arg8: memref<131072xi32, #tpu.memory_space<hbm>>, %arg9: memref<128xf32, #tpu.memory_space<vmem>>, %arg10: memref<128xf32, #tpu.memory_space<vmem>>, %arg11: memref<128xf32, #tpu.memory_space<vmem>>, %arg12: memref<8x128xi32, #tpu.memory_space<vmem>>, %arg13: memref<8x128xi32, #tpu.memory_space<vmem>>, %arg14: memref<1024xf32, #tpu.memory_space<vmem>>, %arg15: memref<8x128xi32, #tpu.memory_space<vmem>>, %arg16: memref<1024x64xf32, #tpu.memory_space<vmem>>, %arg17: memref<128x64xf32, #tpu.memory_space<vmem>>, %arg18: memref<128xi32, #tpu.memory_space<vmem>>, %arg19: memref<!tpu.dma_semaphore, #tpu.memory_space<semaphore_mem>>) attributes {dimension_semantics = [#tpu.dimension_semantics<core_parallel>, #tpu.dimension_semantics<subcore_parallel>], iteration_bounds = array<i64: 2, 16>, scalar_prefetch = 0 : i64, scratch_operands = 11 : i64, tpu.core_type = #tpu.core_type<sc_vector_subcore>, window_params = [{transform_indices = #map}, {transform_indices = #map}, {transform_indices = #map}, {transform_indices = #map}, {transform_indices = #map1}, {transform_indices = #map1}, {transform_indices = #map}]} {
    %mul3A = arith.constant 2 : i32
    %mul3A_0 = arith.muli %arg1, %mul3A : i32
    %add3A = arith.addi %mul3A_0, %arg0 : i32
    %iota3A = tpu.iota {dimensions = array<i32: 0>} : vector<16xi32>
    %scan3A = arith.constant 0 : i32
    %scan3A_1 = arith.constant 0 : i32
    %scan3A_2 = arith.constant 32 : i32
    %scan3A_3 = arith.addi %scan3A_1, %scan3A_2 : i32
    %scan3A_4 = arith.constant 1 : i32
    scf.for %scan3A_6 = %scan3A_1 to %scan3A_3 step %scan3A_4  : i32 {
      %mul3A_7 = arith.constant 4096 : i32
      %mul3A_8 = arith.muli %add3A, %mul3A_7 : i32
      %mul3A_9 = arith.constant 128 : i32
      %mul3A_10 = arith.muli %scan3A_6, %mul3A_9 : i32
      %add3A_11 = arith.addi %mul3A_8, %mul3A_10 : i32
      "tpu.region"() ({
        %run_scoped3A = tpu.sem_alloc : memref<!tpu.dma_semaphore, #tpu.memory_space<semaphore_mem>>
        %dma_start3A_3584 = tpu.memref_slice %arg2[%add3A_11] : memref<131072xf32, #tpu.memory_space<hbm>> -> memref<128xf32, #tpu.memory_space<hbm>>
        %dma_start3A_3585 = tpu.memref_slice %arg2[%add3A_11] : memref<131072xf32, #tpu.memory_space<hbm>> -> memref<128xf32, #tpu.memory_space<hbm>>
        tpu.enqueue_dma source(%dma_start3A_3585 : memref<128xf32, #tpu.memory_space<hbm>>) target(%arg9 : memref<128xf32, #tpu.memory_space<vmem>>) target_semaphore(%run_scoped3A : memref<!tpu.dma_semaphore, #tpu.memory_space<semaphore_mem>>)
        %dma_wait3A_3586 = tpu.memref_slice %arg2[%add3A_11] : memref<131072xf32, #tpu.memory_space<hbm>> -> memref<128xf32, #tpu.memory_space<hbm>>
        %dma_wait3A_3587 = tpu.memref_slice %arg2[%add3A_11] : memref<131072xf32, #tpu.memory_space<hbm>> -> memref<128xf32, #tpu.memory_space<hbm>>
        tpu.wait_dma2 semaphore(%run_scoped3A : memref<!tpu.dma_semaphore, #tpu.memory_space<semaphore_mem>>) src(%dma_wait3A_3587 : memref<128xf32, #tpu.memory_space<hbm>>) dst(%arg9 : memref<128xf32, #tpu.memory_space<vmem>>)
        tpu.yield
      }) : () -> ()
      "tpu.region"() ({
        %run_scoped3A = tpu.sem_alloc : memref<!tpu.dma_semaphore, #tpu.memory_space<semaphore_mem>>
        %dma_start3A_3584 = tpu.memref_slice %arg3[%add3A_11] : memref<131072xf32, #tpu.memory_space<hbm>> -> memref<128xf32, #tpu.memory_space<hbm>>
        %dma_start3A_3585 = tpu.memref_slice %arg3[%add3A_11] : memref<131072xf32, #tpu.memory_space<hbm>> -> memref<128xf32, #tpu.memory_space<hbm>>
        tpu.enqueue_dma source(%dma_start3A_3585 : memref<128xf32, #tpu.memory_space<hbm>>) target(%arg10 : memref<128xf32, #tpu.memory_space<vmem>>) target_semaphore(%run_scoped3A : memref<!tpu.dma_semaphore, #tpu.memory_space<semaphore_mem>>)
        %dma_wait3A_3586 = tpu.memref_slice %arg3[%add3A_11] : memref<131072xf32, #tpu.memory_space<hbm>> -> memref<128xf32, #tpu.memory_space<hbm>>
        %dma_wait3A_3587 = tpu.memref_slice %arg3[%add3A_11] : memref<131072xf32, #tpu.memory_space<hbm>> -> memref<128xf32, #tpu.memory_space<hbm>>
        tpu.wait_dma2 semaphore(%run_scoped3A : memref<!tpu.dma_semaphore, #tpu.memory_space<semaphore_mem>>) src(%dma_wait3A_3587 : memref<128xf32, #tpu.memory_space<hbm>>) dst(%arg10 : memref<128xf32, #tpu.memory_space<vmem>>)
        tpu.yield
      }) : () -> ()
      "tpu.region"() ({
        %run_scoped3A = tpu.sem_alloc : memref<!tpu.dma_semaphore, #tpu.memory_space<semaphore_mem>>
        %dma_start3A_3584 = tpu.memref_slice %arg4[%add3A_11] : memref<131072xf32, #tpu.memory_space<hbm>> -> memref<128xf32, #tpu.memory_space<hbm>>
        %dma_start3A_3585 = tpu.memref_slice %arg4[%add3A_11] : memref<131072xf32, #tpu.memory_space<hbm>> -> memref<128xf32, #tpu.memory_space<hbm>>
        tpu.enqueue_dma source(%dma_start3A_3585 : memref<128xf32, #tpu.memory_space<hbm>>) target(%arg11 : memref<128xf32, #tpu.memory_space<vmem>>) target_semaphore(%run_scoped3A : memref<!tpu.dma_semaphore, #tpu.memory_space<semaphore_mem>>)
        %dma_wait3A_3586 = tpu.memref_slice %arg4[%add3A_11] : memref<131072xf32, #tpu.memory_space<hbm>> -> memref<128xf32, #tpu.memory_space<hbm>>
        %dma_wait3A_3587 = tpu.memref_slice %arg4[%add3A_11] : memref<131072xf32, #tpu.memory_space<hbm>> -> memref<128xf32, #tpu.memory_space<hbm>>
        tpu.wait_dma2 semaphore(%run_scoped3A : memref<!tpu.dma_semaphore, #tpu.memory_space<semaphore_mem>>) src(%dma_wait3A_3587 : memref<128xf32, #tpu.memory_space<hbm>>) dst(%arg11 : memref<128xf32, #tpu.memory_space<vmem>>)
        tpu.yield
      }) : () -> ()
      %get3A = arith.constant 0 : index
      %get3A_12 = tpu.vector_load %arg9[%get3A] {strides = array<i32>} : memref<128xf32, #tpu.memory_space<vmem>>, vector<16xf32>,
      %get3A_13 = arith.constant 0 : index
      %get3A_14 = tpu.vector_load %arg10[%get3A_13] {strides = array<i32>} : memref<128xf32, #tpu.memory_space<vmem>>, vector<16xf32>,
      %get3A_15 = arith.constant 0 : index
      %get3A_16 = tpu.vector_load %arg11[%get3A_15] {strides = array<i32>} : memref<128xf32, #tpu.memory_space<vmem>>, vector<16xf32>,
      %convert_element_type3A = arith.fptosi %get3A_12 : vector<16xf32> to vector<16xi32>
      %convert_element_type3A_17 = arith.fptosi %get3A_14 : vector<16xf32> to vector<16xi32>
      %convert_element_type3A_18 = arith.fptosi %get3A_16 : vector<16xf32> to vector<16xi32>
      %convert_element_type3A_19 = arith.sitofp %convert_element_type3A : vector<16xi32> to vector<16xf32>
      %sub3A = arith.subf %get3A_12, %convert_element_type3A_19 : vector<16xf32>
      %convert_element_type3A_20 = arith.sitofp %convert_element_type3A_17 : vector<16xi32> to vector<16xf32>
      %sub3A_21 = arith.subf %get3A_14, %convert_element_type3A_20 : vector<16xf32>
      %convert_element_type3A_22 = arith.sitofp %convert_element_type3A_18 : vector<16xi32> to vector<16xf32>
      %sub3A_23 = arith.subf %get3A_16, %convert_element_type3A_22 : vector<16xf32>
      %max3A = arith.constant 0 : i32
      %max3A_24 = vector.broadcast %max3A : i32 to vector<16xi32>
      %max3A_25 = arith.maxsi %convert_element_type3A, %max3A_24 : vector<16xi32>
      %min3A = arith.constant 159 : i32
      %min3A_26 = vector.broadcast %min3A : i32 to vector<16xi32>
      %min3A_27 = arith.minsi %max3A_25, %min3A_26 : vector<16xi32>
      %add3A_28 = arith.constant 1 : i32
      %add3A_29 = vector.broadcast %add3A_28 : i32 to vector<16xi32>
      %add3A_30 = arith.addi %convert_element_type3A, %add3A_29 : vector<16xi32>
      %max3A_31 = arith.constant 0 : i32
      %max3A_32 = vector.broadcast %max3A_31 : i32 to vector<16xi32>
      %max3A_33 = arith.maxsi %add3A_30, %max3A_32 : vector<16xi32>
      %min3A_34 = arith.constant 159 : i32
      %min3A_35 = vector.broadcast %min3A_34 : i32 to vector<16xi32>
      %min3A_36 = arith.minsi %max3A_33, %min3A_35 : vector<16xi32>
      %max3A_37 = arith.constant 0 : i32
      %max3A_38 = vector.broadcast %max3A_37 : i32 to vector<16xi32>
      %max3A_39 = arith.maxsi %convert_element_type3A_17, %max3A_38 : vector<16xi32>
      %min3A_40 = arith.constant 159 : i32
      %min3A_41 = vector.broadcast %min3A_40 : i32 to vector<16xi32>
      %min3A_42 = arith.minsi %max3A_39, %min3A_41 : vector<16xi32>
      %add3A_43 = arith.constant 1 : i32
      %add3A_44 = vector.broadcast %add3A_43 : i32 to vector<16xi32>
      %add3A_45 = arith.addi %convert_element_type3A_17, %add3A_44 : vector<16xi32>
      %max3A_46 = arith.constant 0 : i32
      %max3A_47 = vector.broadcast %max3A_46 : i32 to vector<16xi32>
      %max3A_48 = arith.maxsi %add3A_45, %max3A_47 : vector<16xi32>
      %min3A_49 = arith.constant 159 : i32
      %min3A_50 = vector.broadcast %min3A_49 : i32 to vector<16xi32>
      %min3A_51 = arith.minsi %max3A_48, %min3A_50 : vector<16xi32>
      %max3A_52 = arith.constant 0 : i32
      %max3A_53 = vector.broadcast %max3A_52 : i32 to vector<16xi32>
      %max3A_54 = arith.maxsi %convert_element_type3A_18, %max3A_53 : vector<16xi32>
      %min3A_55 = arith.constant 159 : i32
      %min3A_56 = vector.broadcast %min3A_55 : i32 to vector<16xi32>
      %min3A_57 = arith.minsi %max3A_54, %min3A_56 : vector<16xi32>
      %add3A_58 = arith.constant 1 : i32
      %add3A_59 = vector.broadcast %add3A_58 : i32 to vector<16xi32>
      %add3A_60 = arith.addi %convert_element_type3A_18, %add3A_59 : vector<16xi32>
      %max3A_61 = arith.constant 0 : i32
      %max3A_62 = vector.broadcast %max3A_61 : i32 to vector<16xi32>
      %max3A_63 = arith.maxsi %add3A_60, %max3A_62 : vector<16xi32>
      %min3A_64 = arith.constant 159 : i32
      %min3A_65 = vector.broadcast %min3A_64 : i32 to vector<16xi32>
      %min3A_66 = arith.minsi %max3A_63, %min3A_65 : vector<16xi32>
      %sub3A_67 = arith.constant 1.000000e+00 : f32
      %sub3A_68 = vector.broadcast %sub3A_67 : f32 to vector<16xf32>
      %sub3A_69 = arith.subf %sub3A_68, %sub3A : vector<16xf32>
      %sub3A_70 = arith.constant 1.000000e+00 : f32
      %sub3A_71 = vector.broadcast %sub3A_70 : f32 to vector<16xf32>
      %sub3A_72 = arith.subf %sub3A_71, %sub3A_21 : vector<16xf32>
      %sub3A_73 = arith.constant 1.000000e+00 : f32
      %sub3A_74 = vector.broadcast %sub3A_73 : f32 to vector<16xf32>
      %sub3A_75 = arith.subf %sub3A_74, %sub3A_23 : vector<16xf32>
      %mul3A_76 = arith.constant 25600 : i32
      %mul3A_77 = vector.broadcast %mul3A_76 : i32 to vector<16xi32>
      %mul3A_78 = arith.muli %min3A_27, %mul3A_77 : vector<16xi32>
      %mul3A_79 = arith.constant 160 : i32
      %mul3A_80 = vector.broadcast %mul3A_79 : i32 to vector<16xi32>
      %mul3A_81 = arith.muli %min3A_42, %mul3A_80 : vector<16xi32>
      %add3A_82 = arith.addi %mul3A_78, %mul3A_81 : vector<16xi32>
      %add3A_83 = arith.addi %add3A_82, %min3A_57 : vector<16xi32>
      %swap3A = arith.constant 0 : i32
      %swap3A_84 = arith.index_cast %swap3A : i32 to index
      %swap3A_85 = arith.constant 0 : index
      %swap3A_86 = tpu.vector_load %arg12[%swap3A_84, %swap3A_85] {strides = array<i32>} : memref<8x128xi32, #tpu.memory_space<vmem>>, vector<16xi32>,
      tpu.vector_store %arg12[%swap3A_84, %swap3A_85], %add3A_83 {strides = array<i32>} : memref<8x128xi32, #tpu.memory_space<vmem>>, vector<16xi32>,
      %mul3A_87 = arith.mulf %sub3A_69, %sub3A_72 : vector<16xf32>
      %mul3A_88 = arith.mulf %mul3A_87, %sub3A_75 : vector<16xf32>
      %swap3A_89 = arith.constant 0 : index
      %swap3A_90 = tpu.vector_load %arg14[%swap3A_89] {strides = array<i32>} : memref<1024xf32, #tpu.memory_space<vmem>>, vector<16xf32>,
      tpu.vector_store %arg14[%swap3A_89], %mul3A_88 {strides = array<i32>} : memref<1024xf32, #tpu.memory_space<vmem>>, vector<16xf32>,
      %add3A_91 = arith.addi %add3A_82, %min3A_66 : vector<16xi32>
      %swap3A_92 = arith.constant 0 : i32
      %swap3A_93 = arith.index_cast %swap3A_92 : i32 to index
      %swap3A_94 = arith.constant 16 : index
      %swap3A_95 = tpu.vector_load %arg12[%swap3A_93, %swap3A_94] {strides = array<i32>} : memref<8x128xi32, #tpu.memory_space<vmem>>, vector<16xi32>,
      tpu.vector_store %arg12[%swap3A_93, %swap3A_94], %add3A_91 {strides = array<i32>} : memref<8x128xi32, #tpu.memory_space<vmem>>, vector<16xi32>,
      %mul3A_96 = arith.mulf %sub3A_69, %sub3A_72 : vector<16xf32>
      %mul3A_97 = arith.mulf %mul3A_96, %sub3A_23 : vector<16xf32>
      %swap3A_98 = arith.constant 16 : index
      %swap3A_99 = tpu.vector_load %arg14[%swap3A_98] {strides = array<i32>} : memref<1024xf32, #tpu.memory_space<vmem>>, vector<16xf32>,
      tpu.vector_store %arg14[%swap3A_98], %mul3A_97 {strides = array<i32>} : memref<1024xf32, #tpu.memory_space<vmem>>, vector<16xf32>,
      %mul3A_100 = arith.constant 160 : i32
      %mul3A_101 = vector.broadcast %mul3A_100 : i32 to vector<16xi32>
      %mul3A_102 = arith.muli %min3A_51, %mul3A_101 : vector<16xi32>
      %add3A_103 = arith.addi %mul3A_78, %mul3A_102 : vector<16xi32>
      %add3A_104 = arith.addi %add3A_103, %min3A_57 : vector<16xi32>
      %swap3A_105 = arith.constant 0 : i32
      %swap3A_106 = arith.index_cast %swap3A_105 : i32 to index
      %swap3A_107 = arith.constant 32 : index
      %swap3A_108 = tpu.vector_load %arg12[%swap3A_106, %swap3A_107] {strides = array<i32>} : memref<8x128xi32, #tpu.memory_space<vmem>>, vector<16xi32>,
      tpu.vector_store %arg12[%swap3A_106, %swap3A_107], %add3A_104 {strides = array<i32>} : memref<8x128xi32, #tpu.memory_space<vmem>>, vector<16xi32>,
      %mul3A_109 = arith.mulf %sub3A_69, %sub3A_21 : vector<16xf32>
      %mul3A_110 = arith.mulf %mul3A_109, %sub3A_75 : vector<16xf32>
      %swap3A_111 = arith.constant 32 : index
      %swap3A_112 = tpu.vector_load %arg14[%swap3A_111] {strides = array<i32>} : memref<1024xf32, #tpu.memory_space<vmem>>, vector<16xf32>,
      tpu.vector_store %arg14[%swap3A_111], %mul3A_110 {strides = array<i32>} : memref<1024xf32, #tpu.memory_space<vmem>>, vector<16xf32>,
      %add3A_113 = arith.addi %add3A_103, %min3A_66 : vector<16xi32>
      %swap3A_114 = arith.constant 0 : i32
      %swap3A_115 = arith.index_cast %swap3A_114 : i32 to index
      %swap3A_116 = arith.constant 48 : index
      %swap3A_117 = tpu.vector_load %arg12[%swap3A_115, %swap3A_116] {strides = array<i32>} : memref<8x128xi32, #tpu.memory_space<vmem>>, vector<16xi32>,
      tpu.vector_store %arg12[%swap3A_115, %swap3A_116], %add3A_113 {strides = array<i32>} : memref<8x128xi32, #tpu.memory_space<vmem>>, vector<16xi32>,
      %mul3A_118 = arith.mulf %sub3A_69, %sub3A_21 : vector<16xf32>
      %mul3A_119 = arith.mulf %mul3A_118, %sub3A_23 : vector<16xf32>
      %swap3A_120 = arith.constant 48 : index
      %swap3A_121 = tpu.vector_load %arg14[%swap3A_120] {strides = array<i32>} : memref<1024xf32, #tpu.memory_space<vmem>>, vector<16xf32>,
      tpu.vector_store %arg14[%swap3A_120], %mul3A_119 {strides = array<i32>} : memref<1024xf32, #tpu.memory_space<vmem>>, vector<16xf32>,
      %mul3A_122 = arith.constant 25600 : i32
      %mul3A_123 = vector.broadcast %mul3A_122 : i32 to vector<16xi32>
      %mul3A_124 = arith.muli %min3A_36, %mul3A_123 : vector<16xi32>
      %mul3A_125 = arith.constant 160 : i32
      %mul3A_126 = vector.broadcast %mul3A_125 : i32 to vector<16xi32>
      %mul3A_127 = arith.muli %min3A_42, %mul3A_126 : vector<16xi32>
      %add3A_128 = arith.addi %mul3A_124, %mul3A_127 : vector<16xi32>
      %add3A_129 = arith.addi %add3A_128, %min3A_57 : vector<16xi32>
      %swap3A_130 = arith.constant 0 : i32
      %swap3A_131 = arith.index_cast %swap3A_130 : i32 to index
      %swap3A_132 = arith.constant 64 : index
      %swap3A_133 = tpu.vector_load %arg12[%swap3A_131, %swap3A_132] {strides = array<i32>} : memref<8x128xi32, #tpu.memory_space<vmem>>, vector<16xi32>,
      tpu.vector_store %arg12[%swap3A_131, %swap3A_132], %add3A_129 {strides = array<i32>} : memref<8x128xi32, #tpu.memory_space<vmem>>, vector<16xi32>,
      %mul3A_134 = arith.mulf %sub3A, %sub3A_72 : vector<16xf32>
      %mul3A_135 = arith.mulf %mul3A_134, %sub3A_75 : vector<16xf32>
      %swap3A_136 = arith.constant 64 : index
      %swap3A_137 = tpu.vector_load %arg14[%swap3A_136] {strides = array<i32>} : memref<1024xf32, #tpu.memory_space<vmem>>, vector<16xf32>,
      tpu.vector_store %arg14[%swap3A_136], %mul3A_135 {strides = array<i32>} : memref<1024xf32, #tpu.memory_space<vmem>>, vector<16xf32>,
      %add3A_138 = arith.addi %add3A_128, %min3A_66 : vector<16xi32>
      %swap3A_139 = arith.constant 0 : i32
      %swap3A_140 = arith.index_cast %swap3A_139 : i32 to index
      %swap3A_141 = arith.constant 80 : index
      %swap3A_142 = tpu.vector_load %arg12[%swap3A_140, %swap3A_141] {strides = array<i32>} : memref<8x128xi32, #tpu.memory_space<vmem>>, vector<16xi32>,
      tpu.vector_store %arg12[%swap3A_140, %swap3A_141], %add3A_138 {strides = array<i32>} : memref<8x128xi32, #tpu.memory_space<vmem>>, vector<16xi32>,
      %mul3A_143 = arith.mulf %sub3A, %sub3A_72 : vector<16xf32>
      %mul3A_144 = arith.mulf %mul3A_143, %sub3A_23 : vector<16xf32>
      %swap3A_145 = arith.constant 80 : index
      %swap3A_146 = tpu.vector_load %arg14[%swap3A_145] {strides = array<i32>} : memref<1024xf32, #tpu.memory_space<vmem>>, vector<16xf32>,
      tpu.vector_store %arg14[%swap3A_145], %mul3A_144 {strides = array<i32>} : memref<1024xf32, #tpu.memory_space<vmem>>, vector<16xf32>,
      %mul3A_147 = arith.constant 160 : i32
      %mul3A_148 = vector.broadcast %mul3A_147 : i32 to vector<16xi32>
      %mul3A_149 = arith.muli %min3A_51, %mul3A_148 : vector<16xi32>
      %add3A_150 = arith.addi %mul3A_124, %mul3A_149 : vector<16xi32>
      %add3A_151 = arith.addi %add3A_150, %min3A_57 : vector<16xi32>
      %swap3A_152 = arith.constant 0 : i32
      %swap3A_153 = arith.index_cast %swap3A_152 : i32 to index
      %swap3A_154 = arith.constant 96 : index
      %swap3A_155 = tpu.vector_load %arg12[%swap3A_153, %swap3A_154] {strides = array<i32>} : memref<8x128xi32, #tpu.memory_space<vmem>>, vector<16xi32>,
      tpu.vector_store %arg12[%swap3A_153, %swap3A_154], %add3A_151 {strides = array<i32>} : memref<8x128xi32, #tpu.memory_space<vmem>>, vector<16xi32>,
      %mul3A_156 = arith.mulf %sub3A, %sub3A_21 : vector<16xf32>
      %mul3A_157 = arith.mulf %mul3A_156, %sub3A_75 : vector<16xf32>
      %swap3A_158 = arith.constant 96 : index
      %swap3A_159 = tpu.vector_load %arg14[%swap3A_158] {strides = array<i32>} : memref<1024xf32, #tpu.memory_space<vmem>>, vector<16xf32>,
      tpu.vector_store %arg14[%swap3A_158], %mul3A_157 {strides = array<i32>} : memref<1024xf32, #tpu.memory_space<vmem>>, vector<16xf32>,
      %add3A_160 = arith.addi %add3A_150, %min3A_66 : vector<16xi32>
      %swap3A_161 = arith.constant 0 : i32
      %swap3A_162 = arith.index_cast %swap3A_161 : i32 to index
      %swap3A_163 = arith.constant 112 : index
      %swap3A_164 = tpu.vector_load %arg12[%swap3A_162, %swap3A_163] {strides = array<i32>} : memref<8x128xi32, #tpu.memory_space<vmem>>, vector<16xi32>,
      tpu.vector_store %arg12[%swap3A_162, %swap3A_163], %add3A_160 {strides = array<i32>} : memref<8x128xi32, #tpu.memory_space<vmem>>, vector<16xi32>,
      %mul3A_165 = arith.mulf %sub3A, %sub3A_21 : vector<16xf32>
      %mul3A_166 = arith.mulf %mul3A_165, %sub3A_23 : vector<16xf32>
      %swap3A_167 = arith.constant 112 : index
      %swap3A_168 = tpu.vector_load %arg14[%swap3A_167] {strides = array<i32>} : memref<1024xf32, #tpu.memory_space<vmem>>, vector<16xf32>,
      tpu.vector_store %arg14[%swap3A_167], %mul3A_166 {strides = array<i32>} : memref<1024xf32, #tpu.memory_space<vmem>>, vector<16xf32>,
      %get3A_169 = arith.constant 16 : index
      %get3A_170 = tpu.vector_load %arg9[%get3A_169] {strides = array<i32>} : memref<128xf32, #tpu.memory_space<vmem>>, vector<16xf32>,
      %get3A_171 = arith.constant 16 : index
      %get3A_172 = tpu.vector_load %arg10[%get3A_171] {strides = array<i32>} : memref<128xf32, #tpu.memory_space<vmem>>, vector<16xf32>,
      %get3A_173 = arith.constant 16 : index
      %get3A_174 = tpu.vector_load %arg11[%get3A_173] {strides = array<i32>} : memref<128xf32, #tpu.memory_space<vmem>>, vector<16xf32>,
      %convert_element_type3A_175 = arith.fptosi %get3A_170 : vector<16xf32> to vector<16xi32>
      %convert_element_type3A_176 = arith.fptosi %get3A_172 : vector<16xf32> to vector<16xi32>
      %convert_element_type3A_177 = arith.fptosi %get3A_174 : vector<16xf32> to vector<16xi32>
      %convert_element_type3A_178 = arith.sitofp %convert_element_type3A_175 : vector<16xi32> to vector<16xf32>
      %sub3A_179 = arith.subf %get3A_170, %convert_element_type3A_178 : vector<16xf32>
      %convert_element_type3A_180 = arith.sitofp %convert_element_type3A_176 : vector<16xi32> to vector<16xf32>
      %sub3A_181 = arith.subf %get3A_172, %convert_element_type3A_180 : vector<16xf32>
      %convert_element_type3A_182 = arith.sitofp %convert_element_type3A_177 : vector<16xi32> to vector<16xf32>
      %sub3A_183 = arith.subf %get3A_174, %convert_element_type3A_182 : vector<16xf32>
      %max3A_184 = arith.constant 0 : i32
      %max3A_185 = vector.broadcast %max3A_184 : i32 to vector<16xi32>
      %max3A_186 = arith.maxsi %convert_element_type3A_175, %max3A_185 : vector<16xi32>
      %min3A_187 = arith.constant 159 : i32
      %min3A_188 = vector.broadcast %min3A_187 : i32 to vector<16xi32>
      %min3A_189 = arith.minsi %max3A_186, %min3A_188 : vector<16xi32>
      %add3A_190 = arith.constant 1 : i32
      %add3A_191 = vector.broadcast %add3A_190 : i32 to vector<16xi32>
      %add3A_192 = arith.addi %convert_element_type3A_175, %add3A_191 : vector<16xi32>
      %max3A_193 = arith.constant 0 : i32
      %max3A_194 = vector.broadcast %max3A_193 : i32 to vector<16xi32>
      %max3A_195 = arith.maxsi %add3A_192, %max3A_194 : vector<16xi32>
      %min3A_196 = arith.constant 159 : i32
      %min3A_197 = vector.broadcast %min3A_196 : i32 to vector<16xi32>
      %min3A_198 = arith.minsi %max3A_195, %min3A_197 : vector<16xi32>
      %max3A_199 = arith.constant 0 : i32
      %max3A_200 = vector.broadcast %max3A_199 : i32 to vector<16xi32>
      %max3A_201 = arith.maxsi %convert_element_type3A_176, %max3A_200 : vector<16xi32>
      %min3A_202 = arith.constant 159 : i32
      %min3A_203 = vector.broadcast %min3A_202 : i32 to vector<16xi32>
      %min3A_204 = arith.minsi %max3A_201, %min3A_203 : vector<16xi32>
      %add3A_205 = arith.constant 1 : i32
      %add3A_206 = vector.broadcast %add3A_205 : i32 to vector<16xi32>
      %add3A_207 = arith.addi %convert_element_type3A_176, %add3A_206 : vector<16xi32>
      %max3A_208 = arith.constant 0 : i32
      %max3A_209 = vector.broadcast %max3A_208 : i32 to vector<16xi32>
      %max3A_210 = arith.maxsi %add3A_207, %max3A_209 : vector<16xi32>
      %min3A_211 = arith.constant 159 : i32
      %min3A_212 = vector.broadcast %min3A_211 : i32 to vector<16xi32>
      %min3A_213 = arith.minsi %max3A_210, %min3A_212 : vector<16xi32>
      %max3A_214 = arith.constant 0 : i32
      %max3A_215 = vector.broadcast %max3A_214 : i32 to vector<16xi32>
      %max3A_216 = arith.maxsi %convert_element_type3A_177, %max3A_215 : vector<16xi32>
      %min3A_217 = arith.constant 159 : i32
      %min3A_218 = vector.broadcast %min3A_217 : i32 to vector<16xi32>
      %min3A_219 = arith.minsi %max3A_216, %min3A_218 : vector<16xi32>
      %add3A_220 = arith.constant 1 : i32
      %add3A_221 = vector.broadcast %add3A_220 : i32 to vector<16xi32>
      %add3A_222 = arith.addi %convert_element_type3A_177, %add3A_221 : vector<16xi32>
      %max3A_223 = arith.constant 0 : i32
      %max3A_224 = vector.broadcast %max3A_223 : i32 to vector<16xi32>
      %max3A_225 = arith.maxsi %add3A_222, %max3A_224 : vector<16xi32>
      %min3A_226 = arith.constant 159 : i32
      %min3A_227 = vector.broadcast %min3A_226 : i32 to vector<16xi32>
      %min3A_228 = arith.minsi %max3A_225, %min3A_227 : vector<16xi32>
      %sub3A_229 = arith.constant 1.000000e+00 : f32
      %sub3A_230 = vector.broadcast %sub3A_229 : f32 to vector<16xf32>
      %sub3A_231 = arith.subf %sub3A_230, %sub3A_179 : vector<16xf32>
      %sub3A_232 = arith.constant 1.000000e+00 : f32
      %sub3A_233 = vector.broadcast %sub3A_232 : f32 to vector<16xf32>
      %sub3A_234 = arith.subf %sub3A_233, %sub3A_181 : vector<16xf32>
      %sub3A_235 = arith.constant 1.000000e+00 : f32
      %sub3A_236 = vector.broadcast %sub3A_235 : f32 to vector<16xf32>
      %sub3A_237 = arith.subf %sub3A_236, %sub3A_183 : vector<16xf32>
      %mul3A_238 = arith.constant 25600 : i32
      %mul3A_239 = vector.broadcast %mul3A_238 : i32 to vector<16xi32>
      %mul3A_240 = arith.muli %min3A_189, %mul3A_239 : vector<16xi32>
      %mul3A_241 = arith.constant 160 : i32
      %mul3A_242 = vector.broadcast %mul3A_241 : i32 to vector<16xi32>
      %mul3A_243 = arith.muli %min3A_204, %mul3A_242 : vector<16xi32>
      %add3A_244 = arith.addi %mul3A_240, %mul3A_243 : vector<16xi32>
      %add3A_245 = arith.addi %add3A_244, %min3A_219 : vector<16xi32>
      %swap3A_246 = arith.constant 1 : i32
      %swap3A_247 = arith.index_cast %swap3A_246 : i32 to index
      %swap3A_248 = arith.constant 0 : index
      %swap3A_249 = tpu.vector_load %arg12[%swap3A_247, %swap3A_248] {strides = array<i32>} : memref<8x128xi32, #tpu.memory_space<vmem>>, vector<16xi32>,
      tpu.vector_store %arg12[%swap3A_247, %swap3A_248], %add3A_245 {strides = array<i32>} : memref<8x128xi32, #tpu.memory_space<vmem>>, vector<16xi32>,
      %mul3A_250 = arith.mulf %sub3A_231, %sub3A_234 : vector<16xf32>
      %mul3A_251 = arith.mulf %mul3A_250, %sub3A_237 : vector<16xf32>
      %swap3A_252 = arith.constant 128 : index
      %swap3A_253 = tpu.vector_load %arg14[%swap3A_252] {strides = array<i32>} : memref<1024xf32, #tpu.memory_space<vmem>>, vector<16xf32>,
      tpu.vector_store %arg14[%swap3A_252], %mul3A_251 {strides = array<i32>} : memref<1024xf32, #tpu.memory_space<vmem>>, vector<16xf32>,
      %add3A_254 = arith.addi %add3A_244, %min3A_228 : vector<16xi32>
      %swap3A_255 = arith.constant 1 : i32
      %swap3A_256 = arith.index_cast %swap3A_255 : i32 to index
      %swap3A_257 = arith.constant 16 : index
      %swap3A_258 = tpu.vector_load %arg12[%swap3A_256, %swap3A_257] {strides = array<i32>} : memref<8x128xi32, #tpu.memory_space<vmem>>, vector<16xi32>,
      tpu.vector_store %arg12[%swap3A_256, %swap3A_257], %add3A_254 {strides = array<i32>} : memref<8x128xi32, #tpu.memory_space<vmem>>, vector<16xi32>,
      %mul3A_259 = arith.mulf %sub3A_231, %sub3A_234 : vector<16xf32>
      %mul3A_260 = arith.mulf %mul3A_259, %sub3A_183 : vector<16xf32>
      %swap3A_261 = arith.constant 144 : index
      %swap3A_262 = tpu.vector_load %arg14[%swap3A_261] {strides = array<i32>} : memref<1024xf32, #tpu.memory_space<vmem>>, vector<16xf32>,
      tpu.vector_store %arg14[%swap3A_261], %mul3A_260 {strides = array<i32>} : memref<1024xf32, #tpu.memory_space<vmem>>, vector<16xf32>,
      %mul3A_263 = arith.constant 160 : i32
      %mul3A_264 = vector.broadcast %mul3A_263 : i32 to vector<16xi32>
      %mul3A_265 = arith.muli %min3A_213, %mul3A_264 : vector<16xi32>
      %add3A_266 = arith.addi %mul3A_240, %mul3A_265 : vector<16xi32>
      %add3A_267 = arith.addi %add3A_266, %min3A_219 : vector<16xi32>
      %swap3A_268 = arith.constant 1 : i32
      %swap3A_269 = arith.index_cast %swap3A_268 : i32 to index
      %swap3A_270 = arith.constant 32 : index
      %swap3A_271 = tpu.vector_load %arg12[%swap3A_269, %swap3A_270] {strides = array<i32>} : memref<8x128xi32, #tpu.memory_space<vmem>>, vector<16xi32>,
      tpu.vector_store %arg12[%swap3A_269, %swap3A_270], %add3A_267 {strides = array<i32>} : memref<8x128xi32, #tpu.memory_space<vmem>>, vector<16xi32>,
      %mul3A_272 = arith.mulf %sub3A_231, %sub3A_181 : vector<16xf32>
      %mul3A_273 = arith.mulf %mul3A_272, %sub3A_237 : vector<16xf32>
      %swap3A_274 = arith.constant 160 : index
      %swap3A_275 = tpu.vector_load %arg14[%swap3A_274] {strides = array<i32>} : memref<1024xf32, #tpu.memory_space<vmem>>, vector<16xf32>,
      tpu.vector_store %arg14[%swap3A_274], %mul3A_273 {strides = array<i32>} : memref<1024xf32, #tpu.memory_space<vmem>>, vector<16xf32>,
      %add3A_276 = arith.addi %add3A_266, %min3A_228 : vector<16xi32>
      %swap3A_277 = arith.constant 1 : i32
      %swap3A_278 = arith.index_cast %swap3A_277 : i32 to index
      %swap3A_279 = arith.constant 48 : index
      %swap3A_280 = tpu.vector_load %arg12[%swap3A_278, %swap3A_279] {strides = array<i32>} : memref<8x128xi32, #tpu.memory_space<vmem>>, vector<16xi32>,
      tpu.vector_store %arg12[%swap3A_278, %swap3A_279], %add3A_276 {strides = array<i32>} : memref<8x128xi32, #tpu.memory_space<vmem>>, vector<16xi32>,
      %mul3A_281 = arith.mulf %sub3A_231, %sub3A_181 : vector<16xf32>
      %mul3A_282 = arith.mulf %mul3A_281, %sub3A_183 : vector<16xf32>
      %swap3A_283 = arith.constant 176 : index
      %swap3A_284 = tpu.vector_load %arg14[%swap3A_283] {strides = array<i32>} : memref<1024xf32, #tpu.memory_space<vmem>>, vector<16xf32>,
      tpu.vector_store %arg14[%swap3A_283], %mul3A_282 {strides = array<i32>} : memref<1024xf32, #tpu.memory_space<vmem>>, vector<16xf32>,
      %mul3A_285 = arith.constant 25600 : i32
      %mul3A_286 = vector.broadcast %mul3A_285 : i32 to vector<16xi32>
      %mul3A_287 = arith.muli %min3A_198, %mul3A_286 : vector<16xi32>
      %mul3A_288 = arith.constant 160 : i32
      %mul3A_289 = vector.broadcast %mul3A_288 : i32 to vector<16xi32>
      %mul3A_290 = arith.muli %min3A_204, %mul3A_289 : vector<16xi32>
      %add3A_291 = arith.addi %mul3A_287, %mul3A_290 : vector<16xi32>
      %add3A_292 = arith.addi %add3A_291, %min3A_219 : vector<16xi32>
      %swap3A_293 = arith.constant 1 : i32
      %swap3A_294 = arith.index_cast %swap3A_293 : i32 to index
      %swap3A_295 = arith.constant 64 : index
      %swap3A_296 = tpu.vector_load %arg12[%swap3A_294, %swap3A_295] {strides = array<i32>} : memref<8x128xi32, #tpu.memory_space<vmem>>, vector<16xi32>,
      tpu.vector_store %arg12[%swap3A_294, %swap3A_295], %add3A_292 {strides = array<i32>} : memref<8x128xi32, #tpu.memory_space<vmem>>, vector<16xi32>,
      %mul3A_297 = arith.mulf %sub3A_179, %sub3A_234 : vector<16xf32>
      %mul3A_298 = arith.mulf %mul3A_297, %sub3A_237 : vector<16xf32>
      %swap3A_299 = arith.constant 192 : index
      %swap3A_300 = tpu.vector_load %arg14[%swap3A_299] {strides = array<i32>} : memref<1024xf32, #tpu.memory_space<vmem>>, vector<16xf32>,
      tpu.vector_store %arg14[%swap3A_299], %mul3A_298 {strides = array<i32>} : memref<1024xf32, #tpu.memory_space<vmem>>, vector<16xf32>,
      %add3A_301 = arith.addi %add3A_291, %min3A_228 : vector<16xi32>
      %swap3A_302 = arith.constant 1 : i32
      %swap3A_303 = arith.index_cast %swap3A_302 : i32 to index
      %swap3A_304 = arith.constant 80 : index
      %swap3A_305 = tpu.vector_load %arg12[%swap3A_303, %swap3A_304] {strides = array<i32>} : memref<8x128xi32, #tpu.memory_space<vmem>>, vector<16xi32>,
      tpu.vector_store %arg12[%swap3A_303, %swap3A_304], %add3A_301 {strides = array<i32>} : memref<8x128xi32, #tpu.memory_space<vmem>>, vector<16xi32>,
      %mul3A_306 = arith.mulf %sub3A_179, %sub3A_234 : vector<16xf32>
      %mul3A_307 = arith.mulf %mul3A_306, %sub3A_183 : vector<16xf32>
      %swap3A_308 = arith.constant 208 : index
      %swap3A_309 = tpu.vector_load %arg14[%swap3A_308] {strides = array<i32>} : memref<1024xf32, #tpu.memory_space<vmem>>, vector<16xf32>,
      tpu.vector_store %arg14[%swap3A_308], %mul3A_307 {strides = array<i32>} : memref<1024xf32, #tpu.memory_space<vmem>>, vector<16xf32>,
      %mul3A_310 = arith.constant 160 : i32
      %mul3A_311 = vector.broadcast %mul3A_310 : i32 to vector<16xi32>
      %mul3A_312 = arith.muli %min3A_213, %mul3A_311 : vector<16xi32>
      %add3A_313 = arith.addi %mul3A_287, %mul3A_312 : vector<16xi32>
      %add3A_314 = arith.addi %add3A_313, %min3A_219 : vector<16xi32>
      %swap3A_315 = arith.constant 1 : i32
      %swap3A_316 = arith.index_cast %swap3A_315 : i32 to index
      %swap3A_317 = arith.constant 96 : index
      %swap3A_318 = tpu.vector_load %arg12[%swap3A_316, %swap3A_317] {strides = array<i32>} : memref<8x128xi32, #tpu.memory_space<vmem>>, vector<16xi32>,
      tpu.vector_store %arg12[%swap3A_316, %swap3A_317], %add3A_314 {strides = array<i32>} : memref<8x128xi32, #tpu.memory_space<vmem>>, vector<16xi32>,
      %mul3A_319 = arith.mulf %sub3A_179, %sub3A_181 : vector<16xf32>
      %mul3A_320 = arith.mulf %mul3A_319, %sub3A_237 : vector<16xf32>
      %swap3A_321 = arith.constant 224 : index
      %swap3A_322 = tpu.vector_load %arg14[%swap3A_321] {strides = array<i32>} : memref<1024xf32, #tpu.memory_space<vmem>>, vector<16xf32>,
      tpu.vector_store %arg14[%swap3A_321], %mul3A_320 {strides = array<i32>} : memref<1024xf32, #tpu.memory_space<vmem>>, vector<16xf32>,
      %add3A_323 = arith.addi %add3A_313, %min3A_228 : vector<16xi32>
      %swap3A_324 = arith.constant 1 : i32
      %swap3A_325 = arith.index_cast %swap3A_324 : i32 to index
      %swap3A_326 = arith.constant 112 : index
      %swap3A_327 = tpu.vector_load %arg12[%swap3A_325, %swap3A_326] {strides = array<i32>} : memref<8x128xi32, #tpu.memory_space<vmem>>, vector<16xi32>,
      tpu.vector_store %arg12[%swap3A_325, %swap3A_326], %add3A_323 {strides = array<i32>} : memref<8x128xi32, #tpu.memory_space<vmem>>, vector<16xi32>,
      %mul3A_328 = arith.mulf %sub3A_179, %sub3A_181 : vector<16xf32>
      %mul3A_329 = arith.mulf %mul3A_328, %sub3A_183 : vector<16xf32>
      %swap3A_330 = arith.constant 240 : index
      %swap3A_331 = tpu.vector_load %arg14[%swap3A_330] {strides = array<i32>} : memref<1024xf32, #tpu.memory_space<vmem>>, vector<16xf32>,
      tpu.vector_store %arg14[%swap3A_330], %mul3A_329 {strides = array<i32>} : memref<1024xf32, #tpu.memory_space<vmem>>, vector<16xf32>,
      %get3A_332 = arith.constant 32 : index
      %get3A_333 = tpu.vector_load %arg9[%get3A_332] {strides = array<i32>} : memref<128xf32, #tpu.memory_space<vmem>>, vector<16xf32>,
      %get3A_334 = arith.constant 32 : index
      %get3A_335 = tpu.vector_load %arg10[%get3A_334] {strides = array<i32>} : memref<128xf32, #tpu.memory_space<vmem>>, vector<16xf32>,
      %get3A_336 = arith.constant 32 : index
      %get3A_337 = tpu.vector_load %arg11[%get3A_336] {strides = array<i32>} : memref<128xf32, #tpu.memory_space<vmem>>, vector<16xf32>,
      %convert_element_type3A_338 = arith.fptosi %get3A_333 : vector<16xf32> to vector<16xi32>
      %convert_element_type3A_339 = arith.fptosi %get3A_335 : vector<16xf32> to vector<16xi32>
      %convert_element_type3A_340 = arith.fptosi %get3A_337 : vector<16xf32> to vector<16xi32>
      %convert_element_type3A_341 = arith.sitofp %convert_element_type3A_338 : vector<16xi32> to vector<16xf32>
      %sub3A_342 = arith.subf %get3A_333, %convert_element_type3A_341 : vector<16xf32>
      %convert_element_type3A_343 = arith.sitofp %convert_element_type3A_339 : vector<16xi32> to vector<16xf32>
      %sub3A_344 = arith.subf %get3A_335, %convert_element_type3A_343 : vector<16xf32>
      %convert_element_type3A_345 = arith.sitofp %convert_element_type3A_340 : vector<16xi32> to vector<16xf32>
      %sub3A_346 = arith.subf %get3A_337, %convert_element_type3A_345 : vector<16xf32>
      %max3A_347 = arith.constant 0 : i32
      %max3A_348 = vector.broadcast %max3A_347 : i32 to vector<16xi32>
      %max3A_349 = arith.maxsi %convert_element_type3A_338, %max3A_348 : vector<16xi32>
      %min3A_350 = arith.constant 159 : i32
      %min3A_351 = vector.broadcast %min3A_350 : i32 to vector<16xi32>
      %min3A_352 = arith.minsi %max3A_349, %min3A_351 : vector<16xi32>
      %add3A_353 = arith.constant 1 : i32
      %add3A_354 = vector.broadcast %add3A_353 : i32 to vector<16xi32>
      %add3A_355 = arith.addi %convert_element_type3A_338, %add3A_354 : vector<16xi32>
      %max3A_356 = arith.constant 0 : i32
      %max3A_357 = vector.broadcast %max3A_356 : i32 to vector<16xi32>
      %max3A_358 = arith.maxsi %add3A_355, %max3A_357 : vector<16xi32>
      %min3A_359 = arith.constant 159 : i32
      %min3A_360 = vector.broadcast %min3A_359 : i32 to vector<16xi32>
      %min3A_361 = arith.minsi %max3A_358, %min3A_360 : vector<16xi32>
      %max3A_362 = arith.constant 0 : i32
      %max3A_363 = vector.broadcast %max3A_362 : i32 to vector<16xi32>
      %max3A_364 = arith.maxsi %convert_element_type3A_339, %max3A_363 : vector<16xi32>
      %min3A_365 = arith.constant 159 : i32
      %min3A_366 = vector.broadcast %min3A_365 : i32 to vector<16xi32>
      %min3A_367 = arith.minsi %max3A_364, %min3A_366 : vector<16xi32>
      %add3A_368 = arith.constant 1 : i32
      %add3A_369 = vector.broadcast %add3A_368 : i32 to vector<16xi32>
      %add3A_370 = arith.addi %convert_element_type3A_339, %add3A_369 : vector<16xi32>
      %max3A_371 = arith.constant 0 : i32
      %max3A_372 = vector.broadcast %max3A_371 : i32 to vector<16xi32>
      %max3A_373 = arith.maxsi %add3A_370, %max3A_372 : vector<16xi32>
      %min3A_374 = arith.constant 159 : i32
      %min3A_375 = vector.broadcast %min3A_374 : i32 to vector<16xi32>
      %min3A_376 = arith.minsi %max3A_373, %min3A_375 : vector<16xi32>
      %max3A_377 = arith.constant 0 : i32
      %max3A_378 = vector.broadcast %max3A_377 : i32 to vector<16xi32>
      %max3A_379 = arith.maxsi %convert_element_type3A_340, %max3A_378 : vector<16xi32>
      %min3A_380 = arith.constant 159 : i32
      %min3A_381 = vector.broadcast %min3A_380 : i32 to vector<16xi32>
      %min3A_382 = arith.minsi %max3A_379, %min3A_381 : vector<16xi32>
      %add3A_383 = arith.constant 1 : i32
      %add3A_384 = vector.broadcast %add3A_383 : i32 to vector<16xi32>
      %add3A_385 = arith.addi %convert_element_type3A_340, %add3A_384 : vector<16xi32>
      %max3A_386 = arith.constant 0 : i32
      %max3A_387 = vector.broadcast %max3A_386 : i32 to vector<16xi32>
      %max3A_388 = arith.maxsi %add3A_385, %max3A_387 : vector<16xi32>
      %min3A_389 = arith.constant 159 : i32
      %min3A_390 = vector.broadcast %min3A_389 : i32 to vector<16xi32>
      %min3A_391 = arith.minsi %max3A_388, %min3A_390 : vector<16xi32>
      %sub3A_392 = arith.constant 1.000000e+00 : f32
      %sub3A_393 = vector.broadcast %sub3A_392 : f32 to vector<16xf32>
      %sub3A_394 = arith.subf %sub3A_393, %sub3A_342 : vector<16xf32>
      %sub3A_395 = arith.constant 1.000000e+00 : f32
      %sub3A_396 = vector.broadcast %sub3A_395 : f32 to vector<16xf32>
      %sub3A_397 = arith.subf %sub3A_396, %sub3A_344 : vector<16xf32>
      %sub3A_398 = arith.constant 1.000000e+00 : f32
      %sub3A_399 = vector.broadcast %sub3A_398 : f32 to vector<16xf32>
      %sub3A_400 = arith.subf %sub3A_399, %sub3A_346 : vector<16xf32>
      %mul3A_401 = arith.constant 25600 : i32
      %mul3A_402 = vector.broadcast %mul3A_401 : i32 to vector<16xi32>
      %mul3A_403 = arith.muli %min3A_352, %mul3A_402 : vector<16xi32>
      %mul3A_404 = arith.constant 160 : i32
      %mul3A_405 = vector.broadcast %mul3A_404 : i32 to vector<16xi32>
      %mul3A_406 = arith.muli %min3A_367, %mul3A_405 : vector<16xi32>
      %add3A_407 = arith.addi %mul3A_403, %mul3A_406 : vector<16xi32>
      %add3A_408 = arith.addi %add3A_407, %min3A_382 : vector<16xi32>
      %swap3A_409 = arith.constant 2 : i32
      %swap3A_410 = arith.index_cast %swap3A_409 : i32 to index
      %swap3A_411 = arith.constant 0 : index
      %swap3A_412 = tpu.vector_load %arg12[%swap3A_410, %swap3A_411] {strides = array<i32>} : memref<8x128xi32, #tpu.memory_space<vmem>>, vector<16xi32>,
      tpu.vector_store %arg12[%swap3A_410, %swap3A_411], %add3A_408 {strides = array<i32>} : memref<8x128xi32, #tpu.memory_space<vmem>>, vector<16xi32>,
      %mul3A_413 = arith.mulf %sub3A_394, %sub3A_397 : vector<16xf32>
      %mul3A_414 = arith.mulf %mul3A_413, %sub3A_400 : vector<16xf32>
      %swap3A_415 = arith.constant 256 : index
      %swap3A_416 = tpu.vector_load %arg14[%swap3A_415] {strides = array<i32>} : memref<1024xf32, #tpu.memory_space<vmem>>, vector<16xf32>,
      tpu.vector_store %arg14[%swap3A_415], %mul3A_414 {strides = array<i32>} : memref<1024xf32, #tpu.memory_space<vmem>>, vector<16xf32>,
      %add3A_417 = arith.addi %add3A_407, %min3A_391 : vector<16xi32>
      %swap3A_418 = arith.constant 2 : i32
      %swap3A_419 = arith.index_cast %swap3A_418 : i32 to index
      %swap3A_420 = arith.constant 16 : index
      %swap3A_421 = tpu.vector_load %arg12[%swap3A_419, %swap3A_420] {strides = array<i32>} : memref<8x128xi32, #tpu.memory_space<vmem>>, vector<16xi32>,
      tpu.vector_store %arg12[%swap3A_419, %swap3A_420], %add3A_417 {strides = array<i32>} : memref<8x128xi32, #tpu.memory_space<vmem>>, vector<16xi32>,
      %mul3A_422 = arith.mulf %sub3A_394, %sub3A_397 : vector<16xf32>
      %mul3A_423 = arith.mulf %mul3A_422, %sub3A_346 : vector<16xf32>
      %swap3A_424 = arith.constant 272 : index
      %swap3A_425 = tpu.vector_load %arg14[%swap3A_424] {strides = array<i32>} : memref<1024xf32, #tpu.memory_space<vmem>>, vector<16xf32>,
      tpu.vector_store %arg14[%swap3A_424], %mul3A_423 {strides = array<i32>} : memref<1024xf32, #tpu.memory_space<vmem>>, vector<16xf32>,
      %mul3A_426 = arith.constant 160 : i32
      %mul3A_427 = vector.broadcast %mul3A_426 : i32 to vector<16xi32>
      %mul3A_428 = arith.muli %min3A_376, %mul3A_427 : vector<16xi32>
      %add3A_429 = arith.addi %mul3A_403, %mul3A_428 : vector<16xi32>
      %add3A_430 = arith.addi %add3A_429, %min3A_382 : vector<16xi32>
      %swap3A_431 = arith.constant 2 : i32
      %swap3A_432 = arith.index_cast %swap3A_431 : i32 to index
      %swap3A_433 = arith.constant 32 : index
      %swap3A_434 = tpu.vector_load %arg12[%swap3A_432, %swap3A_433] {strides = array<i32>} : memref<8x128xi32, #tpu.memory_space<vmem>>, vector<16xi32>,
      tpu.vector_store %arg12[%swap3A_432, %swap3A_433], %add3A_430 {strides = array<i32>} : memref<8x128xi32, #tpu.memory_space<vmem>>, vector<16xi32>,
      %mul3A_435 = arith.mulf %sub3A_394, %sub3A_344 : vector<16xf32>
      %mul3A_436 = arith.mulf %mul3A_435, %sub3A_400 : vector<16xf32>
      %swap3A_437 = arith.constant 288 : index
      %swap3A_438 = tpu.vector_load %arg14[%swap3A_437] {strides = array<i32>} : memref<1024xf32, #tpu.memory_space<vmem>>, vector<16xf32>,
      tpu.vector_store %arg14[%swap3A_437], %mul3A_436 {strides = array<i32>} : memref<1024xf32, #tpu.memory_space<vmem>>, vector<16xf32>,
      %add3A_439 = arith.addi %add3A_429, %min3A_391 : vector<16xi32>
      %swap3A_440 = arith.constant 2 : i32
      %swap3A_441 = arith.index_cast %swap3A_440 : i32 to index
      %swap3A_442 = arith.constant 48 : index
      %swap3A_443 = tpu.vector_load %arg12[%swap3A_441, %swap3A_442] {strides = array<i32>} : memref<8x128xi32, #tpu.memory_space<vmem>>, vector<16xi32>,
      tpu.vector_store %arg12[%swap3A_441, %swap3A_442], %add3A_439 {strides = array<i32>} : memref<8x128xi32, #tpu.memory_space<vmem>>, vector<16xi32>,
      %mul3A_444 = arith.mulf %sub3A_394, %sub3A_344 : vector<16xf32>
      %mul3A_445 = arith.mulf %mul3A_444, %sub3A_346 : vector<16xf32>
      %swap3A_446 = arith.constant 304 : index
      %swap3A_447 = tpu.vector_load %arg14[%swap3A_446] {strides = array<i32>} : memref<1024xf32, #tpu.memory_space<vmem>>, vector<16xf32>,
      tpu.vector_store %arg14[%swap3A_446], %mul3A_445 {strides = array<i32>} : memref<1024xf32, #tpu.memory_space<vmem>>, vector<16xf32>,
      %mul3A_448 = arith.constant 25600 : i32
      %mul3A_449 = vector.broadcast %mul3A_448 : i32 to vector<16xi32>
      %mul3A_450 = arith.muli %min3A_361, %mul3A_449 : vector<16xi32>
      %mul3A_451 = arith.constant 160 : i32
      %mul3A_452 = vector.broadcast %mul3A_451 : i32 to vector<16xi32>
      %mul3A_453 = arith.muli %min3A_367, %mul3A_452 : vector<16xi32>
      %add3A_454 = arith.addi %mul3A_450, %mul3A_453 : vector<16xi32>
      %add3A_455 = arith.addi %add3A_454, %min3A_382 : vector<16xi32>
      %swap3A_456 = arith.constant 2 : i32
      %swap3A_457 = arith.index_cast %swap3A_456 : i32 to index
      %swap3A_458 = arith.constant 64 : index
      %swap3A_459 = tpu.vector_load %arg12[%swap3A_457, %swap3A_458] {strides = array<i32>} : memref<8x128xi32, #tpu.memory_space<vmem>>, vector<16xi32>,
      tpu.vector_store %arg12[%swap3A_457, %swap3A_458], %add3A_455 {strides = array<i32>} : memref<8x128xi32, #tpu.memory_space<vmem>>, vector<16xi32>,
      %mul3A_460 = arith.mulf %sub3A_342, %sub3A_397 : vector<16xf32>
      %mul3A_461 = arith.mulf %mul3A_460, %sub3A_400 : vector<16xf32>
      %swap3A_462 = arith.constant 320 : index
      %swap3A_463 = tpu.vector_load %arg14[%swap3A_462] {strides = array<i32>} : memref<1024xf32, #tpu.memory_space<vmem>>, vector<16xf32>,
      tpu.vector_store %arg14[%swap3A_462], %mul3A_461 {strides = array<i32>} : memref<1024xf32, #tpu.memory_space<vmem>>, vector<16xf32>,
      %add3A_464 = arith.addi %add3A_454, %min3A_391 : vector<16xi32>
      %swap3A_465 = arith.constant 2 : i32
      %swap3A_466 = arith.index_cast %swap3A_465 : i32 to index
      %swap3A_467 = arith.constant 80 : index
      %swap3A_468 = tpu.vector_load %arg12[%swap3A_466, %swap3A_467] {strides = array<i32>} : memref<8x128xi32, #tpu.memory_space<vmem>>, vector<16xi32>,
      tpu.vector_store %arg12[%swap3A_466, %swap3A_467], %add3A_464 {strides = array<i32>} : memref<8x128xi32, #tpu.memory_space<vmem>>, vector<16xi32>,
      %mul3A_469 = arith.mulf %sub3A_342, %sub3A_397 : vector<16xf32>
      %mul3A_470 = arith.mulf %mul3A_469, %sub3A_346 : vector<16xf32>
      %swap3A_471 = arith.constant 336 : index
      %swap3A_472 = tpu.vector_load %arg14[%swap3A_471] {strides = array<i32>} : memref<1024xf32, #tpu.memory_space<vmem>>, vector<16xf32>,
      tpu.vector_store %arg14[%swap3A_471], %mul3A_470 {strides = array<i32>} : memref<1024xf32, #tpu.memory_space<vmem>>, vector<16xf32>,
      %mul3A_473 = arith.constant 160 : i32
      %mul3A_474 = vector.broadcast %mul3A_473 : i32 to vector<16xi32>
      %mul3A_475 = arith.muli %min3A_376, %mul3A_474 : vector<16xi32>
      %add3A_476 = arith.addi %mul3A_450, %mul3A_475 : vector<16xi32>
      %add3A_477 = arith.addi %add3A_476, %min3A_382 : vector<16xi32>
      %swap3A_478 = arith.constant 2 : i32
      %swap3A_479 = arith.index_cast %swap3A_478 : i32 to index
      %swap3A_480 = arith.constant 96 : index
      %swap3A_481 = tpu.vector_load %arg12[%swap3A_479, %swap3A_480] {strides = array<i32>} : memref<8x128xi32, #tpu.memory_space<vmem>>, vector<16xi32>,
      tpu.vector_store %arg12[%swap3A_479, %swap3A_480], %add3A_477 {strides = array<i32>} : memref<8x128xi32, #tpu.memory_space<vmem>>, vector<16xi32>,
      %mul3A_482 = arith.mulf %sub3A_342, %sub3A_344 : vector<16xf32>
      %mul3A_483 = arith.mulf %mul3A_482, %sub3A_400 : vector<16xf32>
      %swap3A_484 = arith.constant 352 : index
      %swap3A_485 = tpu.vector_load %arg14[%swap3A_484] {strides = array<i32>} : memref<1024xf32, #tpu.memory_space<vmem>>, vector<16xf32>,
      tpu.vector_store %arg14[%swap3A_484], %mul3A_483 {strides = array<i32>} : memref<1024xf32, #tpu.memory_space<vmem>>, vector<16xf32>,
      %add3A_486 = arith.addi %add3A_476, %min3A_391 : vector<16xi32>
      %swap3A_487 = arith.constant 2 : i32
      %swap3A_488 = arith.index_cast %swap3A_487 : i32 to index
      %swap3A_489 = arith.constant 112 : index
      %swap3A_490 = tpu.vector_load %arg12[%swap3A_488, %swap3A_489] {strides = array<i32>} : memref<8x128xi32, #tpu.memory_space<vmem>>, vector<16xi32>,
      tpu.vector_store %arg12[%swap3A_488, %swap3A_489], %add3A_486 {strides = array<i32>} : memref<8x128xi32, #tpu.memory_space<vmem>>, vector<16xi32>,
      %mul3A_491 = arith.mulf %sub3A_342, %sub3A_344 : vector<16xf32>
      %mul3A_492 = arith.mulf %mul3A_491, %sub3A_346 : vector<16xf32>
      %swap3A_493 = arith.constant 368 : index
      %swap3A_494 = tpu.vector_load %arg14[%swap3A_493] {strides = array<i32>} : memref<1024xf32, #tpu.memory_space<vmem>>, vector<16xf32>,
      tpu.vector_store %arg14[%swap3A_493], %mul3A_492 {strides = array<i32>} : memref<1024xf32, #tpu.memory_space<vmem>>, vector<16xf32>,
      %get3A_495 = arith.constant 48 : index
      %get3A_496 = tpu.vector_load %arg9[%get3A_495] {strides = array<i32>} : memref<128xf32, #tpu.memory_space<vmem>>, vector<16xf32>,
      %get3A_497 = arith.constant 48 : index
      %get3A_498 = tpu.vector_load %arg10[%get3A_497] {strides = array<i32>} : memref<128xf32, #tpu.memory_space<vmem>>, vector<16xf32>,
      %get3A_499 = arith.constant 48 : index
      %get3A_500 = tpu.vector_load %arg11[%get3A_499] {strides = array<i32>} : memref<128xf32, #tpu.memory_space<vmem>>, vector<16xf32>,
      %convert_element_type3A_501 = arith.fptosi %get3A_496 : vector<16xf32> to vector<16xi32>
      %convert_element_type3A_502 = arith.fptosi %get3A_498 : vector<16xf32> to vector<16xi32>
      %convert_element_type3A_503 = arith.fptosi %get3A_500 : vector<16xf32> to vector<16xi32>
      %convert_element_type3A_504 = arith.sitofp %convert_element_type3A_501 : vector<16xi32> to vector<16xf32>
      %sub3A_505 = arith.subf %get3A_496, %convert_element_type3A_504 : vector<16xf32>
      %convert_element_type3A_506 = arith.sitofp %convert_element_type3A_502 : vector<16xi32> to vector<16xf32>
      %sub3A_507 = arith.subf %get3A_498, %convert_element_type3A_506 : vector<16xf32>
      %convert_element_type3A_508 = arith.sitofp %convert_element_type3A_503 : vector<16xi32> to vector<16xf32>
      %sub3A_509 = arith.subf %get3A_500, %convert_element_type3A_508 : vector<16xf32>
      %max3A_510 = arith.constant 0 : i32
      %max3A_511 = vector.broadcast %max3A_510 : i32 to vector<16xi32>
      %max3A_512 = arith.maxsi %convert_element_type3A_501, %max3A_511 : vector<16xi32>
      %min3A_513 = arith.constant 159 : i32
      %min3A_514 = vector.broadcast %min3A_513 : i32 to vector<16xi32>
      %min3A_515 = arith.minsi %max3A_512, %min3A_514 : vector<16xi32>
      %add3A_516 = arith.constant 1 : i32
      %add3A_517 = vector.broadcast %add3A_516 : i32 to vector<16xi32>
      %add3A_518 = arith.addi %convert_element_type3A_501, %add3A_517 : vector<16xi32>
      %max3A_519 = arith.constant 0 : i32
      %max3A_520 = vector.broadcast %max3A_519 : i32 to vector<16xi32>
      %max3A_521 = arith.maxsi %add3A_518, %max3A_520 : vector<16xi32>
      %min3A_522 = arith.constant 159 : i32
      %min3A_523 = vector.broadcast %min3A_522 : i32 to vector<16xi32>
      %min3A_524 = arith.minsi %max3A_521, %min3A_523 : vector<16xi32>
      %max3A_525 = arith.constant 0 : i32
      %max3A_526 = vector.broadcast %max3A_525 : i32 to vector<16xi32>
      %max3A_527 = arith.maxsi %convert_element_type3A_502, %max3A_526 : vector<16xi32>
      %min3A_528 = arith.constant 159 : i32
      %min3A_529 = vector.broadcast %min3A_528 : i32 to vector<16xi32>
      %min3A_530 = arith.minsi %max3A_527, %min3A_529 : vector<16xi32>
      %add3A_531 = arith.constant 1 : i32
      %add3A_532 = vector.broadcast %add3A_531 : i32 to vector<16xi32>
      %add3A_533 = arith.addi %convert_element_type3A_502, %add3A_532 : vector<16xi32>
      %max3A_534 = arith.constant 0 : i32
      %max3A_535 = vector.broadcast %max3A_534 : i32 to vector<16xi32>
      %max3A_536 = arith.maxsi %add3A_533, %max3A_535 : vector<16xi32>
      %min3A_537 = arith.constant 159 : i32
      %min3A_538 = vector.broadcast %min3A_537 : i32 to vector<16xi32>
      %min3A_539 = arith.minsi %max3A_536, %min3A_538 : vector<16xi32>
      %max3A_540 = arith.constant 0 : i32
      %max3A_541 = vector.broadcast %max3A_540 : i32 to vector<16xi32>
      %max3A_542 = arith.maxsi %convert_element_type3A_503, %max3A_541 : vector<16xi32>
      %min3A_543 = arith.constant 159 : i32
      %min3A_544 = vector.broadcast %min3A_543 : i32 to vector<16xi32>
      %min3A_545 = arith.minsi %max3A_542, %min3A_544 : vector<16xi32>
      %add3A_546 = arith.constant 1 : i32
      %add3A_547 = vector.broadcast %add3A_546 : i32 to vector<16xi32>
      %add3A_548 = arith.addi %convert_element_type3A_503, %add3A_547 : vector<16xi32>
      %max3A_549 = arith.constant 0 : i32
      %max3A_550 = vector.broadcast %max3A_549 : i32 to vector<16xi32>
      %max3A_551 = arith.maxsi %add3A_548, %max3A_550 : vector<16xi32>
      %min3A_552 = arith.constant 159 : i32
      %min3A_553 = vector.broadcast %min3A_552 : i32 to vector<16xi32>
      %min3A_554 = arith.minsi %max3A_551, %min3A_553 : vector<16xi32>
      %sub3A_555 = arith.constant 1.000000e+00 : f32
      %sub3A_556 = vector.broadcast %sub3A_555 : f32 to vector<16xf32>
      %sub3A_557 = arith.subf %sub3A_556, %sub3A_505 : vector<16xf32>
      %sub3A_558 = arith.constant 1.000000e+00 : f32
      %sub3A_559 = vector.broadcast %sub3A_558 : f32 to vector<16xf32>
      %sub3A_560 = arith.subf %sub3A_559, %sub3A_507 : vector<16xf32>
      %sub3A_561 = arith.constant 1.000000e+00 : f32
      %sub3A_562 = vector.broadcast %sub3A_561 : f32 to vector<16xf32>
      %sub3A_563 = arith.subf %sub3A_562, %sub3A_509 : vector<16xf32>
      %mul3A_564 = arith.constant 25600 : i32
      %mul3A_565 = vector.broadcast %mul3A_564 : i32 to vector<16xi32>
      %mul3A_566 = arith.muli %min3A_515, %mul3A_565 : vector<16xi32>
      %mul3A_567 = arith.constant 160 : i32
      %mul3A_568 = vector.broadcast %mul3A_567 : i32 to vector<16xi32>
      %mul3A_569 = arith.muli %min3A_530, %mul3A_568 : vector<16xi32>
      %add3A_570 = arith.addi %mul3A_566, %mul3A_569 : vector<16xi32>
      %add3A_571 = arith.addi %add3A_570, %min3A_545 : vector<16xi32>
      %swap3A_572 = arith.constant 3 : i32
      %swap3A_573 = arith.index_cast %swap3A_572 : i32 to index
      %swap3A_574 = arith.constant 0 : index
      %swap3A_575 = tpu.vector_load %arg12[%swap3A_573, %swap3A_574] {strides = array<i32>} : memref<8x128xi32, #tpu.memory_space<vmem>>, vector<16xi32>,
      tpu.vector_store %arg12[%swap3A_573, %swap3A_574], %add3A_571 {strides = array<i32>} : memref<8x128xi32, #tpu.memory_space<vmem>>, vector<16xi32>,
      %mul3A_576 = arith.mulf %sub3A_557, %sub3A_560 : vector<16xf32>
      %mul3A_577 = arith.mulf %mul3A_576, %sub3A_563 : vector<16xf32>
      %swap3A_578 = arith.constant 384 : index
      %swap3A_579 = tpu.vector_load %arg14[%swap3A_578] {strides = array<i32>} : memref<1024xf32, #tpu.memory_space<vmem>>, vector<16xf32>,
      tpu.vector_store %arg14[%swap3A_578], %mul3A_577 {strides = array<i32>} : memref<1024xf32, #tpu.memory_space<vmem>>, vector<16xf32>,
      %add3A_580 = arith.addi %add3A_570, %min3A_554 : vector<16xi32>
      %swap3A_581 = arith.constant 3 : i32
      %swap3A_582 = arith.index_cast %swap3A_581 : i32 to index
      %swap3A_583 = arith.constant 16 : index
      %swap3A_584 = tpu.vector_load %arg12[%swap3A_582, %swap3A_583] {strides = array<i32>} : memref<8x128xi32, #tpu.memory_space<vmem>>, vector<16xi32>,
      tpu.vector_store %arg12[%swap3A_582, %swap3A_583], %add3A_580 {strides = array<i32>} : memref<8x128xi32, #tpu.memory_space<vmem>>, vector<16xi32>,
      %mul3A_585 = arith.mulf %sub3A_557, %sub3A_560 : vector<16xf32>
      %mul3A_586 = arith.mulf %mul3A_585, %sub3A_509 : vector<16xf32>
      %swap3A_587 = arith.constant 400 : index
      %swap3A_588 = tpu.vector_load %arg14[%swap3A_587] {strides = array<i32>} : memref<1024xf32, #tpu.memory_space<vmem>>, vector<16xf32>,
      tpu.vector_store %arg14[%swap3A_587], %mul3A_586 {strides = array<i32>} : memref<1024xf32, #tpu.memory_space<vmem>>, vector<16xf32>,
      %mul3A_589 = arith.constant 160 : i32
      %mul3A_590 = vector.broadcast %mul3A_589 : i32 to vector<16xi32>
      %mul3A_591 = arith.muli %min3A_539, %mul3A_590 : vector<16xi32>
      %add3A_592 = arith.addi %mul3A_566, %mul3A_591 : vector<16xi32>
      %add3A_593 = arith.addi %add3A_592, %min3A_545 : vector<16xi32>
      %swap3A_594 = arith.constant 3 : i32
      %swap3A_595 = arith.index_cast %swap3A_594 : i32 to index
      %swap3A_596 = arith.constant 32 : index
      %swap3A_597 = tpu.vector_load %arg12[%swap3A_595, %swap3A_596] {strides = array<i32>} : memref<8x128xi32, #tpu.memory_space<vmem>>, vector<16xi32>,
      tpu.vector_store %arg12[%swap3A_595, %swap3A_596], %add3A_593 {strides = array<i32>} : memref<8x128xi32, #tpu.memory_space<vmem>>, vector<16xi32>,
      %mul3A_598 = arith.mulf %sub3A_557, %sub3A_507 : vector<16xf32>
      %mul3A_599 = arith.mulf %mul3A_598, %sub3A_563 : vector<16xf32>
      %swap3A_600 = arith.constant 416 : index
      %swap3A_601 = tpu.vector_load %arg14[%swap3A_600] {strides = array<i32>} : memref<1024xf32, #tpu.memory_space<vmem>>, vector<16xf32>,
      tpu.vector_store %arg14[%swap3A_600], %mul3A_599 {strides = array<i32>} : memref<1024xf32, #tpu.memory_space<vmem>>, vector<16xf32>,
      %add3A_602 = arith.addi %add3A_592, %min3A_554 : vector<16xi32>
      %swap3A_603 = arith.constant 3 : i32
      %swap3A_604 = arith.index_cast %swap3A_603 : i32 to index
      %swap3A_605 = arith.constant 48 : index
      %swap3A_606 = tpu.vector_load %arg12[%swap3A_604, %swap3A_605] {strides = array<i32>} : memref<8x128xi32, #tpu.memory_space<vmem>>, vector<16xi32>,
      tpu.vector_store %arg12[%swap3A_604, %swap3A_605], %add3A_602 {strides = array<i32>} : memref<8x128xi32, #tpu.memory_space<vmem>>, vector<16xi32>,
      %mul3A_607 = arith.mulf %sub3A_557, %sub3A_507 : vector<16xf32>
      %mul3A_608 = arith.mulf %mul3A_607, %sub3A_509 : vector<16xf32>
      %swap3A_609 = arith.constant 432 : index
      %swap3A_610 = tpu.vector_load %arg14[%swap3A_609] {strides = array<i32>} : memref<1024xf32, #tpu.memory_space<vmem>>, vector<16xf32>,
      tpu.vector_store %arg14[%swap3A_609], %mul3A_608 {strides = array<i32>} : memref<1024xf32, #tpu.memory_space<vmem>>, vector<16xf32>,
      %mul3A_611 = arith.constant 25600 : i32
      %mul3A_612 = vector.broadcast %mul3A_611 : i32 to vector<16xi32>
      %mul3A_613 = arith.muli %min3A_524, %mul3A_612 : vector<16xi32>
      %mul3A_614 = arith.constant 160 : i32
      %mul3A_615 = vector.broadcast %mul3A_614 : i32 to vector<16xi32>
      %mul3A_616 = arith.muli %min3A_530, %mul3A_615 : vector<16xi32>
      %add3A_617 = arith.addi %mul3A_613, %mul3A_616 : vector<16xi32>
      %add3A_618 = arith.addi %add3A_617, %min3A_545 : vector<16xi32>
      %swap3A_619 = arith.constant 3 : i32
      %swap3A_620 = arith.index_cast %swap3A_619 : i32 to index
      %swap3A_621 = arith.constant 64 : index
      %swap3A_622 = tpu.vector_load %arg12[%swap3A_620, %swap3A_621] {strides = array<i32>} : memref<8x128xi32, #tpu.memory_space<vmem>>, vector<16xi32>,
      tpu.vector_store %arg12[%swap3A_620, %swap3A_621], %add3A_618 {strides = array<i32>} : memref<8x128xi32, #tpu.memory_space<vmem>>, vector<16xi32>,
      %mul3A_623 = arith.mulf %sub3A_505, %sub3A_560 : vector<16xf32>
      %mul3A_624 = arith.mulf %mul3A_623, %sub3A_563 : vector<16xf32>
      %swap3A_625 = arith.constant 448 : index
      %swap3A_626 = tpu.vector_load %arg14[%swap3A_625] {strides = array<i32>} : memref<1024xf32, #tpu.memory_space<vmem>>, vector<16xf32>,
      tpu.vector_store %arg14[%swap3A_625], %mul3A_624 {strides = array<i32>} : memref<1024xf32, #tpu.memory_space<vmem>>, vector<16xf32>,
      %add3A_627 = arith.addi %add3A_617, %min3A_554 : vector<16xi32>
      %swap3A_628 = arith.constant 3 : i32
      %swap3A_629 = arith.index_cast %swap3A_628 : i32 to index
      %swap3A_630 = arith.constant 80 : index
      %swap3A_631 = tpu.vector_load %arg12[%swap3A_629, %swap3A_630] {strides = array<i32>} : memref<8x128xi32, #tpu.memory_space<vmem>>, vector<16xi32>,
      tpu.vector_store %arg12[%swap3A_629, %swap3A_630], %add3A_627 {strides = array<i32>} : memref<8x128xi32, #tpu.memory_space<vmem>>, vector<16xi32>,
      %mul3A_632 = arith.mulf %sub3A_505, %sub3A_560 : vector<16xf32>
      %mul3A_633 = arith.mulf %mul3A_632, %sub3A_509 : vector<16xf32>
      %swap3A_634 = arith.constant 464 : index
      %swap3A_635 = tpu.vector_load %arg14[%swap3A_634] {strides = array<i32>} : memref<1024xf32, #tpu.memory_space<vmem>>, vector<16xf32>,
      tpu.vector_store %arg14[%swap3A_634], %mul3A_633 {strides = array<i32>} : memref<1024xf32, #tpu.memory_space<vmem>>, vector<16xf32>,
      %mul3A_636 = arith.constant 160 : i32
      %mul3A_637 = vector.broadcast %mul3A_636 : i32 to vector<16xi32>
      %mul3A_638 = arith.muli %min3A_539, %mul3A_637 : vector<16xi32>
      %add3A_639 = arith.addi %mul3A_613, %mul3A_638 : vector<16xi32>
      %add3A_640 = arith.addi %add3A_639, %min3A_545 : vector<16xi32>
      %swap3A_641 = arith.constant 3 : i32
      %swap3A_642 = arith.index_cast %swap3A_641 : i32 to index
      %swap3A_643 = arith.constant 96 : index
      %swap3A_644 = tpu.vector_load %arg12[%swap3A_642, %swap3A_643] {strides = array<i32>} : memref<8x128xi32, #tpu.memory_space<vmem>>, vector<16xi32>,
      tpu.vector_store %arg12[%swap3A_642, %swap3A_643], %add3A_640 {strides = array<i32>} : memref<8x128xi32, #tpu.memory_space<vmem>>, vector<16xi32>,
      %mul3A_645 = arith.mulf %sub3A_505, %sub3A_507 : vector<16xf32>
      %mul3A_646 = arith.mulf %mul3A_645, %sub3A_563 : vector<16xf32>
      %swap3A_647 = arith.constant 480 : index
      %swap3A_648 = tpu.vector_load %arg14[%swap3A_647] {strides = array<i32>} : memref<1024xf32, #tpu.memory_space<vmem>>, vector<16xf32>,
      tpu.vector_store %arg14[%swap3A_647], %mul3A_646 {strides = array<i32>} : memref<1024xf32, #tpu.memory_space<vmem>>, vector<16xf32>,
      %add3A_649 = arith.addi %add3A_639, %min3A_554 : vector<16xi32>
      %swap3A_650 = arith.constant 3 : i32
      %swap3A_651 = arith.index_cast %swap3A_650 : i32 to index
      %swap3A_652 = arith.constant 112 : index
      %swap3A_653 = tpu.vector_load %arg12[%swap3A_651, %swap3A_652] {strides = array<i32>} : memref<8x128xi32, #tpu.memory_space<vmem>>, vector<16xi32>,
      tpu.vector_store %arg12[%swap3A_651, %swap3A_652], %add3A_649 {strides = array<i32>} : memref<8x128xi32, #tpu.memory_space<vmem>>, vector<16xi32>,
      %mul3A_654 = arith.mulf %sub3A_505, %sub3A_507 : vector<16xf32>
      %mul3A_655 = arith.mulf %mul3A_654, %sub3A_509 : vector<16xf32>
      %swap3A_656 = arith.constant 496 : index
      %swap3A_657 = tpu.vector_load %arg14[%swap3A_656] {strides = array<i32>} : memref<1024xf32, #tpu.memory_space<vmem>>, vector<16xf32>,
      tpu.vector_store %arg14[%swap3A_656], %mul3A_655 {strides = array<i32>} : memref<1024xf32, #tpu.memory_space<vmem>>, vector<16xf32>,
      %get3A_658 = arith.constant 64 : index
      %get3A_659 = tpu.vector_load %arg9[%get3A_658] {strides = array<i32>} : memref<128xf32, #tpu.memory_space<vmem>>, vector<16xf32>,
      %get3A_660 = arith.constant 64 : index
      %get3A_661 = tpu.vector_load %arg10[%get3A_660] {strides = array<i32>} : memref<128xf32, #tpu.memory_space<vmem>>, vector<16xf32>,
      %get3A_662 = arith.constant 64 : index
      %get3A_663 = tpu.vector_load %arg11[%get3A_662] {strides = array<i32>} : memref<128xf32, #tpu.memory_space<vmem>>, vector<16xf32>,
      %convert_element_type3A_664 = arith.fptosi %get3A_659 : vector<16xf32> to vector<16xi32>
      %convert_element_type3A_665 = arith.fptosi %get3A_661 : vector<16xf32> to vector<16xi32>
      %convert_element_type3A_666 = arith.fptosi %get3A_663 : vector<16xf32> to vector<16xi32>
      %convert_element_type3A_667 = arith.sitofp %convert_element_type3A_664 : vector<16xi32> to vector<16xf32>
      %sub3A_668 = arith.subf %get3A_659, %convert_element_type3A_667 : vector<16xf32>
      %convert_element_type3A_669 = arith.sitofp %convert_element_type3A_665 : vector<16xi32> to vector<16xf32>
      %sub3A_670 = arith.subf %get3A_661, %convert_element_type3A_669 : vector<16xf32>
      %convert_element_type3A_671 = arith.sitofp %convert_element_type3A_666 : vector<16xi32> to vector<16xf32>
      %sub3A_672 = arith.subf %get3A_663, %convert_element_type3A_671 : vector<16xf32>
      %max3A_673 = arith.constant 0 : i32
      %max3A_674 = vector.broadcast %max3A_673 : i32 to vector<16xi32>
      %max3A_675 = arith.maxsi %convert_element_type3A_664, %max3A_674 : vector<16xi32>
      %min3A_676 = arith.constant 159 : i32
      %min3A_677 = vector.broadcast %min3A_676 : i32 to vector<16xi32>
      %min3A_678 = arith.minsi %max3A_675, %min3A_677 : vector<16xi32>
      %add3A_679 = arith.constant 1 : i32
      %add3A_680 = vector.broadcast %add3A_679 : i32 to vector<16xi32>
      %add3A_681 = arith.addi %convert_element_type3A_664, %add3A_680 : vector<16xi32>
      %max3A_682 = arith.constant 0 : i32
      %max3A_683 = vector.broadcast %max3A_682 : i32 to vector<16xi32>
      %max3A_684 = arith.maxsi %add3A_681, %max3A_683 : vector<16xi32>
      %min3A_685 = arith.constant 159 : i32
      %min3A_686 = vector.broadcast %min3A_685 : i32 to vector<16xi32>
      %min3A_687 = arith.minsi %max3A_684, %min3A_686 : vector<16xi32>
      %max3A_688 = arith.constant 0 : i32
      %max3A_689 = vector.broadcast %max3A_688 : i32 to vector<16xi32>
      %max3A_690 = arith.maxsi %convert_element_type3A_665, %max3A_689 : vector<16xi32>
      %min3A_691 = arith.constant 159 : i32
      %min3A_692 = vector.broadcast %min3A_691 : i32 to vector<16xi32>
      %min3A_693 = arith.minsi %max3A_690, %min3A_692 : vector<16xi32>
      %add3A_694 = arith.constant 1 : i32
      %add3A_695 = vector.broadcast %add3A_694 : i32 to vector<16xi32>
      %add3A_696 = arith.addi %convert_element_type3A_665, %add3A_695 : vector<16xi32>
      %max3A_697 = arith.constant 0 : i32
      %max3A_698 = vector.broadcast %max3A_697 : i32 to vector<16xi32>
      %max3A_699 = arith.maxsi %add3A_696, %max3A_698 : vector<16xi32>
      %min3A_700 = arith.constant 159 : i32
      %min3A_701 = vector.broadcast %min3A_700 : i32 to vector<16xi32>
      %min3A_702 = arith.minsi %max3A_699, %min3A_701 : vector<16xi32>
      %max3A_703 = arith.constant 0 : i32
      %max3A_704 = vector.broadcast %max3A_703 : i32 to vector<16xi32>
      %max3A_705 = arith.maxsi %convert_element_type3A_666, %max3A_704 : vector<16xi32>
      %min3A_706 = arith.constant 159 : i32
      %min3A_707 = vector.broadcast %min3A_706 : i32 to vector<16xi32>
      %min3A_708 = arith.minsi %max3A_705, %min3A_707 : vector<16xi32>
      %add3A_709 = arith.constant 1 : i32
      %add3A_710 = vector.broadcast %add3A_709 : i32 to vector<16xi32>
      %add3A_711 = arith.addi %convert_element_type3A_666, %add3A_710 : vector<16xi32>
      %max3A_712 = arith.constant 0 : i32
      %max3A_713 = vector.broadcast %max3A_712 : i32 to vector<16xi32>
      %max3A_714 = arith.maxsi %add3A_711, %max3A_713 : vector<16xi32>
      %min3A_715 = arith.constant 159 : i32
      %min3A_716 = vector.broadcast %min3A_715 : i32 to vector<16xi32>
      %min3A_717 = arith.minsi %max3A_714, %min3A_716 : vector<16xi32>
      %sub3A_718 = arith.constant 1.000000e+00 : f32
      %sub3A_719 = vector.broadcast %sub3A_718 : f32 to vector<16xf32>
      %sub3A_720 = arith.subf %sub3A_719, %sub3A_668 : vector<16xf32>
      %sub3A_721 = arith.constant 1.000000e+00 : f32
      %sub3A_722 = vector.broadcast %sub3A_721 : f32 to vector<16xf32>
      %sub3A_723 = arith.subf %sub3A_722, %sub3A_670 : vector<16xf32>
      %sub3A_724 = arith.constant 1.000000e+00 : f32
      %sub3A_725 = vector.broadcast %sub3A_724 : f32 to vector<16xf32>
      %sub3A_726 = arith.subf %sub3A_725, %sub3A_672 : vector<16xf32>
      %mul3A_727 = arith.constant 25600 : i32
      %mul3A_728 = vector.broadcast %mul3A_727 : i32 to vector<16xi32>
      %mul3A_729 = arith.muli %min3A_678, %mul3A_728 : vector<16xi32>
      %mul3A_730 = arith.constant 160 : i32
      %mul3A_731 = vector.broadcast %mul3A_730 : i32 to vector<16xi32>
      %mul3A_732 = arith.muli %min3A_693, %mul3A_731 : vector<16xi32>
      %add3A_733 = arith.addi %mul3A_729, %mul3A_732 : vector<16xi32>
      %add3A_734 = arith.addi %add3A_733, %min3A_708 : vector<16xi32>
      %swap3A_735 = arith.constant 4 : i32
      %swap3A_736 = arith.index_cast %swap3A_735 : i32 to index
      %swap3A_737 = arith.constant 0 : index
      %swap3A_738 = tpu.vector_load %arg12[%swap3A_736, %swap3A_737] {strides = array<i32>} : memref<8x128xi32, #tpu.memory_space<vmem>>, vector<16xi32>,
      tpu.vector_store %arg12[%swap3A_736, %swap3A_737], %add3A_734 {strides = array<i32>} : memref<8x128xi32, #tpu.memory_space<vmem>>, vector<16xi32>,
      %mul3A_739 = arith.mulf %sub3A_720, %sub3A_723 : vector<16xf32>
      %mul3A_740 = arith.mulf %mul3A_739, %sub3A_726 : vector<16xf32>
      %swap3A_741 = arith.constant 512 : index
      %swap3A_742 = tpu.vector_load %arg14[%swap3A_741] {strides = array<i32>} : memref<1024xf32, #tpu.memory_space<vmem>>, vector<16xf32>,
      tpu.vector_store %arg14[%swap3A_741], %mul3A_740 {strides = array<i32>} : memref<1024xf32, #tpu.memory_space<vmem>>, vector<16xf32>,
      %add3A_743 = arith.addi %add3A_733, %min3A_717 : vector<16xi32>
      %swap3A_744 = arith.constant 4 : i32
      %swap3A_745 = arith.index_cast %swap3A_744 : i32 to index
      %swap3A_746 = arith.constant 16 : index
      %swap3A_747 = tpu.vector_load %arg12[%swap3A_745, %swap3A_746] {strides = array<i32>} : memref<8x128xi32, #tpu.memory_space<vmem>>, vector<16xi32>,
      tpu.vector_store %arg12[%swap3A_745, %swap3A_746], %add3A_743 {strides = array<i32>} : memref<8x128xi32, #tpu.memory_space<vmem>>, vector<16xi32>,
      %mul3A_748 = arith.mulf %sub3A_720, %sub3A_723 : vector<16xf32>
      %mul3A_749 = arith.mulf %mul3A_748, %sub3A_672 : vector<16xf32>
      %swap3A_750 = arith.constant 528 : index
      %swap3A_751 = tpu.vector_load %arg14[%swap3A_750] {strides = array<i32>} : memref<1024xf32, #tpu.memory_space<vmem>>, vector<16xf32>,
      tpu.vector_store %arg14[%swap3A_750], %mul3A_749 {strides = array<i32>} : memref<1024xf32, #tpu.memory_space<vmem>>, vector<16xf32>,
      %mul3A_752 = arith.constant 160 : i32
      %mul3A_753 = vector.broadcast %mul3A_752 : i32 to vector<16xi32>
      %mul3A_754 = arith.muli %min3A_702, %mul3A_753 : vector<16xi32>
      %add3A_755 = arith.addi %mul3A_729, %mul3A_754 : vector<16xi32>
      %add3A_756 = arith.addi %add3A_755, %min3A_708 : vector<16xi32>
      %swap3A_757 = arith.constant 4 : i32
      %swap3A_758 = arith.index_cast %swap3A_757 : i32 to index
      %swap3A_759 = arith.constant 32 : index
      %swap3A_760 = tpu.vector_load %arg12[%swap3A_758, %swap3A_759] {strides = array<i32>} : memref<8x128xi32, #tpu.memory_space<vmem>>, vector<16xi32>,
      tpu.vector_store %arg12[%swap3A_758, %swap3A_759], %add3A_756 {strides = array<i32>} : memref<8x128xi32, #tpu.memory_space<vmem>>, vector<16xi32>,
      %mul3A_761 = arith.mulf %sub3A_720, %sub3A_670 : vector<16xf32>
      %mul3A_762 = arith.mulf %mul3A_761, %sub3A_726 : vector<16xf32>
      %swap3A_763 = arith.constant 544 : index
      %swap3A_764 = tpu.vector_load %arg14[%swap3A_763] {strides = array<i32>} : memref<1024xf32, #tpu.memory_space<vmem>>, vector<16xf32>,
      tpu.vector_store %arg14[%swap3A_763], %mul3A_762 {strides = array<i32>} : memref<1024xf32, #tpu.memory_space<vmem>>, vector<16xf32>,
      %add3A_765 = arith.addi %add3A_755, %min3A_717 : vector<16xi32>
      %swap3A_766 = arith.constant 4 : i32
      %swap3A_767 = arith.index_cast %swap3A_766 : i32 to index
      %swap3A_768 = arith.constant 48 : index
      %swap3A_769 = tpu.vector_load %arg12[%swap3A_767, %swap3A_768] {strides = array<i32>} : memref<8x128xi32, #tpu.memory_space<vmem>>, vector<16xi32>,
      tpu.vector_store %arg12[%swap3A_767, %swap3A_768], %add3A_765 {strides = array<i32>} : memref<8x128xi32, #tpu.memory_space<vmem>>, vector<16xi32>,
      %mul3A_770 = arith.mulf %sub3A_720, %sub3A_670 : vector<16xf32>
      %mul3A_771 = arith.mulf %mul3A_770, %sub3A_672 : vector<16xf32>
      %swap3A_772 = arith.constant 560 : index
      %swap3A_773 = tpu.vector_load %arg14[%swap3A_772] {strides = array<i32>} : memref<1024xf32, #tpu.memory_space<vmem>>, vector<16xf32>,
      tpu.vector_store %arg14[%swap3A_772], %mul3A_771 {strides = array<i32>} : memref<1024xf32, #tpu.memory_space<vmem>>, vector<16xf32>,
      %mul3A_774 = arith.constant 25600 : i32
      %mul3A_775 = vector.broadcast %mul3A_774 : i32 to vector<16xi32>
      %mul3A_776 = arith.muli %min3A_687, %mul3A_775 : vector<16xi32>
      %mul3A_777 = arith.constant 160 : i32
      %mul3A_778 = vector.broadcast %mul3A_777 : i32 to vector<16xi32>
      %mul3A_779 = arith.muli %min3A_693, %mul3A_778 : vector<16xi32>
      %add3A_780 = arith.addi %mul3A_776, %mul3A_779 : vector<16xi32>
      %add3A_781 = arith.addi %add3A_780, %min3A_708 : vector<16xi32>
      %swap3A_782 = arith.constant 4 : i32
      %swap3A_783 = arith.index_cast %swap3A_782 : i32 to index
      %swap3A_784 = arith.constant 64 : index
      %swap3A_785 = tpu.vector_load %arg12[%swap3A_783, %swap3A_784] {strides = array<i32>} : memref<8x128xi32, #tpu.memory_space<vmem>>, vector<16xi32>,
      tpu.vector_store %arg12[%swap3A_783, %swap3A_784], %add3A_781 {strides = array<i32>} : memref<8x128xi32, #tpu.memory_space<vmem>>, vector<16xi32>,
      %mul3A_786 = arith.mulf %sub3A_668, %sub3A_723 : vector<16xf32>
      %mul3A_787 = arith.mulf %mul3A_786, %sub3A_726 : vector<16xf32>
      %swap3A_788 = arith.constant 576 : index
      %swap3A_789 = tpu.vector_load %arg14[%swap3A_788] {strides = array<i32>} : memref<1024xf32, #tpu.memory_space<vmem>>, vector<16xf32>,
      tpu.vector_store %arg14[%swap3A_788], %mul3A_787 {strides = array<i32>} : memref<1024xf32, #tpu.memory_space<vmem>>, vector<16xf32>,
      %add3A_790 = arith.addi %add3A_780, %min3A_717 : vector<16xi32>
      %swap3A_791 = arith.constant 4 : i32
      %swap3A_792 = arith.index_cast %swap3A_791 : i32 to index
      %swap3A_793 = arith.constant 80 : index
      %swap3A_794 = tpu.vector_load %arg12[%swap3A_792, %swap3A_793] {strides = array<i32>} : memref<8x128xi32, #tpu.memory_space<vmem>>, vector<16xi32>,
      tpu.vector_store %arg12[%swap3A_792, %swap3A_793], %add3A_790 {strides = array<i32>} : memref<8x128xi32, #tpu.memory_space<vmem>>, vector<16xi32>,
      %mul3A_795 = arith.mulf %sub3A_668, %sub3A_723 : vector<16xf32>
      %mul3A_796 = arith.mulf %mul3A_795, %sub3A_672 : vector<16xf32>
      %swap3A_797 = arith.constant 592 : index
      %swap3A_798 = tpu.vector_load %arg14[%swap3A_797] {strides = array<i32>} : memref<1024xf32, #tpu.memory_space<vmem>>, vector<16xf32>,
      tpu.vector_store %arg14[%swap3A_797], %mul3A_796 {strides = array<i32>} : memref<1024xf32, #tpu.memory_space<vmem>>, vector<16xf32>,
      %mul3A_799 = arith.constant 160 : i32
      %mul3A_800 = vector.broadcast %mul3A_799 : i32 to vector<16xi32>
      %mul3A_801 = arith.muli %min3A_702, %mul3A_800 : vector<16xi32>
      %add3A_802 = arith.addi %mul3A_776, %mul3A_801 : vector<16xi32>
      %add3A_803 = arith.addi %add3A_802, %min3A_708 : vector<16xi32>
      %swap3A_804 = arith.constant 4 : i32
      %swap3A_805 = arith.index_cast %swap3A_804 : i32 to index
      %swap3A_806 = arith.constant 96 : index
      %swap3A_807 = tpu.vector_load %arg12[%swap3A_805, %swap3A_806] {strides = array<i32>} : memref<8x128xi32, #tpu.memory_space<vmem>>, vector<16xi32>,
      tpu.vector_store %arg12[%swap3A_805, %swap3A_806], %add3A_803 {strides = array<i32>} : memref<8x128xi32, #tpu.memory_space<vmem>>, vector<16xi32>,
      %mul3A_808 = arith.mulf %sub3A_668, %sub3A_670 : vector<16xf32>
      %mul3A_809 = arith.mulf %mul3A_808, %sub3A_726 : vector<16xf32>
      %swap3A_810 = arith.constant 608 : index
      %swap3A_811 = tpu.vector_load %arg14[%swap3A_810] {strides = array<i32>} : memref<1024xf32, #tpu.memory_space<vmem>>, vector<16xf32>,
      tpu.vector_store %arg14[%swap3A_810], %mul3A_809 {strides = array<i32>} : memref<1024xf32, #tpu.memory_space<vmem>>, vector<16xf32>,
      %add3A_812 = arith.addi %add3A_802, %min3A_717 : vector<16xi32>
      %swap3A_813 = arith.constant 4 : i32
      %swap3A_814 = arith.index_cast %swap3A_813 : i32 to index
      %swap3A_815 = arith.constant 112 : index
      %swap3A_816 = tpu.vector_load %arg12[%swap3A_814, %swap3A_815] {strides = array<i32>} : memref<8x128xi32, #tpu.memory_space<vmem>>, vector<16xi32>,
      tpu.vector_store %arg12[%swap3A_814, %swap3A_815], %add3A_812 {strides = array<i32>} : memref<8x128xi32, #tpu.memory_space<vmem>>, vector<16xi32>,
      %mul3A_817 = arith.mulf %sub3A_668, %sub3A_670 : vector<16xf32>
      %mul3A_818 = arith.mulf %mul3A_817, %sub3A_672 : vector<16xf32>
      %swap3A_819 = arith.constant 624 : index
      %swap3A_820 = tpu.vector_load %arg14[%swap3A_819] {strides = array<i32>} : memref<1024xf32, #tpu.memory_space<vmem>>, vector<16xf32>,
      tpu.vector_store %arg14[%swap3A_819], %mul3A_818 {strides = array<i32>} : memref<1024xf32, #tpu.memory_space<vmem>>, vector<16xf32>,
      %get3A_821 = arith.constant 80 : index
      %get3A_822 = tpu.vector_load %arg9[%get3A_821] {strides = array<i32>} : memref<128xf32, #tpu.memory_space<vmem>>, vector<16xf32>,
      %get3A_823 = arith.constant 80 : index
      %get3A_824 = tpu.vector_load %arg10[%get3A_823] {strides = array<i32>} : memref<128xf32, #tpu.memory_space<vmem>>, vector<16xf32>,
      %get3A_825 = arith.constant 80 : index
      %get3A_826 = tpu.vector_load %arg11[%get3A_825] {strides = array<i32>} : memref<128xf32, #tpu.memory_space<vmem>>, vector<16xf32>,
      %convert_element_type3A_827 = arith.fptosi %get3A_822 : vector<16xf32> to vector<16xi32>
      %convert_element_type3A_828 = arith.fptosi %get3A_824 : vector<16xf32> to vector<16xi32>
      %convert_element_type3A_829 = arith.fptosi %get3A_826 : vector<16xf32> to vector<16xi32>
      %convert_element_type3A_830 = arith.sitofp %convert_element_type3A_827 : vector<16xi32> to vector<16xf32>
      %sub3A_831 = arith.subf %get3A_822, %convert_element_type3A_830 : vector<16xf32>
      %convert_element_type3A_832 = arith.sitofp %convert_element_type3A_828 : vector<16xi32> to vector<16xf32>
      %sub3A_833 = arith.subf %get3A_824, %convert_element_type3A_832 : vector<16xf32>
      %convert_element_type3A_834 = arith.sitofp %convert_element_type3A_829 : vector<16xi32> to vector<16xf32>
      %sub3A_835 = arith.subf %get3A_826, %convert_element_type3A_834 : vector<16xf32>
      %max3A_836 = arith.constant 0 : i32
      %max3A_837 = vector.broadcast %max3A_836 : i32 to vector<16xi32>
      %max3A_838 = arith.maxsi %convert_element_type3A_827, %max3A_837 : vector<16xi32>
      %min3A_839 = arith.constant 159 : i32
      %min3A_840 = vector.broadcast %min3A_839 : i32 to vector<16xi32>
      %min3A_841 = arith.minsi %max3A_838, %min3A_840 : vector<16xi32>
      %add3A_842 = arith.constant 1 : i32
      %add3A_843 = vector.broadcast %add3A_842 : i32 to vector<16xi32>
      %add3A_844 = arith.addi %convert_element_type3A_827, %add3A_843 : vector<16xi32>
      %max3A_845 = arith.constant 0 : i32
      %max3A_846 = vector.broadcast %max3A_845 : i32 to vector<16xi32>
      %max3A_847 = arith.maxsi %add3A_844, %max3A_846 : vector<16xi32>
      %min3A_848 = arith.constant 159 : i32
      %min3A_849 = vector.broadcast %min3A_848 : i32 to vector<16xi32>
      %min3A_850 = arith.minsi %max3A_847, %min3A_849 : vector<16xi32>
      %max3A_851 = arith.constant 0 : i32
      %max3A_852 = vector.broadcast %max3A_851 : i32 to vector<16xi32>
      %max3A_853 = arith.maxsi %convert_element_type3A_828, %max3A_852 : vector<16xi32>
      %min3A_854 = arith.constant 159 : i32
      %min3A_855 = vector.broadcast %min3A_854 : i32 to vector<16xi32>
      %min3A_856 = arith.minsi %max3A_853, %min3A_855 : vector<16xi32>
      %add3A_857 = arith.constant 1 : i32
      %add3A_858 = vector.broadcast %add3A_857 : i32 to vector<16xi32>
      %add3A_859 = arith.addi %convert_element_type3A_828, %add3A_858 : vector<16xi32>
      %max3A_860 = arith.constant 0 : i32
      %max3A_861 = vector.broadcast %max3A_860 : i32 to vector<16xi32>
      %max3A_862 = arith.maxsi %add3A_859, %max3A_861 : vector<16xi32>
      %min3A_863 = arith.constant 159 : i32
      %min3A_864 = vector.broadcast %min3A_863 : i32 to vector<16xi32>
      %min3A_865 = arith.minsi %max3A_862, %min3A_864 : vector<16xi32>
      %max3A_866 = arith.constant 0 : i32
      %max3A_867 = vector.broadcast %max3A_866 : i32 to vector<16xi32>
      %max3A_868 = arith.maxsi %convert_element_type3A_829, %max3A_867 : vector<16xi32>
      %min3A_869 = arith.constant 159 : i32
      %min3A_870 = vector.broadcast %min3A_869 : i32 to vector<16xi32>
      %min3A_871 = arith.minsi %max3A_868, %min3A_870 : vector<16xi32>
      %add3A_872 = arith.constant 1 : i32
      %add3A_873 = vector.broadcast %add3A_872 : i32 to vector<16xi32>
      %add3A_874 = arith.addi %convert_element_type3A_829, %add3A_873 : vector<16xi32>
      %max3A_875 = arith.constant 0 : i32
      %max3A_876 = vector.broadcast %max3A_875 : i32 to vector<16xi32>
      %max3A_877 = arith.maxsi %add3A_874, %max3A_876 : vector<16xi32>
      %min3A_878 = arith.constant 159 : i32
      %min3A_879 = vector.broadcast %min3A_878 : i32 to vector<16xi32>
      %min3A_880 = arith.minsi %max3A_877, %min3A_879 : vector<16xi32>
      %sub3A_881 = arith.constant 1.000000e+00 : f32
      %sub3A_882 = vector.broadcast %sub3A_881 : f32 to vector<16xf32>
      %sub3A_883 = arith.subf %sub3A_882, %sub3A_831 : vector<16xf32>
      %sub3A_884 = arith.constant 1.000000e+00 : f32
      %sub3A_885 = vector.broadcast %sub3A_884 : f32 to vector<16xf32>
      %sub3A_886 = arith.subf %sub3A_885, %sub3A_833 : vector<16xf32>
      %sub3A_887 = arith.constant 1.000000e+00 : f32
      %sub3A_888 = vector.broadcast %sub3A_887 : f32 to vector<16xf32>
      %sub3A_889 = arith.subf %sub3A_888, %sub3A_835 : vector<16xf32>
      %mul3A_890 = arith.constant 25600 : i32
      %mul3A_891 = vector.broadcast %mul3A_890 : i32 to vector<16xi32>
      %mul3A_892 = arith.muli %min3A_841, %mul3A_891 : vector<16xi32>
      %mul3A_893 = arith.constant 160 : i32
      %mul3A_894 = vector.broadcast %mul3A_893 : i32 to vector<16xi32>
      %mul3A_895 = arith.muli %min3A_856, %mul3A_894 : vector<16xi32>
      %add3A_896 = arith.addi %mul3A_892, %mul3A_895 : vector<16xi32>
      %add3A_897 = arith.addi %add3A_896, %min3A_871 : vector<16xi32>
      %swap3A_898 = arith.constant 5 : i32
      %swap3A_899 = arith.index_cast %swap3A_898 : i32 to index
      %swap3A_900 = arith.constant 0 : index
      %swap3A_901 = tpu.vector_load %arg12[%swap3A_899, %swap3A_900] {strides = array<i32>} : memref<8x128xi32, #tpu.memory_space<vmem>>, vector<16xi32>,
      tpu.vector_store %arg12[%swap3A_899, %swap3A_900], %add3A_897 {strides = array<i32>} : memref<8x128xi32, #tpu.memory_space<vmem>>, vector<16xi32>,
      %mul3A_902 = arith.mulf %sub3A_883, %sub3A_886 : vector<16xf32>
      %mul3A_903 = arith.mulf %mul3A_902, %sub3A_889 : vector<16xf32>
      %swap3A_904 = arith.constant 640 : index
      %swap3A_905 = tpu.vector_load %arg14[%swap3A_904] {strides = array<i32>} : memref<1024xf32, #tpu.memory_space<vmem>>, vector<16xf32>,
      tpu.vector_store %arg14[%swap3A_904], %mul3A_903 {strides = array<i32>} : memref<1024xf32, #tpu.memory_space<vmem>>, vector<16xf32>,
      %add3A_906 = arith.addi %add3A_896, %min3A_880 : vector<16xi32>
      %swap3A_907 = arith.constant 5 : i32
      %swap3A_908 = arith.index_cast %swap3A_907 : i32 to index
      %swap3A_909 = arith.constant 16 : index
      %swap3A_910 = tpu.vector_load %arg12[%swap3A_908, %swap3A_909] {strides = array<i32>} : memref<8x128xi32, #tpu.memory_space<vmem>>, vector<16xi32>,
      tpu.vector_store %arg12[%swap3A_908, %swap3A_909], %add3A_906 {strides = array<i32>} : memref<8x128xi32, #tpu.memory_space<vmem>>, vector<16xi32>,
      %mul3A_911 = arith.mulf %sub3A_883, %sub3A_886 : vector<16xf32>
      %mul3A_912 = arith.mulf %mul3A_911, %sub3A_835 : vector<16xf32>
      %swap3A_913 = arith.constant 656 : index
      %swap3A_914 = tpu.vector_load %arg14[%swap3A_913] {strides = array<i32>} : memref<1024xf32, #tpu.memory_space<vmem>>, vector<16xf32>,
      tpu.vector_store %arg14[%swap3A_913], %mul3A_912 {strides = array<i32>} : memref<1024xf32, #tpu.memory_space<vmem>>, vector<16xf32>,
      %mul3A_915 = arith.constant 160 : i32
      %mul3A_916 = vector.broadcast %mul3A_915 : i32 to vector<16xi32>
      %mul3A_917 = arith.muli %min3A_865, %mul3A_916 : vector<16xi32>
      %add3A_918 = arith.addi %mul3A_892, %mul3A_917 : vector<16xi32>
      %add3A_919 = arith.addi %add3A_918, %min3A_871 : vector<16xi32>
      %swap3A_920 = arith.constant 5 : i32
      %swap3A_921 = arith.index_cast %swap3A_920 : i32 to index
      %swap3A_922 = arith.constant 32 : index
      %swap3A_923 = tpu.vector_load %arg12[%swap3A_921, %swap3A_922] {strides = array<i32>} : memref<8x128xi32, #tpu.memory_space<vmem>>, vector<16xi32>,
      tpu.vector_store %arg12[%swap3A_921, %swap3A_922], %add3A_919 {strides = array<i32>} : memref<8x128xi32, #tpu.memory_space<vmem>>, vector<16xi32>,
      %mul3A_924 = arith.mulf %sub3A_883, %sub3A_833 : vector<16xf32>
      %mul3A_925 = arith.mulf %mul3A_924, %sub3A_889 : vector<16xf32>
      %swap3A_926 = arith.constant 672 : index
      %swap3A_927 = tpu.vector_load %arg14[%swap3A_926] {strides = array<i32>} : memref<1024xf32, #tpu.memory_space<vmem>>, vector<16xf32>,
      tpu.vector_store %arg14[%swap3A_926], %mul3A_925 {strides = array<i32>} : memref<1024xf32, #tpu.memory_space<vmem>>, vector<16xf32>,
      %add3A_928 = arith.addi %add3A_918, %min3A_880 : vector<16xi32>
      %swap3A_929 = arith.constant 5 : i32
      %swap3A_930 = arith.index_cast %swap3A_929 : i32 to index
      %swap3A_931 = arith.constant 48 : index
      %swap3A_932 = tpu.vector_load %arg12[%swap3A_930, %swap3A_931] {strides = array<i32>} : memref<8x128xi32, #tpu.memory_space<vmem>>, vector<16xi32>,
      tpu.vector_store %arg12[%swap3A_930, %swap3A_931], %add3A_928 {strides = array<i32>} : memref<8x128xi32, #tpu.memory_space<vmem>>, vector<16xi32>,
      %mul3A_933 = arith.mulf %sub3A_883, %sub3A_833 : vector<16xf32>
      %mul3A_934 = arith.mulf %mul3A_933, %sub3A_835 : vector<16xf32>
      %swap3A_935 = arith.constant 688 : index
      %swap3A_936 = tpu.vector_load %arg14[%swap3A_935] {strides = array<i32>} : memref<1024xf32, #tpu.memory_space<vmem>>, vector<16xf32>,
      tpu.vector_store %arg14[%swap3A_935], %mul3A_934 {strides = array<i32>} : memref<1024xf32, #tpu.memory_space<vmem>>, vector<16xf32>,
      %mul3A_937 = arith.constant 25600 : i32
      %mul3A_938 = vector.broadcast %mul3A_937 : i32 to vector<16xi32>
      %mul3A_939 = arith.muli %min3A_850, %mul3A_938 : vector<16xi32>
      %mul3A_940 = arith.constant 160 : i32
      %mul3A_941 = vector.broadcast %mul3A_940 : i32 to vector<16xi32>
      %mul3A_942 = arith.muli %min3A_856, %mul3A_941 : vector<16xi32>
      %add3A_943 = arith.addi %mul3A_939, %mul3A_942 : vector<16xi32>
      %add3A_944 = arith.addi %add3A_943, %min3A_871 : vector<16xi32>
      %swap3A_945 = arith.constant 5 : i32
      %swap3A_946 = arith.index_cast %swap3A_945 : i32 to index
      %swap3A_947 = arith.constant 64 : index
      %swap3A_948 = tpu.vector_load %arg12[%swap3A_946, %swap3A_947] {strides = array<i32>} : memref<8x128xi32, #tpu.memory_space<vmem>>, vector<16xi32>,
      tpu.vector_store %arg12[%swap3A_946, %swap3A_947], %add3A_944 {strides = array<i32>} : memref<8x128xi32, #tpu.memory_space<vmem>>, vector<16xi32>,
      %mul3A_949 = arith.mulf %sub3A_831, %sub3A_886 : vector<16xf32>
      %mul3A_950 = arith.mulf %mul3A_949, %sub3A_889 : vector<16xf32>
      %swap3A_951 = arith.constant 704 : index
      %swap3A_952 = tpu.vector_load %arg14[%swap3A_951] {strides = array<i32>} : memref<1024xf32, #tpu.memory_space<vmem>>, vector<16xf32>,
      tpu.vector_store %arg14[%swap3A_951], %mul3A_950 {strides = array<i32>} : memref<1024xf32, #tpu.memory_space<vmem>>, vector<16xf32>,
      %add3A_953 = arith.addi %add3A_943, %min3A_880 : vector<16xi32>
      %swap3A_954 = arith.constant 5 : i32
      %swap3A_955 = arith.index_cast %swap3A_954 : i32 to index
      %swap3A_956 = arith.constant 80 : index
      %swap3A_957 = tpu.vector_load %arg12[%swap3A_955, %swap3A_956] {strides = array<i32>} : memref<8x128xi32, #tpu.memory_space<vmem>>, vector<16xi32>,
      tpu.vector_store %arg12[%swap3A_955, %swap3A_956], %add3A_953 {strides = array<i32>} : memref<8x128xi32, #tpu.memory_space<vmem>>, vector<16xi32>,
      %mul3A_958 = arith.mulf %sub3A_831, %sub3A_886 : vector<16xf32>
      %mul3A_959 = arith.mulf %mul3A_958, %sub3A_835 : vector<16xf32>
      %swap3A_960 = arith.constant 720 : index
      %swap3A_961 = tpu.vector_load %arg14[%swap3A_960] {strides = array<i32>} : memref<1024xf32, #tpu.memory_space<vmem>>, vector<16xf32>,
      tpu.vector_store %arg14[%swap3A_960], %mul3A_959 {strides = array<i32>} : memref<1024xf32, #tpu.memory_space<vmem>>, vector<16xf32>,
      %mul3A_962 = arith.constant 160 : i32
      %mul3A_963 = vector.broadcast %mul3A_962 : i32 to vector<16xi32>
      %mul3A_964 = arith.muli %min3A_865, %mul3A_963 : vector<16xi32>
      %add3A_965 = arith.addi %mul3A_939, %mul3A_964 : vector<16xi32>
      %add3A_966 = arith.addi %add3A_965, %min3A_871 : vector<16xi32>
      %swap3A_967 = arith.constant 5 : i32
      %swap3A_968 = arith.index_cast %swap3A_967 : i32 to index
      %swap3A_969 = arith.constant 96 : index
      %swap3A_970 = tpu.vector_load %arg12[%swap3A_968, %swap3A_969] {strides = array<i32>} : memref<8x128xi32, #tpu.memory_space<vmem>>, vector<16xi32>,
      tpu.vector_store %arg12[%swap3A_968, %swap3A_969], %add3A_966 {strides = array<i32>} : memref<8x128xi32, #tpu.memory_space<vmem>>, vector<16xi32>,
      %mul3A_971 = arith.mulf %sub3A_831, %sub3A_833 : vector<16xf32>
      %mul3A_972 = arith.mulf %mul3A_971, %sub3A_889 : vector<16xf32>
      %swap3A_973 = arith.constant 736 : index
      %swap3A_974 = tpu.vector_load %arg14[%swap3A_973] {strides = array<i32>} : memref<1024xf32, #tpu.memory_space<vmem>>, vector<16xf32>,
      tpu.vector_store %arg14[%swap3A_973], %mul3A_972 {strides = array<i32>} : memref<1024xf32, #tpu.memory_space<vmem>>, vector<16xf32>,
      %add3A_975 = arith.addi %add3A_965, %min3A_880 : vector<16xi32>
      %swap3A_976 = arith.constant 5 : i32
      %swap3A_977 = arith.index_cast %swap3A_976 : i32 to index
      %swap3A_978 = arith.constant 112 : index
      %swap3A_979 = tpu.vector_load %arg12[%swap3A_977, %swap3A_978] {strides = array<i32>} : memref<8x128xi32, #tpu.memory_space<vmem>>, vector<16xi32>,
      tpu.vector_store %arg12[%swap3A_977, %swap3A_978], %add3A_975 {strides = array<i32>} : memref<8x128xi32, #tpu.memory_space<vmem>>, vector<16xi32>,
      %mul3A_980 = arith.mulf %sub3A_831, %sub3A_833 : vector<16xf32>
      %mul3A_981 = arith.mulf %mul3A_980, %sub3A_835 : vector<16xf32>
      %swap3A_982 = arith.constant 752 : index
      %swap3A_983 = tpu.vector_load %arg14[%swap3A_982] {strides = array<i32>} : memref<1024xf32, #tpu.memory_space<vmem>>, vector<16xf32>,
      tpu.vector_store %arg14[%swap3A_982], %mul3A_981 {strides = array<i32>} : memref<1024xf32, #tpu.memory_space<vmem>>, vector<16xf32>,
      %get3A_984 = arith.constant 96 : index
      %get3A_985 = tpu.vector_load %arg9[%get3A_984] {strides = array<i32>} : memref<128xf32, #tpu.memory_space<vmem>>, vector<16xf32>,
      %get3A_986 = arith.constant 96 : index
      %get3A_987 = tpu.vector_load %arg10[%get3A_986] {strides = array<i32>} : memref<128xf32, #tpu.memory_space<vmem>>, vector<16xf32>,
      %get3A_988 = arith.constant 96 : index
      %get3A_989 = tpu.vector_load %arg11[%get3A_988] {strides = array<i32>} : memref<128xf32, #tpu.memory_space<vmem>>, vector<16xf32>,
      %convert_element_type3A_990 = arith.fptosi %get3A_985 : vector<16xf32> to vector<16xi32>
      %convert_element_type3A_991 = arith.fptosi %get3A_987 : vector<16xf32> to vector<16xi32>
      %convert_element_type3A_992 = arith.fptosi %get3A_989 : vector<16xf32> to vector<16xi32>
      %convert_element_type3A_993 = arith.sitofp %convert_element_type3A_990 : vector<16xi32> to vector<16xf32>
      %sub3A_994 = arith.subf %get3A_985, %convert_element_type3A_993 : vector<16xf32>
      %convert_element_type3A_995 = arith.sitofp %convert_element_type3A_991 : vector<16xi32> to vector<16xf32>
      %sub3A_996 = arith.subf %get3A_987, %convert_element_type3A_995 : vector<16xf32>
      %convert_element_type3A_997 = arith.sitofp %convert_element_type3A_992 : vector<16xi32> to vector<16xf32>
      %sub3A_998 = arith.subf %get3A_989, %convert_element_type3A_997 : vector<16xf32>
      %max3A_999 = arith.constant 0 : i32
      %max3A_1000 = vector.broadcast %max3A_999 : i32 to vector<16xi32>
      %max3A_1001 = arith.maxsi %convert_element_type3A_990, %max3A_1000 : vector<16xi32>
      %min3A_1002 = arith.constant 159 : i32
      %min3A_1003 = vector.broadcast %min3A_1002 : i32 to vector<16xi32>
      %min3A_1004 = arith.minsi %max3A_1001, %min3A_1003 : vector<16xi32>
      %add3A_1005 = arith.constant 1 : i32
      %add3A_1006 = vector.broadcast %add3A_1005 : i32 to vector<16xi32>
      %add3A_1007 = arith.addi %convert_element_type3A_990, %add3A_1006 : vector<16xi32>
      %max3A_1008 = arith.constant 0 : i32
      %max3A_1009 = vector.broadcast %max3A_1008 : i32 to vector<16xi32>
      %max3A_1010 = arith.maxsi %add3A_1007, %max3A_1009 : vector<16xi32>
      %min3A_1011 = arith.constant 159 : i32
      %min3A_1012 = vector.broadcast %min3A_1011 : i32 to vector<16xi32>
      %min3A_1013 = arith.minsi %max3A_1010, %min3A_1012 : vector<16xi32>
      %max3A_1014 = arith.constant 0 : i32
      %max3A_1015 = vector.broadcast %max3A_1014 : i32 to vector<16xi32>
      %max3A_1016 = arith.maxsi %convert_element_type3A_991, %max3A_1015 : vector<16xi32>
      %min3A_1017 = arith.constant 159 : i32
      %min3A_1018 = vector.broadcast %min3A_1017 : i32 to vector<16xi32>
      %min3A_1019 = arith.minsi %max3A_1016, %min3A_1018 : vector<16xi32>
      %add3A_1020 = arith.constant 1 : i32
      %add3A_1021 = vector.broadcast %add3A_1020 : i32 to vector<16xi32>
      %add3A_1022 = arith.addi %convert_element_type3A_991, %add3A_1021 : vector<16xi32>
      %max3A_1023 = arith.constant 0 : i32
      %max3A_1024 = vector.broadcast %max3A_1023 : i32 to vector<16xi32>
      %max3A_1025 = arith.maxsi %add3A_1022, %max3A_1024 : vector<16xi32>
      %min3A_1026 = arith.constant 159 : i32
      %min3A_1027 = vector.broadcast %min3A_1026 : i32 to vector<16xi32>
      %min3A_1028 = arith.minsi %max3A_1025, %min3A_1027 : vector<16xi32>
      %max3A_1029 = arith.constant 0 : i32
      %max3A_1030 = vector.broadcast %max3A_1029 : i32 to vector<16xi32>
      %max3A_1031 = arith.maxsi %convert_element_type3A_992, %max3A_1030 : vector<16xi32>
      %min3A_1032 = arith.constant 159 : i32
      %min3A_1033 = vector.broadcast %min3A_1032 : i32 to vector<16xi32>
      %min3A_1034 = arith.minsi %max3A_1031, %min3A_1033 : vector<16xi32>
      %add3A_1035 = arith.constant 1 : i32
      %add3A_1036 = vector.broadcast %add3A_1035 : i32 to vector<16xi32>
      %add3A_1037 = arith.addi %convert_element_type3A_992, %add3A_1036 : vector<16xi32>
      %max3A_1038 = arith.constant 0 : i32
      %max3A_1039 = vector.broadcast %max3A_1038 : i32 to vector<16xi32>
      %max3A_1040 = arith.maxsi %add3A_1037, %max3A_1039 : vector<16xi32>
      %min3A_1041 = arith.constant 159 : i32
      %min3A_1042 = vector.broadcast %min3A_1041 : i32 to vector<16xi32>
      %min3A_1043 = arith.minsi %max3A_1040, %min3A_1042 : vector<16xi32>
      %sub3A_1044 = arith.constant 1.000000e+00 : f32
      %sub3A_1045 = vector.broadcast %sub3A_1044 : f32 to vector<16xf32>
      %sub3A_1046 = arith.subf %sub3A_1045, %sub3A_994 : vector<16xf32>
      %sub3A_1047 = arith.constant 1.000000e+00 : f32
      %sub3A_1048 = vector.broadcast %sub3A_1047 : f32 to vector<16xf32>
      %sub3A_1049 = arith.subf %sub3A_1048, %sub3A_996 : vector<16xf32>
      %sub3A_1050 = arith.constant 1.000000e+00 : f32
      %sub3A_1051 = vector.broadcast %sub3A_1050 : f32 to vector<16xf32>
      %sub3A_1052 = arith.subf %sub3A_1051, %sub3A_998 : vector<16xf32>
      %mul3A_1053 = arith.constant 25600 : i32
      %mul3A_1054 = vector.broadcast %mul3A_1053 : i32 to vector<16xi32>
      %mul3A_1055 = arith.muli %min3A_1004, %mul3A_1054 : vector<16xi32>
      %mul3A_1056 = arith.constant 160 : i32
      %mul3A_1057 = vector.broadcast %mul3A_1056 : i32 to vector<16xi32>
      %mul3A_1058 = arith.muli %min3A_1019, %mul3A_1057 : vector<16xi32>
      %add3A_1059 = arith.addi %mul3A_1055, %mul3A_1058 : vector<16xi32>
      %add3A_1060 = arith.addi %add3A_1059, %min3A_1034 : vector<16xi32>
      %swap3A_1061 = arith.constant 6 : i32
      %swap3A_1062 = arith.index_cast %swap3A_1061 : i32 to index
      %swap3A_1063 = arith.constant 0 : index
      %swap3A_1064 = tpu.vector_load %arg12[%swap3A_1062, %swap3A_1063] {strides = array<i32>} : memref<8x128xi32, #tpu.memory_space<vmem>>, vector<16xi32>,
      tpu.vector_store %arg12[%swap3A_1062, %swap3A_1063], %add3A_1060 {strides = array<i32>} : memref<8x128xi32, #tpu.memory_space<vmem>>, vector<16xi32>,
      %mul3A_1065 = arith.mulf %sub3A_1046, %sub3A_1049 : vector<16xf32>
      %mul3A_1066 = arith.mulf %mul3A_1065, %sub3A_1052 : vector<16xf32>
      %swap3A_1067 = arith.constant 768 : index
      %swap3A_1068 = tpu.vector_load %arg14[%swap3A_1067] {strides = array<i32>} : memref<1024xf32, #tpu.memory_space<vmem>>, vector<16xf32>,
      tpu.vector_store %arg14[%swap3A_1067], %mul3A_1066 {strides = array<i32>} : memref<1024xf32, #tpu.memory_space<vmem>>, vector<16xf32>,
      %add3A_1069 = arith.addi %add3A_1059, %min3A_1043 : vector<16xi32>
      %swap3A_1070 = arith.constant 6 : i32
      %swap3A_1071 = arith.index_cast %swap3A_1070 : i32 to index
      %swap3A_1072 = arith.constant 16 : index
      %swap3A_1073 = tpu.vector_load %arg12[%swap3A_1071, %swap3A_1072] {strides = array<i32>} : memref<8x128xi32, #tpu.memory_space<vmem>>, vector<16xi32>,
      tpu.vector_store %arg12[%swap3A_1071, %swap3A_1072], %add3A_1069 {strides = array<i32>} : memref<8x128xi32, #tpu.memory_space<vmem>>, vector<16xi32>,
      %mul3A_1074 = arith.mulf %sub3A_1046, %sub3A_1049 : vector<16xf32>
      %mul3A_1075 = arith.mulf %mul3A_1074, %sub3A_998 : vector<16xf32>
      %swap3A_1076 = arith.constant 784 : index
      %swap3A_1077 = tpu.vector_load %arg14[%swap3A_1076] {strides = array<i32>} : memref<1024xf32, #tpu.memory_space<vmem>>, vector<16xf32>,
      tpu.vector_store %arg14[%swap3A_1076], %mul3A_1075 {strides = array<i32>} : memref<1024xf32, #tpu.memory_space<vmem>>, vector<16xf32>,
      %mul3A_1078 = arith.constant 160 : i32
      %mul3A_1079 = vector.broadcast %mul3A_1078 : i32 to vector<16xi32>
      %mul3A_1080 = arith.muli %min3A_1028, %mul3A_1079 : vector<16xi32>
      %add3A_1081 = arith.addi %mul3A_1055, %mul3A_1080 : vector<16xi32>
      %add3A_1082 = arith.addi %add3A_1081, %min3A_1034 : vector<16xi32>
      %swap3A_1083 = arith.constant 6 : i32
      %swap3A_1084 = arith.index_cast %swap3A_1083 : i32 to index
      %swap3A_1085 = arith.constant 32 : index
      %swap3A_1086 = tpu.vector_load %arg12[%swap3A_1084, %swap3A_1085] {strides = array<i32>} : memref<8x128xi32, #tpu.memory_space<vmem>>, vector<16xi32>,
      tpu.vector_store %arg12[%swap3A_1084, %swap3A_1085], %add3A_1082 {strides = array<i32>} : memref<8x128xi32, #tpu.memory_space<vmem>>, vector<16xi32>,
      %mul3A_1087 = arith.mulf %sub3A_1046, %sub3A_996 : vector<16xf32>
      %mul3A_1088 = arith.mulf %mul3A_1087, %sub3A_1052 : vector<16xf32>
      %swap3A_1089 = arith.constant 800 : index
      %swap3A_1090 = tpu.vector_load %arg14[%swap3A_1089] {strides = array<i32>} : memref<1024xf32, #tpu.memory_space<vmem>>, vector<16xf32>,
      tpu.vector_store %arg14[%swap3A_1089], %mul3A_1088 {strides = array<i32>} : memref<1024xf32, #tpu.memory_space<vmem>>, vector<16xf32>,
      %add3A_1091 = arith.addi %add3A_1081, %min3A_1043 : vector<16xi32>
      %swap3A_1092 = arith.constant 6 : i32
      %swap3A_1093 = arith.index_cast %swap3A_1092 : i32 to index
      %swap3A_1094 = arith.constant 48 : index
      %swap3A_1095 = tpu.vector_load %arg12[%swap3A_1093, %swap3A_1094] {strides = array<i32>} : memref<8x128xi32, #tpu.memory_space<vmem>>, vector<16xi32>,
      tpu.vector_store %arg12[%swap3A_1093, %swap3A_1094], %add3A_1091 {strides = array<i32>} : memref<8x128xi32, #tpu.memory_space<vmem>>, vector<16xi32>,
      %mul3A_1096 = arith.mulf %sub3A_1046, %sub3A_996 : vector<16xf32>
      %mul3A_1097 = arith.mulf %mul3A_1096, %sub3A_998 : vector<16xf32>
      %swap3A_1098 = arith.constant 816 : index
      %swap3A_1099 = tpu.vector_load %arg14[%swap3A_1098] {strides = array<i32>} : memref<1024xf32, #tpu.memory_space<vmem>>, vector<16xf32>,
      tpu.vector_store %arg14[%swap3A_1098], %mul3A_1097 {strides = array<i32>} : memref<1024xf32, #tpu.memory_space<vmem>>, vector<16xf32>,
      %mul3A_1100 = arith.constant 25600 : i32
      %mul3A_1101 = vector.broadcast %mul3A_1100 : i32 to vector<16xi32>
      %mul3A_1102 = arith.muli %min3A_1013, %mul3A_1101 : vector<16xi32>
      %mul3A_1103 = arith.constant 160 : i32
      %mul3A_1104 = vector.broadcast %mul3A_1103 : i32 to vector<16xi32>
      %mul3A_1105 = arith.muli %min3A_1019, %mul3A_1104 : vector<16xi32>
      %add3A_1106 = arith.addi %mul3A_1102, %mul3A_1105 : vector<16xi32>
      %add3A_1107 = arith.addi %add3A_1106, %min3A_1034 : vector<16xi32>
      %swap3A_1108 = arith.constant 6 : i32
      %swap3A_1109 = arith.index_cast %swap3A_1108 : i32 to index
      %swap3A_1110 = arith.constant 64 : index
      %swap3A_1111 = tpu.vector_load %arg12[%swap3A_1109, %swap3A_1110] {strides = array<i32>} : memref<8x128xi32, #tpu.memory_space<vmem>>, vector<16xi32>,
      tpu.vector_store %arg12[%swap3A_1109, %swap3A_1110], %add3A_1107 {strides = array<i32>} : memref<8x128xi32, #tpu.memory_space<vmem>>, vector<16xi32>,
      %mul3A_1112 = arith.mulf %sub3A_994, %sub3A_1049 : vector<16xf32>
      %mul3A_1113 = arith.mulf %mul3A_1112, %sub3A_1052 : vector<16xf32>
      %swap3A_1114 = arith.constant 832 : index
      %swap3A_1115 = tpu.vector_load %arg14[%swap3A_1114] {strides = array<i32>} : memref<1024xf32, #tpu.memory_space<vmem>>, vector<16xf32>,
      tpu.vector_store %arg14[%swap3A_1114], %mul3A_1113 {strides = array<i32>} : memref<1024xf32, #tpu.memory_space<vmem>>, vector<16xf32>,
      %add3A_1116 = arith.addi %add3A_1106, %min3A_1043 : vector<16xi32>
      %swap3A_1117 = arith.constant 6 : i32
      %swap3A_1118 = arith.index_cast %swap3A_1117 : i32 to index
      %swap3A_1119 = arith.constant 80 : index
      %swap3A_1120 = tpu.vector_load %arg12[%swap3A_1118, %swap3A_1119] {strides = array<i32>} : memref<8x128xi32, #tpu.memory_space<vmem>>, vector<16xi32>,
      tpu.vector_store %arg12[%swap3A_1118, %swap3A_1119], %add3A_1116 {strides = array<i32>} : memref<8x128xi32, #tpu.memory_space<vmem>>, vector<16xi32>,
      %mul3A_1121 = arith.mulf %sub3A_994, %sub3A_1049 : vector<16xf32>
      %mul3A_1122 = arith.mulf %mul3A_1121, %sub3A_998 : vector<16xf32>
      %swap3A_1123 = arith.constant 848 : index
      %swap3A_1124 = tpu.vector_load %arg14[%swap3A_1123] {strides = array<i32>} : memref<1024xf32, #tpu.memory_space<vmem>>, vector<16xf32>,
      tpu.vector_store %arg14[%swap3A_1123], %mul3A_1122 {strides = array<i32>} : memref<1024xf32, #tpu.memory_space<vmem>>, vector<16xf32>,
      %mul3A_1125 = arith.constant 160 : i32
      %mul3A_1126 = vector.broadcast %mul3A_1125 : i32 to vector<16xi32>
      %mul3A_1127 = arith.muli %min3A_1028, %mul3A_1126 : vector<16xi32>
      %add3A_1128 = arith.addi %mul3A_1102, %mul3A_1127 : vector<16xi32>
      %add3A_1129 = arith.addi %add3A_1128, %min3A_1034 : vector<16xi32>
      %swap3A_1130 = arith.constant 6 : i32
      %swap3A_1131 = arith.index_cast %swap3A_1130 : i32 to index
      %swap3A_1132 = arith.constant 96 : index
      %swap3A_1133 = tpu.vector_load %arg12[%swap3A_1131, %swap3A_1132] {strides = array<i32>} : memref<8x128xi32, #tpu.memory_space<vmem>>, vector<16xi32>,
      tpu.vector_store %arg12[%swap3A_1131, %swap3A_1132], %add3A_1129 {strides = array<i32>} : memref<8x128xi32, #tpu.memory_space<vmem>>, vector<16xi32>,
      %mul3A_1134 = arith.mulf %sub3A_994, %sub3A_996 : vector<16xf32>
      %mul3A_1135 = arith.mulf %mul3A_1134, %sub3A_1052 : vector<16xf32>
      %swap3A_1136 = arith.constant 864 : index
      %swap3A_1137 = tpu.vector_load %arg14[%swap3A_1136] {strides = array<i32>} : memref<1024xf32, #tpu.memory_space<vmem>>, vector<16xf32>,
      tpu.vector_store %arg14[%swap3A_1136], %mul3A_1135 {strides = array<i32>} : memref<1024xf32, #tpu.memory_space<vmem>>, vector<16xf32>,
      %add3A_1138 = arith.addi %add3A_1128, %min3A_1043 : vector<16xi32>
      %swap3A_1139 = arith.constant 6 : i32
      %swap3A_1140 = arith.index_cast %swap3A_1139 : i32 to index
      %swap3A_1141 = arith.constant 112 : index
      %swap3A_1142 = tpu.vector_load %arg12[%swap3A_1140, %swap3A_1141] {strides = array<i32>} : memref<8x128xi32, #tpu.memory_space<vmem>>, vector<16xi32>,
      tpu.vector_store %arg12[%swap3A_1140, %swap3A_1141], %add3A_1138 {strides = array<i32>} : memref<8x128xi32, #tpu.memory_space<vmem>>, vector<16xi32>,
      %mul3A_1143 = arith.mulf %sub3A_994, %sub3A_996 : vector<16xf32>
      %mul3A_1144 = arith.mulf %mul3A_1143, %sub3A_998 : vector<16xf32>
      %swap3A_1145 = arith.constant 880 : index
      %swap3A_1146 = tpu.vector_load %arg14[%swap3A_1145] {strides = array<i32>} : memref<1024xf32, #tpu.memory_space<vmem>>, vector<16xf32>,
      tpu.vector_store %arg14[%swap3A_1145], %mul3A_1144 {strides = array<i32>} : memref<1024xf32, #tpu.memory_space<vmem>>, vector<16xf32>,
      %get3A_1147 = arith.constant 112 : index
      %get3A_1148 = tpu.vector_load %arg9[%get3A_1147] {strides = array<i32>} : memref<128xf32, #tpu.memory_space<vmem>>, vector<16xf32>,
      %get3A_1149 = arith.constant 112 : index
      %get3A_1150 = tpu.vector_load %arg10[%get3A_1149] {strides = array<i32>} : memref<128xf32, #tpu.memory_space<vmem>>, vector<16xf32>,
      %get3A_1151 = arith.constant 112 : index
      %get3A_1152 = tpu.vector_load %arg11[%get3A_1151] {strides = array<i32>} : memref<128xf32, #tpu.memory_space<vmem>>, vector<16xf32>,
      %convert_element_type3A_1153 = arith.fptosi %get3A_1148 : vector<16xf32> to vector<16xi32>
      %convert_element_type3A_1154 = arith.fptosi %get3A_1150 : vector<16xf32> to vector<16xi32>
      %convert_element_type3A_1155 = arith.fptosi %get3A_1152 : vector<16xf32> to vector<16xi32>
      %convert_element_type3A_1156 = arith.sitofp %convert_element_type3A_1153 : vector<16xi32> to vector<16xf32>
      %sub3A_1157 = arith.subf %get3A_1148, %convert_element_type3A_1156 : vector<16xf32>
      %convert_element_type3A_1158 = arith.sitofp %convert_element_type3A_1154 : vector<16xi32> to vector<16xf32>
      %sub3A_1159 = arith.subf %get3A_1150, %convert_element_type3A_1158 : vector<16xf32>
      %convert_element_type3A_1160 = arith.sitofp %convert_element_type3A_1155 : vector<16xi32> to vector<16xf32>
      %sub3A_1161 = arith.subf %get3A_1152, %convert_element_type3A_1160 : vector<16xf32>
      %max3A_1162 = arith.constant 0 : i32
      %max3A_1163 = vector.broadcast %max3A_1162 : i32 to vector<16xi32>
      %max3A_1164 = arith.maxsi %convert_element_type3A_1153, %max3A_1163 : vector<16xi32>
      %min3A_1165 = arith.constant 159 : i32
      %min3A_1166 = vector.broadcast %min3A_1165 : i32 to vector<16xi32>
      %min3A_1167 = arith.minsi %max3A_1164, %min3A_1166 : vector<16xi32>
      %add3A_1168 = arith.constant 1 : i32
      %add3A_1169 = vector.broadcast %add3A_1168 : i32 to vector<16xi32>
      %add3A_1170 = arith.addi %convert_element_type3A_1153, %add3A_1169 : vector<16xi32>
      %max3A_1171 = arith.constant 0 : i32
      %max3A_1172 = vector.broadcast %max3A_1171 : i32 to vector<16xi32>
      %max3A_1173 = arith.maxsi %add3A_1170, %max3A_1172 : vector<16xi32>
      %min3A_1174 = arith.constant 159 : i32
      %min3A_1175 = vector.broadcast %min3A_1174 : i32 to vector<16xi32>
      %min3A_1176 = arith.minsi %max3A_1173, %min3A_1175 : vector<16xi32>
      %max3A_1177 = arith.constant 0 : i32
      %max3A_1178 = vector.broadcast %max3A_1177 : i32 to vector<16xi32>
      %max3A_1179 = arith.maxsi %convert_element_type3A_1154, %max3A_1178 : vector<16xi32>
      %min3A_1180 = arith.constant 159 : i32
      %min3A_1181 = vector.broadcast %min3A_1180 : i32 to vector<16xi32>
      %min3A_1182 = arith.minsi %max3A_1179, %min3A_1181 : vector<16xi32>
      %add3A_1183 = arith.constant 1 : i32
      %add3A_1184 = vector.broadcast %add3A_1183 : i32 to vector<16xi32>
      %add3A_1185 = arith.addi %convert_element_type3A_1154, %add3A_1184 : vector<16xi32>
      %max3A_1186 = arith.constant 0 : i32
      %max3A_1187 = vector.broadcast %max3A_1186 : i32 to vector<16xi32>
      %max3A_1188 = arith.maxsi %add3A_1185, %max3A_1187 : vector<16xi32>
      %min3A_1189 = arith.constant 159 : i32
      %min3A_1190 = vector.broadcast %min3A_1189 : i32 to vector<16xi32>
      %min3A_1191 = arith.minsi %max3A_1188, %min3A_1190 : vector<16xi32>
      %max3A_1192 = arith.constant 0 : i32
      %max3A_1193 = vector.broadcast %max3A_1192 : i32 to vector<16xi32>
      %max3A_1194 = arith.maxsi %convert_element_type3A_1155, %max3A_1193 : vector<16xi32>
      %min3A_1195 = arith.constant 159 : i32
      %min3A_1196 = vector.broadcast %min3A_1195 : i32 to vector<16xi32>
      %min3A_1197 = arith.minsi %max3A_1194, %min3A_1196 : vector<16xi32>
      %add3A_1198 = arith.constant 1 : i32
      %add3A_1199 = vector.broadcast %add3A_1198 : i32 to vector<16xi32>
      %add3A_1200 = arith.addi %convert_element_type3A_1155, %add3A_1199 : vector<16xi32>
      %max3A_1201 = arith.constant 0 : i32
      %max3A_1202 = vector.broadcast %max3A_1201 : i32 to vector<16xi32>
      %max3A_1203 = arith.maxsi %add3A_1200, %max3A_1202 : vector<16xi32>
      %min3A_1204 = arith.constant 159 : i32
      %min3A_1205 = vector.broadcast %min3A_1204 : i32 to vector<16xi32>
      %min3A_1206 = arith.minsi %max3A_1203, %min3A_1205 : vector<16xi32>
      %sub3A_1207 = arith.constant 1.000000e+00 : f32
      %sub3A_1208 = vector.broadcast %sub3A_1207 : f32 to vector<16xf32>
      %sub3A_1209 = arith.subf %sub3A_1208, %sub3A_1157 : vector<16xf32>
      %sub3A_1210 = arith.constant 1.000000e+00 : f32
      %sub3A_1211 = vector.broadcast %sub3A_1210 : f32 to vector<16xf32>
      %sub3A_1212 = arith.subf %sub3A_1211, %sub3A_1159 : vector<16xf32>
      %sub3A_1213 = arith.constant 1.000000e+00 : f32
      %sub3A_1214 = vector.broadcast %sub3A_1213 : f32 to vector<16xf32>
      %sub3A_1215 = arith.subf %sub3A_1214, %sub3A_1161 : vector<16xf32>
      %mul3A_1216 = arith.constant 25600 : i32
      %mul3A_1217 = vector.broadcast %mul3A_1216 : i32 to vector<16xi32>
      %mul3A_1218 = arith.muli %min3A_1167, %mul3A_1217 : vector<16xi32>
      %mul3A_1219 = arith.constant 160 : i32
      %mul3A_1220 = vector.broadcast %mul3A_1219 : i32 to vector<16xi32>
      %mul3A_1221 = arith.muli %min3A_1182, %mul3A_1220 : vector<16xi32>
      %add3A_1222 = arith.addi %mul3A_1218, %mul3A_1221 : vector<16xi32>
      %add3A_1223 = arith.addi %add3A_1222, %min3A_1197 : vector<16xi32>
      %swap3A_1224 = arith.constant 7 : i32
      %swap3A_1225 = arith.index_cast %swap3A_1224 : i32 to index
      %swap3A_1226 = arith.constant 0 : index
      %swap3A_1227 = tpu.vector_load %arg12[%swap3A_1225, %swap3A_1226] {strides = array<i32>} : memref<8x128xi32, #tpu.memory_space<vmem>>, vector<16xi32>,
      tpu.vector_store %arg12[%swap3A_1225, %swap3A_1226], %add3A_1223 {strides = array<i32>} : memref<8x128xi32, #tpu.memory_space<vmem>>, vector<16xi32>,
      %mul3A_1228 = arith.mulf %sub3A_1209, %sub3A_1212 : vector<16xf32>
      %mul3A_1229 = arith.mulf %mul3A_1228, %sub3A_1215 : vector<16xf32>
      %swap3A_1230 = arith.constant 896 : index
      %swap3A_1231 = tpu.vector_load %arg14[%swap3A_1230] {strides = array<i32>} : memref<1024xf32, #tpu.memory_space<vmem>>, vector<16xf32>,
      tpu.vector_store %arg14[%swap3A_1230], %mul3A_1229 {strides = array<i32>} : memref<1024xf32, #tpu.memory_space<vmem>>, vector<16xf32>,
      %add3A_1232 = arith.addi %add3A_1222, %min3A_1206 : vector<16xi32>
      %swap3A_1233 = arith.constant 7 : i32
      %swap3A_1234 = arith.index_cast %swap3A_1233 : i32 to index
      %swap3A_1235 = arith.constant 16 : index
      %swap3A_1236 = tpu.vector_load %arg12[%swap3A_1234, %swap3A_1235] {strides = array<i32>} : memref<8x128xi32, #tpu.memory_space<vmem>>, vector<16xi32>,
      tpu.vector_store %arg12[%swap3A_1234, %swap3A_1235], %add3A_1232 {strides = array<i32>} : memref<8x128xi32, #tpu.memory_space<vmem>>, vector<16xi32>,
      %mul3A_1237 = arith.mulf %sub3A_1209, %sub3A_1212 : vector<16xf32>
      %mul3A_1238 = arith.mulf %mul3A_1237, %sub3A_1161 : vector<16xf32>
      %swap3A_1239 = arith.constant 912 : index
      %swap3A_1240 = tpu.vector_load %arg14[%swap3A_1239] {strides = array<i32>} : memref<1024xf32, #tpu.memory_space<vmem>>, vector<16xf32>,
      tpu.vector_store %arg14[%swap3A_1239], %mul3A_1238 {strides = array<i32>} : memref<1024xf32, #tpu.memory_space<vmem>>, vector<16xf32>,
      %mul3A_1241 = arith.constant 160 : i32
      %mul3A_1242 = vector.broadcast %mul3A_1241 : i32 to vector<16xi32>
      %mul3A_1243 = arith.muli %min3A_1191, %mul3A_1242 : vector<16xi32>
      %add3A_1244 = arith.addi %mul3A_1218, %mul3A_1243 : vector<16xi32>
      %add3A_1245 = arith.addi %add3A_1244, %min3A_1197 : vector<16xi32>
      %swap3A_1246 = arith.constant 7 : i32
      %swap3A_1247 = arith.index_cast %swap3A_1246 : i32 to index
      %swap3A_1248 = arith.constant 32 : index
      %swap3A_1249 = tpu.vector_load %arg12[%swap3A_1247, %swap3A_1248] {strides = array<i32>} : memref<8x128xi32, #tpu.memory_space<vmem>>, vector<16xi32>,
      tpu.vector_store %arg12[%swap3A_1247, %swap3A_1248], %add3A_1245 {strides = array<i32>} : memref<8x128xi32, #tpu.memory_space<vmem>>, vector<16xi32>,
      %mul3A_1250 = arith.mulf %sub3A_1209, %sub3A_1159 : vector<16xf32>
      %mul3A_1251 = arith.mulf %mul3A_1250, %sub3A_1215 : vector<16xf32>
      %swap3A_1252 = arith.constant 928 : index
      %swap3A_1253 = tpu.vector_load %arg14[%swap3A_1252] {strides = array<i32>} : memref<1024xf32, #tpu.memory_space<vmem>>, vector<16xf32>,
      tpu.vector_store %arg14[%swap3A_1252], %mul3A_1251 {strides = array<i32>} : memref<1024xf32, #tpu.memory_space<vmem>>, vector<16xf32>,
      %add3A_1254 = arith.addi %add3A_1244, %min3A_1206 : vector<16xi32>
      %swap3A_1255 = arith.constant 7 : i32
      %swap3A_1256 = arith.index_cast %swap3A_1255 : i32 to index
      %swap3A_1257 = arith.constant 48 : index
      %swap3A_1258 = tpu.vector_load %arg12[%swap3A_1256, %swap3A_1257] {strides = array<i32>} : memref<8x128xi32, #tpu.memory_space<vmem>>, vector<16xi32>,
      tpu.vector_store %arg12[%swap3A_1256, %swap3A_1257], %add3A_1254 {strides = array<i32>} : memref<8x128xi32, #tpu.memory_space<vmem>>, vector<16xi32>,
      %mul3A_1259 = arith.mulf %sub3A_1209, %sub3A_1159 : vector<16xf32>
      %mul3A_1260 = arith.mulf %mul3A_1259, %sub3A_1161 : vector<16xf32>
      %swap3A_1261 = arith.constant 944 : index
      %swap3A_1262 = tpu.vector_load %arg14[%swap3A_1261] {strides = array<i32>} : memref<1024xf32, #tpu.memory_space<vmem>>, vector<16xf32>,
      tpu.vector_store %arg14[%swap3A_1261], %mul3A_1260 {strides = array<i32>} : memref<1024xf32, #tpu.memory_space<vmem>>, vector<16xf32>,
      %mul3A_1263 = arith.constant 25600 : i32
      %mul3A_1264 = vector.broadcast %mul3A_1263 : i32 to vector<16xi32>
      %mul3A_1265 = arith.muli %min3A_1176, %mul3A_1264 : vector<16xi32>
      %mul3A_1266 = arith.constant 160 : i32
      %mul3A_1267 = vector.broadcast %mul3A_1266 : i32 to vector<16xi32>
      %mul3A_1268 = arith.muli %min3A_1182, %mul3A_1267 : vector<16xi32>
      %add3A_1269 = arith.addi %mul3A_1265, %mul3A_1268 : vector<16xi32>
      %add3A_1270 = arith.addi %add3A_1269, %min3A_1197 : vector<16xi32>
      %swap3A_1271 = arith.constant 7 : i32
      %swap3A_1272 = arith.index_cast %swap3A_1271 : i32 to index
      %swap3A_1273 = arith.constant 64 : index
      %swap3A_1274 = tpu.vector_load %arg12[%swap3A_1272, %swap3A_1273] {strides = array<i32>} : memref<8x128xi32, #tpu.memory_space<vmem>>, vector<16xi32>,
      tpu.vector_store %arg12[%swap3A_1272, %swap3A_1273], %add3A_1270 {strides = array<i32>} : memref<8x128xi32, #tpu.memory_space<vmem>>, vector<16xi32>,
      %mul3A_1275 = arith.mulf %sub3A_1157, %sub3A_1212 : vector<16xf32>
      %mul3A_1276 = arith.mulf %mul3A_1275, %sub3A_1215 : vector<16xf32>
      %swap3A_1277 = arith.constant 960 : index
      %swap3A_1278 = tpu.vector_load %arg14[%swap3A_1277] {strides = array<i32>} : memref<1024xf32, #tpu.memory_space<vmem>>, vector<16xf32>,
      tpu.vector_store %arg14[%swap3A_1277], %mul3A_1276 {strides = array<i32>} : memref<1024xf32, #tpu.memory_space<vmem>>, vector<16xf32>,
      %add3A_1279 = arith.addi %add3A_1269, %min3A_1206 : vector<16xi32>
      %swap3A_1280 = arith.constant 7 : i32
      %swap3A_1281 = arith.index_cast %swap3A_1280 : i32 to index
      %swap3A_1282 = arith.constant 80 : index
      %swap3A_1283 = tpu.vector_load %arg12[%swap3A_1281, %swap3A_1282] {strides = array<i32>} : memref<8x128xi32, #tpu.memory_space<vmem>>, vector<16xi32>,
      tpu.vector_store %arg12[%swap3A_1281, %swap3A_1282], %add3A_1279 {strides = array<i32>} : memref<8x128xi32, #tpu.memory_space<vmem>>, vector<16xi32>,
      %mul3A_1284 = arith.mulf %sub3A_1157, %sub3A_1212 : vector<16xf32>
      %mul3A_1285 = arith.mulf %mul3A_1284, %sub3A_1161 : vector<16xf32>
      %swap3A_1286 = arith.constant 976 : index
      %swap3A_1287 = tpu.vector_load %arg14[%swap3A_1286] {strides = array<i32>} : memref<1024xf32, #tpu.memory_space<vmem>>, vector<16xf32>,
      tpu.vector_store %arg14[%swap3A_1286], %mul3A_1285 {strides = array<i32>} : memref<1024xf32, #tpu.memory_space<vmem>>, vector<16xf32>,
      %mul3A_1288 = arith.constant 160 : i32
      %mul3A_1289 = vector.broadcast %mul3A_1288 : i32 to vector<16xi32>
      %mul3A_1290 = arith.muli %min3A_1191, %mul3A_1289 : vector<16xi32>
      %add3A_1291 = arith.addi %mul3A_1265, %mul3A_1290 : vector<16xi32>
      %add3A_1292 = arith.addi %add3A_1291, %min3A_1197 : vector<16xi32>
      %swap3A_1293 = arith.constant 7 : i32
      %swap3A_1294 = arith.index_cast %swap3A_1293 : i32 to index
      %swap3A_1295 = arith.constant 96 : index
      %swap3A_1296 = tpu.vector_load %arg12[%swap3A_1294, %swap3A_1295] {strides = array<i32>} : memref<8x128xi32, #tpu.memory_space<vmem>>, vector<16xi32>,
      tpu.vector_store %arg12[%swap3A_1294, %swap3A_1295], %add3A_1292 {strides = array<i32>} : memref<8x128xi32, #tpu.memory_space<vmem>>, vector<16xi32>,
      %mul3A_1297 = arith.mulf %sub3A_1157, %sub3A_1159 : vector<16xf32>
      %mul3A_1298 = arith.mulf %mul3A_1297, %sub3A_1215 : vector<16xf32>
      %swap3A_1299 = arith.constant 992 : index
      %swap3A_1300 = tpu.vector_load %arg14[%swap3A_1299] {strides = array<i32>} : memref<1024xf32, #tpu.memory_space<vmem>>, vector<16xf32>,
      tpu.vector_store %arg14[%swap3A_1299], %mul3A_1298 {strides = array<i32>} : memref<1024xf32, #tpu.memory_space<vmem>>, vector<16xf32>,
      %add3A_1301 = arith.addi %add3A_1291, %min3A_1206 : vector<16xi32>
      %swap3A_1302 = arith.constant 7 : i32
      %swap3A_1303 = arith.index_cast %swap3A_1302 : i32 to index
      %swap3A_1304 = arith.constant 112 : index
      %swap3A_1305 = tpu.vector_load %arg12[%swap3A_1303, %swap3A_1304] {strides = array<i32>} : memref<8x128xi32, #tpu.memory_space<vmem>>, vector<16xi32>,
      tpu.vector_store %arg12[%swap3A_1303, %swap3A_1304], %add3A_1301 {strides = array<i32>} : memref<8x128xi32, #tpu.memory_space<vmem>>, vector<16xi32>,
      %mul3A_1306 = arith.mulf %sub3A_1157, %sub3A_1159 : vector<16xf32>
      %mul3A_1307 = arith.mulf %mul3A_1306, %sub3A_1161 : vector<16xf32>
      %swap3A_1308 = arith.constant 1008 : index
      %swap3A_1309 = tpu.vector_load %arg14[%swap3A_1308] {strides = array<i32>} : memref<1024xf32, #tpu.memory_space<vmem>>, vector<16xf32>,
      tpu.vector_store %arg14[%swap3A_1308], %mul3A_1307 {strides = array<i32>} : memref<1024xf32, #tpu.memory_space<vmem>>, vector<16xf32>,
      %dma_start3A = arith.constant 0 : i32
      %dma_start3A_1310 = arith.constant 0 : i32
      %dma_start3A_1311 = arith.constant 0 : i32
      %dma_start3A_1312 = tpu.memref_slice %arg13[%dma_start3A_1310, %dma_start3A_1311] : memref<8x128xi32, #tpu.memory_space<vmem>> -> memref<1x128xi32, #tpu.memory_space<vmem>>
      %dma_start3A_1313 = tpu.memref_squeeze %dma_start3A_1312 : memref<1x128xi32, #tpu.memory_space<vmem>> -> memref<128xi32, #tpu.memory_space<vmem>>
      %dma_start3A_1314 = arith.constant 0 : i32
      %dma_start3A_1315 = tpu.memref_slice %arg12[%dma_start3A, %dma_start3A_1314] : memref<8x128xi32, #tpu.memory_space<vmem>> -> memref<1x128xi32, #tpu.memory_space<vmem>>
      %dma_start3A_1316 = tpu.memref_squeeze %dma_start3A_1315 : memref<1x128xi32, #tpu.memory_space<vmem>> -> memref<128xi32, #tpu.memory_space<vmem>>
      %dma_start3A_1317 = arith.constant 0 : i32
      %dma_start3A_1318 = tpu.memref_slice %arg5[%dma_start3A_1317] : memref<4096000xi32, #tpu.memory_space<hbm>> -> memref<4096000xi32, #tpu.memory_space<hbm>>
      tpu.enqueue_indirect_dma source(%dma_start3A_1318 : memref<4096000xi32, #tpu.memory_space<hbm>>) target(%dma_start3A_1313 : memref<128xi32, #tpu.memory_space<vmem>>) offsets(%dma_start3A_1316 : memref<128xi32, #tpu.memory_space<vmem>>) semaphore(%arg19 : memref<!tpu.dma_semaphore, #tpu.memory_space<semaphore_mem>>)
      %dma_start3A_1319 = arith.constant 1 : i32
      %dma_start3A_1320 = arith.constant 1 : i32
      %dma_start3A_1321 = arith.constant 0 : i32
      %dma_start3A_1322 = tpu.memref_slice %arg13[%dma_start3A_1320, %dma_start3A_1321] : memref<8x128xi32, #tpu.memory_space<vmem>> -> memref<1x128xi32, #tpu.memory_space<vmem>>
      %dma_start3A_1323 = tpu.memref_squeeze %dma_start3A_1322 : memref<1x128xi32, #tpu.memory_space<vmem>> -> memref<128xi32, #tpu.memory_space<vmem>>
      %dma_start3A_1324 = arith.constant 0 : i32
      %dma_start3A_1325 = tpu.memref_slice %arg12[%dma_start3A_1319, %dma_start3A_1324] : memref<8x128xi32, #tpu.memory_space<vmem>> -> memref<1x128xi32, #tpu.memory_space<vmem>>
      %dma_start3A_1326 = tpu.memref_squeeze %dma_start3A_1325 : memref<1x128xi32, #tpu.memory_space<vmem>> -> memref<128xi32, #tpu.memory_space<vmem>>
      %dma_start3A_1327 = arith.constant 0 : i32
      %dma_start3A_1328 = tpu.memref_slice %arg5[%dma_start3A_1327] : memref<4096000xi32, #tpu.memory_space<hbm>> -> memref<4096000xi32, #tpu.memory_space<hbm>>
      tpu.enqueue_indirect_dma source(%dma_start3A_1328 : memref<4096000xi32, #tpu.memory_space<hbm>>) target(%dma_start3A_1323 : memref<128xi32, #tpu.memory_space<vmem>>) offsets(%dma_start3A_1326 : memref<128xi32, #tpu.memory_space<vmem>>) semaphore(%arg19 : memref<!tpu.dma_semaphore, #tpu.memory_space<semaphore_mem>>)
      %dma_start3A_1329 = arith.constant 2 : i32
      %dma_start3A_1330 = arith.constant 2 : i32
      %dma_start3A_1331 = arith.constant 0 : i32
      %dma_start3A_1332 = tpu.memref_slice %arg13[%dma_start3A_1330, %dma_start3A_1331] : memref<8x128xi32, #tpu.memory_space<vmem>> -> memref<1x128xi32, #tpu.memory_space<vmem>>
      %dma_start3A_1333 = tpu.memref_squeeze %dma_start3A_1332 : memref<1x128xi32, #tpu.memory_space<vmem>> -> memref<128xi32, #tpu.memory_space<vmem>>
      %dma_start3A_1334 = arith.constant 0 : i32
      %dma_start3A_1335 = tpu.memref_slice %arg12[%dma_start3A_1329, %dma_start3A_1334] : memref<8x128xi32, #tpu.memory_space<vmem>> -> memref<1x128xi32, #tpu.memory_space<vmem>>
      %dma_start3A_1336 = tpu.memref_squeeze %dma_start3A_1335 : memref<1x128xi32, #tpu.memory_space<vmem>> -> memref<128xi32, #tpu.memory_space<vmem>>
      %dma_start3A_1337 = arith.constant 0 : i32
      %dma_start3A_1338 = tpu.memref_slice %arg5[%dma_start3A_1337] : memref<4096000xi32, #tpu.memory_space<hbm>> -> memref<4096000xi32, #tpu.memory_space<hbm>>
      tpu.enqueue_indirect_dma source(%dma_start3A_1338 : memref<4096000xi32, #tpu.memory_space<hbm>>) target(%dma_start3A_1333 : memref<128xi32, #tpu.memory_space<vmem>>) offsets(%dma_start3A_1336 : memref<128xi32, #tpu.memory_space<vmem>>) semaphore(%arg19 : memref<!tpu.dma_semaphore, #tpu.memory_space<semaphore_mem>>)
      %dma_start3A_1339 = arith.constant 3 : i32
      %dma_start3A_1340 = arith.constant 3 : i32
      %dma_start3A_1341 = arith.constant 0 : i32
      %dma_start3A_1342 = tpu.memref_slice %arg13[%dma_start3A_1340, %dma_start3A_1341] : memref<8x128xi32, #tpu.memory_space<vmem>> -> memref<1x128xi32, #tpu.memory_space<vmem>>
      %dma_start3A_1343 = tpu.memref_squeeze %dma_start3A_1342 : memref<1x128xi32, #tpu.memory_space<vmem>> -> memref<128xi32, #tpu.memory_space<vmem>>
      %dma_start3A_1344 = arith.constant 0 : i32
      %dma_start3A_1345 = tpu.memref_slice %arg12[%dma_start3A_1339, %dma_start3A_1344] : memref<8x128xi32, #tpu.memory_space<vmem>> -> memref<1x128xi32, #tpu.memory_space<vmem>>
      %dma_start3A_1346 = tpu.memref_squeeze %dma_start3A_1345 : memref<1x128xi32, #tpu.memory_space<vmem>> -> memref<128xi32, #tpu.memory_space<vmem>>
      %dma_start3A_1347 = arith.constant 0 : i32
      %dma_start3A_1348 = tpu.memref_slice %arg5[%dma_start3A_1347] : memref<4096000xi32, #tpu.memory_space<hbm>> -> memref<4096000xi32, #tpu.memory_space<hbm>>
      tpu.enqueue_indirect_dma source(%dma_start3A_1348 : memref<4096000xi32, #tpu.memory_space<hbm>>) target(%dma_start3A_1343 : memref<128xi32, #tpu.memory_space<vmem>>) offsets(%dma_start3A_1346 : memref<128xi32, #tpu.memory_space<vmem>>) semaphore(%arg19 : memref<!tpu.dma_semaphore, #tpu.memory_space<semaphore_mem>>)
      %dma_start3A_1349 = arith.constant 4 : i32
      %dma_start3A_1350 = arith.constant 4 : i32
      %dma_start3A_1351 = arith.constant 0 : i32
      %dma_start3A_1352 = tpu.memref_slice %arg13[%dma_start3A_1350, %dma_start3A_1351] : memref<8x128xi32, #tpu.memory_space<vmem>> -> memref<1x128xi32, #tpu.memory_space<vmem>>
      %dma_start3A_1353 = tpu.memref_squeeze %dma_start3A_1352 : memref<1x128xi32, #tpu.memory_space<vmem>> -> memref<128xi32, #tpu.memory_space<vmem>>
      %dma_start3A_1354 = arith.constant 0 : i32
      %dma_start3A_1355 = tpu.memref_slice %arg12[%dma_start3A_1349, %dma_start3A_1354] : memref<8x128xi32, #tpu.memory_space<vmem>> -> memref<1x128xi32, #tpu.memory_space<vmem>>
      %dma_start3A_1356 = tpu.memref_squeeze %dma_start3A_1355 : memref<1x128xi32, #tpu.memory_space<vmem>> -> memref<128xi32, #tpu.memory_space<vmem>>
      %dma_start3A_1357 = arith.constant 0 : i32
      %dma_start3A_1358 = tpu.memref_slice %arg5[%dma_start3A_1357] : memref<4096000xi32, #tpu.memory_space<hbm>> -> memref<4096000xi32, #tpu.memory_space<hbm>>
      tpu.enqueue_indirect_dma source(%dma_start3A_1358 : memref<4096000xi32, #tpu.memory_space<hbm>>) target(%dma_start3A_1353 : memref<128xi32, #tpu.memory_space<vmem>>) offsets(%dma_start3A_1356 : memref<128xi32, #tpu.memory_space<vmem>>) semaphore(%arg19 : memref<!tpu.dma_semaphore, #tpu.memory_space<semaphore_mem>>)
      %dma_start3A_1359 = arith.constant 5 : i32
      %dma_start3A_1360 = arith.constant 5 : i32
      %dma_start3A_1361 = arith.constant 0 : i32
      %dma_start3A_1362 = tpu.memref_slice %arg13[%dma_start3A_1360, %dma_start3A_1361] : memref<8x128xi32, #tpu.memory_space<vmem>> -> memref<1x128xi32, #tpu.memory_space<vmem>>
      %dma_start3A_1363 = tpu.memref_squeeze %dma_start3A_1362 : memref<1x128xi32, #tpu.memory_space<vmem>> -> memref<128xi32, #tpu.memory_space<vmem>>
      %dma_start3A_1364 = arith.constant 0 : i32
      %dma_start3A_1365 = tpu.memref_slice %arg12[%dma_start3A_1359, %dma_start3A_1364] : memref<8x128xi32, #tpu.memory_space<vmem>> -> memref<1x128xi32, #tpu.memory_space<vmem>>
      %dma_start3A_1366 = tpu.memref_squeeze %dma_start3A_1365 : memref<1x128xi32, #tpu.memory_space<vmem>> -> memref<128xi32, #tpu.memory_space<vmem>>
      %dma_start3A_1367 = arith.constant 0 : i32
      %dma_start3A_1368 = tpu.memref_slice %arg5[%dma_start3A_1367] : memref<4096000xi32, #tpu.memory_space<hbm>> -> memref<4096000xi32, #tpu.memory_space<hbm>>
      tpu.enqueue_indirect_dma source(%dma_start3A_1368 : memref<4096000xi32, #tpu.memory_space<hbm>>) target(%dma_start3A_1363 : memref<128xi32, #tpu.memory_space<vmem>>) offsets(%dma_start3A_1366 : memref<128xi32, #tpu.memory_space<vmem>>) semaphore(%arg19 : memref<!tpu.dma_semaphore, #tpu.memory_space<semaphore_mem>>)
      %dma_start3A_1369 = arith.constant 6 : i32
      %dma_start3A_1370 = arith.constant 6 : i32
      %dma_start3A_1371 = arith.constant 0 : i32
      %dma_start3A_1372 = tpu.memref_slice %arg13[%dma_start3A_1370, %dma_start3A_1371] : memref<8x128xi32, #tpu.memory_space<vmem>> -> memref<1x128xi32, #tpu.memory_space<vmem>>
      %dma_start3A_1373 = tpu.memref_squeeze %dma_start3A_1372 : memref<1x128xi32, #tpu.memory_space<vmem>> -> memref<128xi32, #tpu.memory_space<vmem>>
      %dma_start3A_1374 = arith.constant 0 : i32
      %dma_start3A_1375 = tpu.memref_slice %arg12[%dma_start3A_1369, %dma_start3A_1374] : memref<8x128xi32, #tpu.memory_space<vmem>> -> memref<1x128xi32, #tpu.memory_space<vmem>>
      %dma_start3A_1376 = tpu.memref_squeeze %dma_start3A_1375 : memref<1x128xi32, #tpu.memory_space<vmem>> -> memref<128xi32, #tpu.memory_space<vmem>>
      %dma_start3A_1377 = arith.constant 0 : i32
      %dma_start3A_1378 = tpu.memref_slice %arg5[%dma_start3A_1377] : memref<4096000xi32, #tpu.memory_space<hbm>> -> memref<4096000xi32, #tpu.memory_space<hbm>>
      tpu.enqueue_indirect_dma source(%dma_start3A_1378 : memref<4096000xi32, #tpu.memory_space<hbm>>) target(%dma_start3A_1373 : memref<128xi32, #tpu.memory_space<vmem>>) offsets(%dma_start3A_1376 : memref<128xi32, #tpu.memory_space<vmem>>) semaphore(%arg19 : memref<!tpu.dma_semaphore, #tpu.memory_space<semaphore_mem>>)
      %dma_start3A_1379 = arith.constant 7 : i32
      %dma_start3A_1380 = arith.constant 7 : i32
      %dma_start3A_1381 = arith.constant 0 : i32
      %dma_start3A_1382 = tpu.memref_slice %arg13[%dma_start3A_1380, %dma_start3A_1381] : memref<8x128xi32, #tpu.memory_space<vmem>> -> memref<1x128xi32, #tpu.memory_space<vmem>>
      %dma_start3A_1383 = tpu.memref_squeeze %dma_start3A_1382 : memref<1x128xi32, #tpu.memory_space<vmem>> -> memref<128xi32, #tpu.memory_space<vmem>>
      %dma_start3A_1384 = arith.constant 0 : i32
      %dma_start3A_1385 = tpu.memref_slice %arg12[%dma_start3A_1379, %dma_start3A_1384] : memref<8x128xi32, #tpu.memory_space<vmem>> -> memref<1x128xi32, #tpu.memory_space<vmem>>
      %dma_start3A_1386 = tpu.memref_squeeze %dma_start3A_1385 : memref<1x128xi32, #tpu.memory_space<vmem>> -> memref<128xi32, #tpu.memory_space<vmem>>
      %dma_start3A_1387 = arith.constant 0 : i32
      %dma_start3A_1388 = tpu.memref_slice %arg5[%dma_start3A_1387] : memref<4096000xi32, #tpu.memory_space<hbm>> -> memref<4096000xi32, #tpu.memory_space<hbm>>
      tpu.enqueue_indirect_dma source(%dma_start3A_1388 : memref<4096000xi32, #tpu.memory_space<hbm>>) target(%dma_start3A_1383 : memref<128xi32, #tpu.memory_space<vmem>>) offsets(%dma_start3A_1386 : memref<128xi32, #tpu.memory_space<vmem>>) semaphore(%arg19 : memref<!tpu.dma_semaphore, #tpu.memory_space<semaphore_mem>>)
      %dma_wait3A = arith.constant 0 : i32
      %dma_wait3A_1389 = arith.constant 0 : i32
      %dma_wait3A_1390 = arith.constant 0 : i32
      %dma_wait3A_1391 = tpu.memref_slice %arg13[%dma_wait3A_1389, %dma_wait3A_1390] : memref<8x128xi32, #tpu.memory_space<vmem>> -> memref<1x128xi32, #tpu.memory_space<vmem>>
      %dma_wait3A_1392 = tpu.memref_squeeze %dma_wait3A_1391 : memref<1x128xi32, #tpu.memory_space<vmem>> -> memref<128xi32, #tpu.memory_space<vmem>>
      %dma_wait3A_1393 = arith.constant 0 : i32
      %dma_wait3A_1394 = tpu.memref_slice %arg12[%dma_wait3A, %dma_wait3A_1393] : memref<8x128xi32, #tpu.memory_space<vmem>> -> memref<1x128xi32, #tpu.memory_space<vmem>>
      %dma_wait3A_1395 = tpu.memref_squeeze %dma_wait3A_1394 : memref<1x128xi32, #tpu.memory_space<vmem>> -> memref<128xi32, #tpu.memory_space<vmem>>
      %dma_wait3A_1396 = arith.constant 0 : i32
      %dma_wait3A_1397 = tpu.memref_slice %arg5[%dma_wait3A_1396] : memref<4096000xi32, #tpu.memory_space<hbm>> -> memref<4096000xi32, #tpu.memory_space<hbm>>
      tpu.wait_indirect_dma semaphore(%arg19 : memref<!tpu.dma_semaphore, #tpu.memory_space<semaphore_mem>>) src(%dma_wait3A_1397 : memref<4096000xi32, #tpu.memory_space<hbm>>) dst(%dma_wait3A_1392 : memref<128xi32, #tpu.memory_space<vmem>>)
      %dma_wait3A_1398 = arith.constant 1 : i32
      %dma_wait3A_1399 = arith.constant 1 : i32
      %dma_wait3A_1400 = arith.constant 0 : i32
      %dma_wait3A_1401 = tpu.memref_slice %arg13[%dma_wait3A_1399, %dma_wait3A_1400] : memref<8x128xi32, #tpu.memory_space<vmem>> -> memref<1x128xi32, #tpu.memory_space<vmem>>
      %dma_wait3A_1402 = tpu.memref_squeeze %dma_wait3A_1401 : memref<1x128xi32, #tpu.memory_space<vmem>> -> memref<128xi32, #tpu.memory_space<vmem>>
      %dma_wait3A_1403 = arith.constant 0 : i32
      %dma_wait3A_1404 = tpu.memref_slice %arg12[%dma_wait3A_1398, %dma_wait3A_1403] : memref<8x128xi32, #tpu.memory_space<vmem>> -> memref<1x128xi32, #tpu.memory_space<vmem>>
      %dma_wait3A_1405 = tpu.memref_squeeze %dma_wait3A_1404 : memref<1x128xi32, #tpu.memory_space<vmem>> -> memref<128xi32, #tpu.memory_space<vmem>>
      %dma_wait3A_1406 = arith.constant 0 : i32
      %dma_wait3A_1407 = tpu.memref_slice %arg5[%dma_wait3A_1406] : memref<4096000xi32, #tpu.memory_space<hbm>> -> memref<4096000xi32, #tpu.memory_space<hbm>>
      tpu.wait_indirect_dma semaphore(%arg19 : memref<!tpu.dma_semaphore, #tpu.memory_space<semaphore_mem>>) src(%dma_wait3A_1407 : memref<4096000xi32, #tpu.memory_space<hbm>>) dst(%dma_wait3A_1402 : memref<128xi32, #tpu.memory_space<vmem>>)
      %dma_wait3A_1408 = arith.constant 2 : i32
      %dma_wait3A_1409 = arith.constant 2 : i32
      %dma_wait3A_1410 = arith.constant 0 : i32
      %dma_wait3A_1411 = tpu.memref_slice %arg13[%dma_wait3A_1409, %dma_wait3A_1410] : memref<8x128xi32, #tpu.memory_space<vmem>> -> memref<1x128xi32, #tpu.memory_space<vmem>>
      %dma_wait3A_1412 = tpu.memref_squeeze %dma_wait3A_1411 : memref<1x128xi32, #tpu.memory_space<vmem>> -> memref<128xi32, #tpu.memory_space<vmem>>
      %dma_wait3A_1413 = arith.constant 0 : i32
      %dma_wait3A_1414 = tpu.memref_slice %arg12[%dma_wait3A_1408, %dma_wait3A_1413] : memref<8x128xi32, #tpu.memory_space<vmem>> -> memref<1x128xi32, #tpu.memory_space<vmem>>
      %dma_wait3A_1415 = tpu.memref_squeeze %dma_wait3A_1414 : memref<1x128xi32, #tpu.memory_space<vmem>> -> memref<128xi32, #tpu.memory_space<vmem>>
      %dma_wait3A_1416 = arith.constant 0 : i32
      %dma_wait3A_1417 = tpu.memref_slice %arg5[%dma_wait3A_1416] : memref<4096000xi32, #tpu.memory_space<hbm>> -> memref<4096000xi32, #tpu.memory_space<hbm>>
      tpu.wait_indirect_dma semaphore(%arg19 : memref<!tpu.dma_semaphore, #tpu.memory_space<semaphore_mem>>) src(%dma_wait3A_1417 : memref<4096000xi32, #tpu.memory_space<hbm>>) dst(%dma_wait3A_1412 : memref<128xi32, #tpu.memory_space<vmem>>)
      %dma_wait3A_1418 = arith.constant 3 : i32
      %dma_wait3A_1419 = arith.constant 3 : i32
      %dma_wait3A_1420 = arith.constant 0 : i32
      %dma_wait3A_1421 = tpu.memref_slice %arg13[%dma_wait3A_1419, %dma_wait3A_1420] : memref<8x128xi32, #tpu.memory_space<vmem>> -> memref<1x128xi32, #tpu.memory_space<vmem>>
      %dma_wait3A_1422 = tpu.memref_squeeze %dma_wait3A_1421 : memref<1x128xi32, #tpu.memory_space<vmem>> -> memref<128xi32, #tpu.memory_space<vmem>>
      %dma_wait3A_1423 = arith.constant 0 : i32
      %dma_wait3A_1424 = tpu.memref_slice %arg12[%dma_wait3A_1418, %dma_wait3A_1423] : memref<8x128xi32, #tpu.memory_space<vmem>> -> memref<1x128xi32, #tpu.memory_space<vmem>>
      %dma_wait3A_1425 = tpu.memref_squeeze %dma_wait3A_1424 : memref<1x128xi32, #tpu.memory_space<vmem>> -> memref<128xi32, #tpu.memory_space<vmem>>
      %dma_wait3A_1426 = arith.constant 0 : i32
      %dma_wait3A_1427 = tpu.memref_slice %arg5[%dma_wait3A_1426] : memref<4096000xi32, #tpu.memory_space<hbm>> -> memref<4096000xi32, #tpu.memory_space<hbm>>
      tpu.wait_indirect_dma semaphore(%arg19 : memref<!tpu.dma_semaphore, #tpu.memory_space<semaphore_mem>>) src(%dma_wait3A_1427 : memref<4096000xi32, #tpu.memory_space<hbm>>) dst(%dma_wait3A_1422 : memref<128xi32, #tpu.memory_space<vmem>>)
      %dma_wait3A_1428 = arith.constant 4 : i32
      %dma_wait3A_1429 = arith.constant 4 : i32
      %dma_wait3A_1430 = arith.constant 0 : i32
      %dma_wait3A_1431 = tpu.memref_slice %arg13[%dma_wait3A_1429, %dma_wait3A_1430] : memref<8x128xi32, #tpu.memory_space<vmem>> -> memref<1x128xi32, #tpu.memory_space<vmem>>
      %dma_wait3A_1432 = tpu.memref_squeeze %dma_wait3A_1431 : memref<1x128xi32, #tpu.memory_space<vmem>> -> memref<128xi32, #tpu.memory_space<vmem>>
      %dma_wait3A_1433 = arith.constant 0 : i32
      %dma_wait3A_1434 = tpu.memref_slice %arg12[%dma_wait3A_1428, %dma_wait3A_1433] : memref<8x128xi32, #tpu.memory_space<vmem>> -> memref<1x128xi32, #tpu.memory_space<vmem>>
      %dma_wait3A_1435 = tpu.memref_squeeze %dma_wait3A_1434 : memref<1x128xi32, #tpu.memory_space<vmem>> -> memref<128xi32, #tpu.memory_space<vmem>>
      %dma_wait3A_1436 = arith.constant 0 : i32
      %dma_wait3A_1437 = tpu.memref_slice %arg5[%dma_wait3A_1436] : memref<4096000xi32, #tpu.memory_space<hbm>> -> memref<4096000xi32, #tpu.memory_space<hbm>>
      tpu.wait_indirect_dma semaphore(%arg19 : memref<!tpu.dma_semaphore, #tpu.memory_space<semaphore_mem>>) src(%dma_wait3A_1437 : memref<4096000xi32, #tpu.memory_space<hbm>>) dst(%dma_wait3A_1432 : memref<128xi32, #tpu.memory_space<vmem>>)
      %dma_wait3A_1438 = arith.constant 5 : i32
      %dma_wait3A_1439 = arith.constant 5 : i32
      %dma_wait3A_1440 = arith.constant 0 : i32
      %dma_wait3A_1441 = tpu.memref_slice %arg13[%dma_wait3A_1439, %dma_wait3A_1440] : memref<8x128xi32, #tpu.memory_space<vmem>> -> memref<1x128xi32, #tpu.memory_space<vmem>>
      %dma_wait3A_1442 = tpu.memref_squeeze %dma_wait3A_1441 : memref<1x128xi32, #tpu.memory_space<vmem>> -> memref<128xi32, #tpu.memory_space<vmem>>
      %dma_wait3A_1443 = arith.constant 0 : i32
      %dma_wait3A_1444 = tpu.memref_slice %arg12[%dma_wait3A_1438, %dma_wait3A_1443] : memref<8x128xi32, #tpu.memory_space<vmem>> -> memref<1x128xi32, #tpu.memory_space<vmem>>
      %dma_wait3A_1445 = tpu.memref_squeeze %dma_wait3A_1444 : memref<1x128xi32, #tpu.memory_space<vmem>> -> memref<128xi32, #tpu.memory_space<vmem>>
      %dma_wait3A_1446 = arith.constant 0 : i32
      %dma_wait3A_1447 = tpu.memref_slice %arg5[%dma_wait3A_1446] : memref<4096000xi32, #tpu.memory_space<hbm>> -> memref<4096000xi32, #tpu.memory_space<hbm>>
      tpu.wait_indirect_dma semaphore(%arg19 : memref<!tpu.dma_semaphore, #tpu.memory_space<semaphore_mem>>) src(%dma_wait3A_1447 : memref<4096000xi32, #tpu.memory_space<hbm>>) dst(%dma_wait3A_1442 : memref<128xi32, #tpu.memory_space<vmem>>)
      %dma_wait3A_1448 = arith.constant 6 : i32
      %dma_wait3A_1449 = arith.constant 6 : i32
      %dma_wait3A_1450 = arith.constant 0 : i32
      %dma_wait3A_1451 = tpu.memref_slice %arg13[%dma_wait3A_1449, %dma_wait3A_1450] : memref<8x128xi32, #tpu.memory_space<vmem>> -> memref<1x128xi32, #tpu.memory_space<vmem>>
      %dma_wait3A_1452 = tpu.memref_squeeze %dma_wait3A_1451 : memref<1x128xi32, #tpu.memory_space<vmem>> -> memref<128xi32, #tpu.memory_space<vmem>>
      %dma_wait3A_1453 = arith.constant 0 : i32
      %dma_wait3A_1454 = tpu.memref_slice %arg12[%dma_wait3A_1448, %dma_wait3A_1453] : memref<8x128xi32, #tpu.memory_space<vmem>> -> memref<1x128xi32, #tpu.memory_space<vmem>>
      %dma_wait3A_1455 = tpu.memref_squeeze %dma_wait3A_1454 : memref<1x128xi32, #tpu.memory_space<vmem>> -> memref<128xi32, #tpu.memory_space<vmem>>
      %dma_wait3A_1456 = arith.constant 0 : i32
      %dma_wait3A_1457 = tpu.memref_slice %arg5[%dma_wait3A_1456] : memref<4096000xi32, #tpu.memory_space<hbm>> -> memref<4096000xi32, #tpu.memory_space<hbm>>
      tpu.wait_indirect_dma semaphore(%arg19 : memref<!tpu.dma_semaphore, #tpu.memory_space<semaphore_mem>>) src(%dma_wait3A_1457 : memref<4096000xi32, #tpu.memory_space<hbm>>) dst(%dma_wait3A_1452 : memref<128xi32, #tpu.memory_space<vmem>>)
      %dma_wait3A_1458 = arith.constant 7 : i32
      %dma_wait3A_1459 = arith.constant 7 : i32
      %dma_wait3A_1460 = arith.constant 0 : i32
      %dma_wait3A_1461 = tpu.memref_slice %arg13[%dma_wait3A_1459, %dma_wait3A_1460] : memref<8x128xi32, #tpu.memory_space<vmem>> -> memref<1x128xi32, #tpu.memory_space<vmem>>
      %dma_wait3A_1462 = tpu.memref_squeeze %dma_wait3A_1461 : memref<1x128xi32, #tpu.memory_space<vmem>> -> memref<128xi32, #tpu.memory_space<vmem>>
      %dma_wait3A_1463 = arith.constant 0 : i32
      %dma_wait3A_1464 = tpu.memref_slice %arg12[%dma_wait3A_1458, %dma_wait3A_1463] : memref<8x128xi32, #tpu.memory_space<vmem>> -> memref<1x128xi32, #tpu.memory_space<vmem>>
      %dma_wait3A_1465 = tpu.memref_squeeze %dma_wait3A_1464 : memref<1x128xi32, #tpu.memory_space<vmem>> -> memref<128xi32, #tpu.memory_space<vmem>>
      %dma_wait3A_1466 = arith.constant 0 : i32
      %dma_wait3A_1467 = tpu.memref_slice %arg5[%dma_wait3A_1466] : memref<4096000xi32, #tpu.memory_space<hbm>> -> memref<4096000xi32, #tpu.memory_space<hbm>>
      tpu.wait_indirect_dma semaphore(%arg19 : memref<!tpu.dma_semaphore, #tpu.memory_space<semaphore_mem>>) src(%dma_wait3A_1467 : memref<4096000xi32, #tpu.memory_space<hbm>>) dst(%dma_wait3A_1462 : memref<128xi32, #tpu.memory_space<vmem>>)
      %broadcast_in_dim3A = arith.constant 0 : i32
      %broadcast_in_dim3A_1468 = vector.broadcast %broadcast_in_dim3A : i32 to vector<16xi32>
      %get3A_1469 = arith.constant 0 : i32
      %get3A_1470 = arith.index_cast %get3A_1469 : i32 to index
      %get3A_1471 = arith.constant 0 : index
      %get3A_1472 = tpu.vector_load %arg13[%get3A_1470, %get3A_1471] {strides = array<i32>} : memref<8x128xi32, #tpu.memory_space<vmem>>, vector<16xi32>,
      %ge3A = arith.constant 0 : i32
      %ge3A_1473 = vector.broadcast %ge3A : i32 to vector<16xi32>
      %ge3A_1474 = arith.cmpi sge, %get3A_1472, %ge3A_1473 : vector<16xi32>
      %get3A_1475 = arith.constant 0 : index
      %get3A_1476 = tpu.vector_load %arg14[%get3A_1475] {strides = array<i32>} : memref<1024xf32, #tpu.memory_space<vmem>>, vector<16xf32>,
      %jit3A = arith.constant 0.000000e+00 : f32
      %broadcast_in_dim3A_1477 = vector.broadcast %jit3A : f32 to vector<16xf32>
      %select_n3A = arith.select %ge3A_1474, %get3A_1476, %broadcast_in_dim3A_1477 : vector<16xi1>, vector<16xf32>
      %swap3A_1478 = arith.constant 0 : index
      %swap3A_1479 = tpu.vector_load %arg14[%swap3A_1478] {strides = array<i32>} : memref<1024xf32, #tpu.memory_space<vmem>>, vector<16xf32>,
      tpu.vector_store %arg14[%swap3A_1478], %select_n3A {strides = array<i32>} : memref<1024xf32, #tpu.memory_space<vmem>>, vector<16xf32>,
      %max3A_1480 = arith.constant 0 : i32
      %max3A_1481 = vector.broadcast %max3A_1480 : i32 to vector<16xi32>
      %max3A_1482 = arith.maxsi %get3A_1472, %max3A_1481 : vector<16xi32>
      %swap3A_1483 = arith.constant 0 : i32
      %swap3A_1484 = arith.index_cast %swap3A_1483 : i32 to index
      %swap3A_1485 = arith.constant 0 : index
      %swap3A_1486 = tpu.vector_load %arg15[%swap3A_1484, %swap3A_1485] {strides = array<i32>} : memref<8x128xi32, #tpu.memory_space<vmem>>, vector<16xi32>,
      tpu.vector_store %arg15[%swap3A_1484, %swap3A_1485], %max3A_1482 {strides = array<i32>} : memref<8x128xi32, #tpu.memory_space<vmem>>, vector<16xi32>,
      %jit3A_1487 = arith.constant 1 : i32
      %broadcast_in_dim3A_1488 = vector.broadcast %jit3A_1487 : i32 to vector<16xi32>
      %select_n3A_1489 = arith.select %ge3A_1474, %broadcast_in_dim3A_1488, %broadcast_in_dim3A_1468 : vector<16xi1>, vector<16xi32>
      %get3A_1490 = arith.constant 0 : i32
      %get3A_1491 = arith.index_cast %get3A_1490 : i32 to index
      %get3A_1492 = arith.constant 16 : index
      %get3A_1493 = tpu.vector_load %arg13[%get3A_1491, %get3A_1492] {strides = array<i32>} : memref<8x128xi32, #tpu.memory_space<vmem>>, vector<16xi32>,
      %ge3A_1494 = arith.constant 0 : i32
      %ge3A_1495 = vector.broadcast %ge3A_1494 : i32 to vector<16xi32>
      %ge3A_1496 = arith.cmpi sge, %get3A_1493, %ge3A_1495 : vector<16xi32>
      %get3A_1497 = arith.constant 16 : index
      %get3A_1498 = tpu.vector_load %arg14[%get3A_1497] {strides = array<i32>} : memref<1024xf32, #tpu.memory_space<vmem>>, vector<16xf32>,
      %jit3A_1499 = arith.constant 0.000000e+00 : f32
      %broadcast_in_dim3A_1500 = vector.broadcast %jit3A_1499 : f32 to vector<16xf32>
      %select_n3A_1501 = arith.select %ge3A_1496, %get3A_1498, %broadcast_in_dim3A_1500 : vector<16xi1>, vector<16xf32>
      %swap3A_1502 = arith.constant 16 : index
      %swap3A_1503 = tpu.vector_load %arg14[%swap3A_1502] {strides = array<i32>} : memref<1024xf32, #tpu.memory_space<vmem>>, vector<16xf32>,
      tpu.vector_store %arg14[%swap3A_1502], %select_n3A_1501 {strides = array<i32>} : memref<1024xf32, #tpu.memory_space<vmem>>, vector<16xf32>,
      %max3A_1504 = arith.constant 0 : i32
      %max3A_1505 = vector.broadcast %max3A_1504 : i32 to vector<16xi32>
      %max3A_1506 = arith.maxsi %get3A_1493, %max3A_1505 : vector<16xi32>
      %swap3A_1507 = arith.constant 0 : i32
      %swap3A_1508 = arith.index_cast %swap3A_1507 : i32 to index
      %swap3A_1509 = arith.constant 16 : index
      %swap3A_1510 = tpu.vector_load %arg15[%swap3A_1508, %swap3A_1509] {strides = array<i32>} : memref<8x128xi32, #tpu.memory_space<vmem>>, vector<16xi32>,
      tpu.vector_store %arg15[%swap3A_1508, %swap3A_1509], %max3A_1506 {strides = array<i32>} : memref<8x128xi32, #tpu.memory_space<vmem>>, vector<16xi32>,
      %jit3A_1511 = arith.constant 1 : i32
      %broadcast_in_dim3A_1512 = vector.broadcast %jit3A_1511 : i32 to vector<16xi32>
      %select_n3A_1513 = arith.select %ge3A_1496, %broadcast_in_dim3A_1512, %select_n3A_1489 : vector<16xi1>, vector<16xi32>
      %get3A_1514 = arith.constant 0 : i32
      %get3A_1515 = arith.index_cast %get3A_1514 : i32 to index
      %get3A_1516 = arith.constant 32 : index
      %get3A_1517 = tpu.vector_load %arg13[%get3A_1515, %get3A_1516] {strides = array<i32>} : memref<8x128xi32, #tpu.memory_space<vmem>>, vector<16xi32>,
      %ge3A_1518 = arith.constant 0 : i32
      %ge3A_1519 = vector.broadcast %ge3A_1518 : i32 to vector<16xi32>
      %ge3A_1520 = arith.cmpi sge, %get3A_1517, %ge3A_1519 : vector<16xi32>
      %get3A_1521 = arith.constant 32 : index
      %get3A_1522 = tpu.vector_load %arg14[%get3A_1521] {strides = array<i32>} : memref<1024xf32, #tpu.memory_space<vmem>>, vector<16xf32>,
      %jit3A_1523 = arith.constant 0.000000e+00 : f32
      %broadcast_in_dim3A_1524 = vector.broadcast %jit3A_1523 : f32 to vector<16xf32>
      %select_n3A_1525 = arith.select %ge3A_1520, %get3A_1522, %broadcast_in_dim3A_1524 : vector<16xi1>, vector<16xf32>
      %swap3A_1526 = arith.constant 32 : index
      %swap3A_1527 = tpu.vector_load %arg14[%swap3A_1526] {strides = array<i32>} : memref<1024xf32, #tpu.memory_space<vmem>>, vector<16xf32>,
      tpu.vector_store %arg14[%swap3A_1526], %select_n3A_1525 {strides = array<i32>} : memref<1024xf32, #tpu.memory_space<vmem>>, vector<16xf32>,
      %max3A_1528 = arith.constant 0 : i32
      %max3A_1529 = vector.broadcast %max3A_1528 : i32 to vector<16xi32>
      %max3A_1530 = arith.maxsi %get3A_1517, %max3A_1529 : vector<16xi32>
      %swap3A_1531 = arith.constant 0 : i32
      %swap3A_1532 = arith.index_cast %swap3A_1531 : i32 to index
      %swap3A_1533 = arith.constant 32 : index
      %swap3A_1534 = tpu.vector_load %arg15[%swap3A_1532, %swap3A_1533] {strides = array<i32>} : memref<8x128xi32, #tpu.memory_space<vmem>>, vector<16xi32>,
      tpu.vector_store %arg15[%swap3A_1532, %swap3A_1533], %max3A_1530 {strides = array<i32>} : memref<8x128xi32, #tpu.memory_space<vmem>>, vector<16xi32>,
      %jit3A_1535 = arith.constant 1 : i32
      %broadcast_in_dim3A_1536 = vector.broadcast %jit3A_1535 : i32 to vector<16xi32>
      %select_n3A_1537 = arith.select %ge3A_1520, %broadcast_in_dim3A_1536, %select_n3A_1513 : vector<16xi1>, vector<16xi32>
      %get3A_1538 = arith.constant 0 : i32
      %get3A_1539 = arith.index_cast %get3A_1538 : i32 to index
      %get3A_1540 = arith.constant 48 : index
      %get3A_1541 = tpu.vector_load %arg13[%get3A_1539, %get3A_1540] {strides = array<i32>} : memref<8x128xi32, #tpu.memory_space<vmem>>, vector<16xi32>,
      %ge3A_1542 = arith.constant 0 : i32
      %ge3A_1543 = vector.broadcast %ge3A_1542 : i32 to vector<16xi32>
      %ge3A_1544 = arith.cmpi sge, %get3A_1541, %ge3A_1543 : vector<16xi32>
      %get3A_1545 = arith.constant 48 : index
      %get3A_1546 = tpu.vector_load %arg14[%get3A_1545] {strides = array<i32>} : memref<1024xf32, #tpu.memory_space<vmem>>, vector<16xf32>,
      %jit3A_1547 = arith.constant 0.000000e+00 : f32
      %broadcast_in_dim3A_1548 = vector.broadcast %jit3A_1547 : f32 to vector<16xf32>
      %select_n3A_1549 = arith.select %ge3A_1544, %get3A_1546, %broadcast_in_dim3A_1548 : vector<16xi1>, vector<16xf32>
      %swap3A_1550 = arith.constant 48 : index
      %swap3A_1551 = tpu.vector_load %arg14[%swap3A_1550] {strides = array<i32>} : memref<1024xf32, #tpu.memory_space<vmem>>, vector<16xf32>,
      tpu.vector_store %arg14[%swap3A_1550], %select_n3A_1549 {strides = array<i32>} : memref<1024xf32, #tpu.memory_space<vmem>>, vector<16xf32>,
      %max3A_1552 = arith.constant 0 : i32
      %max3A_1553 = vector.broadcast %max3A_1552 : i32 to vector<16xi32>
      %max3A_1554 = arith.maxsi %get3A_1541, %max3A_1553 : vector<16xi32>
      %swap3A_1555 = arith.constant 0 : i32
      %swap3A_1556 = arith.index_cast %swap3A_1555 : i32 to index
      %swap3A_1557 = arith.constant 48 : index
      %swap3A_1558 = tpu.vector_load %arg15[%swap3A_1556, %swap3A_1557] {strides = array<i32>} : memref<8x128xi32, #tpu.memory_space<vmem>>, vector<16xi32>,
      tpu.vector_store %arg15[%swap3A_1556, %swap3A_1557], %max3A_1554 {strides = array<i32>} : memref<8x128xi32, #tpu.memory_space<vmem>>, vector<16xi32>,
      %jit3A_1559 = arith.constant 1 : i32
      %broadcast_in_dim3A_1560 = vector.broadcast %jit3A_1559 : i32 to vector<16xi32>
      %select_n3A_1561 = arith.select %ge3A_1544, %broadcast_in_dim3A_1560, %select_n3A_1537 : vector<16xi1>, vector<16xi32>
      %get3A_1562 = arith.constant 0 : i32
      %get3A_1563 = arith.index_cast %get3A_1562 : i32 to index
      %get3A_1564 = arith.constant 64 : index
      %get3A_1565 = tpu.vector_load %arg13[%get3A_1563, %get3A_1564] {strides = array<i32>} : memref<8x128xi32, #tpu.memory_space<vmem>>, vector<16xi32>,
      %ge3A_1566 = arith.constant 0 : i32
      %ge3A_1567 = vector.broadcast %ge3A_1566 : i32 to vector<16xi32>
      %ge3A_1568 = arith.cmpi sge, %get3A_1565, %ge3A_1567 : vector<16xi32>
      %get3A_1569 = arith.constant 64 : index
      %get3A_1570 = tpu.vector_load %arg14[%get3A_1569] {strides = array<i32>} : memref<1024xf32, #tpu.memory_space<vmem>>, vector<16xf32>,
      %jit3A_1571 = arith.constant 0.000000e+00 : f32
      %broadcast_in_dim3A_1572 = vector.broadcast %jit3A_1571 : f32 to vector<16xf32>
      %select_n3A_1573 = arith.select %ge3A_1568, %get3A_1570, %broadcast_in_dim3A_1572 : vector<16xi1>, vector<16xf32>
      %swap3A_1574 = arith.constant 64 : index
      %swap3A_1575 = tpu.vector_load %arg14[%swap3A_1574] {strides = array<i32>} : memref<1024xf32, #tpu.memory_space<vmem>>, vector<16xf32>,
      tpu.vector_store %arg14[%swap3A_1574], %select_n3A_1573 {strides = array<i32>} : memref<1024xf32, #tpu.memory_space<vmem>>, vector<16xf32>,
      %max3A_1576 = arith.constant 0 : i32
      %max3A_1577 = vector.broadcast %max3A_1576 : i32 to vector<16xi32>
      %max3A_1578 = arith.maxsi %get3A_1565, %max3A_1577 : vector<16xi32>
      %swap3A_1579 = arith.constant 0 : i32
      %swap3A_1580 = arith.index_cast %swap3A_1579 : i32 to index
      %swap3A_1581 = arith.constant 64 : index
      %swap3A_1582 = tpu.vector_load %arg15[%swap3A_1580, %swap3A_1581] {strides = array<i32>} : memref<8x128xi32, #tpu.memory_space<vmem>>, vector<16xi32>,
      tpu.vector_store %arg15[%swap3A_1580, %swap3A_1581], %max3A_1578 {strides = array<i32>} : memref<8x128xi32, #tpu.memory_space<vmem>>, vector<16xi32>,
      %jit3A_1583 = arith.constant 1 : i32
      %broadcast_in_dim3A_1584 = vector.broadcast %jit3A_1583 : i32 to vector<16xi32>
      %select_n3A_1585 = arith.select %ge3A_1568, %broadcast_in_dim3A_1584, %select_n3A_1561 : vector<16xi1>, vector<16xi32>
      %get3A_1586 = arith.constant 0 : i32
      %get3A_1587 = arith.index_cast %get3A_1586 : i32 to index
      %get3A_1588 = arith.constant 80 : index
      %get3A_1589 = tpu.vector_load %arg13[%get3A_1587, %get3A_1588] {strides = array<i32>} : memref<8x128xi32, #tpu.memory_space<vmem>>, vector<16xi32>,
      %ge3A_1590 = arith.constant 0 : i32
      %ge3A_1591 = vector.broadcast %ge3A_1590 : i32 to vector<16xi32>
      %ge3A_1592 = arith.cmpi sge, %get3A_1589, %ge3A_1591 : vector<16xi32>
      %get3A_1593 = arith.constant 80 : index
      %get3A_1594 = tpu.vector_load %arg14[%get3A_1593] {strides = array<i32>} : memref<1024xf32, #tpu.memory_space<vmem>>, vector<16xf32>,
      %jit3A_1595 = arith.constant 0.000000e+00 : f32
      %broadcast_in_dim3A_1596 = vector.broadcast %jit3A_1595 : f32 to vector<16xf32>
      %select_n3A_1597 = arith.select %ge3A_1592, %get3A_1594, %broadcast_in_dim3A_1596 : vector<16xi1>, vector<16xf32>
      %swap3A_1598 = arith.constant 80 : index
      %swap3A_1599 = tpu.vector_load %arg14[%swap3A_1598] {strides = array<i32>} : memref<1024xf32, #tpu.memory_space<vmem>>, vector<16xf32>,
      tpu.vector_store %arg14[%swap3A_1598], %select_n3A_1597 {strides = array<i32>} : memref<1024xf32, #tpu.memory_space<vmem>>, vector<16xf32>,
      %max3A_1600 = arith.constant 0 : i32
      %max3A_1601 = vector.broadcast %max3A_1600 : i32 to vector<16xi32>
      %max3A_1602 = arith.maxsi %get3A_1589, %max3A_1601 : vector<16xi32>
      %swap3A_1603 = arith.constant 0 : i32
      %swap3A_1604 = arith.index_cast %swap3A_1603 : i32 to index
      %swap3A_1605 = arith.constant 80 : index
      %swap3A_1606 = tpu.vector_load %arg15[%swap3A_1604, %swap3A_1605] {strides = array<i32>} : memref<8x128xi32, #tpu.memory_space<vmem>>, vector<16xi32>,
      tpu.vector_store %arg15[%swap3A_1604, %swap3A_1605], %max3A_1602 {strides = array<i32>} : memref<8x128xi32, #tpu.memory_space<vmem>>, vector<16xi32>,
      %jit3A_1607 = arith.constant 1 : i32
      %broadcast_in_dim3A_1608 = vector.broadcast %jit3A_1607 : i32 to vector<16xi32>
      %select_n3A_1609 = arith.select %ge3A_1592, %broadcast_in_dim3A_1608, %select_n3A_1585 : vector<16xi1>, vector<16xi32>
      %get3A_1610 = arith.constant 0 : i32
      %get3A_1611 = arith.index_cast %get3A_1610 : i32 to index
      %get3A_1612 = arith.constant 96 : index
      %get3A_1613 = tpu.vector_load %arg13[%get3A_1611, %get3A_1612] {strides = array<i32>} : memref<8x128xi32, #tpu.memory_space<vmem>>, vector<16xi32>,
      %ge3A_1614 = arith.constant 0 : i32
      %ge3A_1615 = vector.broadcast %ge3A_1614 : i32 to vector<16xi32>
      %ge3A_1616 = arith.cmpi sge, %get3A_1613, %ge3A_1615 : vector<16xi32>
      %get3A_1617 = arith.constant 96 : index
      %get3A_1618 = tpu.vector_load %arg14[%get3A_1617] {strides = array<i32>} : memref<1024xf32, #tpu.memory_space<vmem>>, vector<16xf32>,
      %jit3A_1619 = arith.constant 0.000000e+00 : f32
      %broadcast_in_dim3A_1620 = vector.broadcast %jit3A_1619 : f32 to vector<16xf32>
      %select_n3A_1621 = arith.select %ge3A_1616, %get3A_1618, %broadcast_in_dim3A_1620 : vector<16xi1>, vector<16xf32>
      %swap3A_1622 = arith.constant 96 : index
      %swap3A_1623 = tpu.vector_load %arg14[%swap3A_1622] {strides = array<i32>} : memref<1024xf32, #tpu.memory_space<vmem>>, vector<16xf32>,
      tpu.vector_store %arg14[%swap3A_1622], %select_n3A_1621 {strides = array<i32>} : memref<1024xf32, #tpu.memory_space<vmem>>, vector<16xf32>,
      %max3A_1624 = arith.constant 0 : i32
      %max3A_1625 = vector.broadcast %max3A_1624 : i32 to vector<16xi32>
      %max3A_1626 = arith.maxsi %get3A_1613, %max3A_1625 : vector<16xi32>
      %swap3A_1627 = arith.constant 0 : i32
      %swap3A_1628 = arith.index_cast %swap3A_1627 : i32 to index
      %swap3A_1629 = arith.constant 96 : index
      %swap3A_1630 = tpu.vector_load %arg15[%swap3A_1628, %swap3A_1629] {strides = array<i32>} : memref<8x128xi32, #tpu.memory_space<vmem>>, vector<16xi32>,
      tpu.vector_store %arg15[%swap3A_1628, %swap3A_1629], %max3A_1626 {strides = array<i32>} : memref<8x128xi32, #tpu.memory_space<vmem>>, vector<16xi32>,
      %jit3A_1631 = arith.constant 1 : i32
      %broadcast_in_dim3A_1632 = vector.broadcast %jit3A_1631 : i32 to vector<16xi32>
      %select_n3A_1633 = arith.select %ge3A_1616, %broadcast_in_dim3A_1632, %select_n3A_1609 : vector<16xi1>, vector<16xi32>
      %get3A_1634 = arith.constant 0 : i32
      %get3A_1635 = arith.index_cast %get3A_1634 : i32 to index
      %get3A_1636 = arith.constant 112 : index
      %get3A_1637 = tpu.vector_load %arg13[%get3A_1635, %get3A_1636] {strides = array<i32>} : memref<8x128xi32, #tpu.memory_space<vmem>>, vector<16xi32>,
      %ge3A_1638 = arith.constant 0 : i32
      %ge3A_1639 = vector.broadcast %ge3A_1638 : i32 to vector<16xi32>
      %ge3A_1640 = arith.cmpi sge, %get3A_1637, %ge3A_1639 : vector<16xi32>
      %get3A_1641 = arith.constant 112 : index
      %get3A_1642 = tpu.vector_load %arg14[%get3A_1641] {strides = array<i32>} : memref<1024xf32, #tpu.memory_space<vmem>>, vector<16xf32>,
      %jit3A_1643 = arith.constant 0.000000e+00 : f32
      %broadcast_in_dim3A_1644 = vector.broadcast %jit3A_1643 : f32 to vector<16xf32>
      %select_n3A_1645 = arith.select %ge3A_1640, %get3A_1642, %broadcast_in_dim3A_1644 : vector<16xi1>, vector<16xf32>
      %swap3A_1646 = arith.constant 112 : index
      %swap3A_1647 = tpu.vector_load %arg14[%swap3A_1646] {strides = array<i32>} : memref<1024xf32, #tpu.memory_space<vmem>>, vector<16xf32>,
      tpu.vector_store %arg14[%swap3A_1646], %select_n3A_1645 {strides = array<i32>} : memref<1024xf32, #tpu.memory_space<vmem>>, vector<16xf32>,
      %max3A_1648 = arith.constant 0 : i32
      %max3A_1649 = vector.broadcast %max3A_1648 : i32 to vector<16xi32>
      %max3A_1650 = arith.maxsi %get3A_1637, %max3A_1649 : vector<16xi32>
      %swap3A_1651 = arith.constant 0 : i32
      %swap3A_1652 = arith.index_cast %swap3A_1651 : i32 to index
      %swap3A_1653 = arith.constant 112 : index
      %swap3A_1654 = tpu.vector_load %arg15[%swap3A_1652, %swap3A_1653] {strides = array<i32>} : memref<8x128xi32, #tpu.memory_space<vmem>>, vector<16xi32>,
      tpu.vector_store %arg15[%swap3A_1652, %swap3A_1653], %max3A_1650 {strides = array<i32>} : memref<8x128xi32, #tpu.memory_space<vmem>>, vector<16xi32>,
      %jit3A_1655 = arith.constant 1 : i32
      %broadcast_in_dim3A_1656 = vector.broadcast %jit3A_1655 : i32 to vector<16xi32>
      %select_n3A_1657 = arith.select %ge3A_1640, %broadcast_in_dim3A_1656, %select_n3A_1633 : vector<16xi1>, vector<16xi32>
      %swap3A_1658 = arith.constant 0 : index
      %swap3A_1659 = tpu.vector_load %arg18[%swap3A_1658] {strides = array<i32>} : memref<128xi32, #tpu.memory_space<vmem>>, vector<16xi32>,
      tpu.vector_store %arg18[%swap3A_1658], %select_n3A_1657 {strides = array<i32>} : memref<128xi32, #tpu.memory_space<vmem>>, vector<16xi32>,
      %broadcast_in_dim3A_1660 = arith.constant 0 : i32
      %broadcast_in_dim3A_1661 = vector.broadcast %broadcast_in_dim3A_1660 : i32 to vector<16xi32>
      %get3A_1662 = arith.constant 1 : i32
      %get3A_1663 = arith.index_cast %get3A_1662 : i32 to index
      %get3A_1664 = arith.constant 0 : index
      %get3A_1665 = tpu.vector_load %arg13[%get3A_1663, %get3A_1664] {strides = array<i32>} : memref<8x128xi32, #tpu.memory_space<vmem>>, vector<16xi32>,
      %ge3A_1666 = arith.constant 0 : i32
      %ge3A_1667 = vector.broadcast %ge3A_1666 : i32 to vector<16xi32>
      %ge3A_1668 = arith.cmpi sge, %get3A_1665, %ge3A_1667 : vector<16xi32>
      %get3A_1669 = arith.constant 128 : index
      %get3A_1670 = tpu.vector_load %arg14[%get3A_1669] {strides = array<i32>} : memref<1024xf32, #tpu.memory_space<vmem>>, vector<16xf32>,
      %jit3A_1671 = arith.constant 0.000000e+00 : f32
      %broadcast_in_dim3A_1672 = vector.broadcast %jit3A_1671 : f32 to vector<16xf32>
      %select_n3A_1673 = arith.select %ge3A_1668, %get3A_1670, %broadcast_in_dim3A_1672 : vector<16xi1>, vector<16xf32>
      %swap3A_1674 = arith.constant 128 : index
      %swap3A_1675 = tpu.vector_load %arg14[%swap3A_1674] {strides = array<i32>} : memref<1024xf32, #tpu.memory_space<vmem>>, vector<16xf32>,
      tpu.vector_store %arg14[%swap3A_1674], %select_n3A_1673 {strides = array<i32>} : memref<1024xf32, #tpu.memory_space<vmem>>, vector<16xf32>,
      %max3A_1676 = arith.constant 0 : i32
      %max3A_1677 = vector.broadcast %max3A_1676 : i32 to vector<16xi32>
      %max3A_1678 = arith.maxsi %get3A_1665, %max3A_1677 : vector<16xi32>
      %swap3A_1679 = arith.constant 1 : i32
      %swap3A_1680 = arith.index_cast %swap3A_1679 : i32 to index
      %swap3A_1681 = arith.constant 0 : index
      %swap3A_1682 = tpu.vector_load %arg15[%swap3A_1680, %swap3A_1681] {strides = array<i32>} : memref<8x128xi32, #tpu.memory_space<vmem>>, vector<16xi32>,
      tpu.vector_store %arg15[%swap3A_1680, %swap3A_1681], %max3A_1678 {strides = array<i32>} : memref<8x128xi32, #tpu.memory_space<vmem>>, vector<16xi32>,
      %jit3A_1683 = arith.constant 1 : i32
      %broadcast_in_dim3A_1684 = vector.broadcast %jit3A_1683 : i32 to vector<16xi32>
      %select_n3A_1685 = arith.select %ge3A_1668, %broadcast_in_dim3A_1684, %broadcast_in_dim3A_1661 : vector<16xi1>, vector<16xi32>
      %get3A_1686 = arith.constant 1 : i32
      %get3A_1687 = arith.index_cast %get3A_1686 : i32 to index
      %get3A_1688 = arith.constant 16 : index
      %get3A_1689 = tpu.vector_load %arg13[%get3A_1687, %get3A_1688] {strides = array<i32>} : memref<8x128xi32, #tpu.memory_space<vmem>>, vector<16xi32>,
      %ge3A_1690 = arith.constant 0 : i32
      %ge3A_1691 = vector.broadcast %ge3A_1690 : i32 to vector<16xi32>
      %ge3A_1692 = arith.cmpi sge, %get3A_1689, %ge3A_1691 : vector<16xi32>
      %get3A_1693 = arith.constant 144 : index
      %get3A_1694 = tpu.vector_load %arg14[%get3A_1693] {strides = array<i32>} : memref<1024xf32, #tpu.memory_space<vmem>>, vector<16xf32>,
      %jit3A_1695 = arith.constant 0.000000e+00 : f32
      %broadcast_in_dim3A_1696 = vector.broadcast %jit3A_1695 : f32 to vector<16xf32>
      %select_n3A_1697 = arith.select %ge3A_1692, %get3A_1694, %broadcast_in_dim3A_1696 : vector<16xi1>, vector<16xf32>
      %swap3A_1698 = arith.constant 144 : index
      %swap3A_1699 = tpu.vector_load %arg14[%swap3A_1698] {strides = array<i32>} : memref<1024xf32, #tpu.memory_space<vmem>>, vector<16xf32>,
      tpu.vector_store %arg14[%swap3A_1698], %select_n3A_1697 {strides = array<i32>} : memref<1024xf32, #tpu.memory_space<vmem>>, vector<16xf32>,
      %max3A_1700 = arith.constant 0 : i32
      %max3A_1701 = vector.broadcast %max3A_1700 : i32 to vector<16xi32>
      %max3A_1702 = arith.maxsi %get3A_1689, %max3A_1701 : vector<16xi32>
      %swap3A_1703 = arith.constant 1 : i32
      %swap3A_1704 = arith.index_cast %swap3A_1703 : i32 to index
      %swap3A_1705 = arith.constant 16 : index
      %swap3A_1706 = tpu.vector_load %arg15[%swap3A_1704, %swap3A_1705] {strides = array<i32>} : memref<8x128xi32, #tpu.memory_space<vmem>>, vector<16xi32>,
      tpu.vector_store %arg15[%swap3A_1704, %swap3A_1705], %max3A_1702 {strides = array<i32>} : memref<8x128xi32, #tpu.memory_space<vmem>>, vector<16xi32>,
      %jit3A_1707 = arith.constant 1 : i32
      %broadcast_in_dim3A_1708 = vector.broadcast %jit3A_1707 : i32 to vector<16xi32>
      %select_n3A_1709 = arith.select %ge3A_1692, %broadcast_in_dim3A_1708, %select_n3A_1685 : vector<16xi1>, vector<16xi32>
      %get3A_1710 = arith.constant 1 : i32
      %get3A_1711 = arith.index_cast %get3A_1710 : i32 to index
      %get3A_1712 = arith.constant 32 : index
      %get3A_1713 = tpu.vector_load %arg13[%get3A_1711, %get3A_1712] {strides = array<i32>} : memref<8x128xi32, #tpu.memory_space<vmem>>, vector<16xi32>,
      %ge3A_1714 = arith.constant 0 : i32
      %ge3A_1715 = vector.broadcast %ge3A_1714 : i32 to vector<16xi32>
      %ge3A_1716 = arith.cmpi sge, %get3A_1713, %ge3A_1715 : vector<16xi32>
      %get3A_1717 = arith.constant 160 : index
      %get3A_1718 = tpu.vector_load %arg14[%get3A_1717] {strides = array<i32>} : memref<1024xf32, #tpu.memory_space<vmem>>, vector<16xf32>,
      %jit3A_1719 = arith.constant 0.000000e+00 : f32
      %broadcast_in_dim3A_1720 = vector.broadcast %jit3A_1719 : f32 to vector<16xf32>
      %select_n3A_1721 = arith.select %ge3A_1716, %get3A_1718, %broadcast_in_dim3A_1720 : vector<16xi1>, vector<16xf32>
      %swap3A_1722 = arith.constant 160 : index
      %swap3A_1723 = tpu.vector_load %arg14[%swap3A_1722] {strides = array<i32>} : memref<1024xf32, #tpu.memory_space<vmem>>, vector<16xf32>,
      tpu.vector_store %arg14[%swap3A_1722], %select_n3A_1721 {strides = array<i32>} : memref<1024xf32, #tpu.memory_space<vmem>>, vector<16xf32>,
      %max3A_1724 = arith.constant 0 : i32
      %max3A_1725 = vector.broadcast %max3A_1724 : i32 to vector<16xi32>
      %max3A_1726 = arith.maxsi %get3A_1713, %max3A_1725 : vector<16xi32>
      %swap3A_1727 = arith.constant 1 : i32
      %swap3A_1728 = arith.index_cast %swap3A_1727 : i32 to index
      %swap3A_1729 = arith.constant 32 : index
      %swap3A_1730 = tpu.vector_load %arg15[%swap3A_1728, %swap3A_1729] {strides = array<i32>} : memref<8x128xi32, #tpu.memory_space<vmem>>, vector<16xi32>,
      tpu.vector_store %arg15[%swap3A_1728, %swap3A_1729], %max3A_1726 {strides = array<i32>} : memref<8x128xi32, #tpu.memory_space<vmem>>, vector<16xi32>,
      %jit3A_1731 = arith.constant 1 : i32
      %broadcast_in_dim3A_1732 = vector.broadcast %jit3A_1731 : i32 to vector<16xi32>
      %select_n3A_1733 = arith.select %ge3A_1716, %broadcast_in_dim3A_1732, %select_n3A_1709 : vector<16xi1>, vector<16xi32>
      %get3A_1734 = arith.constant 1 : i32
      %get3A_1735 = arith.index_cast %get3A_1734 : i32 to index
      %get3A_1736 = arith.constant 48 : index
      %get3A_1737 = tpu.vector_load %arg13[%get3A_1735, %get3A_1736] {strides = array<i32>} : memref<8x128xi32, #tpu.memory_space<vmem>>, vector<16xi32>,
      %ge3A_1738 = arith.constant 0 : i32
      %ge3A_1739 = vector.broadcast %ge3A_1738 : i32 to vector<16xi32>
      %ge3A_1740 = arith.cmpi sge, %get3A_1737, %ge3A_1739 : vector<16xi32>
      %get3A_1741 = arith.constant 176 : index
      %get3A_1742 = tpu.vector_load %arg14[%get3A_1741] {strides = array<i32>} : memref<1024xf32, #tpu.memory_space<vmem>>, vector<16xf32>,
      %jit3A_1743 = arith.constant 0.000000e+00 : f32
      %broadcast_in_dim3A_1744 = vector.broadcast %jit3A_1743 : f32 to vector<16xf32>
      %select_n3A_1745 = arith.select %ge3A_1740, %get3A_1742, %broadcast_in_dim3A_1744 : vector<16xi1>, vector<16xf32>
      %swap3A_1746 = arith.constant 176 : index
      %swap3A_1747 = tpu.vector_load %arg14[%swap3A_1746] {strides = array<i32>} : memref<1024xf32, #tpu.memory_space<vmem>>, vector<16xf32>,
      tpu.vector_store %arg14[%swap3A_1746], %select_n3A_1745 {strides = array<i32>} : memref<1024xf32, #tpu.memory_space<vmem>>, vector<16xf32>,
      %max3A_1748 = arith.constant 0 : i32
      %max3A_1749 = vector.broadcast %max3A_1748 : i32 to vector<16xi32>
      %max3A_1750 = arith.maxsi %get3A_1737, %max3A_1749 : vector<16xi32>
      %swap3A_1751 = arith.constant 1 : i32
      %swap3A_1752 = arith.index_cast %swap3A_1751 : i32 to index
      %swap3A_1753 = arith.constant 48 : index
      %swap3A_1754 = tpu.vector_load %arg15[%swap3A_1752, %swap3A_1753] {strides = array<i32>} : memref<8x128xi32, #tpu.memory_space<vmem>>, vector<16xi32>,
      tpu.vector_store %arg15[%swap3A_1752, %swap3A_1753], %max3A_1750 {strides = array<i32>} : memref<8x128xi32, #tpu.memory_space<vmem>>, vector<16xi32>,
      %jit3A_1755 = arith.constant 1 : i32
      %broadcast_in_dim3A_1756 = vector.broadcast %jit3A_1755 : i32 to vector<16xi32>
      %select_n3A_1757 = arith.select %ge3A_1740, %broadcast_in_dim3A_1756, %select_n3A_1733 : vector<16xi1>, vector<16xi32>
      %get3A_1758 = arith.constant 1 : i32
      %get3A_1759 = arith.index_cast %get3A_1758 : i32 to index
      %get3A_1760 = arith.constant 64 : index
      %get3A_1761 = tpu.vector_load %arg13[%get3A_1759, %get3A_1760] {strides = array<i32>} : memref<8x128xi32, #tpu.memory_space<vmem>>, vector<16xi32>,
      %ge3A_1762 = arith.constant 0 : i32
      %ge3A_1763 = vector.broadcast %ge3A_1762 : i32 to vector<16xi32>
      %ge3A_1764 = arith.cmpi sge, %get3A_1761, %ge3A_1763 : vector<16xi32>
      %get3A_1765 = arith.constant 192 : index
      %get3A_1766 = tpu.vector_load %arg14[%get3A_1765] {strides = array<i32>} : memref<1024xf32, #tpu.memory_space<vmem>>, vector<16xf32>,
      %jit3A_1767 = arith.constant 0.000000e+00 : f32
      %broadcast_in_dim3A_1768 = vector.broadcast %jit3A_1767 : f32 to vector<16xf32>
      %select_n3A_1769 = arith.select %ge3A_1764, %get3A_1766, %broadcast_in_dim3A_1768 : vector<16xi1>, vector<16xf32>
      %swap3A_1770 = arith.constant 192 : index
      %swap3A_1771 = tpu.vector_load %arg14[%swap3A_1770] {strides = array<i32>} : memref<1024xf32, #tpu.memory_space<vmem>>, vector<16xf32>,
      tpu.vector_store %arg14[%swap3A_1770], %select_n3A_1769 {strides = array<i32>} : memref<1024xf32, #tpu.memory_space<vmem>>, vector<16xf32>,
      %max3A_1772 = arith.constant 0 : i32
      %max3A_1773 = vector.broadcast %max3A_1772 : i32 to vector<16xi32>
      %max3A_1774 = arith.maxsi %get3A_1761, %max3A_1773 : vector<16xi32>
      %swap3A_1775 = arith.constant 1 : i32
      %swap3A_1776 = arith.index_cast %swap3A_1775 : i32 to index
      %swap3A_1777 = arith.constant 64 : index
      %swap3A_1778 = tpu.vector_load %arg15[%swap3A_1776, %swap3A_1777] {strides = array<i32>} : memref<8x128xi32, #tpu.memory_space<vmem>>, vector<16xi32>,
      tpu.vector_store %arg15[%swap3A_1776, %swap3A_1777], %max3A_1774 {strides = array<i32>} : memref<8x128xi32, #tpu.memory_space<vmem>>, vector<16xi32>,
      %jit3A_1779 = arith.constant 1 : i32
      %broadcast_in_dim3A_1780 = vector.broadcast %jit3A_1779 : i32 to vector<16xi32>
      %select_n3A_1781 = arith.select %ge3A_1764, %broadcast_in_dim3A_1780, %select_n3A_1757 : vector<16xi1>, vector<16xi32>
      %get3A_1782 = arith.constant 1 : i32
      %get3A_1783 = arith.index_cast %get3A_1782 : i32 to index
      %get3A_1784 = arith.constant 80 : index
      %get3A_1785 = tpu.vector_load %arg13[%get3A_1783, %get3A_1784] {strides = array<i32>} : memref<8x128xi32, #tpu.memory_space<vmem>>, vector<16xi32>,
      %ge3A_1786 = arith.constant 0 : i32
      %ge3A_1787 = vector.broadcast %ge3A_1786 : i32 to vector<16xi32>
      %ge3A_1788 = arith.cmpi sge, %get3A_1785, %ge3A_1787 : vector<16xi32>
      %get3A_1789 = arith.constant 208 : index
      %get3A_1790 = tpu.vector_load %arg14[%get3A_1789] {strides = array<i32>} : memref<1024xf32, #tpu.memory_space<vmem>>, vector<16xf32>,
      %jit3A_1791 = arith.constant 0.000000e+00 : f32
      %broadcast_in_dim3A_1792 = vector.broadcast %jit3A_1791 : f32 to vector<16xf32>
      %select_n3A_1793 = arith.select %ge3A_1788, %get3A_1790, %broadcast_in_dim3A_1792 : vector<16xi1>, vector<16xf32>
      %swap3A_1794 = arith.constant 208 : index
      %swap3A_1795 = tpu.vector_load %arg14[%swap3A_1794] {strides = array<i32>} : memref<1024xf32, #tpu.memory_space<vmem>>, vector<16xf32>,
      tpu.vector_store %arg14[%swap3A_1794], %select_n3A_1793 {strides = array<i32>} : memref<1024xf32, #tpu.memory_space<vmem>>, vector<16xf32>,
      %max3A_1796 = arith.constant 0 : i32
      %max3A_1797 = vector.broadcast %max3A_1796 : i32 to vector<16xi32>
      %max3A_1798 = arith.maxsi %get3A_1785, %max3A_1797 : vector<16xi32>
      %swap3A_1799 = arith.constant 1 : i32
      %swap3A_1800 = arith.index_cast %swap3A_1799 : i32 to index
      %swap3A_1801 = arith.constant 80 : index
      %swap3A_1802 = tpu.vector_load %arg15[%swap3A_1800, %swap3A_1801] {strides = array<i32>} : memref<8x128xi32, #tpu.memory_space<vmem>>, vector<16xi32>,
      tpu.vector_store %arg15[%swap3A_1800, %swap3A_1801], %max3A_1798 {strides = array<i32>} : memref<8x128xi32, #tpu.memory_space<vmem>>, vector<16xi32>,
      %jit3A_1803 = arith.constant 1 : i32
      %broadcast_in_dim3A_1804 = vector.broadcast %jit3A_1803 : i32 to vector<16xi32>
      %select_n3A_1805 = arith.select %ge3A_1788, %broadcast_in_dim3A_1804, %select_n3A_1781 : vector<16xi1>, vector<16xi32>
      %get3A_1806 = arith.constant 1 : i32
      %get3A_1807 = arith.index_cast %get3A_1806 : i32 to index
      %get3A_1808 = arith.constant 96 : index
      %get3A_1809 = tpu.vector_load %arg13[%get3A_1807, %get3A_1808] {strides = array<i32>} : memref<8x128xi32, #tpu.memory_space<vmem>>, vector<16xi32>,
      %ge3A_1810 = arith.constant 0 : i32
      %ge3A_1811 = vector.broadcast %ge3A_1810 : i32 to vector<16xi32>
      %ge3A_1812 = arith.cmpi sge, %get3A_1809, %ge3A_1811 : vector<16xi32>
      %get3A_1813 = arith.constant 224 : index
      %get3A_1814 = tpu.vector_load %arg14[%get3A_1813] {strides = array<i32>} : memref<1024xf32, #tpu.memory_space<vmem>>, vector<16xf32>,
      %jit3A_1815 = arith.constant 0.000000e+00 : f32
      %broadcast_in_dim3A_1816 = vector.broadcast %jit3A_1815 : f32 to vector<16xf32>
      %select_n3A_1817 = arith.select %ge3A_1812, %get3A_1814, %broadcast_in_dim3A_1816 : vector<16xi1>, vector<16xf32>
      %swap3A_1818 = arith.constant 224 : index
      %swap3A_1819 = tpu.vector_load %arg14[%swap3A_1818] {strides = array<i32>} : memref<1024xf32, #tpu.memory_space<vmem>>, vector<16xf32>,
      tpu.vector_store %arg14[%swap3A_1818], %select_n3A_1817 {strides = array<i32>} : memref<1024xf32, #tpu.memory_space<vmem>>, vector<16xf32>,
      %max3A_1820 = arith.constant 0 : i32
      %max3A_1821 = vector.broadcast %max3A_1820 : i32 to vector<16xi32>
      %max3A_1822 = arith.maxsi %get3A_1809, %max3A_1821 : vector<16xi32>
      %swap3A_1823 = arith.constant 1 : i32
      %swap3A_1824 = arith.index_cast %swap3A_1823 : i32 to index
      %swap3A_1825 = arith.constant 96 : index
      %swap3A_1826 = tpu.vector_load %arg15[%swap3A_1824, %swap3A_1825] {strides = array<i32>} : memref<8x128xi32, #tpu.memory_space<vmem>>, vector<16xi32>,
      tpu.vector_store %arg15[%swap3A_1824, %swap3A_1825], %max3A_1822 {strides = array<i32>} : memref<8x128xi32, #tpu.memory_space<vmem>>, vector<16xi32>,
      %jit3A_1827 = arith.constant 1 : i32
      %broadcast_in_dim3A_1828 = vector.broadcast %jit3A_1827 : i32 to vector<16xi32>
      %select_n3A_1829 = arith.select %ge3A_1812, %broadcast_in_dim3A_1828, %select_n3A_1805 : vector<16xi1>, vector<16xi32>
      %get3A_1830 = arith.constant 1 : i32
      %get3A_1831 = arith.index_cast %get3A_1830 : i32 to index
      %get3A_1832 = arith.constant 112 : index
      %get3A_1833 = tpu.vector_load %arg13[%get3A_1831, %get3A_1832] {strides = array<i32>} : memref<8x128xi32, #tpu.memory_space<vmem>>, vector<16xi32>,
      %ge3A_1834 = arith.constant 0 : i32
      %ge3A_1835 = vector.broadcast %ge3A_1834 : i32 to vector<16xi32>
      %ge3A_1836 = arith.cmpi sge, %get3A_1833, %ge3A_1835 : vector<16xi32>
      %get3A_1837 = arith.constant 240 : index
      %get3A_1838 = tpu.vector_load %arg14[%get3A_1837] {strides = array<i32>} : memref<1024xf32, #tpu.memory_space<vmem>>, vector<16xf32>,
      %jit3A_1839 = arith.constant 0.000000e+00 : f32
      %broadcast_in_dim3A_1840 = vector.broadcast %jit3A_1839 : f32 to vector<16xf32>
      %select_n3A_1841 = arith.select %ge3A_1836, %get3A_1838, %broadcast_in_dim3A_1840 : vector<16xi1>, vector<16xf32>
      %swap3A_1842 = arith.constant 240 : index
      %swap3A_1843 = tpu.vector_load %arg14[%swap3A_1842] {strides = array<i32>} : memref<1024xf32, #tpu.memory_space<vmem>>, vector<16xf32>,
      tpu.vector_store %arg14[%swap3A_1842], %select_n3A_1841 {strides = array<i32>} : memref<1024xf32, #tpu.memory_space<vmem>>, vector<16xf32>,
      %max3A_1844 = arith.constant 0 : i32
      %max3A_1845 = vector.broadcast %max3A_1844 : i32 to vector<16xi32>
      %max3A_1846 = arith.maxsi %get3A_1833, %max3A_1845 : vector<16xi32>
      %swap3A_1847 = arith.constant 1 : i32
      %swap3A_1848 = arith.index_cast %swap3A_1847 : i32 to index
      %swap3A_1849 = arith.constant 112 : index
      %swap3A_1850 = tpu.vector_load %arg15[%swap3A_1848, %swap3A_1849] {strides = array<i32>} : memref<8x128xi32, #tpu.memory_space<vmem>>, vector<16xi32>,
      tpu.vector_store %arg15[%swap3A_1848, %swap3A_1849], %max3A_1846 {strides = array<i32>} : memref<8x128xi32, #tpu.memory_space<vmem>>, vector<16xi32>,
      %jit3A_1851 = arith.constant 1 : i32
      %broadcast_in_dim3A_1852 = vector.broadcast %jit3A_1851 : i32 to vector<16xi32>
      %select_n3A_1853 = arith.select %ge3A_1836, %broadcast_in_dim3A_1852, %select_n3A_1829 : vector<16xi1>, vector<16xi32>
      %swap3A_1854 = arith.constant 16 : index
      %swap3A_1855 = tpu.vector_load %arg18[%swap3A_1854] {strides = array<i32>} : memref<128xi32, #tpu.memory_space<vmem>>, vector<16xi32>,
      tpu.vector_store %arg18[%swap3A_1854], %select_n3A_1853 {strides = array<i32>} : memref<128xi32, #tpu.memory_space<vmem>>, vector<16xi32>,
      %broadcast_in_dim3A_1856 = arith.constant 0 : i32
      %broadcast_in_dim3A_1857 = vector.broadcast %broadcast_in_dim3A_1856 : i32 to vector<16xi32>
      %get3A_1858 = arith.constant 2 : i32
      %get3A_1859 = arith.index_cast %get3A_1858 : i32 to index
      %get3A_1860 = arith.constant 0 : index
      %get3A_1861 = tpu.vector_load %arg13[%get3A_1859, %get3A_1860] {strides = array<i32>} : memref<8x128xi32, #tpu.memory_space<vmem>>, vector<16xi32>,
      %ge3A_1862 = arith.constant 0 : i32
      %ge3A_1863 = vector.broadcast %ge3A_1862 : i32 to vector<16xi32>
      %ge3A_1864 = arith.cmpi sge, %get3A_1861, %ge3A_1863 : vector<16xi32>
      %get3A_1865 = arith.constant 256 : index
      %get3A_1866 = tpu.vector_load %arg14[%get3A_1865] {strides = array<i32>} : memref<1024xf32, #tpu.memory_space<vmem>>, vector<16xf32>,
      %jit3A_1867 = arith.constant 0.000000e+00 : f32
      %broadcast_in_dim3A_1868 = vector.broadcast %jit3A_1867 : f32 to vector<16xf32>
      %select_n3A_1869 = arith.select %ge3A_1864, %get3A_1866, %broadcast_in_dim3A_1868 : vector<16xi1>, vector<16xf32>
      %swap3A_1870 = arith.constant 256 : index
      %swap3A_1871 = tpu.vector_load %arg14[%swap3A_1870] {strides = array<i32>} : memref<1024xf32, #tpu.memory_space<vmem>>, vector<16xf32>,
      tpu.vector_store %arg14[%swap3A_1870], %select_n3A_1869 {strides = array<i32>} : memref<1024xf32, #tpu.memory_space<vmem>>, vector<16xf32>,
      %max3A_1872 = arith.constant 0 : i32
      %max3A_1873 = vector.broadcast %max3A_1872 : i32 to vector<16xi32>
      %max3A_1874 = arith.maxsi %get3A_1861, %max3A_1873 : vector<16xi32>
      %swap3A_1875 = arith.constant 2 : i32
      %swap3A_1876 = arith.index_cast %swap3A_1875 : i32 to index
      %swap3A_1877 = arith.constant 0 : index
      %swap3A_1878 = tpu.vector_load %arg15[%swap3A_1876, %swap3A_1877] {strides = array<i32>} : memref<8x128xi32, #tpu.memory_space<vmem>>, vector<16xi32>,
      tpu.vector_store %arg15[%swap3A_1876, %swap3A_1877], %max3A_1874 {strides = array<i32>} : memref<8x128xi32, #tpu.memory_space<vmem>>, vector<16xi32>,
      %jit3A_1879 = arith.constant 1 : i32
      %broadcast_in_dim3A_1880 = vector.broadcast %jit3A_1879 : i32 to vector<16xi32>
      %select_n3A_1881 = arith.select %ge3A_1864, %broadcast_in_dim3A_1880, %broadcast_in_dim3A_1857 : vector<16xi1>, vector<16xi32>
      %get3A_1882 = arith.constant 2 : i32
      %get3A_1883 = arith.index_cast %get3A_1882 : i32 to index
      %get3A_1884 = arith.constant 16 : index
      %get3A_1885 = tpu.vector_load %arg13[%get3A_1883, %get3A_1884] {strides = array<i32>} : memref<8x128xi32, #tpu.memory_space<vmem>>, vector<16xi32>,
      %ge3A_1886 = arith.constant 0 : i32
      %ge3A_1887 = vector.broadcast %ge3A_1886 : i32 to vector<16xi32>
      %ge3A_1888 = arith.cmpi sge, %get3A_1885, %ge3A_1887 : vector<16xi32>
      %get3A_1889 = arith.constant 272 : index
      %get3A_1890 = tpu.vector_load %arg14[%get3A_1889] {strides = array<i32>} : memref<1024xf32, #tpu.memory_space<vmem>>, vector<16xf32>,
      %jit3A_1891 = arith.constant 0.000000e+00 : f32
      %broadcast_in_dim3A_1892 = vector.broadcast %jit3A_1891 : f32 to vector<16xf32>
      %select_n3A_1893 = arith.select %ge3A_1888, %get3A_1890, %broadcast_in_dim3A_1892 : vector<16xi1>, vector<16xf32>
      %swap3A_1894 = arith.constant 272 : index
      %swap3A_1895 = tpu.vector_load %arg14[%swap3A_1894] {strides = array<i32>} : memref<1024xf32, #tpu.memory_space<vmem>>, vector<16xf32>,
      tpu.vector_store %arg14[%swap3A_1894], %select_n3A_1893 {strides = array<i32>} : memref<1024xf32, #tpu.memory_space<vmem>>, vector<16xf32>,
      %max3A_1896 = arith.constant 0 : i32
      %max3A_1897 = vector.broadcast %max3A_1896 : i32 to vector<16xi32>
      %max3A_1898 = arith.maxsi %get3A_1885, %max3A_1897 : vector<16xi32>
      %swap3A_1899 = arith.constant 2 : i32
      %swap3A_1900 = arith.index_cast %swap3A_1899 : i32 to index
      %swap3A_1901 = arith.constant 16 : index
      %swap3A_1902 = tpu.vector_load %arg15[%swap3A_1900, %swap3A_1901] {strides = array<i32>} : memref<8x128xi32, #tpu.memory_space<vmem>>, vector<16xi32>,
      tpu.vector_store %arg15[%swap3A_1900, %swap3A_1901], %max3A_1898 {strides = array<i32>} : memref<8x128xi32, #tpu.memory_space<vmem>>, vector<16xi32>,
      %jit3A_1903 = arith.constant 1 : i32
      %broadcast_in_dim3A_1904 = vector.broadcast %jit3A_1903 : i32 to vector<16xi32>
      %select_n3A_1905 = arith.select %ge3A_1888, %broadcast_in_dim3A_1904, %select_n3A_1881 : vector<16xi1>, vector<16xi32>
      %get3A_1906 = arith.constant 2 : i32
      %get3A_1907 = arith.index_cast %get3A_1906 : i32 to index
      %get3A_1908 = arith.constant 32 : index
      %get3A_1909 = tpu.vector_load %arg13[%get3A_1907, %get3A_1908] {strides = array<i32>} : memref<8x128xi32, #tpu.memory_space<vmem>>, vector<16xi32>,
      %ge3A_1910 = arith.constant 0 : i32
      %ge3A_1911 = vector.broadcast %ge3A_1910 : i32 to vector<16xi32>
      %ge3A_1912 = arith.cmpi sge, %get3A_1909, %ge3A_1911 : vector<16xi32>
      %get3A_1913 = arith.constant 288 : index
      %get3A_1914 = tpu.vector_load %arg14[%get3A_1913] {strides = array<i32>} : memref<1024xf32, #tpu.memory_space<vmem>>, vector<16xf32>,
      %jit3A_1915 = arith.constant 0.000000e+00 : f32
      %broadcast_in_dim3A_1916 = vector.broadcast %jit3A_1915 : f32 to vector<16xf32>
      %select_n3A_1917 = arith.select %ge3A_1912, %get3A_1914, %broadcast_in_dim3A_1916 : vector<16xi1>, vector<16xf32>
      %swap3A_1918 = arith.constant 288 : index
      %swap3A_1919 = tpu.vector_load %arg14[%swap3A_1918] {strides = array<i32>} : memref<1024xf32, #tpu.memory_space<vmem>>, vector<16xf32>,
      tpu.vector_store %arg14[%swap3A_1918], %select_n3A_1917 {strides = array<i32>} : memref<1024xf32, #tpu.memory_space<vmem>>, vector<16xf32>,
      %max3A_1920 = arith.constant 0 : i32
      %max3A_1921 = vector.broadcast %max3A_1920 : i32 to vector<16xi32>
      %max3A_1922 = arith.maxsi %get3A_1909, %max3A_1921 : vector<16xi32>
      %swap3A_1923 = arith.constant 2 : i32
      %swap3A_1924 = arith.index_cast %swap3A_1923 : i32 to index
      %swap3A_1925 = arith.constant 32 : index
      %swap3A_1926 = tpu.vector_load %arg15[%swap3A_1924, %swap3A_1925] {strides = array<i32>} : memref<8x128xi32, #tpu.memory_space<vmem>>, vector<16xi32>,
      tpu.vector_store %arg15[%swap3A_1924, %swap3A_1925], %max3A_1922 {strides = array<i32>} : memref<8x128xi32, #tpu.memory_space<vmem>>, vector<16xi32>,
      %jit3A_1927 = arith.constant 1 : i32
      %broadcast_in_dim3A_1928 = vector.broadcast %jit3A_1927 : i32 to vector<16xi32>
      %select_n3A_1929 = arith.select %ge3A_1912, %broadcast_in_dim3A_1928, %select_n3A_1905 : vector<16xi1>, vector<16xi32>
      %get3A_1930 = arith.constant 2 : i32
      %get3A_1931 = arith.index_cast %get3A_1930 : i32 to index
      %get3A_1932 = arith.constant 48 : index
      %get3A_1933 = tpu.vector_load %arg13[%get3A_1931, %get3A_1932] {strides = array<i32>} : memref<8x128xi32, #tpu.memory_space<vmem>>, vector<16xi32>,
      %ge3A_1934 = arith.constant 0 : i32
      %ge3A_1935 = vector.broadcast %ge3A_1934 : i32 to vector<16xi32>
      %ge3A_1936 = arith.cmpi sge, %get3A_1933, %ge3A_1935 : vector<16xi32>
      %get3A_1937 = arith.constant 304 : index
      %get3A_1938 = tpu.vector_load %arg14[%get3A_1937] {strides = array<i32>} : memref<1024xf32, #tpu.memory_space<vmem>>, vector<16xf32>,
      %jit3A_1939 = arith.constant 0.000000e+00 : f32
      %broadcast_in_dim3A_1940 = vector.broadcast %jit3A_1939 : f32 to vector<16xf32>
      %select_n3A_1941 = arith.select %ge3A_1936, %get3A_1938, %broadcast_in_dim3A_1940 : vector<16xi1>, vector<16xf32>
      %swap3A_1942 = arith.constant 304 : index
      %swap3A_1943 = tpu.vector_load %arg14[%swap3A_1942] {strides = array<i32>} : memref<1024xf32, #tpu.memory_space<vmem>>, vector<16xf32>,
      tpu.vector_store %arg14[%swap3A_1942], %select_n3A_1941 {strides = array<i32>} : memref<1024xf32, #tpu.memory_space<vmem>>, vector<16xf32>,
      %max3A_1944 = arith.constant 0 : i32
      %max3A_1945 = vector.broadcast %max3A_1944 : i32 to vector<16xi32>
      %max3A_1946 = arith.maxsi %get3A_1933, %max3A_1945 : vector<16xi32>
      %swap3A_1947 = arith.constant 2 : i32
      %swap3A_1948 = arith.index_cast %swap3A_1947 : i32 to index
      %swap3A_1949 = arith.constant 48 : index
      %swap3A_1950 = tpu.vector_load %arg15[%swap3A_1948, %swap3A_1949] {strides = array<i32>} : memref<8x128xi32, #tpu.memory_space<vmem>>, vector<16xi32>,
      tpu.vector_store %arg15[%swap3A_1948, %swap3A_1949], %max3A_1946 {strides = array<i32>} : memref<8x128xi32, #tpu.memory_space<vmem>>, vector<16xi32>,
      %jit3A_1951 = arith.constant 1 : i32
      %broadcast_in_dim3A_1952 = vector.broadcast %jit3A_1951 : i32 to vector<16xi32>
      %select_n3A_1953 = arith.select %ge3A_1936, %broadcast_in_dim3A_1952, %select_n3A_1929 : vector<16xi1>, vector<16xi32>
      %get3A_1954 = arith.constant 2 : i32
      %get3A_1955 = arith.index_cast %get3A_1954 : i32 to index
      %get3A_1956 = arith.constant 64 : index
      %get3A_1957 = tpu.vector_load %arg13[%get3A_1955, %get3A_1956] {strides = array<i32>} : memref<8x128xi32, #tpu.memory_space<vmem>>, vector<16xi32>,
      %ge3A_1958 = arith.constant 0 : i32
      %ge3A_1959 = vector.broadcast %ge3A_1958 : i32 to vector<16xi32>
      %ge3A_1960 = arith.cmpi sge, %get3A_1957, %ge3A_1959 : vector<16xi32>
      %get3A_1961 = arith.constant 320 : index
      %get3A_1962 = tpu.vector_load %arg14[%get3A_1961] {strides = array<i32>} : memref<1024xf32, #tpu.memory_space<vmem>>, vector<16xf32>,
      %jit3A_1963 = arith.constant 0.000000e+00 : f32
      %broadcast_in_dim3A_1964 = vector.broadcast %jit3A_1963 : f32 to vector<16xf32>
      %select_n3A_1965 = arith.select %ge3A_1960, %get3A_1962, %broadcast_in_dim3A_1964 : vector<16xi1>, vector<16xf32>
      %swap3A_1966 = arith.constant 320 : index
      %swap3A_1967 = tpu.vector_load %arg14[%swap3A_1966] {strides = array<i32>} : memref<1024xf32, #tpu.memory_space<vmem>>, vector<16xf32>,
      tpu.vector_store %arg14[%swap3A_1966], %select_n3A_1965 {strides = array<i32>} : memref<1024xf32, #tpu.memory_space<vmem>>, vector<16xf32>,
      %max3A_1968 = arith.constant 0 : i32
      %max3A_1969 = vector.broadcast %max3A_1968 : i32 to vector<16xi32>
      %max3A_1970 = arith.maxsi %get3A_1957, %max3A_1969 : vector<16xi32>
      %swap3A_1971 = arith.constant 2 : i32
      %swap3A_1972 = arith.index_cast %swap3A_1971 : i32 to index
      %swap3A_1973 = arith.constant 64 : index
      %swap3A_1974 = tpu.vector_load %arg15[%swap3A_1972, %swap3A_1973] {strides = array<i32>} : memref<8x128xi32, #tpu.memory_space<vmem>>, vector<16xi32>,
      tpu.vector_store %arg15[%swap3A_1972, %swap3A_1973], %max3A_1970 {strides = array<i32>} : memref<8x128xi32, #tpu.memory_space<vmem>>, vector<16xi32>,
      %jit3A_1975 = arith.constant 1 : i32
      %broadcast_in_dim3A_1976 = vector.broadcast %jit3A_1975 : i32 to vector<16xi32>
      %select_n3A_1977 = arith.select %ge3A_1960, %broadcast_in_dim3A_1976, %select_n3A_1953 : vector<16xi1>, vector<16xi32>
      %get3A_1978 = arith.constant 2 : i32
      %get3A_1979 = arith.index_cast %get3A_1978 : i32 to index
      %get3A_1980 = arith.constant 80 : index
      %get3A_1981 = tpu.vector_load %arg13[%get3A_1979, %get3A_1980] {strides = array<i32>} : memref<8x128xi32, #tpu.memory_space<vmem>>, vector<16xi32>,
      %ge3A_1982 = arith.constant 0 : i32
      %ge3A_1983 = vector.broadcast %ge3A_1982 : i32 to vector<16xi32>
      %ge3A_1984 = arith.cmpi sge, %get3A_1981, %ge3A_1983 : vector<16xi32>
      %get3A_1985 = arith.constant 336 : index
      %get3A_1986 = tpu.vector_load %arg14[%get3A_1985] {strides = array<i32>} : memref<1024xf32, #tpu.memory_space<vmem>>, vector<16xf32>,
      %jit3A_1987 = arith.constant 0.000000e+00 : f32
      %broadcast_in_dim3A_1988 = vector.broadcast %jit3A_1987 : f32 to vector<16xf32>
      %select_n3A_1989 = arith.select %ge3A_1984, %get3A_1986, %broadcast_in_dim3A_1988 : vector<16xi1>, vector<16xf32>
      %swap3A_1990 = arith.constant 336 : index
      %swap3A_1991 = tpu.vector_load %arg14[%swap3A_1990] {strides = array<i32>} : memref<1024xf32, #tpu.memory_space<vmem>>, vector<16xf32>,
      tpu.vector_store %arg14[%swap3A_1990], %select_n3A_1989 {strides = array<i32>} : memref<1024xf32, #tpu.memory_space<vmem>>, vector<16xf32>,
      %max3A_1992 = arith.constant 0 : i32
      %max3A_1993 = vector.broadcast %max3A_1992 : i32 to vector<16xi32>
      %max3A_1994 = arith.maxsi %get3A_1981, %max3A_1993 : vector<16xi32>
      %swap3A_1995 = arith.constant 2 : i32
      %swap3A_1996 = arith.index_cast %swap3A_1995 : i32 to index
      %swap3A_1997 = arith.constant 80 : index
      %swap3A_1998 = tpu.vector_load %arg15[%swap3A_1996, %swap3A_1997] {strides = array<i32>} : memref<8x128xi32, #tpu.memory_space<vmem>>, vector<16xi32>,
      tpu.vector_store %arg15[%swap3A_1996, %swap3A_1997], %max3A_1994 {strides = array<i32>} : memref<8x128xi32, #tpu.memory_space<vmem>>, vector<16xi32>,
      %jit3A_1999 = arith.constant 1 : i32
      %broadcast_in_dim3A_2000 = vector.broadcast %jit3A_1999 : i32 to vector<16xi32>
      %select_n3A_2001 = arith.select %ge3A_1984, %broadcast_in_dim3A_2000, %select_n3A_1977 : vector<16xi1>, vector<16xi32>
      %get3A_2002 = arith.constant 2 : i32
      %get3A_2003 = arith.index_cast %get3A_2002 : i32 to index
      %get3A_2004 = arith.constant 96 : index
      %get3A_2005 = tpu.vector_load %arg13[%get3A_2003, %get3A_2004] {strides = array<i32>} : memref<8x128xi32, #tpu.memory_space<vmem>>, vector<16xi32>,
      %ge3A_2006 = arith.constant 0 : i32
      %ge3A_2007 = vector.broadcast %ge3A_2006 : i32 to vector<16xi32>
      %ge3A_2008 = arith.cmpi sge, %get3A_2005, %ge3A_2007 : vector<16xi32>
      %get3A_2009 = arith.constant 352 : index
      %get3A_2010 = tpu.vector_load %arg14[%get3A_2009] {strides = array<i32>} : memref<1024xf32, #tpu.memory_space<vmem>>, vector<16xf32>,
      %jit3A_2011 = arith.constant 0.000000e+00 : f32
      %broadcast_in_dim3A_2012 = vector.broadcast %jit3A_2011 : f32 to vector<16xf32>
      %select_n3A_2013 = arith.select %ge3A_2008, %get3A_2010, %broadcast_in_dim3A_2012 : vector<16xi1>, vector<16xf32>
      %swap3A_2014 = arith.constant 352 : index
      %swap3A_2015 = tpu.vector_load %arg14[%swap3A_2014] {strides = array<i32>} : memref<1024xf32, #tpu.memory_space<vmem>>, vector<16xf32>,
      tpu.vector_store %arg14[%swap3A_2014], %select_n3A_2013 {strides = array<i32>} : memref<1024xf32, #tpu.memory_space<vmem>>, vector<16xf32>,
      %max3A_2016 = arith.constant 0 : i32
      %max3A_2017 = vector.broadcast %max3A_2016 : i32 to vector<16xi32>
      %max3A_2018 = arith.maxsi %get3A_2005, %max3A_2017 : vector<16xi32>
      %swap3A_2019 = arith.constant 2 : i32
      %swap3A_2020 = arith.index_cast %swap3A_2019 : i32 to index
      %swap3A_2021 = arith.constant 96 : index
      %swap3A_2022 = tpu.vector_load %arg15[%swap3A_2020, %swap3A_2021] {strides = array<i32>} : memref<8x128xi32, #tpu.memory_space<vmem>>, vector<16xi32>,
      tpu.vector_store %arg15[%swap3A_2020, %swap3A_2021], %max3A_2018 {strides = array<i32>} : memref<8x128xi32, #tpu.memory_space<vmem>>, vector<16xi32>,
      %jit3A_2023 = arith.constant 1 : i32
      %broadcast_in_dim3A_2024 = vector.broadcast %jit3A_2023 : i32 to vector<16xi32>
      %select_n3A_2025 = arith.select %ge3A_2008, %broadcast_in_dim3A_2024, %select_n3A_2001 : vector<16xi1>, vector<16xi32>
      %get3A_2026 = arith.constant 2 : i32
      %get3A_2027 = arith.index_cast %get3A_2026 : i32 to index
      %get3A_2028 = arith.constant 112 : index
      %get3A_2029 = tpu.vector_load %arg13[%get3A_2027, %get3A_2028] {strides = array<i32>} : memref<8x128xi32, #tpu.memory_space<vmem>>, vector<16xi32>,
      %ge3A_2030 = arith.constant 0 : i32
      %ge3A_2031 = vector.broadcast %ge3A_2030 : i32 to vector<16xi32>
      %ge3A_2032 = arith.cmpi sge, %get3A_2029, %ge3A_2031 : vector<16xi32>
      %get3A_2033 = arith.constant 368 : index
      %get3A_2034 = tpu.vector_load %arg14[%get3A_2033] {strides = array<i32>} : memref<1024xf32, #tpu.memory_space<vmem>>, vector<16xf32>,
      %jit3A_2035 = arith.constant 0.000000e+00 : f32
      %broadcast_in_dim3A_2036 = vector.broadcast %jit3A_2035 : f32 to vector<16xf32>
      %select_n3A_2037 = arith.select %ge3A_2032, %get3A_2034, %broadcast_in_dim3A_2036 : vector<16xi1>, vector<16xf32>
      %swap3A_2038 = arith.constant 368 : index
      %swap3A_2039 = tpu.vector_load %arg14[%swap3A_2038] {strides = array<i32>} : memref<1024xf32, #tpu.memory_space<vmem>>, vector<16xf32>,
      tpu.vector_store %arg14[%swap3A_2038], %select_n3A_2037 {strides = array<i32>} : memref<1024xf32, #tpu.memory_space<vmem>>, vector<16xf32>,
      %max3A_2040 = arith.constant 0 : i32
      %max3A_2041 = vector.broadcast %max3A_2040 : i32 to vector<16xi32>
      %max3A_2042 = arith.maxsi %get3A_2029, %max3A_2041 : vector<16xi32>
      %swap3A_2043 = arith.constant 2 : i32
      %swap3A_2044 = arith.index_cast %swap3A_2043 : i32 to index
      %swap3A_2045 = arith.constant 112 : index
      %swap3A_2046 = tpu.vector_load %arg15[%swap3A_2044, %swap3A_2045] {strides = array<i32>} : memref<8x128xi32, #tpu.memory_space<vmem>>, vector<16xi32>,
      tpu.vector_store %arg15[%swap3A_2044, %swap3A_2045], %max3A_2042 {strides = array<i32>} : memref<8x128xi32, #tpu.memory_space<vmem>>, vector<16xi32>,
      %jit3A_2047 = arith.constant 1 : i32
      %broadcast_in_dim3A_2048 = vector.broadcast %jit3A_2047 : i32 to vector<16xi32>
      %select_n3A_2049 = arith.select %ge3A_2032, %broadcast_in_dim3A_2048, %select_n3A_2025 : vector<16xi1>, vector<16xi32>
      %swap3A_2050 = arith.constant 32 : index
      %swap3A_2051 = tpu.vector_load %arg18[%swap3A_2050] {strides = array<i32>} : memref<128xi32, #tpu.memory_space<vmem>>, vector<16xi32>,
      tpu.vector_store %arg18[%swap3A_2050], %select_n3A_2049 {strides = array<i32>} : memref<128xi32, #tpu.memory_space<vmem>>, vector<16xi32>,
      %broadcast_in_dim3A_2052 = arith.constant 0 : i32
      %broadcast_in_dim3A_2053 = vector.broadcast %broadcast_in_dim3A_2052 : i32 to vector<16xi32>
      %get3A_2054 = arith.constant 3 : i32
      %get3A_2055 = arith.index_cast %get3A_2054 : i32 to index
      %get3A_2056 = arith.constant 0 : index
      %get3A_2057 = tpu.vector_load %arg13[%get3A_2055, %get3A_2056] {strides = array<i32>} : memref<8x128xi32, #tpu.memory_space<vmem>>, vector<16xi32>,
      %ge3A_2058 = arith.constant 0 : i32
      %ge3A_2059 = vector.broadcast %ge3A_2058 : i32 to vector<16xi32>
      %ge3A_2060 = arith.cmpi sge, %get3A_2057, %ge3A_2059 : vector<16xi32>
      %get3A_2061 = arith.constant 384 : index
      %get3A_2062 = tpu.vector_load %arg14[%get3A_2061] {strides = array<i32>} : memref<1024xf32, #tpu.memory_space<vmem>>, vector<16xf32>,
      %jit3A_2063 = arith.constant 0.000000e+00 : f32
      %broadcast_in_dim3A_2064 = vector.broadcast %jit3A_2063 : f32 to vector<16xf32>
      %select_n3A_2065 = arith.select %ge3A_2060, %get3A_2062, %broadcast_in_dim3A_2064 : vector<16xi1>, vector<16xf32>
      %swap3A_2066 = arith.constant 384 : index
      %swap3A_2067 = tpu.vector_load %arg14[%swap3A_2066] {strides = array<i32>} : memref<1024xf32, #tpu.memory_space<vmem>>, vector<16xf32>,
      tpu.vector_store %arg14[%swap3A_2066], %select_n3A_2065 {strides = array<i32>} : memref<1024xf32, #tpu.memory_space<vmem>>, vector<16xf32>,
      %max3A_2068 = arith.constant 0 : i32
      %max3A_2069 = vector.broadcast %max3A_2068 : i32 to vector<16xi32>
      %max3A_2070 = arith.maxsi %get3A_2057, %max3A_2069 : vector<16xi32>
      %swap3A_2071 = arith.constant 3 : i32
      %swap3A_2072 = arith.index_cast %swap3A_2071 : i32 to index
      %swap3A_2073 = arith.constant 0 : index
      %swap3A_2074 = tpu.vector_load %arg15[%swap3A_2072, %swap3A_2073] {strides = array<i32>} : memref<8x128xi32, #tpu.memory_space<vmem>>, vector<16xi32>,
      tpu.vector_store %arg15[%swap3A_2072, %swap3A_2073], %max3A_2070 {strides = array<i32>} : memref<8x128xi32, #tpu.memory_space<vmem>>, vector<16xi32>,
      %jit3A_2075 = arith.constant 1 : i32
      %broadcast_in_dim3A_2076 = vector.broadcast %jit3A_2075 : i32 to vector<16xi32>
      %select_n3A_2077 = arith.select %ge3A_2060, %broadcast_in_dim3A_2076, %broadcast_in_dim3A_2053 : vector<16xi1>, vector<16xi32>
      %get3A_2078 = arith.constant 3 : i32
      %get3A_2079 = arith.index_cast %get3A_2078 : i32 to index
      %get3A_2080 = arith.constant 16 : index
      %get3A_2081 = tpu.vector_load %arg13[%get3A_2079, %get3A_2080] {strides = array<i32>} : memref<8x128xi32, #tpu.memory_space<vmem>>, vector<16xi32>,
      %ge3A_2082 = arith.constant 0 : i32
      %ge3A_2083 = vector.broadcast %ge3A_2082 : i32 to vector<16xi32>
      %ge3A_2084 = arith.cmpi sge, %get3A_2081, %ge3A_2083 : vector<16xi32>
      %get3A_2085 = arith.constant 400 : index
      %get3A_2086 = tpu.vector_load %arg14[%get3A_2085] {strides = array<i32>} : memref<1024xf32, #tpu.memory_space<vmem>>, vector<16xf32>,
      %jit3A_2087 = arith.constant 0.000000e+00 : f32
      %broadcast_in_dim3A_2088 = vector.broadcast %jit3A_2087 : f32 to vector<16xf32>
      %select_n3A_2089 = arith.select %ge3A_2084, %get3A_2086, %broadcast_in_dim3A_2088 : vector<16xi1>, vector<16xf32>
      %swap3A_2090 = arith.constant 400 : index
      %swap3A_2091 = tpu.vector_load %arg14[%swap3A_2090] {strides = array<i32>} : memref<1024xf32, #tpu.memory_space<vmem>>, vector<16xf32>,
      tpu.vector_store %arg14[%swap3A_2090], %select_n3A_2089 {strides = array<i32>} : memref<1024xf32, #tpu.memory_space<vmem>>, vector<16xf32>,
      %max3A_2092 = arith.constant 0 : i32
      %max3A_2093 = vector.broadcast %max3A_2092 : i32 to vector<16xi32>
      %max3A_2094 = arith.maxsi %get3A_2081, %max3A_2093 : vector<16xi32>
      %swap3A_2095 = arith.constant 3 : i32
      %swap3A_2096 = arith.index_cast %swap3A_2095 : i32 to index
      %swap3A_2097 = arith.constant 16 : index
      %swap3A_2098 = tpu.vector_load %arg15[%swap3A_2096, %swap3A_2097] {strides = array<i32>} : memref<8x128xi32, #tpu.memory_space<vmem>>, vector<16xi32>,
      tpu.vector_store %arg15[%swap3A_2096, %swap3A_2097], %max3A_2094 {strides = array<i32>} : memref<8x128xi32, #tpu.memory_space<vmem>>, vector<16xi32>,
      %jit3A_2099 = arith.constant 1 : i32
      %broadcast_in_dim3A_2100 = vector.broadcast %jit3A_2099 : i32 to vector<16xi32>
      %select_n3A_2101 = arith.select %ge3A_2084, %broadcast_in_dim3A_2100, %select_n3A_2077 : vector<16xi1>, vector<16xi32>
      %get3A_2102 = arith.constant 3 : i32
      %get3A_2103 = arith.index_cast %get3A_2102 : i32 to index
      %get3A_2104 = arith.constant 32 : index
      %get3A_2105 = tpu.vector_load %arg13[%get3A_2103, %get3A_2104] {strides = array<i32>} : memref<8x128xi32, #tpu.memory_space<vmem>>, vector<16xi32>,
      %ge3A_2106 = arith.constant 0 : i32
      %ge3A_2107 = vector.broadcast %ge3A_2106 : i32 to vector<16xi32>
      %ge3A_2108 = arith.cmpi sge, %get3A_2105, %ge3A_2107 : vector<16xi32>
      %get3A_2109 = arith.constant 416 : index
      %get3A_2110 = tpu.vector_load %arg14[%get3A_2109] {strides = array<i32>} : memref<1024xf32, #tpu.memory_space<vmem>>, vector<16xf32>,
      %jit3A_2111 = arith.constant 0.000000e+00 : f32
      %broadcast_in_dim3A_2112 = vector.broadcast %jit3A_2111 : f32 to vector<16xf32>
      %select_n3A_2113 = arith.select %ge3A_2108, %get3A_2110, %broadcast_in_dim3A_2112 : vector<16xi1>, vector<16xf32>
      %swap3A_2114 = arith.constant 416 : index
      %swap3A_2115 = tpu.vector_load %arg14[%swap3A_2114] {strides = array<i32>} : memref<1024xf32, #tpu.memory_space<vmem>>, vector<16xf32>,
      tpu.vector_store %arg14[%swap3A_2114], %select_n3A_2113 {strides = array<i32>} : memref<1024xf32, #tpu.memory_space<vmem>>, vector<16xf32>,
      %max3A_2116 = arith.constant 0 : i32
      %max3A_2117 = vector.broadcast %max3A_2116 : i32 to vector<16xi32>
      %max3A_2118 = arith.maxsi %get3A_2105, %max3A_2117 : vector<16xi32>
      %swap3A_2119 = arith.constant 3 : i32
      %swap3A_2120 = arith.index_cast %swap3A_2119 : i32 to index
      %swap3A_2121 = arith.constant 32 : index
      %swap3A_2122 = tpu.vector_load %arg15[%swap3A_2120, %swap3A_2121] {strides = array<i32>} : memref<8x128xi32, #tpu.memory_space<vmem>>, vector<16xi32>,
      tpu.vector_store %arg15[%swap3A_2120, %swap3A_2121], %max3A_2118 {strides = array<i32>} : memref<8x128xi32, #tpu.memory_space<vmem>>, vector<16xi32>,
      %jit3A_2123 = arith.constant 1 : i32
      %broadcast_in_dim3A_2124 = vector.broadcast %jit3A_2123 : i32 to vector<16xi32>
      %select_n3A_2125 = arith.select %ge3A_2108, %broadcast_in_dim3A_2124, %select_n3A_2101 : vector<16xi1>, vector<16xi32>
      %get3A_2126 = arith.constant 3 : i32
      %get3A_2127 = arith.index_cast %get3A_2126 : i32 to index
      %get3A_2128 = arith.constant 48 : index
      %get3A_2129 = tpu.vector_load %arg13[%get3A_2127, %get3A_2128] {strides = array<i32>} : memref<8x128xi32, #tpu.memory_space<vmem>>, vector<16xi32>,
      %ge3A_2130 = arith.constant 0 : i32
      %ge3A_2131 = vector.broadcast %ge3A_2130 : i32 to vector<16xi32>
      %ge3A_2132 = arith.cmpi sge, %get3A_2129, %ge3A_2131 : vector<16xi32>
      %get3A_2133 = arith.constant 432 : index
      %get3A_2134 = tpu.vector_load %arg14[%get3A_2133] {strides = array<i32>} : memref<1024xf32, #tpu.memory_space<vmem>>, vector<16xf32>,
      %jit3A_2135 = arith.constant 0.000000e+00 : f32
      %broadcast_in_dim3A_2136 = vector.broadcast %jit3A_2135 : f32 to vector<16xf32>
      %select_n3A_2137 = arith.select %ge3A_2132, %get3A_2134, %broadcast_in_dim3A_2136 : vector<16xi1>, vector<16xf32>
      %swap3A_2138 = arith.constant 432 : index
      %swap3A_2139 = tpu.vector_load %arg14[%swap3A_2138] {strides = array<i32>} : memref<1024xf32, #tpu.memory_space<vmem>>, vector<16xf32>,
      tpu.vector_store %arg14[%swap3A_2138], %select_n3A_2137 {strides = array<i32>} : memref<1024xf32, #tpu.memory_space<vmem>>, vector<16xf32>,
      %max3A_2140 = arith.constant 0 : i32
      %max3A_2141 = vector.broadcast %max3A_2140 : i32 to vector<16xi32>
      %max3A_2142 = arith.maxsi %get3A_2129, %max3A_2141 : vector<16xi32>
      %swap3A_2143 = arith.constant 3 : i32
      %swap3A_2144 = arith.index_cast %swap3A_2143 : i32 to index
      %swap3A_2145 = arith.constant 48 : index
      %swap3A_2146 = tpu.vector_load %arg15[%swap3A_2144, %swap3A_2145] {strides = array<i32>} : memref<8x128xi32, #tpu.memory_space<vmem>>, vector<16xi32>,
      tpu.vector_store %arg15[%swap3A_2144, %swap3A_2145], %max3A_2142 {strides = array<i32>} : memref<8x128xi32, #tpu.memory_space<vmem>>, vector<16xi32>,
      %jit3A_2147 = arith.constant 1 : i32
      %broadcast_in_dim3A_2148 = vector.broadcast %jit3A_2147 : i32 to vector<16xi32>
      %select_n3A_2149 = arith.select %ge3A_2132, %broadcast_in_dim3A_2148, %select_n3A_2125 : vector<16xi1>, vector<16xi32>
      %get3A_2150 = arith.constant 3 : i32
      %get3A_2151 = arith.index_cast %get3A_2150 : i32 to index
      %get3A_2152 = arith.constant 64 : index
      %get3A_2153 = tpu.vector_load %arg13[%get3A_2151, %get3A_2152] {strides = array<i32>} : memref<8x128xi32, #tpu.memory_space<vmem>>, vector<16xi32>,
      %ge3A_2154 = arith.constant 0 : i32
      %ge3A_2155 = vector.broadcast %ge3A_2154 : i32 to vector<16xi32>
      %ge3A_2156 = arith.cmpi sge, %get3A_2153, %ge3A_2155 : vector<16xi32>
      %get3A_2157 = arith.constant 448 : index
      %get3A_2158 = tpu.vector_load %arg14[%get3A_2157] {strides = array<i32>} : memref<1024xf32, #tpu.memory_space<vmem>>, vector<16xf32>,
      %jit3A_2159 = arith.constant 0.000000e+00 : f32
      %broadcast_in_dim3A_2160 = vector.broadcast %jit3A_2159 : f32 to vector<16xf32>
      %select_n3A_2161 = arith.select %ge3A_2156, %get3A_2158, %broadcast_in_dim3A_2160 : vector<16xi1>, vector<16xf32>
      %swap3A_2162 = arith.constant 448 : index
      %swap3A_2163 = tpu.vector_load %arg14[%swap3A_2162] {strides = array<i32>} : memref<1024xf32, #tpu.memory_space<vmem>>, vector<16xf32>,
      tpu.vector_store %arg14[%swap3A_2162], %select_n3A_2161 {strides = array<i32>} : memref<1024xf32, #tpu.memory_space<vmem>>, vector<16xf32>,
      %max3A_2164 = arith.constant 0 : i32
      %max3A_2165 = vector.broadcast %max3A_2164 : i32 to vector<16xi32>
      %max3A_2166 = arith.maxsi %get3A_2153, %max3A_2165 : vector<16xi32>
      %swap3A_2167 = arith.constant 3 : i32
      %swap3A_2168 = arith.index_cast %swap3A_2167 : i32 to index
      %swap3A_2169 = arith.constant 64 : index
      %swap3A_2170 = tpu.vector_load %arg15[%swap3A_2168, %swap3A_2169] {strides = array<i32>} : memref<8x128xi32, #tpu.memory_space<vmem>>, vector<16xi32>,
      tpu.vector_store %arg15[%swap3A_2168, %swap3A_2169], %max3A_2166 {strides = array<i32>} : memref<8x128xi32, #tpu.memory_space<vmem>>, vector<16xi32>,
      %jit3A_2171 = arith.constant 1 : i32
      %broadcast_in_dim3A_2172 = vector.broadcast %jit3A_2171 : i32 to vector<16xi32>
      %select_n3A_2173 = arith.select %ge3A_2156, %broadcast_in_dim3A_2172, %select_n3A_2149 : vector<16xi1>, vector<16xi32>
      %get3A_2174 = arith.constant 3 : i32
      %get3A_2175 = arith.index_cast %get3A_2174 : i32 to index
      %get3A_2176 = arith.constant 80 : index
      %get3A_2177 = tpu.vector_load %arg13[%get3A_2175, %get3A_2176] {strides = array<i32>} : memref<8x128xi32, #tpu.memory_space<vmem>>, vector<16xi32>,
      %ge3A_2178 = arith.constant 0 : i32
      %ge3A_2179 = vector.broadcast %ge3A_2178 : i32 to vector<16xi32>
      %ge3A_2180 = arith.cmpi sge, %get3A_2177, %ge3A_2179 : vector<16xi32>
      %get3A_2181 = arith.constant 464 : index
      %get3A_2182 = tpu.vector_load %arg14[%get3A_2181] {strides = array<i32>} : memref<1024xf32, #tpu.memory_space<vmem>>, vector<16xf32>,
      %jit3A_2183 = arith.constant 0.000000e+00 : f32
      %broadcast_in_dim3A_2184 = vector.broadcast %jit3A_2183 : f32 to vector<16xf32>
      %select_n3A_2185 = arith.select %ge3A_2180, %get3A_2182, %broadcast_in_dim3A_2184 : vector<16xi1>, vector<16xf32>
      %swap3A_2186 = arith.constant 464 : index
      %swap3A_2187 = tpu.vector_load %arg14[%swap3A_2186] {strides = array<i32>} : memref<1024xf32, #tpu.memory_space<vmem>>, vector<16xf32>,
      tpu.vector_store %arg14[%swap3A_2186], %select_n3A_2185 {strides = array<i32>} : memref<1024xf32, #tpu.memory_space<vmem>>, vector<16xf32>,
      %max3A_2188 = arith.constant 0 : i32
      %max3A_2189 = vector.broadcast %max3A_2188 : i32 to vector<16xi32>
      %max3A_2190 = arith.maxsi %get3A_2177, %max3A_2189 : vector<16xi32>
      %swap3A_2191 = arith.constant 3 : i32
      %swap3A_2192 = arith.index_cast %swap3A_2191 : i32 to index
      %swap3A_2193 = arith.constant 80 : index
      %swap3A_2194 = tpu.vector_load %arg15[%swap3A_2192, %swap3A_2193] {strides = array<i32>} : memref<8x128xi32, #tpu.memory_space<vmem>>, vector<16xi32>,
      tpu.vector_store %arg15[%swap3A_2192, %swap3A_2193], %max3A_2190 {strides = array<i32>} : memref<8x128xi32, #tpu.memory_space<vmem>>, vector<16xi32>,
      %jit3A_2195 = arith.constant 1 : i32
      %broadcast_in_dim3A_2196 = vector.broadcast %jit3A_2195 : i32 to vector<16xi32>
      %select_n3A_2197 = arith.select %ge3A_2180, %broadcast_in_dim3A_2196, %select_n3A_2173 : vector<16xi1>, vector<16xi32>
      %get3A_2198 = arith.constant 3 : i32
      %get3A_2199 = arith.index_cast %get3A_2198 : i32 to index
      %get3A_2200 = arith.constant 96 : index
      %get3A_2201 = tpu.vector_load %arg13[%get3A_2199, %get3A_2200] {strides = array<i32>} : memref<8x128xi32, #tpu.memory_space<vmem>>, vector<16xi32>,
      %ge3A_2202 = arith.constant 0 : i32
      %ge3A_2203 = vector.broadcast %ge3A_2202 : i32 to vector<16xi32>
      %ge3A_2204 = arith.cmpi sge, %get3A_2201, %ge3A_2203 : vector<16xi32>
      %get3A_2205 = arith.constant 480 : index
      %get3A_2206 = tpu.vector_load %arg14[%get3A_2205] {strides = array<i32>} : memref<1024xf32, #tpu.memory_space<vmem>>, vector<16xf32>,
      %jit3A_2207 = arith.constant 0.000000e+00 : f32
      %broadcast_in_dim3A_2208 = vector.broadcast %jit3A_2207 : f32 to vector<16xf32>
      %select_n3A_2209 = arith.select %ge3A_2204, %get3A_2206, %broadcast_in_dim3A_2208 : vector<16xi1>, vector<16xf32>
      %swap3A_2210 = arith.constant 480 : index
      %swap3A_2211 = tpu.vector_load %arg14[%swap3A_2210] {strides = array<i32>} : memref<1024xf32, #tpu.memory_space<vmem>>, vector<16xf32>,
      tpu.vector_store %arg14[%swap3A_2210], %select_n3A_2209 {strides = array<i32>} : memref<1024xf32, #tpu.memory_space<vmem>>, vector<16xf32>,
      %max3A_2212 = arith.constant 0 : i32
      %max3A_2213 = vector.broadcast %max3A_2212 : i32 to vector<16xi32>
      %max3A_2214 = arith.maxsi %get3A_2201, %max3A_2213 : vector<16xi32>
      %swap3A_2215 = arith.constant 3 : i32
      %swap3A_2216 = arith.index_cast %swap3A_2215 : i32 to index
      %swap3A_2217 = arith.constant 96 : index
      %swap3A_2218 = tpu.vector_load %arg15[%swap3A_2216, %swap3A_2217] {strides = array<i32>} : memref<8x128xi32, #tpu.memory_space<vmem>>, vector<16xi32>,
      tpu.vector_store %arg15[%swap3A_2216, %swap3A_2217], %max3A_2214 {strides = array<i32>} : memref<8x128xi32, #tpu.memory_space<vmem>>, vector<16xi32>,
      %jit3A_2219 = arith.constant 1 : i32
      %broadcast_in_dim3A_2220 = vector.broadcast %jit3A_2219 : i32 to vector<16xi32>
      %select_n3A_2221 = arith.select %ge3A_2204, %broadcast_in_dim3A_2220, %select_n3A_2197 : vector<16xi1>, vector<16xi32>
      %get3A_2222 = arith.constant 3 : i32
      %get3A_2223 = arith.index_cast %get3A_2222 : i32 to index
      %get3A_2224 = arith.constant 112 : index
      %get3A_2225 = tpu.vector_load %arg13[%get3A_2223, %get3A_2224] {strides = array<i32>} : memref<8x128xi32, #tpu.memory_space<vmem>>, vector<16xi32>,
      %ge3A_2226 = arith.constant 0 : i32
      %ge3A_2227 = vector.broadcast %ge3A_2226 : i32 to vector<16xi32>
      %ge3A_2228 = arith.cmpi sge, %get3A_2225, %ge3A_2227 : vector<16xi32>
      %get3A_2229 = arith.constant 496 : index
      %get3A_2230 = tpu.vector_load %arg14[%get3A_2229] {strides = array<i32>} : memref<1024xf32, #tpu.memory_space<vmem>>, vector<16xf32>,
      %jit3A_2231 = arith.constant 0.000000e+00 : f32
      %broadcast_in_dim3A_2232 = vector.broadcast %jit3A_2231 : f32 to vector<16xf32>
      %select_n3A_2233 = arith.select %ge3A_2228, %get3A_2230, %broadcast_in_dim3A_2232 : vector<16xi1>, vector<16xf32>
      %swap3A_2234 = arith.constant 496 : index
      %swap3A_2235 = tpu.vector_load %arg14[%swap3A_2234] {strides = array<i32>} : memref<1024xf32, #tpu.memory_space<vmem>>, vector<16xf32>,
      tpu.vector_store %arg14[%swap3A_2234], %select_n3A_2233 {strides = array<i32>} : memref<1024xf32, #tpu.memory_space<vmem>>, vector<16xf32>,
      %max3A_2236 = arith.constant 0 : i32
      %max3A_2237 = vector.broadcast %max3A_2236 : i32 to vector<16xi32>
      %max3A_2238 = arith.maxsi %get3A_2225, %max3A_2237 : vector<16xi32>
      %swap3A_2239 = arith.constant 3 : i32
      %swap3A_2240 = arith.index_cast %swap3A_2239 : i32 to index
      %swap3A_2241 = arith.constant 112 : index
      %swap3A_2242 = tpu.vector_load %arg15[%swap3A_2240, %swap3A_2241] {strides = array<i32>} : memref<8x128xi32, #tpu.memory_space<vmem>>, vector<16xi32>,
      tpu.vector_store %arg15[%swap3A_2240, %swap3A_2241], %max3A_2238 {strides = array<i32>} : memref<8x128xi32, #tpu.memory_space<vmem>>, vector<16xi32>,
      %jit3A_2243 = arith.constant 1 : i32
      %broadcast_in_dim3A_2244 = vector.broadcast %jit3A_2243 : i32 to vector<16xi32>
      %select_n3A_2245 = arith.select %ge3A_2228, %broadcast_in_dim3A_2244, %select_n3A_2221 : vector<16xi1>, vector<16xi32>
      %swap3A_2246 = arith.constant 48 : index
      %swap3A_2247 = tpu.vector_load %arg18[%swap3A_2246] {strides = array<i32>} : memref<128xi32, #tpu.memory_space<vmem>>, vector<16xi32>,
      tpu.vector_store %arg18[%swap3A_2246], %select_n3A_2245 {strides = array<i32>} : memref<128xi32, #tpu.memory_space<vmem>>, vector<16xi32>,
      %broadcast_in_dim3A_2248 = arith.constant 0 : i32
      %broadcast_in_dim3A_2249 = vector.broadcast %broadcast_in_dim3A_2248 : i32 to vector<16xi32>
      %get3A_2250 = arith.constant 4 : i32
      %get3A_2251 = arith.index_cast %get3A_2250 : i32 to index
      %get3A_2252 = arith.constant 0 : index
      %get3A_2253 = tpu.vector_load %arg13[%get3A_2251, %get3A_2252] {strides = array<i32>} : memref<8x128xi32, #tpu.memory_space<vmem>>, vector<16xi32>,
      %ge3A_2254 = arith.constant 0 : i32
      %ge3A_2255 = vector.broadcast %ge3A_2254 : i32 to vector<16xi32>
      %ge3A_2256 = arith.cmpi sge, %get3A_2253, %ge3A_2255 : vector<16xi32>
      %get3A_2257 = arith.constant 512 : index
      %get3A_2258 = tpu.vector_load %arg14[%get3A_2257] {strides = array<i32>} : memref<1024xf32, #tpu.memory_space<vmem>>, vector<16xf32>,
      %jit3A_2259 = arith.constant 0.000000e+00 : f32
      %broadcast_in_dim3A_2260 = vector.broadcast %jit3A_2259 : f32 to vector<16xf32>
      %select_n3A_2261 = arith.select %ge3A_2256, %get3A_2258, %broadcast_in_dim3A_2260 : vector<16xi1>, vector<16xf32>
      %swap3A_2262 = arith.constant 512 : index
      %swap3A_2263 = tpu.vector_load %arg14[%swap3A_2262] {strides = array<i32>} : memref<1024xf32, #tpu.memory_space<vmem>>, vector<16xf32>,
      tpu.vector_store %arg14[%swap3A_2262], %select_n3A_2261 {strides = array<i32>} : memref<1024xf32, #tpu.memory_space<vmem>>, vector<16xf32>,
      %max3A_2264 = arith.constant 0 : i32
      %max3A_2265 = vector.broadcast %max3A_2264 : i32 to vector<16xi32>
      %max3A_2266 = arith.maxsi %get3A_2253, %max3A_2265 : vector<16xi32>
      %swap3A_2267 = arith.constant 4 : i32
      %swap3A_2268 = arith.index_cast %swap3A_2267 : i32 to index
      %swap3A_2269 = arith.constant 0 : index
      %swap3A_2270 = tpu.vector_load %arg15[%swap3A_2268, %swap3A_2269] {strides = array<i32>} : memref<8x128xi32, #tpu.memory_space<vmem>>, vector<16xi32>,
      tpu.vector_store %arg15[%swap3A_2268, %swap3A_2269], %max3A_2266 {strides = array<i32>} : memref<8x128xi32, #tpu.memory_space<vmem>>, vector<16xi32>,
      %jit3A_2271 = arith.constant 1 : i32
      %broadcast_in_dim3A_2272 = vector.broadcast %jit3A_2271 : i32 to vector<16xi32>
      %select_n3A_2273 = arith.select %ge3A_2256, %broadcast_in_dim3A_2272, %broadcast_in_dim3A_2249 : vector<16xi1>, vector<16xi32>
      %get3A_2274 = arith.constant 4 : i32
      %get3A_2275 = arith.index_cast %get3A_2274 : i32 to index
      %get3A_2276 = arith.constant 16 : index
      %get3A_2277 = tpu.vector_load %arg13[%get3A_2275, %get3A_2276] {strides = array<i32>} : memref<8x128xi32, #tpu.memory_space<vmem>>, vector<16xi32>,
      %ge3A_2278 = arith.constant 0 : i32
      %ge3A_2279 = vector.broadcast %ge3A_2278 : i32 to vector<16xi32>
      %ge3A_2280 = arith.cmpi sge, %get3A_2277, %ge3A_2279 : vector<16xi32>
      %get3A_2281 = arith.constant 528 : index
      %get3A_2282 = tpu.vector_load %arg14[%get3A_2281] {strides = array<i32>} : memref<1024xf32, #tpu.memory_space<vmem>>, vector<16xf32>,
      %jit3A_2283 = arith.constant 0.000000e+00 : f32
      %broadcast_in_dim3A_2284 = vector.broadcast %jit3A_2283 : f32 to vector<16xf32>
      %select_n3A_2285 = arith.select %ge3A_2280, %get3A_2282, %broadcast_in_dim3A_2284 : vector<16xi1>, vector<16xf32>
      %swap3A_2286 = arith.constant 528 : index
      %swap3A_2287 = tpu.vector_load %arg14[%swap3A_2286] {strides = array<i32>} : memref<1024xf32, #tpu.memory_space<vmem>>, vector<16xf32>,
      tpu.vector_store %arg14[%swap3A_2286], %select_n3A_2285 {strides = array<i32>} : memref<1024xf32, #tpu.memory_space<vmem>>, vector<16xf32>,
      %max3A_2288 = arith.constant 0 : i32
      %max3A_2289 = vector.broadcast %max3A_2288 : i32 to vector<16xi32>
      %max3A_2290 = arith.maxsi %get3A_2277, %max3A_2289 : vector<16xi32>
      %swap3A_2291 = arith.constant 4 : i32
      %swap3A_2292 = arith.index_cast %swap3A_2291 : i32 to index
      %swap3A_2293 = arith.constant 16 : index
      %swap3A_2294 = tpu.vector_load %arg15[%swap3A_2292, %swap3A_2293] {strides = array<i32>} : memref<8x128xi32, #tpu.memory_space<vmem>>, vector<16xi32>,
      tpu.vector_store %arg15[%swap3A_2292, %swap3A_2293], %max3A_2290 {strides = array<i32>} : memref<8x128xi32, #tpu.memory_space<vmem>>, vector<16xi32>,
      %jit3A_2295 = arith.constant 1 : i32
      %broadcast_in_dim3A_2296 = vector.broadcast %jit3A_2295 : i32 to vector<16xi32>
      %select_n3A_2297 = arith.select %ge3A_2280, %broadcast_in_dim3A_2296, %select_n3A_2273 : vector<16xi1>, vector<16xi32>
      %get3A_2298 = arith.constant 4 : i32
      %get3A_2299 = arith.index_cast %get3A_2298 : i32 to index
      %get3A_2300 = arith.constant 32 : index
      %get3A_2301 = tpu.vector_load %arg13[%get3A_2299, %get3A_2300] {strides = array<i32>} : memref<8x128xi32, #tpu.memory_space<vmem>>, vector<16xi32>,
      %ge3A_2302 = arith.constant 0 : i32
      %ge3A_2303 = vector.broadcast %ge3A_2302 : i32 to vector<16xi32>
      %ge3A_2304 = arith.cmpi sge, %get3A_2301, %ge3A_2303 : vector<16xi32>
      %get3A_2305 = arith.constant 544 : index
      %get3A_2306 = tpu.vector_load %arg14[%get3A_2305] {strides = array<i32>} : memref<1024xf32, #tpu.memory_space<vmem>>, vector<16xf32>,
      %jit3A_2307 = arith.constant 0.000000e+00 : f32
      %broadcast_in_dim3A_2308 = vector.broadcast %jit3A_2307 : f32 to vector<16xf32>
      %select_n3A_2309 = arith.select %ge3A_2304, %get3A_2306, %broadcast_in_dim3A_2308 : vector<16xi1>, vector<16xf32>
      %swap3A_2310 = arith.constant 544 : index
      %swap3A_2311 = tpu.vector_load %arg14[%swap3A_2310] {strides = array<i32>} : memref<1024xf32, #tpu.memory_space<vmem>>, vector<16xf32>,
      tpu.vector_store %arg14[%swap3A_2310], %select_n3A_2309 {strides = array<i32>} : memref<1024xf32, #tpu.memory_space<vmem>>, vector<16xf32>,
      %max3A_2312 = arith.constant 0 : i32
      %max3A_2313 = vector.broadcast %max3A_2312 : i32 to vector<16xi32>
      %max3A_2314 = arith.maxsi %get3A_2301, %max3A_2313 : vector<16xi32>
      %swap3A_2315 = arith.constant 4 : i32
      %swap3A_2316 = arith.index_cast %swap3A_2315 : i32 to index
      %swap3A_2317 = arith.constant 32 : index
      %swap3A_2318 = tpu.vector_load %arg15[%swap3A_2316, %swap3A_2317] {strides = array<i32>} : memref<8x128xi32, #tpu.memory_space<vmem>>, vector<16xi32>,
      tpu.vector_store %arg15[%swap3A_2316, %swap3A_2317], %max3A_2314 {strides = array<i32>} : memref<8x128xi32, #tpu.memory_space<vmem>>, vector<16xi32>,
      %jit3A_2319 = arith.constant 1 : i32
      %broadcast_in_dim3A_2320 = vector.broadcast %jit3A_2319 : i32 to vector<16xi32>
      %select_n3A_2321 = arith.select %ge3A_2304, %broadcast_in_dim3A_2320, %select_n3A_2297 : vector<16xi1>, vector<16xi32>
      %get3A_2322 = arith.constant 4 : i32
      %get3A_2323 = arith.index_cast %get3A_2322 : i32 to index
      %get3A_2324 = arith.constant 48 : index
      %get3A_2325 = tpu.vector_load %arg13[%get3A_2323, %get3A_2324] {strides = array<i32>} : memref<8x128xi32, #tpu.memory_space<vmem>>, vector<16xi32>,
      %ge3A_2326 = arith.constant 0 : i32
      %ge3A_2327 = vector.broadcast %ge3A_2326 : i32 to vector<16xi32>
      %ge3A_2328 = arith.cmpi sge, %get3A_2325, %ge3A_2327 : vector<16xi32>
      %get3A_2329 = arith.constant 560 : index
      %get3A_2330 = tpu.vector_load %arg14[%get3A_2329] {strides = array<i32>} : memref<1024xf32, #tpu.memory_space<vmem>>, vector<16xf32>,
      %jit3A_2331 = arith.constant 0.000000e+00 : f32
      %broadcast_in_dim3A_2332 = vector.broadcast %jit3A_2331 : f32 to vector<16xf32>
      %select_n3A_2333 = arith.select %ge3A_2328, %get3A_2330, %broadcast_in_dim3A_2332 : vector<16xi1>, vector<16xf32>
      %swap3A_2334 = arith.constant 560 : index
      %swap3A_2335 = tpu.vector_load %arg14[%swap3A_2334] {strides = array<i32>} : memref<1024xf32, #tpu.memory_space<vmem>>, vector<16xf32>,
      tpu.vector_store %arg14[%swap3A_2334], %select_n3A_2333 {strides = array<i32>} : memref<1024xf32, #tpu.memory_space<vmem>>, vector<16xf32>,
      %max3A_2336 = arith.constant 0 : i32
      %max3A_2337 = vector.broadcast %max3A_2336 : i32 to vector<16xi32>
      %max3A_2338 = arith.maxsi %get3A_2325, %max3A_2337 : vector<16xi32>
      %swap3A_2339 = arith.constant 4 : i32
      %swap3A_2340 = arith.index_cast %swap3A_2339 : i32 to index
      %swap3A_2341 = arith.constant 48 : index
      %swap3A_2342 = tpu.vector_load %arg15[%swap3A_2340, %swap3A_2341] {strides = array<i32>} : memref<8x128xi32, #tpu.memory_space<vmem>>, vector<16xi32>,
      tpu.vector_store %arg15[%swap3A_2340, %swap3A_2341], %max3A_2338 {strides = array<i32>} : memref<8x128xi32, #tpu.memory_space<vmem>>, vector<16xi32>,
      %jit3A_2343 = arith.constant 1 : i32
      %broadcast_in_dim3A_2344 = vector.broadcast %jit3A_2343 : i32 to vector<16xi32>
      %select_n3A_2345 = arith.select %ge3A_2328, %broadcast_in_dim3A_2344, %select_n3A_2321 : vector<16xi1>, vector<16xi32>
      %get3A_2346 = arith.constant 4 : i32
      %get3A_2347 = arith.index_cast %get3A_2346 : i32 to index
      %get3A_2348 = arith.constant 64 : index
      %get3A_2349 = tpu.vector_load %arg13[%get3A_2347, %get3A_2348] {strides = array<i32>} : memref<8x128xi32, #tpu.memory_space<vmem>>, vector<16xi32>,
      %ge3A_2350 = arith.constant 0 : i32
      %ge3A_2351 = vector.broadcast %ge3A_2350 : i32 to vector<16xi32>
      %ge3A_2352 = arith.cmpi sge, %get3A_2349, %ge3A_2351 : vector<16xi32>
      %get3A_2353 = arith.constant 576 : index
      %get3A_2354 = tpu.vector_load %arg14[%get3A_2353] {strides = array<i32>} : memref<1024xf32, #tpu.memory_space<vmem>>, vector<16xf32>,
      %jit3A_2355 = arith.constant 0.000000e+00 : f32
      %broadcast_in_dim3A_2356 = vector.broadcast %jit3A_2355 : f32 to vector<16xf32>
      %select_n3A_2357 = arith.select %ge3A_2352, %get3A_2354, %broadcast_in_dim3A_2356 : vector<16xi1>, vector<16xf32>
      %swap3A_2358 = arith.constant 576 : index
      %swap3A_2359 = tpu.vector_load %arg14[%swap3A_2358] {strides = array<i32>} : memref<1024xf32, #tpu.memory_space<vmem>>, vector<16xf32>,
      tpu.vector_store %arg14[%swap3A_2358], %select_n3A_2357 {strides = array<i32>} : memref<1024xf32, #tpu.memory_space<vmem>>, vector<16xf32>,
      %max3A_2360 = arith.constant 0 : i32
      %max3A_2361 = vector.broadcast %max3A_2360 : i32 to vector<16xi32>
      %max3A_2362 = arith.maxsi %get3A_2349, %max3A_2361 : vector<16xi32>
      %swap3A_2363 = arith.constant 4 : i32
      %swap3A_2364 = arith.index_cast %swap3A_2363 : i32 to index
      %swap3A_2365 = arith.constant 64 : index
      %swap3A_2366 = tpu.vector_load %arg15[%swap3A_2364, %swap3A_2365] {strides = array<i32>} : memref<8x128xi32, #tpu.memory_space<vmem>>, vector<16xi32>,
      tpu.vector_store %arg15[%swap3A_2364, %swap3A_2365], %max3A_2362 {strides = array<i32>} : memref<8x128xi32, #tpu.memory_space<vmem>>, vector<16xi32>,
      %jit3A_2367 = arith.constant 1 : i32
      %broadcast_in_dim3A_2368 = vector.broadcast %jit3A_2367 : i32 to vector<16xi32>
      %select_n3A_2369 = arith.select %ge3A_2352, %broadcast_in_dim3A_2368, %select_n3A_2345 : vector<16xi1>, vector<16xi32>
      %get3A_2370 = arith.constant 4 : i32
      %get3A_2371 = arith.index_cast %get3A_2370 : i32 to index
      %get3A_2372 = arith.constant 80 : index
      %get3A_2373 = tpu.vector_load %arg13[%get3A_2371, %get3A_2372] {strides = array<i32>} : memref<8x128xi32, #tpu.memory_space<vmem>>, vector<16xi32>,
      %ge3A_2374 = arith.constant 0 : i32
      %ge3A_2375 = vector.broadcast %ge3A_2374 : i32 to vector<16xi32>
      %ge3A_2376 = arith.cmpi sge, %get3A_2373, %ge3A_2375 : vector<16xi32>
      %get3A_2377 = arith.constant 592 : index
      %get3A_2378 = tpu.vector_load %arg14[%get3A_2377] {strides = array<i32>} : memref<1024xf32, #tpu.memory_space<vmem>>, vector<16xf32>,
      %jit3A_2379 = arith.constant 0.000000e+00 : f32
      %broadcast_in_dim3A_2380 = vector.broadcast %jit3A_2379 : f32 to vector<16xf32>
      %select_n3A_2381 = arith.select %ge3A_2376, %get3A_2378, %broadcast_in_dim3A_2380 : vector<16xi1>, vector<16xf32>
      %swap3A_2382 = arith.constant 592 : index
      %swap3A_2383 = tpu.vector_load %arg14[%swap3A_2382] {strides = array<i32>} : memref<1024xf32, #tpu.memory_space<vmem>>, vector<16xf32>,
      tpu.vector_store %arg14[%swap3A_2382], %select_n3A_2381 {strides = array<i32>} : memref<1024xf32, #tpu.memory_space<vmem>>, vector<16xf32>,
      %max3A_2384 = arith.constant 0 : i32
      %max3A_2385 = vector.broadcast %max3A_2384 : i32 to vector<16xi32>
      %max3A_2386 = arith.maxsi %get3A_2373, %max3A_2385 : vector<16xi32>
      %swap3A_2387 = arith.constant 4 : i32
      %swap3A_2388 = arith.index_cast %swap3A_2387 : i32 to index
      %swap3A_2389 = arith.constant 80 : index
      %swap3A_2390 = tpu.vector_load %arg15[%swap3A_2388, %swap3A_2389] {strides = array<i32>} : memref<8x128xi32, #tpu.memory_space<vmem>>, vector<16xi32>,
      tpu.vector_store %arg15[%swap3A_2388, %swap3A_2389], %max3A_2386 {strides = array<i32>} : memref<8x128xi32, #tpu.memory_space<vmem>>, vector<16xi32>,
      %jit3A_2391 = arith.constant 1 : i32
      %broadcast_in_dim3A_2392 = vector.broadcast %jit3A_2391 : i32 to vector<16xi32>
      %select_n3A_2393 = arith.select %ge3A_2376, %broadcast_in_dim3A_2392, %select_n3A_2369 : vector<16xi1>, vector<16xi32>
      %get3A_2394 = arith.constant 4 : i32
      %get3A_2395 = arith.index_cast %get3A_2394 : i32 to index
      %get3A_2396 = arith.constant 96 : index
      %get3A_2397 = tpu.vector_load %arg13[%get3A_2395, %get3A_2396] {strides = array<i32>} : memref<8x128xi32, #tpu.memory_space<vmem>>, vector<16xi32>,
      %ge3A_2398 = arith.constant 0 : i32
      %ge3A_2399 = vector.broadcast %ge3A_2398 : i32 to vector<16xi32>
      %ge3A_2400 = arith.cmpi sge, %get3A_2397, %ge3A_2399 : vector<16xi32>
      %get3A_2401 = arith.constant 608 : index
      %get3A_2402 = tpu.vector_load %arg14[%get3A_2401] {strides = array<i32>} : memref<1024xf32, #tpu.memory_space<vmem>>, vector<16xf32>,
      %jit3A_2403 = arith.constant 0.000000e+00 : f32
      %broadcast_in_dim3A_2404 = vector.broadcast %jit3A_2403 : f32 to vector<16xf32>
      %select_n3A_2405 = arith.select %ge3A_2400, %get3A_2402, %broadcast_in_dim3A_2404 : vector<16xi1>, vector<16xf32>
      %swap3A_2406 = arith.constant 608 : index
      %swap3A_2407 = tpu.vector_load %arg14[%swap3A_2406] {strides = array<i32>} : memref<1024xf32, #tpu.memory_space<vmem>>, vector<16xf32>,
      tpu.vector_store %arg14[%swap3A_2406], %select_n3A_2405 {strides = array<i32>} : memref<1024xf32, #tpu.memory_space<vmem>>, vector<16xf32>,
      %max3A_2408 = arith.constant 0 : i32
      %max3A_2409 = vector.broadcast %max3A_2408 : i32 to vector<16xi32>
      %max3A_2410 = arith.maxsi %get3A_2397, %max3A_2409 : vector<16xi32>
      %swap3A_2411 = arith.constant 4 : i32
      %swap3A_2412 = arith.index_cast %swap3A_2411 : i32 to index
      %swap3A_2413 = arith.constant 96 : index
      %swap3A_2414 = tpu.vector_load %arg15[%swap3A_2412, %swap3A_2413] {strides = array<i32>} : memref<8x128xi32, #tpu.memory_space<vmem>>, vector<16xi32>,
      tpu.vector_store %arg15[%swap3A_2412, %swap3A_2413], %max3A_2410 {strides = array<i32>} : memref<8x128xi32, #tpu.memory_space<vmem>>, vector<16xi32>,
      %jit3A_2415 = arith.constant 1 : i32
      %broadcast_in_dim3A_2416 = vector.broadcast %jit3A_2415 : i32 to vector<16xi32>
      %select_n3A_2417 = arith.select %ge3A_2400, %broadcast_in_dim3A_2416, %select_n3A_2393 : vector<16xi1>, vector<16xi32>
      %get3A_2418 = arith.constant 4 : i32
      %get3A_2419 = arith.index_cast %get3A_2418 : i32 to index
      %get3A_2420 = arith.constant 112 : index
      %get3A_2421 = tpu.vector_load %arg13[%get3A_2419, %get3A_2420] {strides = array<i32>} : memref<8x128xi32, #tpu.memory_space<vmem>>, vector<16xi32>,
      %ge3A_2422 = arith.constant 0 : i32
      %ge3A_2423 = vector.broadcast %ge3A_2422 : i32 to vector<16xi32>
      %ge3A_2424 = arith.cmpi sge, %get3A_2421, %ge3A_2423 : vector<16xi32>
      %get3A_2425 = arith.constant 624 : index
      %get3A_2426 = tpu.vector_load %arg14[%get3A_2425] {strides = array<i32>} : memref<1024xf32, #tpu.memory_space<vmem>>, vector<16xf32>,
      %jit3A_2427 = arith.constant 0.000000e+00 : f32
      %broadcast_in_dim3A_2428 = vector.broadcast %jit3A_2427 : f32 to vector<16xf32>
      %select_n3A_2429 = arith.select %ge3A_2424, %get3A_2426, %broadcast_in_dim3A_2428 : vector<16xi1>, vector<16xf32>
      %swap3A_2430 = arith.constant 624 : index
      %swap3A_2431 = tpu.vector_load %arg14[%swap3A_2430] {strides = array<i32>} : memref<1024xf32, #tpu.memory_space<vmem>>, vector<16xf32>,
      tpu.vector_store %arg14[%swap3A_2430], %select_n3A_2429 {strides = array<i32>} : memref<1024xf32, #tpu.memory_space<vmem>>, vector<16xf32>,
      %max3A_2432 = arith.constant 0 : i32
      %max3A_2433 = vector.broadcast %max3A_2432 : i32 to vector<16xi32>
      %max3A_2434 = arith.maxsi %get3A_2421, %max3A_2433 : vector<16xi32>
      %swap3A_2435 = arith.constant 4 : i32
      %swap3A_2436 = arith.index_cast %swap3A_2435 : i32 to index
      %swap3A_2437 = arith.constant 112 : index
      %swap3A_2438 = tpu.vector_load %arg15[%swap3A_2436, %swap3A_2437] {strides = array<i32>} : memref<8x128xi32, #tpu.memory_space<vmem>>, vector<16xi32>,
      tpu.vector_store %arg15[%swap3A_2436, %swap3A_2437], %max3A_2434 {strides = array<i32>} : memref<8x128xi32, #tpu.memory_space<vmem>>, vector<16xi32>,
      %jit3A_2439 = arith.constant 1 : i32
      %broadcast_in_dim3A_2440 = vector.broadcast %jit3A_2439 : i32 to vector<16xi32>
      %select_n3A_2441 = arith.select %ge3A_2424, %broadcast_in_dim3A_2440, %select_n3A_2417 : vector<16xi1>, vector<16xi32>
      %swap3A_2442 = arith.constant 64 : index
      %swap3A_2443 = tpu.vector_load %arg18[%swap3A_2442] {strides = array<i32>} : memref<128xi32, #tpu.memory_space<vmem>>, vector<16xi32>,
      tpu.vector_store %arg18[%swap3A_2442], %select_n3A_2441 {strides = array<i32>} : memref<128xi32, #tpu.memory_space<vmem>>, vector<16xi32>,
      %broadcast_in_dim3A_2444 = arith.constant 0 : i32
      %broadcast_in_dim3A_2445 = vector.broadcast %broadcast_in_dim3A_2444 : i32 to vector<16xi32>
      %get3A_2446 = arith.constant 5 : i32
      %get3A_2447 = arith.index_cast %get3A_2446 : i32 to index
      %get3A_2448 = arith.constant 0 : index
      %get3A_2449 = tpu.vector_load %arg13[%get3A_2447, %get3A_2448] {strides = array<i32>} : memref<8x128xi32, #tpu.memory_space<vmem>>, vector<16xi32>,
      %ge3A_2450 = arith.constant 0 : i32
      %ge3A_2451 = vector.broadcast %ge3A_2450 : i32 to vector<16xi32>
      %ge3A_2452 = arith.cmpi sge, %get3A_2449, %ge3A_2451 : vector<16xi32>
      %get3A_2453 = arith.constant 640 : index
      %get3A_2454 = tpu.vector_load %arg14[%get3A_2453] {strides = array<i32>} : memref<1024xf32, #tpu.memory_space<vmem>>, vector<16xf32>,
      %jit3A_2455 = arith.constant 0.000000e+00 : f32
      %broadcast_in_dim3A_2456 = vector.broadcast %jit3A_2455 : f32 to vector<16xf32>
      %select_n3A_2457 = arith.select %ge3A_2452, %get3A_2454, %broadcast_in_dim3A_2456 : vector<16xi1>, vector<16xf32>
      %swap3A_2458 = arith.constant 640 : index
      %swap3A_2459 = tpu.vector_load %arg14[%swap3A_2458] {strides = array<i32>} : memref<1024xf32, #tpu.memory_space<vmem>>, vector<16xf32>,
      tpu.vector_store %arg14[%swap3A_2458], %select_n3A_2457 {strides = array<i32>} : memref<1024xf32, #tpu.memory_space<vmem>>, vector<16xf32>,
      %max3A_2460 = arith.constant 0 : i32
      %max3A_2461 = vector.broadcast %max3A_2460 : i32 to vector<16xi32>
      %max3A_2462 = arith.maxsi %get3A_2449, %max3A_2461 : vector<16xi32>
      %swap3A_2463 = arith.constant 5 : i32
      %swap3A_2464 = arith.index_cast %swap3A_2463 : i32 to index
      %swap3A_2465 = arith.constant 0 : index
      %swap3A_2466 = tpu.vector_load %arg15[%swap3A_2464, %swap3A_2465] {strides = array<i32>} : memref<8x128xi32, #tpu.memory_space<vmem>>, vector<16xi32>,
      tpu.vector_store %arg15[%swap3A_2464, %swap3A_2465], %max3A_2462 {strides = array<i32>} : memref<8x128xi32, #tpu.memory_space<vmem>>, vector<16xi32>,
      %jit3A_2467 = arith.constant 1 : i32
      %broadcast_in_dim3A_2468 = vector.broadcast %jit3A_2467 : i32 to vector<16xi32>
      %select_n3A_2469 = arith.select %ge3A_2452, %broadcast_in_dim3A_2468, %broadcast_in_dim3A_2445 : vector<16xi1>, vector<16xi32>
      %get3A_2470 = arith.constant 5 : i32
      %get3A_2471 = arith.index_cast %get3A_2470 : i32 to index
      %get3A_2472 = arith.constant 16 : index
      %get3A_2473 = tpu.vector_load %arg13[%get3A_2471, %get3A_2472] {strides = array<i32>} : memref<8x128xi32, #tpu.memory_space<vmem>>, vector<16xi32>,
      %ge3A_2474 = arith.constant 0 : i32
      %ge3A_2475 = vector.broadcast %ge3A_2474 : i32 to vector<16xi32>
      %ge3A_2476 = arith.cmpi sge, %get3A_2473, %ge3A_2475 : vector<16xi32>
      %get3A_2477 = arith.constant 656 : index
      %get3A_2478 = tpu.vector_load %arg14[%get3A_2477] {strides = array<i32>} : memref<1024xf32, #tpu.memory_space<vmem>>, vector<16xf32>,
      %jit3A_2479 = arith.constant 0.000000e+00 : f32
      %broadcast_in_dim3A_2480 = vector.broadcast %jit3A_2479 : f32 to vector<16xf32>
      %select_n3A_2481 = arith.select %ge3A_2476, %get3A_2478, %broadcast_in_dim3A_2480 : vector<16xi1>, vector<16xf32>
      %swap3A_2482 = arith.constant 656 : index
      %swap3A_2483 = tpu.vector_load %arg14[%swap3A_2482] {strides = array<i32>} : memref<1024xf32, #tpu.memory_space<vmem>>, vector<16xf32>,
      tpu.vector_store %arg14[%swap3A_2482], %select_n3A_2481 {strides = array<i32>} : memref<1024xf32, #tpu.memory_space<vmem>>, vector<16xf32>,
      %max3A_2484 = arith.constant 0 : i32
      %max3A_2485 = vector.broadcast %max3A_2484 : i32 to vector<16xi32>
      %max3A_2486 = arith.maxsi %get3A_2473, %max3A_2485 : vector<16xi32>
      %swap3A_2487 = arith.constant 5 : i32
      %swap3A_2488 = arith.index_cast %swap3A_2487 : i32 to index
      %swap3A_2489 = arith.constant 16 : index
      %swap3A_2490 = tpu.vector_load %arg15[%swap3A_2488, %swap3A_2489] {strides = array<i32>} : memref<8x128xi32, #tpu.memory_space<vmem>>, vector<16xi32>,
      tpu.vector_store %arg15[%swap3A_2488, %swap3A_2489], %max3A_2486 {strides = array<i32>} : memref<8x128xi32, #tpu.memory_space<vmem>>, vector<16xi32>,
      %jit3A_2491 = arith.constant 1 : i32
      %broadcast_in_dim3A_2492 = vector.broadcast %jit3A_2491 : i32 to vector<16xi32>
      %select_n3A_2493 = arith.select %ge3A_2476, %broadcast_in_dim3A_2492, %select_n3A_2469 : vector<16xi1>, vector<16xi32>
      %get3A_2494 = arith.constant 5 : i32
      %get3A_2495 = arith.index_cast %get3A_2494 : i32 to index
      %get3A_2496 = arith.constant 32 : index
      %get3A_2497 = tpu.vector_load %arg13[%get3A_2495, %get3A_2496] {strides = array<i32>} : memref<8x128xi32, #tpu.memory_space<vmem>>, vector<16xi32>,
      %ge3A_2498 = arith.constant 0 : i32
      %ge3A_2499 = vector.broadcast %ge3A_2498 : i32 to vector<16xi32>
      %ge3A_2500 = arith.cmpi sge, %get3A_2497, %ge3A_2499 : vector<16xi32>
      %get3A_2501 = arith.constant 672 : index
      %get3A_2502 = tpu.vector_load %arg14[%get3A_2501] {strides = array<i32>} : memref<1024xf32, #tpu.memory_space<vmem>>, vector<16xf32>,
      %jit3A_2503 = arith.constant 0.000000e+00 : f32
      %broadcast_in_dim3A_2504 = vector.broadcast %jit3A_2503 : f32 to vector<16xf32>
      %select_n3A_2505 = arith.select %ge3A_2500, %get3A_2502, %broadcast_in_dim3A_2504 : vector<16xi1>, vector<16xf32>
      %swap3A_2506 = arith.constant 672 : index
      %swap3A_2507 = tpu.vector_load %arg14[%swap3A_2506] {strides = array<i32>} : memref<1024xf32, #tpu.memory_space<vmem>>, vector<16xf32>,
      tpu.vector_store %arg14[%swap3A_2506], %select_n3A_2505 {strides = array<i32>} : memref<1024xf32, #tpu.memory_space<vmem>>, vector<16xf32>,
      %max3A_2508 = arith.constant 0 : i32
      %max3A_2509 = vector.broadcast %max3A_2508 : i32 to vector<16xi32>
      %max3A_2510 = arith.maxsi %get3A_2497, %max3A_2509 : vector<16xi32>
      %swap3A_2511 = arith.constant 5 : i32
      %swap3A_2512 = arith.index_cast %swap3A_2511 : i32 to index
      %swap3A_2513 = arith.constant 32 : index
      %swap3A_2514 = tpu.vector_load %arg15[%swap3A_2512, %swap3A_2513] {strides = array<i32>} : memref<8x128xi32, #tpu.memory_space<vmem>>, vector<16xi32>,
      tpu.vector_store %arg15[%swap3A_2512, %swap3A_2513], %max3A_2510 {strides = array<i32>} : memref<8x128xi32, #tpu.memory_space<vmem>>, vector<16xi32>,
      %jit3A_2515 = arith.constant 1 : i32
      %broadcast_in_dim3A_2516 = vector.broadcast %jit3A_2515 : i32 to vector<16xi32>
      %select_n3A_2517 = arith.select %ge3A_2500, %broadcast_in_dim3A_2516, %select_n3A_2493 : vector<16xi1>, vector<16xi32>
      %get3A_2518 = arith.constant 5 : i32
      %get3A_2519 = arith.index_cast %get3A_2518 : i32 to index
      %get3A_2520 = arith.constant 48 : index
      %get3A_2521 = tpu.vector_load %arg13[%get3A_2519, %get3A_2520] {strides = array<i32>} : memref<8x128xi32, #tpu.memory_space<vmem>>, vector<16xi32>,
      %ge3A_2522 = arith.constant 0 : i32
      %ge3A_2523 = vector.broadcast %ge3A_2522 : i32 to vector<16xi32>
      %ge3A_2524 = arith.cmpi sge, %get3A_2521, %ge3A_2523 : vector<16xi32>
      %get3A_2525 = arith.constant 688 : index
      %get3A_2526 = tpu.vector_load %arg14[%get3A_2525] {strides = array<i32>} : memref<1024xf32, #tpu.memory_space<vmem>>, vector<16xf32>,
      %jit3A_2527 = arith.constant 0.000000e+00 : f32
      %broadcast_in_dim3A_2528 = vector.broadcast %jit3A_2527 : f32 to vector<16xf32>
      %select_n3A_2529 = arith.select %ge3A_2524, %get3A_2526, %broadcast_in_dim3A_2528 : vector<16xi1>, vector<16xf32>
      %swap3A_2530 = arith.constant 688 : index
      %swap3A_2531 = tpu.vector_load %arg14[%swap3A_2530] {strides = array<i32>} : memref<1024xf32, #tpu.memory_space<vmem>>, vector<16xf32>,
      tpu.vector_store %arg14[%swap3A_2530], %select_n3A_2529 {strides = array<i32>} : memref<1024xf32, #tpu.memory_space<vmem>>, vector<16xf32>,
      %max3A_2532 = arith.constant 0 : i32
      %max3A_2533 = vector.broadcast %max3A_2532 : i32 to vector<16xi32>
      %max3A_2534 = arith.maxsi %get3A_2521, %max3A_2533 : vector<16xi32>
      %swap3A_2535 = arith.constant 5 : i32
      %swap3A_2536 = arith.index_cast %swap3A_2535 : i32 to index
      %swap3A_2537 = arith.constant 48 : index
      %swap3A_2538 = tpu.vector_load %arg15[%swap3A_2536, %swap3A_2537] {strides = array<i32>} : memref<8x128xi32, #tpu.memory_space<vmem>>, vector<16xi32>,
      tpu.vector_store %arg15[%swap3A_2536, %swap3A_2537], %max3A_2534 {strides = array<i32>} : memref<8x128xi32, #tpu.memory_space<vmem>>, vector<16xi32>,
      %jit3A_2539 = arith.constant 1 : i32
      %broadcast_in_dim3A_2540 = vector.broadcast %jit3A_2539 : i32 to vector<16xi32>
      %select_n3A_2541 = arith.select %ge3A_2524, %broadcast_in_dim3A_2540, %select_n3A_2517 : vector<16xi1>, vector<16xi32>
      %get3A_2542 = arith.constant 5 : i32
      %get3A_2543 = arith.index_cast %get3A_2542 : i32 to index
      %get3A_2544 = arith.constant 64 : index
      %get3A_2545 = tpu.vector_load %arg13[%get3A_2543, %get3A_2544] {strides = array<i32>} : memref<8x128xi32, #tpu.memory_space<vmem>>, vector<16xi32>,
      %ge3A_2546 = arith.constant 0 : i32
      %ge3A_2547 = vector.broadcast %ge3A_2546 : i32 to vector<16xi32>
      %ge3A_2548 = arith.cmpi sge, %get3A_2545, %ge3A_2547 : vector<16xi32>
      %get3A_2549 = arith.constant 704 : index
      %get3A_2550 = tpu.vector_load %arg14[%get3A_2549] {strides = array<i32>} : memref<1024xf32, #tpu.memory_space<vmem>>, vector<16xf32>,
      %jit3A_2551 = arith.constant 0.000000e+00 : f32
      %broadcast_in_dim3A_2552 = vector.broadcast %jit3A_2551 : f32 to vector<16xf32>
      %select_n3A_2553 = arith.select %ge3A_2548, %get3A_2550, %broadcast_in_dim3A_2552 : vector<16xi1>, vector<16xf32>
      %swap3A_2554 = arith.constant 704 : index
      %swap3A_2555 = tpu.vector_load %arg14[%swap3A_2554] {strides = array<i32>} : memref<1024xf32, #tpu.memory_space<vmem>>, vector<16xf32>,
      tpu.vector_store %arg14[%swap3A_2554], %select_n3A_2553 {strides = array<i32>} : memref<1024xf32, #tpu.memory_space<vmem>>, vector<16xf32>,
      %max3A_2556 = arith.constant 0 : i32
      %max3A_2557 = vector.broadcast %max3A_2556 : i32 to vector<16xi32>
      %max3A_2558 = arith.maxsi %get3A_2545, %max3A_2557 : vector<16xi32>
      %swap3A_2559 = arith.constant 5 : i32
      %swap3A_2560 = arith.index_cast %swap3A_2559 : i32 to index
      %swap3A_2561 = arith.constant 64 : index
      %swap3A_2562 = tpu.vector_load %arg15[%swap3A_2560, %swap3A_2561] {strides = array<i32>} : memref<8x128xi32, #tpu.memory_space<vmem>>, vector<16xi32>,
      tpu.vector_store %arg15[%swap3A_2560, %swap3A_2561], %max3A_2558 {strides = array<i32>} : memref<8x128xi32, #tpu.memory_space<vmem>>, vector<16xi32>,
      %jit3A_2563 = arith.constant 1 : i32
      %broadcast_in_dim3A_2564 = vector.broadcast %jit3A_2563 : i32 to vector<16xi32>
      %select_n3A_2565 = arith.select %ge3A_2548, %broadcast_in_dim3A_2564, %select_n3A_2541 : vector<16xi1>, vector<16xi32>
      %get3A_2566 = arith.constant 5 : i32
      %get3A_2567 = arith.index_cast %get3A_2566 : i32 to index
      %get3A_2568 = arith.constant 80 : index
      %get3A_2569 = tpu.vector_load %arg13[%get3A_2567, %get3A_2568] {strides = array<i32>} : memref<8x128xi32, #tpu.memory_space<vmem>>, vector<16xi32>,
      %ge3A_2570 = arith.constant 0 : i32
      %ge3A_2571 = vector.broadcast %ge3A_2570 : i32 to vector<16xi32>
      %ge3A_2572 = arith.cmpi sge, %get3A_2569, %ge3A_2571 : vector<16xi32>
      %get3A_2573 = arith.constant 720 : index
      %get3A_2574 = tpu.vector_load %arg14[%get3A_2573] {strides = array<i32>} : memref<1024xf32, #tpu.memory_space<vmem>>, vector<16xf32>,
      %jit3A_2575 = arith.constant 0.000000e+00 : f32
      %broadcast_in_dim3A_2576 = vector.broadcast %jit3A_2575 : f32 to vector<16xf32>
      %select_n3A_2577 = arith.select %ge3A_2572, %get3A_2574, %broadcast_in_dim3A_2576 : vector<16xi1>, vector<16xf32>
      %swap3A_2578 = arith.constant 720 : index
      %swap3A_2579 = tpu.vector_load %arg14[%swap3A_2578] {strides = array<i32>} : memref<1024xf32, #tpu.memory_space<vmem>>, vector<16xf32>,
      tpu.vector_store %arg14[%swap3A_2578], %select_n3A_2577 {strides = array<i32>} : memref<1024xf32, #tpu.memory_space<vmem>>, vector<16xf32>,
      %max3A_2580 = arith.constant 0 : i32
      %max3A_2581 = vector.broadcast %max3A_2580 : i32 to vector<16xi32>
      %max3A_2582 = arith.maxsi %get3A_2569, %max3A_2581 : vector<16xi32>
      %swap3A_2583 = arith.constant 5 : i32
      %swap3A_2584 = arith.index_cast %swap3A_2583 : i32 to index
      %swap3A_2585 = arith.constant 80 : index
      %swap3A_2586 = tpu.vector_load %arg15[%swap3A_2584, %swap3A_2585] {strides = array<i32>} : memref<8x128xi32, #tpu.memory_space<vmem>>, vector<16xi32>,
      tpu.vector_store %arg15[%swap3A_2584, %swap3A_2585], %max3A_2582 {strides = array<i32>} : memref<8x128xi32, #tpu.memory_space<vmem>>, vector<16xi32>,
      %jit3A_2587 = arith.constant 1 : i32
      %broadcast_in_dim3A_2588 = vector.broadcast %jit3A_2587 : i32 to vector<16xi32>
      %select_n3A_2589 = arith.select %ge3A_2572, %broadcast_in_dim3A_2588, %select_n3A_2565 : vector<16xi1>, vector<16xi32>
      %get3A_2590 = arith.constant 5 : i32
      %get3A_2591 = arith.index_cast %get3A_2590 : i32 to index
      %get3A_2592 = arith.constant 96 : index
      %get3A_2593 = tpu.vector_load %arg13[%get3A_2591, %get3A_2592] {strides = array<i32>} : memref<8x128xi32, #tpu.memory_space<vmem>>, vector<16xi32>,
      %ge3A_2594 = arith.constant 0 : i32
      %ge3A_2595 = vector.broadcast %ge3A_2594 : i32 to vector<16xi32>
      %ge3A_2596 = arith.cmpi sge, %get3A_2593, %ge3A_2595 : vector<16xi32>
      %get3A_2597 = arith.constant 736 : index
      %get3A_2598 = tpu.vector_load %arg14[%get3A_2597] {strides = array<i32>} : memref<1024xf32, #tpu.memory_space<vmem>>, vector<16xf32>,
      %jit3A_2599 = arith.constant 0.000000e+00 : f32
      %broadcast_in_dim3A_2600 = vector.broadcast %jit3A_2599 : f32 to vector<16xf32>
      %select_n3A_2601 = arith.select %ge3A_2596, %get3A_2598, %broadcast_in_dim3A_2600 : vector<16xi1>, vector<16xf32>
      %swap3A_2602 = arith.constant 736 : index
      %swap3A_2603 = tpu.vector_load %arg14[%swap3A_2602] {strides = array<i32>} : memref<1024xf32, #tpu.memory_space<vmem>>, vector<16xf32>,
      tpu.vector_store %arg14[%swap3A_2602], %select_n3A_2601 {strides = array<i32>} : memref<1024xf32, #tpu.memory_space<vmem>>, vector<16xf32>,
      %max3A_2604 = arith.constant 0 : i32
      %max3A_2605 = vector.broadcast %max3A_2604 : i32 to vector<16xi32>
      %max3A_2606 = arith.maxsi %get3A_2593, %max3A_2605 : vector<16xi32>
      %swap3A_2607 = arith.constant 5 : i32
      %swap3A_2608 = arith.index_cast %swap3A_2607 : i32 to index
      %swap3A_2609 = arith.constant 96 : index
      %swap3A_2610 = tpu.vector_load %arg15[%swap3A_2608, %swap3A_2609] {strides = array<i32>} : memref<8x128xi32, #tpu.memory_space<vmem>>, vector<16xi32>,
      tpu.vector_store %arg15[%swap3A_2608, %swap3A_2609], %max3A_2606 {strides = array<i32>} : memref<8x128xi32, #tpu.memory_space<vmem>>, vector<16xi32>,
      %jit3A_2611 = arith.constant 1 : i32
      %broadcast_in_dim3A_2612 = vector.broadcast %jit3A_2611 : i32 to vector<16xi32>
      %select_n3A_2613 = arith.select %ge3A_2596, %broadcast_in_dim3A_2612, %select_n3A_2589 : vector<16xi1>, vector<16xi32>
      %get3A_2614 = arith.constant 5 : i32
      %get3A_2615 = arith.index_cast %get3A_2614 : i32 to index
      %get3A_2616 = arith.constant 112 : index
      %get3A_2617 = tpu.vector_load %arg13[%get3A_2615, %get3A_2616] {strides = array<i32>} : memref<8x128xi32, #tpu.memory_space<vmem>>, vector<16xi32>,
      %ge3A_2618 = arith.constant 0 : i32
      %ge3A_2619 = vector.broadcast %ge3A_2618 : i32 to vector<16xi32>
      %ge3A_2620 = arith.cmpi sge, %get3A_2617, %ge3A_2619 : vector<16xi32>
      %get3A_2621 = arith.constant 752 : index
      %get3A_2622 = tpu.vector_load %arg14[%get3A_2621] {strides = array<i32>} : memref<1024xf32, #tpu.memory_space<vmem>>, vector<16xf32>,
      %jit3A_2623 = arith.constant 0.000000e+00 : f32
      %broadcast_in_dim3A_2624 = vector.broadcast %jit3A_2623 : f32 to vector<16xf32>
      %select_n3A_2625 = arith.select %ge3A_2620, %get3A_2622, %broadcast_in_dim3A_2624 : vector<16xi1>, vector<16xf32>
      %swap3A_2626 = arith.constant 752 : index
      %swap3A_2627 = tpu.vector_load %arg14[%swap3A_2626] {strides = array<i32>} : memref<1024xf32, #tpu.memory_space<vmem>>, vector<16xf32>,
      tpu.vector_store %arg14[%swap3A_2626], %select_n3A_2625 {strides = array<i32>} : memref<1024xf32, #tpu.memory_space<vmem>>, vector<16xf32>,
      %max3A_2628 = arith.constant 0 : i32
      %max3A_2629 = vector.broadcast %max3A_2628 : i32 to vector<16xi32>
      %max3A_2630 = arith.maxsi %get3A_2617, %max3A_2629 : vector<16xi32>
      %swap3A_2631 = arith.constant 5 : i32
      %swap3A_2632 = arith.index_cast %swap3A_2631 : i32 to index
      %swap3A_2633 = arith.constant 112 : index
      %swap3A_2634 = tpu.vector_load %arg15[%swap3A_2632, %swap3A_2633] {strides = array<i32>} : memref<8x128xi32, #tpu.memory_space<vmem>>, vector<16xi32>,
      tpu.vector_store %arg15[%swap3A_2632, %swap3A_2633], %max3A_2630 {strides = array<i32>} : memref<8x128xi32, #tpu.memory_space<vmem>>, vector<16xi32>,
      %jit3A_2635 = arith.constant 1 : i32
      %broadcast_in_dim3A_2636 = vector.broadcast %jit3A_2635 : i32 to vector<16xi32>
      %select_n3A_2637 = arith.select %ge3A_2620, %broadcast_in_dim3A_2636, %select_n3A_2613 : vector<16xi1>, vector<16xi32>
      %swap3A_2638 = arith.constant 80 : index
      %swap3A_2639 = tpu.vector_load %arg18[%swap3A_2638] {strides = array<i32>} : memref<128xi32, #tpu.memory_space<vmem>>, vector<16xi32>,
      tpu.vector_store %arg18[%swap3A_2638], %select_n3A_2637 {strides = array<i32>} : memref<128xi32, #tpu.memory_space<vmem>>, vector<16xi32>,
      %broadcast_in_dim3A_2640 = arith.constant 0 : i32
      %broadcast_in_dim3A_2641 = vector.broadcast %broadcast_in_dim3A_2640 : i32 to vector<16xi32>
      %get3A_2642 = arith.constant 6 : i32
      %get3A_2643 = arith.index_cast %get3A_2642 : i32 to index
      %get3A_2644 = arith.constant 0 : index
      %get3A_2645 = tpu.vector_load %arg13[%get3A_2643, %get3A_2644] {strides = array<i32>} : memref<8x128xi32, #tpu.memory_space<vmem>>, vector<16xi32>,
      %ge3A_2646 = arith.constant 0 : i32
      %ge3A_2647 = vector.broadcast %ge3A_2646 : i32 to vector<16xi32>
      %ge3A_2648 = arith.cmpi sge, %get3A_2645, %ge3A_2647 : vector<16xi32>
      %get3A_2649 = arith.constant 768 : index
      %get3A_2650 = tpu.vector_load %arg14[%get3A_2649] {strides = array<i32>} : memref<1024xf32, #tpu.memory_space<vmem>>, vector<16xf32>,
      %jit3A_2651 = arith.constant 0.000000e+00 : f32
      %broadcast_in_dim3A_2652 = vector.broadcast %jit3A_2651 : f32 to vector<16xf32>
      %select_n3A_2653 = arith.select %ge3A_2648, %get3A_2650, %broadcast_in_dim3A_2652 : vector<16xi1>, vector<16xf32>
      %swap3A_2654 = arith.constant 768 : index
      %swap3A_2655 = tpu.vector_load %arg14[%swap3A_2654] {strides = array<i32>} : memref<1024xf32, #tpu.memory_space<vmem>>, vector<16xf32>,
      tpu.vector_store %arg14[%swap3A_2654], %select_n3A_2653 {strides = array<i32>} : memref<1024xf32, #tpu.memory_space<vmem>>, vector<16xf32>,
      %max3A_2656 = arith.constant 0 : i32
      %max3A_2657 = vector.broadcast %max3A_2656 : i32 to vector<16xi32>
      %max3A_2658 = arith.maxsi %get3A_2645, %max3A_2657 : vector<16xi32>
      %swap3A_2659 = arith.constant 6 : i32
      %swap3A_2660 = arith.index_cast %swap3A_2659 : i32 to index
      %swap3A_2661 = arith.constant 0 : index
      %swap3A_2662 = tpu.vector_load %arg15[%swap3A_2660, %swap3A_2661] {strides = array<i32>} : memref<8x128xi32, #tpu.memory_space<vmem>>, vector<16xi32>,
      tpu.vector_store %arg15[%swap3A_2660, %swap3A_2661], %max3A_2658 {strides = array<i32>} : memref<8x128xi32, #tpu.memory_space<vmem>>, vector<16xi32>,
      %jit3A_2663 = arith.constant 1 : i32
      %broadcast_in_dim3A_2664 = vector.broadcast %jit3A_2663 : i32 to vector<16xi32>
      %select_n3A_2665 = arith.select %ge3A_2648, %broadcast_in_dim3A_2664, %broadcast_in_dim3A_2641 : vector<16xi1>, vector<16xi32>
      %get3A_2666 = arith.constant 6 : i32
      %get3A_2667 = arith.index_cast %get3A_2666 : i32 to index
      %get3A_2668 = arith.constant 16 : index
      %get3A_2669 = tpu.vector_load %arg13[%get3A_2667, %get3A_2668] {strides = array<i32>} : memref<8x128xi32, #tpu.memory_space<vmem>>, vector<16xi32>,
      %ge3A_2670 = arith.constant 0 : i32
      %ge3A_2671 = vector.broadcast %ge3A_2670 : i32 to vector<16xi32>
      %ge3A_2672 = arith.cmpi sge, %get3A_2669, %ge3A_2671 : vector<16xi32>
      %get3A_2673 = arith.constant 784 : index
      %get3A_2674 = tpu.vector_load %arg14[%get3A_2673] {strides = array<i32>} : memref<1024xf32, #tpu.memory_space<vmem>>, vector<16xf32>,
      %jit3A_2675 = arith.constant 0.000000e+00 : f32
      %broadcast_in_dim3A_2676 = vector.broadcast %jit3A_2675 : f32 to vector<16xf32>
      %select_n3A_2677 = arith.select %ge3A_2672, %get3A_2674, %broadcast_in_dim3A_2676 : vector<16xi1>, vector<16xf32>
      %swap3A_2678 = arith.constant 784 : index
      %swap3A_2679 = tpu.vector_load %arg14[%swap3A_2678] {strides = array<i32>} : memref<1024xf32, #tpu.memory_space<vmem>>, vector<16xf32>,
      tpu.vector_store %arg14[%swap3A_2678], %select_n3A_2677 {strides = array<i32>} : memref<1024xf32, #tpu.memory_space<vmem>>, vector<16xf32>,
      %max3A_2680 = arith.constant 0 : i32
      %max3A_2681 = vector.broadcast %max3A_2680 : i32 to vector<16xi32>
      %max3A_2682 = arith.maxsi %get3A_2669, %max3A_2681 : vector<16xi32>
      %swap3A_2683 = arith.constant 6 : i32
      %swap3A_2684 = arith.index_cast %swap3A_2683 : i32 to index
      %swap3A_2685 = arith.constant 16 : index
      %swap3A_2686 = tpu.vector_load %arg15[%swap3A_2684, %swap3A_2685] {strides = array<i32>} : memref<8x128xi32, #tpu.memory_space<vmem>>, vector<16xi32>,
      tpu.vector_store %arg15[%swap3A_2684, %swap3A_2685], %max3A_2682 {strides = array<i32>} : memref<8x128xi32, #tpu.memory_space<vmem>>, vector<16xi32>,
      %jit3A_2687 = arith.constant 1 : i32
      %broadcast_in_dim3A_2688 = vector.broadcast %jit3A_2687 : i32 to vector<16xi32>
      %select_n3A_2689 = arith.select %ge3A_2672, %broadcast_in_dim3A_2688, %select_n3A_2665 : vector<16xi1>, vector<16xi32>
      %get3A_2690 = arith.constant 6 : i32
      %get3A_2691 = arith.index_cast %get3A_2690 : i32 to index
      %get3A_2692 = arith.constant 32 : index
      %get3A_2693 = tpu.vector_load %arg13[%get3A_2691, %get3A_2692] {strides = array<i32>} : memref<8x128xi32, #tpu.memory_space<vmem>>, vector<16xi32>,
      %ge3A_2694 = arith.constant 0 : i32
      %ge3A_2695 = vector.broadcast %ge3A_2694 : i32 to vector<16xi32>
      %ge3A_2696 = arith.cmpi sge, %get3A_2693, %ge3A_2695 : vector<16xi32>
      %get3A_2697 = arith.constant 800 : index
      %get3A_2698 = tpu.vector_load %arg14[%get3A_2697] {strides = array<i32>} : memref<1024xf32, #tpu.memory_space<vmem>>, vector<16xf32>,
      %jit3A_2699 = arith.constant 0.000000e+00 : f32
      %broadcast_in_dim3A_2700 = vector.broadcast %jit3A_2699 : f32 to vector<16xf32>
      %select_n3A_2701 = arith.select %ge3A_2696, %get3A_2698, %broadcast_in_dim3A_2700 : vector<16xi1>, vector<16xf32>
      %swap3A_2702 = arith.constant 800 : index
      %swap3A_2703 = tpu.vector_load %arg14[%swap3A_2702] {strides = array<i32>} : memref<1024xf32, #tpu.memory_space<vmem>>, vector<16xf32>,
      tpu.vector_store %arg14[%swap3A_2702], %select_n3A_2701 {strides = array<i32>} : memref<1024xf32, #tpu.memory_space<vmem>>, vector<16xf32>,
      %max3A_2704 = arith.constant 0 : i32
      %max3A_2705 = vector.broadcast %max3A_2704 : i32 to vector<16xi32>
      %max3A_2706 = arith.maxsi %get3A_2693, %max3A_2705 : vector<16xi32>
      %swap3A_2707 = arith.constant 6 : i32
      %swap3A_2708 = arith.index_cast %swap3A_2707 : i32 to index
      %swap3A_2709 = arith.constant 32 : index
      %swap3A_2710 = tpu.vector_load %arg15[%swap3A_2708, %swap3A_2709] {strides = array<i32>} : memref<8x128xi32, #tpu.memory_space<vmem>>, vector<16xi32>,
      tpu.vector_store %arg15[%swap3A_2708, %swap3A_2709], %max3A_2706 {strides = array<i32>} : memref<8x128xi32, #tpu.memory_space<vmem>>, vector<16xi32>,
      %jit3A_2711 = arith.constant 1 : i32
      %broadcast_in_dim3A_2712 = vector.broadcast %jit3A_2711 : i32 to vector<16xi32>
      %select_n3A_2713 = arith.select %ge3A_2696, %broadcast_in_dim3A_2712, %select_n3A_2689 : vector<16xi1>, vector<16xi32>
      %get3A_2714 = arith.constant 6 : i32
      %get3A_2715 = arith.index_cast %get3A_2714 : i32 to index
      %get3A_2716 = arith.constant 48 : index
      %get3A_2717 = tpu.vector_load %arg13[%get3A_2715, %get3A_2716] {strides = array<i32>} : memref<8x128xi32, #tpu.memory_space<vmem>>, vector<16xi32>,
      %ge3A_2718 = arith.constant 0 : i32
      %ge3A_2719 = vector.broadcast %ge3A_2718 : i32 to vector<16xi32>
      %ge3A_2720 = arith.cmpi sge, %get3A_2717, %ge3A_2719 : vector<16xi32>
      %get3A_2721 = arith.constant 816 : index
      %get3A_2722 = tpu.vector_load %arg14[%get3A_2721] {strides = array<i32>} : memref<1024xf32, #tpu.memory_space<vmem>>, vector<16xf32>,
      %jit3A_2723 = arith.constant 0.000000e+00 : f32
      %broadcast_in_dim3A_2724 = vector.broadcast %jit3A_2723 : f32 to vector<16xf32>
      %select_n3A_2725 = arith.select %ge3A_2720, %get3A_2722, %broadcast_in_dim3A_2724 : vector<16xi1>, vector<16xf32>
      %swap3A_2726 = arith.constant 816 : index
      %swap3A_2727 = tpu.vector_load %arg14[%swap3A_2726] {strides = array<i32>} : memref<1024xf32, #tpu.memory_space<vmem>>, vector<16xf32>,
      tpu.vector_store %arg14[%swap3A_2726], %select_n3A_2725 {strides = array<i32>} : memref<1024xf32, #tpu.memory_space<vmem>>, vector<16xf32>,
      %max3A_2728 = arith.constant 0 : i32
      %max3A_2729 = vector.broadcast %max3A_2728 : i32 to vector<16xi32>
      %max3A_2730 = arith.maxsi %get3A_2717, %max3A_2729 : vector<16xi32>
      %swap3A_2731 = arith.constant 6 : i32
      %swap3A_2732 = arith.index_cast %swap3A_2731 : i32 to index
      %swap3A_2733 = arith.constant 48 : index
      %swap3A_2734 = tpu.vector_load %arg15[%swap3A_2732, %swap3A_2733] {strides = array<i32>} : memref<8x128xi32, #tpu.memory_space<vmem>>, vector<16xi32>,
      tpu.vector_store %arg15[%swap3A_2732, %swap3A_2733], %max3A_2730 {strides = array<i32>} : memref<8x128xi32, #tpu.memory_space<vmem>>, vector<16xi32>,
      %jit3A_2735 = arith.constant 1 : i32
      %broadcast_in_dim3A_2736 = vector.broadcast %jit3A_2735 : i32 to vector<16xi32>
      %select_n3A_2737 = arith.select %ge3A_2720, %broadcast_in_dim3A_2736, %select_n3A_2713 : vector<16xi1>, vector<16xi32>
      %get3A_2738 = arith.constant 6 : i32
      %get3A_2739 = arith.index_cast %get3A_2738 : i32 to index
      %get3A_2740 = arith.constant 64 : index
      %get3A_2741 = tpu.vector_load %arg13[%get3A_2739, %get3A_2740] {strides = array<i32>} : memref<8x128xi32, #tpu.memory_space<vmem>>, vector<16xi32>,
      %ge3A_2742 = arith.constant 0 : i32
      %ge3A_2743 = vector.broadcast %ge3A_2742 : i32 to vector<16xi32>
      %ge3A_2744 = arith.cmpi sge, %get3A_2741, %ge3A_2743 : vector<16xi32>
      %get3A_2745 = arith.constant 832 : index
      %get3A_2746 = tpu.vector_load %arg14[%get3A_2745] {strides = array<i32>} : memref<1024xf32, #tpu.memory_space<vmem>>, vector<16xf32>,
      %jit3A_2747 = arith.constant 0.000000e+00 : f32
      %broadcast_in_dim3A_2748 = vector.broadcast %jit3A_2747 : f32 to vector<16xf32>
      %select_n3A_2749 = arith.select %ge3A_2744, %get3A_2746, %broadcast_in_dim3A_2748 : vector<16xi1>, vector<16xf32>
      %swap3A_2750 = arith.constant 832 : index
      %swap3A_2751 = tpu.vector_load %arg14[%swap3A_2750] {strides = array<i32>} : memref<1024xf32, #tpu.memory_space<vmem>>, vector<16xf32>,
      tpu.vector_store %arg14[%swap3A_2750], %select_n3A_2749 {strides = array<i32>} : memref<1024xf32, #tpu.memory_space<vmem>>, vector<16xf32>,
      %max3A_2752 = arith.constant 0 : i32
      %max3A_2753 = vector.broadcast %max3A_2752 : i32 to vector<16xi32>
      %max3A_2754 = arith.maxsi %get3A_2741, %max3A_2753 : vector<16xi32>
      %swap3A_2755 = arith.constant 6 : i32
      %swap3A_2756 = arith.index_cast %swap3A_2755 : i32 to index
      %swap3A_2757 = arith.constant 64 : index
      %swap3A_2758 = tpu.vector_load %arg15[%swap3A_2756, %swap3A_2757] {strides = array<i32>} : memref<8x128xi32, #tpu.memory_space<vmem>>, vector<16xi32>,
      tpu.vector_store %arg15[%swap3A_2756, %swap3A_2757], %max3A_2754 {strides = array<i32>} : memref<8x128xi32, #tpu.memory_space<vmem>>, vector<16xi32>,
      %jit3A_2759 = arith.constant 1 : i32
      %broadcast_in_dim3A_2760 = vector.broadcast %jit3A_2759 : i32 to vector<16xi32>
      %select_n3A_2761 = arith.select %ge3A_2744, %broadcast_in_dim3A_2760, %select_n3A_2737 : vector<16xi1>, vector<16xi32>
      %get3A_2762 = arith.constant 6 : i32
      %get3A_2763 = arith.index_cast %get3A_2762 : i32 to index
      %get3A_2764 = arith.constant 80 : index
      %get3A_2765 = tpu.vector_load %arg13[%get3A_2763, %get3A_2764] {strides = array<i32>} : memref<8x128xi32, #tpu.memory_space<vmem>>, vector<16xi32>,
      %ge3A_2766 = arith.constant 0 : i32
      %ge3A_2767 = vector.broadcast %ge3A_2766 : i32 to vector<16xi32>
      %ge3A_2768 = arith.cmpi sge, %get3A_2765, %ge3A_2767 : vector<16xi32>
      %get3A_2769 = arith.constant 848 : index
      %get3A_2770 = tpu.vector_load %arg14[%get3A_2769] {strides = array<i32>} : memref<1024xf32, #tpu.memory_space<vmem>>, vector<16xf32>,
      %jit3A_2771 = arith.constant 0.000000e+00 : f32
      %broadcast_in_dim3A_2772 = vector.broadcast %jit3A_2771 : f32 to vector<16xf32>
      %select_n3A_2773 = arith.select %ge3A_2768, %get3A_2770, %broadcast_in_dim3A_2772 : vector<16xi1>, vector<16xf32>
      %swap3A_2774 = arith.constant 848 : index
      %swap3A_2775 = tpu.vector_load %arg14[%swap3A_2774] {strides = array<i32>} : memref<1024xf32, #tpu.memory_space<vmem>>, vector<16xf32>,
      tpu.vector_store %arg14[%swap3A_2774], %select_n3A_2773 {strides = array<i32>} : memref<1024xf32, #tpu.memory_space<vmem>>, vector<16xf32>,
      %max3A_2776 = arith.constant 0 : i32
      %max3A_2777 = vector.broadcast %max3A_2776 : i32 to vector<16xi32>
      %max3A_2778 = arith.maxsi %get3A_2765, %max3A_2777 : vector<16xi32>
      %swap3A_2779 = arith.constant 6 : i32
      %swap3A_2780 = arith.index_cast %swap3A_2779 : i32 to index
      %swap3A_2781 = arith.constant 80 : index
      %swap3A_2782 = tpu.vector_load %arg15[%swap3A_2780, %swap3A_2781] {strides = array<i32>} : memref<8x128xi32, #tpu.memory_space<vmem>>, vector<16xi32>,
      tpu.vector_store %arg15[%swap3A_2780, %swap3A_2781], %max3A_2778 {strides = array<i32>} : memref<8x128xi32, #tpu.memory_space<vmem>>, vector<16xi32>,
      %jit3A_2783 = arith.constant 1 : i32
      %broadcast_in_dim3A_2784 = vector.broadcast %jit3A_2783 : i32 to vector<16xi32>
      %select_n3A_2785 = arith.select %ge3A_2768, %broadcast_in_dim3A_2784, %select_n3A_2761 : vector<16xi1>, vector<16xi32>
      %get3A_2786 = arith.constant 6 : i32
      %get3A_2787 = arith.index_cast %get3A_2786 : i32 to index
      %get3A_2788 = arith.constant 96 : index
      %get3A_2789 = tpu.vector_load %arg13[%get3A_2787, %get3A_2788] {strides = array<i32>} : memref<8x128xi32, #tpu.memory_space<vmem>>, vector<16xi32>,
      %ge3A_2790 = arith.constant 0 : i32
      %ge3A_2791 = vector.broadcast %ge3A_2790 : i32 to vector<16xi32>
      %ge3A_2792 = arith.cmpi sge, %get3A_2789, %ge3A_2791 : vector<16xi32>
      %get3A_2793 = arith.constant 864 : index
      %get3A_2794 = tpu.vector_load %arg14[%get3A_2793] {strides = array<i32>} : memref<1024xf32, #tpu.memory_space<vmem>>, vector<16xf32>,
      %jit3A_2795 = arith.constant 0.000000e+00 : f32
      %broadcast_in_dim3A_2796 = vector.broadcast %jit3A_2795 : f32 to vector<16xf32>
      %select_n3A_2797 = arith.select %ge3A_2792, %get3A_2794, %broadcast_in_dim3A_2796 : vector<16xi1>, vector<16xf32>
      %swap3A_2798 = arith.constant 864 : index
      %swap3A_2799 = tpu.vector_load %arg14[%swap3A_2798] {strides = array<i32>} : memref<1024xf32, #tpu.memory_space<vmem>>, vector<16xf32>,
      tpu.vector_store %arg14[%swap3A_2798], %select_n3A_2797 {strides = array<i32>} : memref<1024xf32, #tpu.memory_space<vmem>>, vector<16xf32>,
      %max3A_2800 = arith.constant 0 : i32
      %max3A_2801 = vector.broadcast %max3A_2800 : i32 to vector<16xi32>
      %max3A_2802 = arith.maxsi %get3A_2789, %max3A_2801 : vector<16xi32>
      %swap3A_2803 = arith.constant 6 : i32
      %swap3A_2804 = arith.index_cast %swap3A_2803 : i32 to index
      %swap3A_2805 = arith.constant 96 : index
      %swap3A_2806 = tpu.vector_load %arg15[%swap3A_2804, %swap3A_2805] {strides = array<i32>} : memref<8x128xi32, #tpu.memory_space<vmem>>, vector<16xi32>,
      tpu.vector_store %arg15[%swap3A_2804, %swap3A_2805], %max3A_2802 {strides = array<i32>} : memref<8x128xi32, #tpu.memory_space<vmem>>, vector<16xi32>,
      %jit3A_2807 = arith.constant 1 : i32
      %broadcast_in_dim3A_2808 = vector.broadcast %jit3A_2807 : i32 to vector<16xi32>
      %select_n3A_2809 = arith.select %ge3A_2792, %broadcast_in_dim3A_2808, %select_n3A_2785 : vector<16xi1>, vector<16xi32>
      %get3A_2810 = arith.constant 6 : i32
      %get3A_2811 = arith.index_cast %get3A_2810 : i32 to index
      %get3A_2812 = arith.constant 112 : index
      %get3A_2813 = tpu.vector_load %arg13[%get3A_2811, %get3A_2812] {strides = array<i32>} : memref<8x128xi32, #tpu.memory_space<vmem>>, vector<16xi32>,
      %ge3A_2814 = arith.constant 0 : i32
      %ge3A_2815 = vector.broadcast %ge3A_2814 : i32 to vector<16xi32>
      %ge3A_2816 = arith.cmpi sge, %get3A_2813, %ge3A_2815 : vector<16xi32>
      %get3A_2817 = arith.constant 880 : index
      %get3A_2818 = tpu.vector_load %arg14[%get3A_2817] {strides = array<i32>} : memref<1024xf32, #tpu.memory_space<vmem>>, vector<16xf32>,
      %jit3A_2819 = arith.constant 0.000000e+00 : f32
      %broadcast_in_dim3A_2820 = vector.broadcast %jit3A_2819 : f32 to vector<16xf32>
      %select_n3A_2821 = arith.select %ge3A_2816, %get3A_2818, %broadcast_in_dim3A_2820 : vector<16xi1>, vector<16xf32>
      %swap3A_2822 = arith.constant 880 : index
      %swap3A_2823 = tpu.vector_load %arg14[%swap3A_2822] {strides = array<i32>} : memref<1024xf32, #tpu.memory_space<vmem>>, vector<16xf32>,
      tpu.vector_store %arg14[%swap3A_2822], %select_n3A_2821 {strides = array<i32>} : memref<1024xf32, #tpu.memory_space<vmem>>, vector<16xf32>,
      %max3A_2824 = arith.constant 0 : i32
      %max3A_2825 = vector.broadcast %max3A_2824 : i32 to vector<16xi32>
      %max3A_2826 = arith.maxsi %get3A_2813, %max3A_2825 : vector<16xi32>
      %swap3A_2827 = arith.constant 6 : i32
      %swap3A_2828 = arith.index_cast %swap3A_2827 : i32 to index
      %swap3A_2829 = arith.constant 112 : index
      %swap3A_2830 = tpu.vector_load %arg15[%swap3A_2828, %swap3A_2829] {strides = array<i32>} : memref<8x128xi32, #tpu.memory_space<vmem>>, vector<16xi32>,
      tpu.vector_store %arg15[%swap3A_2828, %swap3A_2829], %max3A_2826 {strides = array<i32>} : memref<8x128xi32, #tpu.memory_space<vmem>>, vector<16xi32>,
      %jit3A_2831 = arith.constant 1 : i32
      %broadcast_in_dim3A_2832 = vector.broadcast %jit3A_2831 : i32 to vector<16xi32>
      %select_n3A_2833 = arith.select %ge3A_2816, %broadcast_in_dim3A_2832, %select_n3A_2809 : vector<16xi1>, vector<16xi32>
      %swap3A_2834 = arith.constant 96 : index
      %swap3A_2835 = tpu.vector_load %arg18[%swap3A_2834] {strides = array<i32>} : memref<128xi32, #tpu.memory_space<vmem>>, vector<16xi32>,
      tpu.vector_store %arg18[%swap3A_2834], %select_n3A_2833 {strides = array<i32>} : memref<128xi32, #tpu.memory_space<vmem>>, vector<16xi32>,
      %broadcast_in_dim3A_2836 = arith.constant 0 : i32
      %broadcast_in_dim3A_2837 = vector.broadcast %broadcast_in_dim3A_2836 : i32 to vector<16xi32>
      %get3A_2838 = arith.constant 7 : i32
      %get3A_2839 = arith.index_cast %get3A_2838 : i32 to index
      %get3A_2840 = arith.constant 0 : index
      %get3A_2841 = tpu.vector_load %arg13[%get3A_2839, %get3A_2840] {strides = array<i32>} : memref<8x128xi32, #tpu.memory_space<vmem>>, vector<16xi32>,
      %ge3A_2842 = arith.constant 0 : i32
      %ge3A_2843 = vector.broadcast %ge3A_2842 : i32 to vector<16xi32>
      %ge3A_2844 = arith.cmpi sge, %get3A_2841, %ge3A_2843 : vector<16xi32>
      %get3A_2845 = arith.constant 896 : index
      %get3A_2846 = tpu.vector_load %arg14[%get3A_2845] {strides = array<i32>} : memref<1024xf32, #tpu.memory_space<vmem>>, vector<16xf32>,
      %jit3A_2847 = arith.constant 0.000000e+00 : f32
      %broadcast_in_dim3A_2848 = vector.broadcast %jit3A_2847 : f32 to vector<16xf32>
      %select_n3A_2849 = arith.select %ge3A_2844, %get3A_2846, %broadcast_in_dim3A_2848 : vector<16xi1>, vector<16xf32>
      %swap3A_2850 = arith.constant 896 : index
      %swap3A_2851 = tpu.vector_load %arg14[%swap3A_2850] {strides = array<i32>} : memref<1024xf32, #tpu.memory_space<vmem>>, vector<16xf32>,
      tpu.vector_store %arg14[%swap3A_2850], %select_n3A_2849 {strides = array<i32>} : memref<1024xf32, #tpu.memory_space<vmem>>, vector<16xf32>,
      %max3A_2852 = arith.constant 0 : i32
      %max3A_2853 = vector.broadcast %max3A_2852 : i32 to vector<16xi32>
      %max3A_2854 = arith.maxsi %get3A_2841, %max3A_2853 : vector<16xi32>
      %swap3A_2855 = arith.constant 7 : i32
      %swap3A_2856 = arith.index_cast %swap3A_2855 : i32 to index
      %swap3A_2857 = arith.constant 0 : index
      %swap3A_2858 = tpu.vector_load %arg15[%swap3A_2856, %swap3A_2857] {strides = array<i32>} : memref<8x128xi32, #tpu.memory_space<vmem>>, vector<16xi32>,
      tpu.vector_store %arg15[%swap3A_2856, %swap3A_2857], %max3A_2854 {strides = array<i32>} : memref<8x128xi32, #tpu.memory_space<vmem>>, vector<16xi32>,
      %jit3A_2859 = arith.constant 1 : i32
      %broadcast_in_dim3A_2860 = vector.broadcast %jit3A_2859 : i32 to vector<16xi32>
      %select_n3A_2861 = arith.select %ge3A_2844, %broadcast_in_dim3A_2860, %broadcast_in_dim3A_2837 : vector<16xi1>, vector<16xi32>
      %get3A_2862 = arith.constant 7 : i32
      %get3A_2863 = arith.index_cast %get3A_2862 : i32 to index
      %get3A_2864 = arith.constant 16 : index
      %get3A_2865 = tpu.vector_load %arg13[%get3A_2863, %get3A_2864] {strides = array<i32>} : memref<8x128xi32, #tpu.memory_space<vmem>>, vector<16xi32>,
      %ge3A_2866 = arith.constant 0 : i32
      %ge3A_2867 = vector.broadcast %ge3A_2866 : i32 to vector<16xi32>
      %ge3A_2868 = arith.cmpi sge, %get3A_2865, %ge3A_2867 : vector<16xi32>
      %get3A_2869 = arith.constant 912 : index
      %get3A_2870 = tpu.vector_load %arg14[%get3A_2869] {strides = array<i32>} : memref<1024xf32, #tpu.memory_space<vmem>>, vector<16xf32>,
      %jit3A_2871 = arith.constant 0.000000e+00 : f32
      %broadcast_in_dim3A_2872 = vector.broadcast %jit3A_2871 : f32 to vector<16xf32>
      %select_n3A_2873 = arith.select %ge3A_2868, %get3A_2870, %broadcast_in_dim3A_2872 : vector<16xi1>, vector<16xf32>
      %swap3A_2874 = arith.constant 912 : index
      %swap3A_2875 = tpu.vector_load %arg14[%swap3A_2874] {strides = array<i32>} : memref<1024xf32, #tpu.memory_space<vmem>>, vector<16xf32>,
      tpu.vector_store %arg14[%swap3A_2874], %select_n3A_2873 {strides = array<i32>} : memref<1024xf32, #tpu.memory_space<vmem>>, vector<16xf32>,
      %max3A_2876 = arith.constant 0 : i32
      %max3A_2877 = vector.broadcast %max3A_2876 : i32 to vector<16xi32>
      %max3A_2878 = arith.maxsi %get3A_2865, %max3A_2877 : vector<16xi32>
      %swap3A_2879 = arith.constant 7 : i32
      %swap3A_2880 = arith.index_cast %swap3A_2879 : i32 to index
      %swap3A_2881 = arith.constant 16 : index
      %swap3A_2882 = tpu.vector_load %arg15[%swap3A_2880, %swap3A_2881] {strides = array<i32>} : memref<8x128xi32, #tpu.memory_space<vmem>>, vector<16xi32>,
      tpu.vector_store %arg15[%swap3A_2880, %swap3A_2881], %max3A_2878 {strides = array<i32>} : memref<8x128xi32, #tpu.memory_space<vmem>>, vector<16xi32>,
      %jit3A_2883 = arith.constant 1 : i32
      %broadcast_in_dim3A_2884 = vector.broadcast %jit3A_2883 : i32 to vector<16xi32>
      %select_n3A_2885 = arith.select %ge3A_2868, %broadcast_in_dim3A_2884, %select_n3A_2861 : vector<16xi1>, vector<16xi32>
      %get3A_2886 = arith.constant 7 : i32
      %get3A_2887 = arith.index_cast %get3A_2886 : i32 to index
      %get3A_2888 = arith.constant 32 : index
      %get3A_2889 = tpu.vector_load %arg13[%get3A_2887, %get3A_2888] {strides = array<i32>} : memref<8x128xi32, #tpu.memory_space<vmem>>, vector<16xi32>,
      %ge3A_2890 = arith.constant 0 : i32
      %ge3A_2891 = vector.broadcast %ge3A_2890 : i32 to vector<16xi32>
      %ge3A_2892 = arith.cmpi sge, %get3A_2889, %ge3A_2891 : vector<16xi32>
      %get3A_2893 = arith.constant 928 : index
      %get3A_2894 = tpu.vector_load %arg14[%get3A_2893] {strides = array<i32>} : memref<1024xf32, #tpu.memory_space<vmem>>, vector<16xf32>,
      %jit3A_2895 = arith.constant 0.000000e+00 : f32
      %broadcast_in_dim3A_2896 = vector.broadcast %jit3A_2895 : f32 to vector<16xf32>
      %select_n3A_2897 = arith.select %ge3A_2892, %get3A_2894, %broadcast_in_dim3A_2896 : vector<16xi1>, vector<16xf32>
      %swap3A_2898 = arith.constant 928 : index
      %swap3A_2899 = tpu.vector_load %arg14[%swap3A_2898] {strides = array<i32>} : memref<1024xf32, #tpu.memory_space<vmem>>, vector<16xf32>,
      tpu.vector_store %arg14[%swap3A_2898], %select_n3A_2897 {strides = array<i32>} : memref<1024xf32, #tpu.memory_space<vmem>>, vector<16xf32>,
      %max3A_2900 = arith.constant 0 : i32
      %max3A_2901 = vector.broadcast %max3A_2900 : i32 to vector<16xi32>
      %max3A_2902 = arith.maxsi %get3A_2889, %max3A_2901 : vector<16xi32>
      %swap3A_2903 = arith.constant 7 : i32
      %swap3A_2904 = arith.index_cast %swap3A_2903 : i32 to index
      %swap3A_2905 = arith.constant 32 : index
      %swap3A_2906 = tpu.vector_load %arg15[%swap3A_2904, %swap3A_2905] {strides = array<i32>} : memref<8x128xi32, #tpu.memory_space<vmem>>, vector<16xi32>,
      tpu.vector_store %arg15[%swap3A_2904, %swap3A_2905], %max3A_2902 {strides = array<i32>} : memref<8x128xi32, #tpu.memory_space<vmem>>, vector<16xi32>,
      %jit3A_2907 = arith.constant 1 : i32
      %broadcast_in_dim3A_2908 = vector.broadcast %jit3A_2907 : i32 to vector<16xi32>
      %select_n3A_2909 = arith.select %ge3A_2892, %broadcast_in_dim3A_2908, %select_n3A_2885 : vector<16xi1>, vector<16xi32>
      %get3A_2910 = arith.constant 7 : i32
      %get3A_2911 = arith.index_cast %get3A_2910 : i32 to index
      %get3A_2912 = arith.constant 48 : index
      %get3A_2913 = tpu.vector_load %arg13[%get3A_2911, %get3A_2912] {strides = array<i32>} : memref<8x128xi32, #tpu.memory_space<vmem>>, vector<16xi32>,
      %ge3A_2914 = arith.constant 0 : i32
      %ge3A_2915 = vector.broadcast %ge3A_2914 : i32 to vector<16xi32>
      %ge3A_2916 = arith.cmpi sge, %get3A_2913, %ge3A_2915 : vector<16xi32>
      %get3A_2917 = arith.constant 944 : index
      %get3A_2918 = tpu.vector_load %arg14[%get3A_2917] {strides = array<i32>} : memref<1024xf32, #tpu.memory_space<vmem>>, vector<16xf32>,
      %jit3A_2919 = arith.constant 0.000000e+00 : f32
      %broadcast_in_dim3A_2920 = vector.broadcast %jit3A_2919 : f32 to vector<16xf32>
      %select_n3A_2921 = arith.select %ge3A_2916, %get3A_2918, %broadcast_in_dim3A_2920 : vector<16xi1>, vector<16xf32>
      %swap3A_2922 = arith.constant 944 : index
      %swap3A_2923 = tpu.vector_load %arg14[%swap3A_2922] {strides = array<i32>} : memref<1024xf32, #tpu.memory_space<vmem>>, vector<16xf32>,
      tpu.vector_store %arg14[%swap3A_2922], %select_n3A_2921 {strides = array<i32>} : memref<1024xf32, #tpu.memory_space<vmem>>, vector<16xf32>,
      %max3A_2924 = arith.constant 0 : i32
      %max3A_2925 = vector.broadcast %max3A_2924 : i32 to vector<16xi32>
      %max3A_2926 = arith.maxsi %get3A_2913, %max3A_2925 : vector<16xi32>
      %swap3A_2927 = arith.constant 7 : i32
      %swap3A_2928 = arith.index_cast %swap3A_2927 : i32 to index
      %swap3A_2929 = arith.constant 48 : index
      %swap3A_2930 = tpu.vector_load %arg15[%swap3A_2928, %swap3A_2929] {strides = array<i32>} : memref<8x128xi32, #tpu.memory_space<vmem>>, vector<16xi32>,
      tpu.vector_store %arg15[%swap3A_2928, %swap3A_2929], %max3A_2926 {strides = array<i32>} : memref<8x128xi32, #tpu.memory_space<vmem>>, vector<16xi32>,
      %jit3A_2931 = arith.constant 1 : i32
      %broadcast_in_dim3A_2932 = vector.broadcast %jit3A_2931 : i32 to vector<16xi32>
      %select_n3A_2933 = arith.select %ge3A_2916, %broadcast_in_dim3A_2932, %select_n3A_2909 : vector<16xi1>, vector<16xi32>
      %get3A_2934 = arith.constant 7 : i32
      %get3A_2935 = arith.index_cast %get3A_2934 : i32 to index
      %get3A_2936 = arith.constant 64 : index
      %get3A_2937 = tpu.vector_load %arg13[%get3A_2935, %get3A_2936] {strides = array<i32>} : memref<8x128xi32, #tpu.memory_space<vmem>>, vector<16xi32>,
      %ge3A_2938 = arith.constant 0 : i32
      %ge3A_2939 = vector.broadcast %ge3A_2938 : i32 to vector<16xi32>
      %ge3A_2940 = arith.cmpi sge, %get3A_2937, %ge3A_2939 : vector<16xi32>
      %get3A_2941 = arith.constant 960 : index
      %get3A_2942 = tpu.vector_load %arg14[%get3A_2941] {strides = array<i32>} : memref<1024xf32, #tpu.memory_space<vmem>>, vector<16xf32>,
      %jit3A_2943 = arith.constant 0.000000e+00 : f32
      %broadcast_in_dim3A_2944 = vector.broadcast %jit3A_2943 : f32 to vector<16xf32>
      %select_n3A_2945 = arith.select %ge3A_2940, %get3A_2942, %broadcast_in_dim3A_2944 : vector<16xi1>, vector<16xf32>
      %swap3A_2946 = arith.constant 960 : index
      %swap3A_2947 = tpu.vector_load %arg14[%swap3A_2946] {strides = array<i32>} : memref<1024xf32, #tpu.memory_space<vmem>>, vector<16xf32>,
      tpu.vector_store %arg14[%swap3A_2946], %select_n3A_2945 {strides = array<i32>} : memref<1024xf32, #tpu.memory_space<vmem>>, vector<16xf32>,
      %max3A_2948 = arith.constant 0 : i32
      %max3A_2949 = vector.broadcast %max3A_2948 : i32 to vector<16xi32>
      %max3A_2950 = arith.maxsi %get3A_2937, %max3A_2949 : vector<16xi32>
      %swap3A_2951 = arith.constant 7 : i32
      %swap3A_2952 = arith.index_cast %swap3A_2951 : i32 to index
      %swap3A_2953 = arith.constant 64 : index
      %swap3A_2954 = tpu.vector_load %arg15[%swap3A_2952, %swap3A_2953] {strides = array<i32>} : memref<8x128xi32, #tpu.memory_space<vmem>>, vector<16xi32>,
      tpu.vector_store %arg15[%swap3A_2952, %swap3A_2953], %max3A_2950 {strides = array<i32>} : memref<8x128xi32, #tpu.memory_space<vmem>>, vector<16xi32>,
      %jit3A_2955 = arith.constant 1 : i32
      %broadcast_in_dim3A_2956 = vector.broadcast %jit3A_2955 : i32 to vector<16xi32>
      %select_n3A_2957 = arith.select %ge3A_2940, %broadcast_in_dim3A_2956, %select_n3A_2933 : vector<16xi1>, vector<16xi32>
      %get3A_2958 = arith.constant 7 : i32
      %get3A_2959 = arith.index_cast %get3A_2958 : i32 to index
      %get3A_2960 = arith.constant 80 : index
      %get3A_2961 = tpu.vector_load %arg13[%get3A_2959, %get3A_2960] {strides = array<i32>} : memref<8x128xi32, #tpu.memory_space<vmem>>, vector<16xi32>,
      %ge3A_2962 = arith.constant 0 : i32
      %ge3A_2963 = vector.broadcast %ge3A_2962 : i32 to vector<16xi32>
      %ge3A_2964 = arith.cmpi sge, %get3A_2961, %ge3A_2963 : vector<16xi32>
      %get3A_2965 = arith.constant 976 : index
      %get3A_2966 = tpu.vector_load %arg14[%get3A_2965] {strides = array<i32>} : memref<1024xf32, #tpu.memory_space<vmem>>, vector<16xf32>,
      %jit3A_2967 = arith.constant 0.000000e+00 : f32
      %broadcast_in_dim3A_2968 = vector.broadcast %jit3A_2967 : f32 to vector<16xf32>
      %select_n3A_2969 = arith.select %ge3A_2964, %get3A_2966, %broadcast_in_dim3A_2968 : vector<16xi1>, vector<16xf32>
      %swap3A_2970 = arith.constant 976 : index
      %swap3A_2971 = tpu.vector_load %arg14[%swap3A_2970] {strides = array<i32>} : memref<1024xf32, #tpu.memory_space<vmem>>, vector<16xf32>,
      tpu.vector_store %arg14[%swap3A_2970], %select_n3A_2969 {strides = array<i32>} : memref<1024xf32, #tpu.memory_space<vmem>>, vector<16xf32>,
      %max3A_2972 = arith.constant 0 : i32
      %max3A_2973 = vector.broadcast %max3A_2972 : i32 to vector<16xi32>
      %max3A_2974 = arith.maxsi %get3A_2961, %max3A_2973 : vector<16xi32>
      %swap3A_2975 = arith.constant 7 : i32
      %swap3A_2976 = arith.index_cast %swap3A_2975 : i32 to index
      %swap3A_2977 = arith.constant 80 : index
      %swap3A_2978 = tpu.vector_load %arg15[%swap3A_2976, %swap3A_2977] {strides = array<i32>} : memref<8x128xi32, #tpu.memory_space<vmem>>, vector<16xi32>,
      tpu.vector_store %arg15[%swap3A_2976, %swap3A_2977], %max3A_2974 {strides = array<i32>} : memref<8x128xi32, #tpu.memory_space<vmem>>, vector<16xi32>,
      %jit3A_2979 = arith.constant 1 : i32
      %broadcast_in_dim3A_2980 = vector.broadcast %jit3A_2979 : i32 to vector<16xi32>
      %select_n3A_2981 = arith.select %ge3A_2964, %broadcast_in_dim3A_2980, %select_n3A_2957 : vector<16xi1>, vector<16xi32>
      %get3A_2982 = arith.constant 7 : i32
      %get3A_2983 = arith.index_cast %get3A_2982 : i32 to index
      %get3A_2984 = arith.constant 96 : index
      %get3A_2985 = tpu.vector_load %arg13[%get3A_2983, %get3A_2984] {strides = array<i32>} : memref<8x128xi32, #tpu.memory_space<vmem>>, vector<16xi32>,
      %ge3A_2986 = arith.constant 0 : i32
      %ge3A_2987 = vector.broadcast %ge3A_2986 : i32 to vector<16xi32>
      %ge3A_2988 = arith.cmpi sge, %get3A_2985, %ge3A_2987 : vector<16xi32>
      %get3A_2989 = arith.constant 992 : index
      %get3A_2990 = tpu.vector_load %arg14[%get3A_2989] {strides = array<i32>} : memref<1024xf32, #tpu.memory_space<vmem>>, vector<16xf32>,
      %jit3A_2991 = arith.constant 0.000000e+00 : f32
      %broadcast_in_dim3A_2992 = vector.broadcast %jit3A_2991 : f32 to vector<16xf32>
      %select_n3A_2993 = arith.select %ge3A_2988, %get3A_2990, %broadcast_in_dim3A_2992 : vector<16xi1>, vector<16xf32>
      %swap3A_2994 = arith.constant 992 : index
      %swap3A_2995 = tpu.vector_load %arg14[%swap3A_2994] {strides = array<i32>} : memref<1024xf32, #tpu.memory_space<vmem>>, vector<16xf32>,
      tpu.vector_store %arg14[%swap3A_2994], %select_n3A_2993 {strides = array<i32>} : memref<1024xf32, #tpu.memory_space<vmem>>, vector<16xf32>,
      %max3A_2996 = arith.constant 0 : i32
      %max3A_2997 = vector.broadcast %max3A_2996 : i32 to vector<16xi32>
      %max3A_2998 = arith.maxsi %get3A_2985, %max3A_2997 : vector<16xi32>
      %swap3A_2999 = arith.constant 7 : i32
      %swap3A_3000 = arith.index_cast %swap3A_2999 : i32 to index
      %swap3A_3001 = arith.constant 96 : index
      %swap3A_3002 = tpu.vector_load %arg15[%swap3A_3000, %swap3A_3001] {strides = array<i32>} : memref<8x128xi32, #tpu.memory_space<vmem>>, vector<16xi32>,
      tpu.vector_store %arg15[%swap3A_3000, %swap3A_3001], %max3A_2998 {strides = array<i32>} : memref<8x128xi32, #tpu.memory_space<vmem>>, vector<16xi32>,
      %jit3A_3003 = arith.constant 1 : i32
      %broadcast_in_dim3A_3004 = vector.broadcast %jit3A_3003 : i32 to vector<16xi32>
      %select_n3A_3005 = arith.select %ge3A_2988, %broadcast_in_dim3A_3004, %select_n3A_2981 : vector<16xi1>, vector<16xi32>
      %get3A_3006 = arith.constant 7 : i32
      %get3A_3007 = arith.index_cast %get3A_3006 : i32 to index
      %get3A_3008 = arith.constant 112 : index
      %get3A_3009 = tpu.vector_load %arg13[%get3A_3007, %get3A_3008] {strides = array<i32>} : memref<8x128xi32, #tpu.memory_space<vmem>>, vector<16xi32>,
      %ge3A_3010 = arith.constant 0 : i32
      %ge3A_3011 = vector.broadcast %ge3A_3010 : i32 to vector<16xi32>
      %ge3A_3012 = arith.cmpi sge, %get3A_3009, %ge3A_3011 : vector<16xi32>
      %get3A_3013 = arith.constant 1008 : index
      %get3A_3014 = tpu.vector_load %arg14[%get3A_3013] {strides = array<i32>} : memref<1024xf32, #tpu.memory_space<vmem>>, vector<16xf32>,
      %jit3A_3015 = arith.constant 0.000000e+00 : f32
      %broadcast_in_dim3A_3016 = vector.broadcast %jit3A_3015 : f32 to vector<16xf32>
      %select_n3A_3017 = arith.select %ge3A_3012, %get3A_3014, %broadcast_in_dim3A_3016 : vector<16xi1>, vector<16xf32>
      %swap3A_3018 = arith.constant 1008 : index
      %swap3A_3019 = tpu.vector_load %arg14[%swap3A_3018] {strides = array<i32>} : memref<1024xf32, #tpu.memory_space<vmem>>, vector<16xf32>,
      tpu.vector_store %arg14[%swap3A_3018], %select_n3A_3017 {strides = array<i32>} : memref<1024xf32, #tpu.memory_space<vmem>>, vector<16xf32>,
      %max3A_3020 = arith.constant 0 : i32
      %max3A_3021 = vector.broadcast %max3A_3020 : i32 to vector<16xi32>
      %max3A_3022 = arith.maxsi %get3A_3009, %max3A_3021 : vector<16xi32>
      %swap3A_3023 = arith.constant 7 : i32
      %swap3A_3024 = arith.index_cast %swap3A_3023 : i32 to index
      %swap3A_3025 = arith.constant 112 : index
      %swap3A_3026 = tpu.vector_load %arg15[%swap3A_3024, %swap3A_3025] {strides = array<i32>} : memref<8x128xi32, #tpu.memory_space<vmem>>, vector<16xi32>,
      tpu.vector_store %arg15[%swap3A_3024, %swap3A_3025], %max3A_3022 {strides = array<i32>} : memref<8x128xi32, #tpu.memory_space<vmem>>, vector<16xi32>,
      %jit3A_3027 = arith.constant 1 : i32
      %broadcast_in_dim3A_3028 = vector.broadcast %jit3A_3027 : i32 to vector<16xi32>
      %select_n3A_3029 = arith.select %ge3A_3012, %broadcast_in_dim3A_3028, %select_n3A_3005 : vector<16xi1>, vector<16xi32>
      %swap3A_3030 = arith.constant 112 : index
      %swap3A_3031 = tpu.vector_load %arg18[%swap3A_3030] {strides = array<i32>} : memref<128xi32, #tpu.memory_space<vmem>>, vector<16xi32>,
      tpu.vector_store %arg18[%swap3A_3030], %select_n3A_3029 {strides = array<i32>} : memref<128xi32, #tpu.memory_space<vmem>>, vector<16xi32>,
      %dma_start3A_3032 = arith.constant 0 : i32
      %dma_start3A_3033 = arith.constant 0 : i32
      %dma_start3A_3034 = arith.constant 0 : i32
      %dma_start3A_3035 = tpu.memref_slice %arg16[%dma_start3A_3033, %dma_start3A_3034] : memref<1024x64xf32, #tpu.memory_space<vmem>> -> memref<128x64xf32, #tpu.memory_space<vmem>>
      %dma_start3A_3036 = arith.constant 0 : i32
      %dma_start3A_3037 = tpu.memref_slice %arg15[%dma_start3A_3032, %dma_start3A_3036] : memref<8x128xi32, #tpu.memory_space<vmem>> -> memref<1x128xi32, #tpu.memory_space<vmem>>
      %dma_start3A_3038 = tpu.memref_squeeze %dma_start3A_3037 : memref<1x128xi32, #tpu.memory_space<vmem>> -> memref<128xi32, #tpu.memory_space<vmem>>
      %dma_start3A_3039 = arith.constant 0 : i32
      %dma_start3A_3040 = arith.constant 0 : i32
      %dma_start3A_3041 = tpu.memref_slice %arg6[%dma_start3A_3039, %dma_start3A_3040] : memref<1000000x64xf32, #tpu.memory_space<hbm>> -> memref<1000000x64xf32, #tpu.memory_space<hbm>>
      tpu.enqueue_indirect_dma source(%dma_start3A_3041 : memref<1000000x64xf32, #tpu.memory_space<hbm>>) target(%dma_start3A_3035 : memref<128x64xf32, #tpu.memory_space<vmem>>) offsets(%dma_start3A_3038 : memref<128xi32, #tpu.memory_space<vmem>>) semaphore(%arg19 : memref<!tpu.dma_semaphore, #tpu.memory_space<semaphore_mem>>)
      %dma_start3A_3042 = arith.constant 1 : i32
      %dma_start3A_3043 = arith.constant 128 : i32
      %dma_start3A_3044 = arith.constant 0 : i32
      %dma_start3A_3045 = tpu.memref_slice %arg16[%dma_start3A_3043, %dma_start3A_3044] : memref<1024x64xf32, #tpu.memory_space<vmem>> -> memref<128x64xf32, #tpu.memory_space<vmem>>
      %dma_start3A_3046 = arith.constant 0 : i32
      %dma_start3A_3047 = tpu.memref_slice %arg15[%dma_start3A_3042, %dma_start3A_3046] : memref<8x128xi32, #tpu.memory_space<vmem>> -> memref<1x128xi32, #tpu.memory_space<vmem>>
      %dma_start3A_3048 = tpu.memref_squeeze %dma_start3A_3047 : memref<1x128xi32, #tpu.memory_space<vmem>> -> memref<128xi32, #tpu.memory_space<vmem>>
      %dma_start3A_3049 = arith.constant 0 : i32
      %dma_start3A_3050 = arith.constant 0 : i32
      %dma_start3A_3051 = tpu.memref_slice %arg6[%dma_start3A_3049, %dma_start3A_3050] : memref<1000000x64xf32, #tpu.memory_space<hbm>> -> memref<1000000x64xf32, #tpu.memory_space<hbm>>
      tpu.enqueue_indirect_dma source(%dma_start3A_3051 : memref<1000000x64xf32, #tpu.memory_space<hbm>>) target(%dma_start3A_3045 : memref<128x64xf32, #tpu.memory_space<vmem>>) offsets(%dma_start3A_3048 : memref<128xi32, #tpu.memory_space<vmem>>) semaphore(%arg19 : memref<!tpu.dma_semaphore, #tpu.memory_space<semaphore_mem>>)
      %dma_start3A_3052 = arith.constant 2 : i32
      %dma_start3A_3053 = arith.constant 256 : i32
      %dma_start3A_3054 = arith.constant 0 : i32
      %dma_start3A_3055 = tpu.memref_slice %arg16[%dma_start3A_3053, %dma_start3A_3054] : memref<1024x64xf32, #tpu.memory_space<vmem>> -> memref<128x64xf32, #tpu.memory_space<vmem>>
      %dma_start3A_3056 = arith.constant 0 : i32
      %dma_start3A_3057 = tpu.memref_slice %arg15[%dma_start3A_3052, %dma_start3A_3056] : memref<8x128xi32, #tpu.memory_space<vmem>> -> memref<1x128xi32, #tpu.memory_space<vmem>>
      %dma_start3A_3058 = tpu.memref_squeeze %dma_start3A_3057 : memref<1x128xi32, #tpu.memory_space<vmem>> -> memref<128xi32, #tpu.memory_space<vmem>>
      %dma_start3A_3059 = arith.constant 0 : i32
      %dma_start3A_3060 = arith.constant 0 : i32
      %dma_start3A_3061 = tpu.memref_slice %arg6[%dma_start3A_3059, %dma_start3A_3060] : memref<1000000x64xf32, #tpu.memory_space<hbm>> -> memref<1000000x64xf32, #tpu.memory_space<hbm>>
      tpu.enqueue_indirect_dma source(%dma_start3A_3061 : memref<1000000x64xf32, #tpu.memory_space<hbm>>) target(%dma_start3A_3055 : memref<128x64xf32, #tpu.memory_space<vmem>>) offsets(%dma_start3A_3058 : memref<128xi32, #tpu.memory_space<vmem>>) semaphore(%arg19 : memref<!tpu.dma_semaphore, #tpu.memory_space<semaphore_mem>>)
      %dma_start3A_3062 = arith.constant 3 : i32
      %dma_start3A_3063 = arith.constant 384 : i32
      %dma_start3A_3064 = arith.constant 0 : i32
      %dma_start3A_3065 = tpu.memref_slice %arg16[%dma_start3A_3063, %dma_start3A_3064] : memref<1024x64xf32, #tpu.memory_space<vmem>> -> memref<128x64xf32, #tpu.memory_space<vmem>>
      %dma_start3A_3066 = arith.constant 0 : i32
      %dma_start3A_3067 = tpu.memref_slice %arg15[%dma_start3A_3062, %dma_start3A_3066] : memref<8x128xi32, #tpu.memory_space<vmem>> -> memref<1x128xi32, #tpu.memory_space<vmem>>
      %dma_start3A_3068 = tpu.memref_squeeze %dma_start3A_3067 : memref<1x128xi32, #tpu.memory_space<vmem>> -> memref<128xi32, #tpu.memory_space<vmem>>
      %dma_start3A_3069 = arith.constant 0 : i32
      %dma_start3A_3070 = arith.constant 0 : i32
      %dma_start3A_3071 = tpu.memref_slice %arg6[%dma_start3A_3069, %dma_start3A_3070] : memref<1000000x64xf32, #tpu.memory_space<hbm>> -> memref<1000000x64xf32, #tpu.memory_space<hbm>>
      tpu.enqueue_indirect_dma source(%dma_start3A_3071 : memref<1000000x64xf32, #tpu.memory_space<hbm>>) target(%dma_start3A_3065 : memref<128x64xf32, #tpu.memory_space<vmem>>) offsets(%dma_start3A_3068 : memref<128xi32, #tpu.memory_space<vmem>>) semaphore(%arg19 : memref<!tpu.dma_semaphore, #tpu.memory_space<semaphore_mem>>)
      %dma_start3A_3072 = arith.constant 4 : i32
      %dma_start3A_3073 = arith.constant 512 : i32
      %dma_start3A_3074 = arith.constant 0 : i32
      %dma_start3A_3075 = tpu.memref_slice %arg16[%dma_start3A_3073, %dma_start3A_3074] : memref<1024x64xf32, #tpu.memory_space<vmem>> -> memref<128x64xf32, #tpu.memory_space<vmem>>
      %dma_start3A_3076 = arith.constant 0 : i32
      %dma_start3A_3077 = tpu.memref_slice %arg15[%dma_start3A_3072, %dma_start3A_3076] : memref<8x128xi32, #tpu.memory_space<vmem>> -> memref<1x128xi32, #tpu.memory_space<vmem>>
      %dma_start3A_3078 = tpu.memref_squeeze %dma_start3A_3077 : memref<1x128xi32, #tpu.memory_space<vmem>> -> memref<128xi32, #tpu.memory_space<vmem>>
      %dma_start3A_3079 = arith.constant 0 : i32
      %dma_start3A_3080 = arith.constant 0 : i32
      %dma_start3A_3081 = tpu.memref_slice %arg6[%dma_start3A_3079, %dma_start3A_3080] : memref<1000000x64xf32, #tpu.memory_space<hbm>> -> memref<1000000x64xf32, #tpu.memory_space<hbm>>
      tpu.enqueue_indirect_dma source(%dma_start3A_3081 : memref<1000000x64xf32, #tpu.memory_space<hbm>>) target(%dma_start3A_3075 : memref<128x64xf32, #tpu.memory_space<vmem>>) offsets(%dma_start3A_3078 : memref<128xi32, #tpu.memory_space<vmem>>) semaphore(%arg19 : memref<!tpu.dma_semaphore, #tpu.memory_space<semaphore_mem>>)
      %dma_start3A_3082 = arith.constant 5 : i32
      %dma_start3A_3083 = arith.constant 640 : i32
      %dma_start3A_3084 = arith.constant 0 : i32
      %dma_start3A_3085 = tpu.memref_slice %arg16[%dma_start3A_3083, %dma_start3A_3084] : memref<1024x64xf32, #tpu.memory_space<vmem>> -> memref<128x64xf32, #tpu.memory_space<vmem>>
      %dma_start3A_3086 = arith.constant 0 : i32
      %dma_start3A_3087 = tpu.memref_slice %arg15[%dma_start3A_3082, %dma_start3A_3086] : memref<8x128xi32, #tpu.memory_space<vmem>> -> memref<1x128xi32, #tpu.memory_space<vmem>>
      %dma_start3A_3088 = tpu.memref_squeeze %dma_start3A_3087 : memref<1x128xi32, #tpu.memory_space<vmem>> -> memref<128xi32, #tpu.memory_space<vmem>>
      %dma_start3A_3089 = arith.constant 0 : i32
      %dma_start3A_3090 = arith.constant 0 : i32
      %dma_start3A_3091 = tpu.memref_slice %arg6[%dma_start3A_3089, %dma_start3A_3090] : memref<1000000x64xf32, #tpu.memory_space<hbm>> -> memref<1000000x64xf32, #tpu.memory_space<hbm>>
      tpu.enqueue_indirect_dma source(%dma_start3A_3091 : memref<1000000x64xf32, #tpu.memory_space<hbm>>) target(%dma_start3A_3085 : memref<128x64xf32, #tpu.memory_space<vmem>>) offsets(%dma_start3A_3088 : memref<128xi32, #tpu.memory_space<vmem>>) semaphore(%arg19 : memref<!tpu.dma_semaphore, #tpu.memory_space<semaphore_mem>>)
      %dma_start3A_3092 = arith.constant 6 : i32
      %dma_start3A_3093 = arith.constant 768 : i32
      %dma_start3A_3094 = arith.constant 0 : i32
      %dma_start3A_3095 = tpu.memref_slice %arg16[%dma_start3A_3093, %dma_start3A_3094] : memref<1024x64xf32, #tpu.memory_space<vmem>> -> memref<128x64xf32, #tpu.memory_space<vmem>>
      %dma_start3A_3096 = arith.constant 0 : i32
      %dma_start3A_3097 = tpu.memref_slice %arg15[%dma_start3A_3092, %dma_start3A_3096] : memref<8x128xi32, #tpu.memory_space<vmem>> -> memref<1x128xi32, #tpu.memory_space<vmem>>
      %dma_start3A_3098 = tpu.memref_squeeze %dma_start3A_3097 : memref<1x128xi32, #tpu.memory_space<vmem>> -> memref<128xi32, #tpu.memory_space<vmem>>
      %dma_start3A_3099 = arith.constant 0 : i32
      %dma_start3A_3100 = arith.constant 0 : i32
      %dma_start3A_3101 = tpu.memref_slice %arg6[%dma_start3A_3099, %dma_start3A_3100] : memref<1000000x64xf32, #tpu.memory_space<hbm>> -> memref<1000000x64xf32, #tpu.memory_space<hbm>>
      tpu.enqueue_indirect_dma source(%dma_start3A_3101 : memref<1000000x64xf32, #tpu.memory_space<hbm>>) target(%dma_start3A_3095 : memref<128x64xf32, #tpu.memory_space<vmem>>) offsets(%dma_start3A_3098 : memref<128xi32, #tpu.memory_space<vmem>>) semaphore(%arg19 : memref<!tpu.dma_semaphore, #tpu.memory_space<semaphore_mem>>)
      %dma_start3A_3102 = arith.constant 7 : i32
      %dma_start3A_3103 = arith.constant 896 : i32
      %dma_start3A_3104 = arith.constant 0 : i32
      %dma_start3A_3105 = tpu.memref_slice %arg16[%dma_start3A_3103, %dma_start3A_3104] : memref<1024x64xf32, #tpu.memory_space<vmem>> -> memref<128x64xf32, #tpu.memory_space<vmem>>
      %dma_start3A_3106 = arith.constant 0 : i32
      %dma_start3A_3107 = tpu.memref_slice %arg15[%dma_start3A_3102, %dma_start3A_3106] : memref<8x128xi32, #tpu.memory_space<vmem>> -> memref<1x128xi32, #tpu.memory_space<vmem>>
      %dma_start3A_3108 = tpu.memref_squeeze %dma_start3A_3107 : memref<1x128xi32, #tpu.memory_space<vmem>> -> memref<128xi32, #tpu.memory_space<vmem>>
      %dma_start3A_3109 = arith.constant 0 : i32
      %dma_start3A_3110 = arith.constant 0 : i32
      %dma_start3A_3111 = tpu.memref_slice %arg6[%dma_start3A_3109, %dma_start3A_3110] : memref<1000000x64xf32, #tpu.memory_space<hbm>> -> memref<1000000x64xf32, #tpu.memory_space<hbm>>
      tpu.enqueue_indirect_dma source(%dma_start3A_3111 : memref<1000000x64xf32, #tpu.memory_space<hbm>>) target(%dma_start3A_3105 : memref<128x64xf32, #tpu.memory_space<vmem>>) offsets(%dma_start3A_3108 : memref<128xi32, #tpu.memory_space<vmem>>) semaphore(%arg19 : memref<!tpu.dma_semaphore, #tpu.memory_space<semaphore_mem>>)
      %dma_wait3A_3112 = arith.constant 0 : i32
      %dma_wait3A_3113 = arith.constant 0 : i32
      %dma_wait3A_3114 = arith.constant 0 : i32
      %dma_wait3A_3115 = tpu.memref_slice %arg16[%dma_wait3A_3113, %dma_wait3A_3114] : memref<1024x64xf32, #tpu.memory_space<vmem>> -> memref<128x64xf32, #tpu.memory_space<vmem>>
      %dma_wait3A_3116 = arith.constant 0 : i32
      %dma_wait3A_3117 = tpu.memref_slice %arg15[%dma_wait3A_3112, %dma_wait3A_3116] : memref<8x128xi32, #tpu.memory_space<vmem>> -> memref<1x128xi32, #tpu.memory_space<vmem>>
      %dma_wait3A_3118 = tpu.memref_squeeze %dma_wait3A_3117 : memref<1x128xi32, #tpu.memory_space<vmem>> -> memref<128xi32, #tpu.memory_space<vmem>>
      %dma_wait3A_3119 = arith.constant 0 : i32
      %dma_wait3A_3120 = arith.constant 0 : i32
      %dma_wait3A_3121 = tpu.memref_slice %arg6[%dma_wait3A_3119, %dma_wait3A_3120] : memref<1000000x64xf32, #tpu.memory_space<hbm>> -> memref<1000000x64xf32, #tpu.memory_space<hbm>>
      tpu.wait_indirect_dma semaphore(%arg19 : memref<!tpu.dma_semaphore, #tpu.memory_space<semaphore_mem>>) src(%dma_wait3A_3121 : memref<1000000x64xf32, #tpu.memory_space<hbm>>) dst(%dma_wait3A_3115 : memref<128x64xf32, #tpu.memory_space<vmem>>)
      %dma_wait3A_3122 = arith.constant 1 : i32
      %dma_wait3A_3123 = arith.constant 128 : i32
      %dma_wait3A_3124 = arith.constant 0 : i32
      %dma_wait3A_3125 = tpu.memref_slice %arg16[%dma_wait3A_3123, %dma_wait3A_3124] : memref<1024x64xf32, #tpu.memory_space<vmem>> -> memref<128x64xf32, #tpu.memory_space<vmem>>
      %dma_wait3A_3126 = arith.constant 0 : i32
      %dma_wait3A_3127 = tpu.memref_slice %arg15[%dma_wait3A_3122, %dma_wait3A_3126] : memref<8x128xi32, #tpu.memory_space<vmem>> -> memref<1x128xi32, #tpu.memory_space<vmem>>
      %dma_wait3A_3128 = tpu.memref_squeeze %dma_wait3A_3127 : memref<1x128xi32, #tpu.memory_space<vmem>> -> memref<128xi32, #tpu.memory_space<vmem>>
      %dma_wait3A_3129 = arith.constant 0 : i32
      %dma_wait3A_3130 = arith.constant 0 : i32
      %dma_wait3A_3131 = tpu.memref_slice %arg6[%dma_wait3A_3129, %dma_wait3A_3130] : memref<1000000x64xf32, #tpu.memory_space<hbm>> -> memref<1000000x64xf32, #tpu.memory_space<hbm>>
      tpu.wait_indirect_dma semaphore(%arg19 : memref<!tpu.dma_semaphore, #tpu.memory_space<semaphore_mem>>) src(%dma_wait3A_3131 : memref<1000000x64xf32, #tpu.memory_space<hbm>>) dst(%dma_wait3A_3125 : memref<128x64xf32, #tpu.memory_space<vmem>>)
      %dma_wait3A_3132 = arith.constant 2 : i32
      %dma_wait3A_3133 = arith.constant 256 : i32
      %dma_wait3A_3134 = arith.constant 0 : i32
      %dma_wait3A_3135 = tpu.memref_slice %arg16[%dma_wait3A_3133, %dma_wait3A_3134] : memref<1024x64xf32, #tpu.memory_space<vmem>> -> memref<128x64xf32, #tpu.memory_space<vmem>>
      %dma_wait3A_3136 = arith.constant 0 : i32
      %dma_wait3A_3137 = tpu.memref_slice %arg15[%dma_wait3A_3132, %dma_wait3A_3136] : memref<8x128xi32, #tpu.memory_space<vmem>> -> memref<1x128xi32, #tpu.memory_space<vmem>>
      %dma_wait3A_3138 = tpu.memref_squeeze %dma_wait3A_3137 : memref<1x128xi32, #tpu.memory_space<vmem>> -> memref<128xi32, #tpu.memory_space<vmem>>
      %dma_wait3A_3139 = arith.constant 0 : i32
      %dma_wait3A_3140 = arith.constant 0 : i32
      %dma_wait3A_3141 = tpu.memref_slice %arg6[%dma_wait3A_3139, %dma_wait3A_3140] : memref<1000000x64xf32, #tpu.memory_space<hbm>> -> memref<1000000x64xf32, #tpu.memory_space<hbm>>
      tpu.wait_indirect_dma semaphore(%arg19 : memref<!tpu.dma_semaphore, #tpu.memory_space<semaphore_mem>>) src(%dma_wait3A_3141 : memref<1000000x64xf32, #tpu.memory_space<hbm>>) dst(%dma_wait3A_3135 : memref<128x64xf32, #tpu.memory_space<vmem>>)
      %dma_wait3A_3142 = arith.constant 3 : i32
      %dma_wait3A_3143 = arith.constant 384 : i32
      %dma_wait3A_3144 = arith.constant 0 : i32
      %dma_wait3A_3145 = tpu.memref_slice %arg16[%dma_wait3A_3143, %dma_wait3A_3144] : memref<1024x64xf32, #tpu.memory_space<vmem>> -> memref<128x64xf32, #tpu.memory_space<vmem>>
      %dma_wait3A_3146 = arith.constant 0 : i32
      %dma_wait3A_3147 = tpu.memref_slice %arg15[%dma_wait3A_3142, %dma_wait3A_3146] : memref<8x128xi32, #tpu.memory_space<vmem>> -> memref<1x128xi32, #tpu.memory_space<vmem>>
      %dma_wait3A_3148 = tpu.memref_squeeze %dma_wait3A_3147 : memref<1x128xi32, #tpu.memory_space<vmem>> -> memref<128xi32, #tpu.memory_space<vmem>>
      %dma_wait3A_3149 = arith.constant 0 : i32
      %dma_wait3A_3150 = arith.constant 0 : i32
      %dma_wait3A_3151 = tpu.memref_slice %arg6[%dma_wait3A_3149, %dma_wait3A_3150] : memref<1000000x64xf32, #tpu.memory_space<hbm>> -> memref<1000000x64xf32, #tpu.memory_space<hbm>>
      tpu.wait_indirect_dma semaphore(%arg19 : memref<!tpu.dma_semaphore, #tpu.memory_space<semaphore_mem>>) src(%dma_wait3A_3151 : memref<1000000x64xf32, #tpu.memory_space<hbm>>) dst(%dma_wait3A_3145 : memref<128x64xf32, #tpu.memory_space<vmem>>)
      %dma_wait3A_3152 = arith.constant 4 : i32
      %dma_wait3A_3153 = arith.constant 512 : i32
      %dma_wait3A_3154 = arith.constant 0 : i32
      %dma_wait3A_3155 = tpu.memref_slice %arg16[%dma_wait3A_3153, %dma_wait3A_3154] : memref<1024x64xf32, #tpu.memory_space<vmem>> -> memref<128x64xf32, #tpu.memory_space<vmem>>
      %dma_wait3A_3156 = arith.constant 0 : i32
      %dma_wait3A_3157 = tpu.memref_slice %arg15[%dma_wait3A_3152, %dma_wait3A_3156] : memref<8x128xi32, #tpu.memory_space<vmem>> -> memref<1x128xi32, #tpu.memory_space<vmem>>
      %dma_wait3A_3158 = tpu.memref_squeeze %dma_wait3A_3157 : memref<1x128xi32, #tpu.memory_space<vmem>> -> memref<128xi32, #tpu.memory_space<vmem>>
      %dma_wait3A_3159 = arith.constant 0 : i32
      %dma_wait3A_3160 = arith.constant 0 : i32
      %dma_wait3A_3161 = tpu.memref_slice %arg6[%dma_wait3A_3159, %dma_wait3A_3160] : memref<1000000x64xf32, #tpu.memory_space<hbm>> -> memref<1000000x64xf32, #tpu.memory_space<hbm>>
      tpu.wait_indirect_dma semaphore(%arg19 : memref<!tpu.dma_semaphore, #tpu.memory_space<semaphore_mem>>) src(%dma_wait3A_3161 : memref<1000000x64xf32, #tpu.memory_space<hbm>>) dst(%dma_wait3A_3155 : memref<128x64xf32, #tpu.memory_space<vmem>>)
      %dma_wait3A_3162 = arith.constant 5 : i32
      %dma_wait3A_3163 = arith.constant 640 : i32
      %dma_wait3A_3164 = arith.constant 0 : i32
      %dma_wait3A_3165 = tpu.memref_slice %arg16[%dma_wait3A_3163, %dma_wait3A_3164] : memref<1024x64xf32, #tpu.memory_space<vmem>> -> memref<128x64xf32, #tpu.memory_space<vmem>>
      %dma_wait3A_3166 = arith.constant 0 : i32
      %dma_wait3A_3167 = tpu.memref_slice %arg15[%dma_wait3A_3162, %dma_wait3A_3166] : memref<8x128xi32, #tpu.memory_space<vmem>> -> memref<1x128xi32, #tpu.memory_space<vmem>>
      %dma_wait3A_3168 = tpu.memref_squeeze %dma_wait3A_3167 : memref<1x128xi32, #tpu.memory_space<vmem>> -> memref<128xi32, #tpu.memory_space<vmem>>
      %dma_wait3A_3169 = arith.constant 0 : i32
      %dma_wait3A_3170 = arith.constant 0 : i32
      %dma_wait3A_3171 = tpu.memref_slice %arg6[%dma_wait3A_3169, %dma_wait3A_3170] : memref<1000000x64xf32, #tpu.memory_space<hbm>> -> memref<1000000x64xf32, #tpu.memory_space<hbm>>
      tpu.wait_indirect_dma semaphore(%arg19 : memref<!tpu.dma_semaphore, #tpu.memory_space<semaphore_mem>>) src(%dma_wait3A_3171 : memref<1000000x64xf32, #tpu.memory_space<hbm>>) dst(%dma_wait3A_3165 : memref<128x64xf32, #tpu.memory_space<vmem>>)
      %dma_wait3A_3172 = arith.constant 6 : i32
      %dma_wait3A_3173 = arith.constant 768 : i32
      %dma_wait3A_3174 = arith.constant 0 : i32
      %dma_wait3A_3175 = tpu.memref_slice %arg16[%dma_wait3A_3173, %dma_wait3A_3174] : memref<1024x64xf32, #tpu.memory_space<vmem>> -> memref<128x64xf32, #tpu.memory_space<vmem>>
      %dma_wait3A_3176 = arith.constant 0 : i32
      %dma_wait3A_3177 = tpu.memref_slice %arg15[%dma_wait3A_3172, %dma_wait3A_3176] : memref<8x128xi32, #tpu.memory_space<vmem>> -> memref<1x128xi32, #tpu.memory_space<vmem>>
      %dma_wait3A_3178 = tpu.memref_squeeze %dma_wait3A_3177 : memref<1x128xi32, #tpu.memory_space<vmem>> -> memref<128xi32, #tpu.memory_space<vmem>>
      %dma_wait3A_3179 = arith.constant 0 : i32
      %dma_wait3A_3180 = arith.constant 0 : i32
      %dma_wait3A_3181 = tpu.memref_slice %arg6[%dma_wait3A_3179, %dma_wait3A_3180] : memref<1000000x64xf32, #tpu.memory_space<hbm>> -> memref<1000000x64xf32, #tpu.memory_space<hbm>>
      tpu.wait_indirect_dma semaphore(%arg19 : memref<!tpu.dma_semaphore, #tpu.memory_space<semaphore_mem>>) src(%dma_wait3A_3181 : memref<1000000x64xf32, #tpu.memory_space<hbm>>) dst(%dma_wait3A_3175 : memref<128x64xf32, #tpu.memory_space<vmem>>)
      %dma_wait3A_3182 = arith.constant 7 : i32
      %dma_wait3A_3183 = arith.constant 896 : i32
      %dma_wait3A_3184 = arith.constant 0 : i32
      %dma_wait3A_3185 = tpu.memref_slice %arg16[%dma_wait3A_3183, %dma_wait3A_3184] : memref<1024x64xf32, #tpu.memory_space<vmem>> -> memref<128x64xf32, #tpu.memory_space<vmem>>
      %dma_wait3A_3186 = arith.constant 0 : i32
      %dma_wait3A_3187 = tpu.memref_slice %arg15[%dma_wait3A_3182, %dma_wait3A_3186] : memref<8x128xi32, #tpu.memory_space<vmem>> -> memref<1x128xi32, #tpu.memory_space<vmem>>
      %dma_wait3A_3188 = tpu.memref_squeeze %dma_wait3A_3187 : memref<1x128xi32, #tpu.memory_space<vmem>> -> memref<128xi32, #tpu.memory_space<vmem>>
      %dma_wait3A_3189 = arith.constant 0 : i32
      %dma_wait3A_3190 = arith.constant 0 : i32
      %dma_wait3A_3191 = tpu.memref_slice %arg6[%dma_wait3A_3189, %dma_wait3A_3190] : memref<1000000x64xf32, #tpu.memory_space<hbm>> -> memref<1000000x64xf32, #tpu.memory_space<hbm>>
      tpu.wait_indirect_dma semaphore(%arg19 : memref<!tpu.dma_semaphore, #tpu.memory_space<semaphore_mem>>) src(%dma_wait3A_3191 : memref<1000000x64xf32, #tpu.memory_space<hbm>>) dst(%dma_wait3A_3185 : memref<128x64xf32, #tpu.memory_space<vmem>>)
      %get3A_3192 = arith.constant 0 : index
      %get3A_3193 = tpu.vector_load %arg14[%get3A_3192] {strides = array<i32>} : memref<1024xf32, #tpu.memory_space<vmem>>, vector<16xf32>,
      %get3A_3194 = arith.constant 16 : index
      %get3A_3195 = tpu.vector_load %arg14[%get3A_3194] {strides = array<i32>} : memref<1024xf32, #tpu.memory_space<vmem>>, vector<16xf32>,
      %get3A_3196 = arith.constant 32 : index
      %get3A_3197 = tpu.vector_load %arg14[%get3A_3196] {strides = array<i32>} : memref<1024xf32, #tpu.memory_space<vmem>>, vector<16xf32>,
      %get3A_3198 = arith.constant 48 : index
      %get3A_3199 = tpu.vector_load %arg14[%get3A_3198] {strides = array<i32>} : memref<1024xf32, #tpu.memory_space<vmem>>, vector<16xf32>,
      %get3A_3200 = arith.constant 64 : index
      %get3A_3201 = tpu.vector_load %arg14[%get3A_3200] {strides = array<i32>} : memref<1024xf32, #tpu.memory_space<vmem>>, vector<16xf32>,
      %get3A_3202 = arith.constant 80 : index
      %get3A_3203 = tpu.vector_load %arg14[%get3A_3202] {strides = array<i32>} : memref<1024xf32, #tpu.memory_space<vmem>>, vector<16xf32>,
      %get3A_3204 = arith.constant 96 : index
      %get3A_3205 = tpu.vector_load %arg14[%get3A_3204] {strides = array<i32>} : memref<1024xf32, #tpu.memory_space<vmem>>, vector<16xf32>,
      %get3A_3206 = arith.constant 112 : index
      %get3A_3207 = tpu.vector_load %arg14[%get3A_3206] {strides = array<i32>} : memref<1024xf32, #tpu.memory_space<vmem>>, vector<16xf32>,
      %add3A_3208 = arith.constant 0 : i32
      %add3A_3209 = vector.broadcast %add3A_3208 : i32 to vector<16xi32>
      %add3A_3210 = arith.addi %add3A_3209, %iota3A : vector<16xi32>
      %add3A_3211 = arith.constant 16 : i32
      %add3A_3212 = vector.broadcast %add3A_3211 : i32 to vector<16xi32>
      %add3A_3213 = arith.addi %add3A_3212, %iota3A : vector<16xi32>
      %add3A_3214 = arith.constant 32 : i32
      %add3A_3215 = vector.broadcast %add3A_3214 : i32 to vector<16xi32>
      %add3A_3216 = arith.addi %add3A_3215, %iota3A : vector<16xi32>
      %add3A_3217 = arith.constant 48 : i32
      %add3A_3218 = vector.broadcast %add3A_3217 : i32 to vector<16xi32>
      %add3A_3219 = arith.addi %add3A_3218, %iota3A : vector<16xi32>
      %add3A_3220 = arith.constant 64 : i32
      %add3A_3221 = vector.broadcast %add3A_3220 : i32 to vector<16xi32>
      %add3A_3222 = arith.addi %add3A_3221, %iota3A : vector<16xi32>
      %add3A_3223 = arith.constant 80 : i32
      %add3A_3224 = vector.broadcast %add3A_3223 : i32 to vector<16xi32>
      %add3A_3225 = arith.addi %add3A_3224, %iota3A : vector<16xi32>
      %add3A_3226 = arith.constant 96 : i32
      %add3A_3227 = vector.broadcast %add3A_3226 : i32 to vector<16xi32>
      %add3A_3228 = arith.addi %add3A_3227, %iota3A : vector<16xi32>
      %add3A_3229 = arith.constant 112 : i32
      %add3A_3230 = vector.broadcast %add3A_3229 : i32 to vector<16xi32>
      %add3A_3231 = arith.addi %add3A_3230, %iota3A : vector<16xi32>
      %add3A_3232 = arith.constant 0 : i32
      %add3A_3233 = vector.broadcast %add3A_3232 : i32 to vector<16xi32>
      %add3A_3234 = arith.addi %add3A_3233, %iota3A : vector<16xi32>
      %scan3A_3235 = arith.constant 0 : i32
      %scan3A_3236 = arith.constant 0 : i32
      %scan3A_3237 = arith.constant 64 : i32
      %scan3A_3238 = arith.addi %scan3A_3236, %scan3A_3237 : i32
      %scan3A_3239 = arith.constant 1 : i32
      scf.for %scan3A_3584 = %scan3A_3236 to %scan3A_3238 step %scan3A_3239  : i32 {
        %broadcast_in_dim3A_3585 = vector.broadcast %scan3A_3584 : i32 to vector<16xi32>
        %gather3A = tpu.vector_load_idx %arg16[%add3A_3210, %broadcast_in_dim3A_3585] : memref<1024x64xf32, #tpu.memory_space<vmem>>[vector<16xi32>, vector<16xi32>], vector<16xf32>,
        %mul3A_3586 = arith.mulf %get3A_3193, %gather3A : vector<16xf32>
        %gather3A_3587 = tpu.vector_load_idx %arg16[%add3A_3213, %broadcast_in_dim3A_3585] : memref<1024x64xf32, #tpu.memory_space<vmem>>[vector<16xi32>, vector<16xi32>], vector<16xf32>,
        %mul3A_3588 = arith.mulf %get3A_3195, %gather3A_3587 : vector<16xf32>
        %add3A_3589 = arith.addf %mul3A_3586, %mul3A_3588 : vector<16xf32>
        %gather3A_3590 = tpu.vector_load_idx %arg16[%add3A_3216, %broadcast_in_dim3A_3585] : memref<1024x64xf32, #tpu.memory_space<vmem>>[vector<16xi32>, vector<16xi32>], vector<16xf32>,
        %mul3A_3591 = arith.mulf %get3A_3197, %gather3A_3590 : vector<16xf32>
        %add3A_3592 = arith.addf %add3A_3589, %mul3A_3591 : vector<16xf32>
        %gather3A_3593 = tpu.vector_load_idx %arg16[%add3A_3219, %broadcast_in_dim3A_3585] : memref<1024x64xf32, #tpu.memory_space<vmem>>[vector<16xi32>, vector<16xi32>], vector<16xf32>,
        %mul3A_3594 = arith.mulf %get3A_3199, %gather3A_3593 : vector<16xf32>
        %add3A_3595 = arith.addf %add3A_3592, %mul3A_3594 : vector<16xf32>
        %gather3A_3596 = tpu.vector_load_idx %arg16[%add3A_3222, %broadcast_in_dim3A_3585] : memref<1024x64xf32, #tpu.memory_space<vmem>>[vector<16xi32>, vector<16xi32>], vector<16xf32>,
        %mul3A_3597 = arith.mulf %get3A_3201, %gather3A_3596 : vector<16xf32>
        %add3A_3598 = arith.addf %add3A_3595, %mul3A_3597 : vector<16xf32>
        %gather3A_3599 = tpu.vector_load_idx %arg16[%add3A_3225, %broadcast_in_dim3A_3585] : memref<1024x64xf32, #tpu.memory_space<vmem>>[vector<16xi32>, vector<16xi32>], vector<16xf32>,
        %mul3A_3600 = arith.mulf %get3A_3203, %gather3A_3599 : vector<16xf32>
        %add3A_3601 = arith.addf %add3A_3598, %mul3A_3600 : vector<16xf32>
        %gather3A_3602 = tpu.vector_load_idx %arg16[%add3A_3228, %broadcast_in_dim3A_3585] : memref<1024x64xf32, #tpu.memory_space<vmem>>[vector<16xi32>, vector<16xi32>], vector<16xf32>,
        %mul3A_3603 = arith.mulf %get3A_3205, %gather3A_3602 : vector<16xf32>
        %add3A_3604 = arith.addf %add3A_3601, %mul3A_3603 : vector<16xf32>
        %gather3A_3605 = tpu.vector_load_idx %arg16[%add3A_3231, %broadcast_in_dim3A_3585] : memref<1024x64xf32, #tpu.memory_space<vmem>>[vector<16xi32>, vector<16xi32>], vector<16xf32>,
        %mul3A_3606 = arith.mulf %get3A_3207, %gather3A_3605 : vector<16xf32>
        %add3A_3607 = arith.addf %add3A_3604, %mul3A_3606 : vector<16xf32>
        tpu.vector_store_idx %arg17[%add3A_3234, %broadcast_in_dim3A_3585], %add3A_3607 : memref<128x64xf32, #tpu.memory_space<vmem>>[vector<16xi32>, vector<16xi32>], vector<16xf32>,
      }
      %scan3A_3240 = arith.constant 64 : i32
      %get3A_3241 = arith.constant 128 : index
      %get3A_3242 = tpu.vector_load %arg14[%get3A_3241] {strides = array<i32>} : memref<1024xf32, #tpu.memory_space<vmem>>, vector<16xf32>,
      %get3A_3243 = arith.constant 144 : index
      %get3A_3244 = tpu.vector_load %arg14[%get3A_3243] {strides = array<i32>} : memref<1024xf32, #tpu.memory_space<vmem>>, vector<16xf32>,
      %get3A_3245 = arith.constant 160 : index
      %get3A_3246 = tpu.vector_load %arg14[%get3A_3245] {strides = array<i32>} : memref<1024xf32, #tpu.memory_space<vmem>>, vector<16xf32>,
      %get3A_3247 = arith.constant 176 : index
      %get3A_3248 = tpu.vector_load %arg14[%get3A_3247] {strides = array<i32>} : memref<1024xf32, #tpu.memory_space<vmem>>, vector<16xf32>,
      %get3A_3249 = arith.constant 192 : index
      %get3A_3250 = tpu.vector_load %arg14[%get3A_3249] {strides = array<i32>} : memref<1024xf32, #tpu.memory_space<vmem>>, vector<16xf32>,
      %get3A_3251 = arith.constant 208 : index
      %get3A_3252 = tpu.vector_load %arg14[%get3A_3251] {strides = array<i32>} : memref<1024xf32, #tpu.memory_space<vmem>>, vector<16xf32>,
      %get3A_3253 = arith.constant 224 : index
      %get3A_3254 = tpu.vector_load %arg14[%get3A_3253] {strides = array<i32>} : memref<1024xf32, #tpu.memory_space<vmem>>, vector<16xf32>,
      %get3A_3255 = arith.constant 240 : index
      %get3A_3256 = tpu.vector_load %arg14[%get3A_3255] {strides = array<i32>} : memref<1024xf32, #tpu.memory_space<vmem>>, vector<16xf32>,
      %add3A_3257 = arith.constant 128 : i32
      %add3A_3258 = vector.broadcast %add3A_3257 : i32 to vector<16xi32>
      %add3A_3259 = arith.addi %add3A_3258, %iota3A : vector<16xi32>
      %add3A_3260 = arith.constant 144 : i32
      %add3A_3261 = vector.broadcast %add3A_3260 : i32 to vector<16xi32>
      %add3A_3262 = arith.addi %add3A_3261, %iota3A : vector<16xi32>
      %add3A_3263 = arith.constant 160 : i32
      %add3A_3264 = vector.broadcast %add3A_3263 : i32 to vector<16xi32>
      %add3A_3265 = arith.addi %add3A_3264, %iota3A : vector<16xi32>
      %add3A_3266 = arith.constant 176 : i32
      %add3A_3267 = vector.broadcast %add3A_3266 : i32 to vector<16xi32>
      %add3A_3268 = arith.addi %add3A_3267, %iota3A : vector<16xi32>
      %add3A_3269 = arith.constant 192 : i32
      %add3A_3270 = vector.broadcast %add3A_3269 : i32 to vector<16xi32>
      %add3A_3271 = arith.addi %add3A_3270, %iota3A : vector<16xi32>
      %add3A_3272 = arith.constant 208 : i32
      %add3A_3273 = vector.broadcast %add3A_3272 : i32 to vector<16xi32>
      %add3A_3274 = arith.addi %add3A_3273, %iota3A : vector<16xi32>
      %add3A_3275 = arith.constant 224 : i32
      %add3A_3276 = vector.broadcast %add3A_3275 : i32 to vector<16xi32>
      %add3A_3277 = arith.addi %add3A_3276, %iota3A : vector<16xi32>
      %add3A_3278 = arith.constant 240 : i32
      %add3A_3279 = vector.broadcast %add3A_3278 : i32 to vector<16xi32>
      %add3A_3280 = arith.addi %add3A_3279, %iota3A : vector<16xi32>
      %add3A_3281 = arith.constant 16 : i32
      %add3A_3282 = vector.broadcast %add3A_3281 : i32 to vector<16xi32>
      %add3A_3283 = arith.addi %add3A_3282, %iota3A : vector<16xi32>
      %scan3A_3284 = arith.constant 0 : i32
      %scan3A_3285 = arith.constant 0 : i32
      %scan3A_3286 = arith.constant 64 : i32
      %scan3A_3287 = arith.addi %scan3A_3285, %scan3A_3286 : i32
      %scan3A_3288 = arith.constant 1 : i32
      scf.for %scan3A_3584 = %scan3A_3285 to %scan3A_3287 step %scan3A_3288  : i32 {
        %broadcast_in_dim3A_3585 = vector.broadcast %scan3A_3584 : i32 to vector<16xi32>
        %gather3A = tpu.vector_load_idx %arg16[%add3A_3259, %broadcast_in_dim3A_3585] : memref<1024x64xf32, #tpu.memory_space<vmem>>[vector<16xi32>, vector<16xi32>], vector<16xf32>,
        %mul3A_3586 = arith.mulf %get3A_3242, %gather3A : vector<16xf32>
        %gather3A_3587 = tpu.vector_load_idx %arg16[%add3A_3262, %broadcast_in_dim3A_3585] : memref<1024x64xf32, #tpu.memory_space<vmem>>[vector<16xi32>, vector<16xi32>], vector<16xf32>,
        %mul3A_3588 = arith.mulf %get3A_3244, %gather3A_3587 : vector<16xf32>
        %add3A_3589 = arith.addf %mul3A_3586, %mul3A_3588 : vector<16xf32>
        %gather3A_3590 = tpu.vector_load_idx %arg16[%add3A_3265, %broadcast_in_dim3A_3585] : memref<1024x64xf32, #tpu.memory_space<vmem>>[vector<16xi32>, vector<16xi32>], vector<16xf32>,
        %mul3A_3591 = arith.mulf %get3A_3246, %gather3A_3590 : vector<16xf32>
        %add3A_3592 = arith.addf %add3A_3589, %mul3A_3591 : vector<16xf32>
        %gather3A_3593 = tpu.vector_load_idx %arg16[%add3A_3268, %broadcast_in_dim3A_3585] : memref<1024x64xf32, #tpu.memory_space<vmem>>[vector<16xi32>, vector<16xi32>], vector<16xf32>,
        %mul3A_3594 = arith.mulf %get3A_3248, %gather3A_3593 : vector<16xf32>
        %add3A_3595 = arith.addf %add3A_3592, %mul3A_3594 : vector<16xf32>
        %gather3A_3596 = tpu.vector_load_idx %arg16[%add3A_3271, %broadcast_in_dim3A_3585] : memref<1024x64xf32, #tpu.memory_space<vmem>>[vector<16xi32>, vector<16xi32>], vector<16xf32>,
        %mul3A_3597 = arith.mulf %get3A_3250, %gather3A_3596 : vector<16xf32>
        %add3A_3598 = arith.addf %add3A_3595, %mul3A_3597 : vector<16xf32>
        %gather3A_3599 = tpu.vector_load_idx %arg16[%add3A_3274, %broadcast_in_dim3A_3585] : memref<1024x64xf32, #tpu.memory_space<vmem>>[vector<16xi32>, vector<16xi32>], vector<16xf32>,
        %mul3A_3600 = arith.mulf %get3A_3252, %gather3A_3599 : vector<16xf32>
        %add3A_3601 = arith.addf %add3A_3598, %mul3A_3600 : vector<16xf32>
        %gather3A_3602 = tpu.vector_load_idx %arg16[%add3A_3277, %broadcast_in_dim3A_3585] : memref<1024x64xf32, #tpu.memory_space<vmem>>[vector<16xi32>, vector<16xi32>], vector<16xf32>,
        %mul3A_3603 = arith.mulf %get3A_3254, %gather3A_3602 : vector<16xf32>
        %add3A_3604 = arith.addf %add3A_3601, %mul3A_3603 : vector<16xf32>
        %gather3A_3605 = tpu.vector_load_idx %arg16[%add3A_3280, %broadcast_in_dim3A_3585] : memref<1024x64xf32, #tpu.memory_space<vmem>>[vector<16xi32>, vector<16xi32>], vector<16xf32>,
        %mul3A_3606 = arith.mulf %get3A_3256, %gather3A_3605 : vector<16xf32>
        %add3A_3607 = arith.addf %add3A_3604, %mul3A_3606 : vector<16xf32>
        tpu.vector_store_idx %arg17[%add3A_3283, %broadcast_in_dim3A_3585], %add3A_3607 : memref<128x64xf32, #tpu.memory_space<vmem>>[vector<16xi32>, vector<16xi32>], vector<16xf32>,
      }
      %scan3A_3289 = arith.constant 64 : i32
      %get3A_3290 = arith.constant 256 : index
      %get3A_3291 = tpu.vector_load %arg14[%get3A_3290] {strides = array<i32>} : memref<1024xf32, #tpu.memory_space<vmem>>, vector<16xf32>,
      %get3A_3292 = arith.constant 272 : index
      %get3A_3293 = tpu.vector_load %arg14[%get3A_3292] {strides = array<i32>} : memref<1024xf32, #tpu.memory_space<vmem>>, vector<16xf32>,
      %get3A_3294 = arith.constant 288 : index
      %get3A_3295 = tpu.vector_load %arg14[%get3A_3294] {strides = array<i32>} : memref<1024xf32, #tpu.memory_space<vmem>>, vector<16xf32>,
      %get3A_3296 = arith.constant 304 : index
      %get3A_3297 = tpu.vector_load %arg14[%get3A_3296] {strides = array<i32>} : memref<1024xf32, #tpu.memory_space<vmem>>, vector<16xf32>,
      %get3A_3298 = arith.constant 320 : index
      %get3A_3299 = tpu.vector_load %arg14[%get3A_3298] {strides = array<i32>} : memref<1024xf32, #tpu.memory_space<vmem>>, vector<16xf32>,
      %get3A_3300 = arith.constant 336 : index
      %get3A_3301 = tpu.vector_load %arg14[%get3A_3300] {strides = array<i32>} : memref<1024xf32, #tpu.memory_space<vmem>>, vector<16xf32>,
      %get3A_3302 = arith.constant 352 : index
      %get3A_3303 = tpu.vector_load %arg14[%get3A_3302] {strides = array<i32>} : memref<1024xf32, #tpu.memory_space<vmem>>, vector<16xf32>,
      %get3A_3304 = arith.constant 368 : index
      %get3A_3305 = tpu.vector_load %arg14[%get3A_3304] {strides = array<i32>} : memref<1024xf32, #tpu.memory_space<vmem>>, vector<16xf32>,
      %add3A_3306 = arith.constant 256 : i32
      %add3A_3307 = vector.broadcast %add3A_3306 : i32 to vector<16xi32>
      %add3A_3308 = arith.addi %add3A_3307, %iota3A : vector<16xi32>
      %add3A_3309 = arith.constant 272 : i32
      %add3A_3310 = vector.broadcast %add3A_3309 : i32 to vector<16xi32>
      %add3A_3311 = arith.addi %add3A_3310, %iota3A : vector<16xi32>
      %add3A_3312 = arith.constant 288 : i32
      %add3A_3313 = vector.broadcast %add3A_3312 : i32 to vector<16xi32>
      %add3A_3314 = arith.addi %add3A_3313, %iota3A : vector<16xi32>
      %add3A_3315 = arith.constant 304 : i32
      %add3A_3316 = vector.broadcast %add3A_3315 : i32 to vector<16xi32>
      %add3A_3317 = arith.addi %add3A_3316, %iota3A : vector<16xi32>
      %add3A_3318 = arith.constant 320 : i32
      %add3A_3319 = vector.broadcast %add3A_3318 : i32 to vector<16xi32>
      %add3A_3320 = arith.addi %add3A_3319, %iota3A : vector<16xi32>
      %add3A_3321 = arith.constant 336 : i32
      %add3A_3322 = vector.broadcast %add3A_3321 : i32 to vector<16xi32>
      %add3A_3323 = arith.addi %add3A_3322, %iota3A : vector<16xi32>
      %add3A_3324 = arith.constant 352 : i32
      %add3A_3325 = vector.broadcast %add3A_3324 : i32 to vector<16xi32>
      %add3A_3326 = arith.addi %add3A_3325, %iota3A : vector<16xi32>
      %add3A_3327 = arith.constant 368 : i32
      %add3A_3328 = vector.broadcast %add3A_3327 : i32 to vector<16xi32>
      %add3A_3329 = arith.addi %add3A_3328, %iota3A : vector<16xi32>
      %add3A_3330 = arith.constant 32 : i32
      %add3A_3331 = vector.broadcast %add3A_3330 : i32 to vector<16xi32>
      %add3A_3332 = arith.addi %add3A_3331, %iota3A : vector<16xi32>
      %scan3A_3333 = arith.constant 0 : i32
      %scan3A_3334 = arith.constant 0 : i32
      %scan3A_3335 = arith.constant 64 : i32
      %scan3A_3336 = arith.addi %scan3A_3334, %scan3A_3335 : i32
      %scan3A_3337 = arith.constant 1 : i32
      scf.for %scan3A_3584 = %scan3A_3334 to %scan3A_3336 step %scan3A_3337  : i32 {
        %broadcast_in_dim3A_3585 = vector.broadcast %scan3A_3584 : i32 to vector<16xi32>
        %gather3A = tpu.vector_load_idx %arg16[%add3A_3308, %broadcast_in_dim3A_3585] : memref<1024x64xf32, #tpu.memory_space<vmem>>[vector<16xi32>, vector<16xi32>], vector<16xf32>,
        %mul3A_3586 = arith.mulf %get3A_3291, %gather3A : vector<16xf32>
        %gather3A_3587 = tpu.vector_load_idx %arg16[%add3A_3311, %broadcast_in_dim3A_3585] : memref<1024x64xf32, #tpu.memory_space<vmem>>[vector<16xi32>, vector<16xi32>], vector<16xf32>,
        %mul3A_3588 = arith.mulf %get3A_3293, %gather3A_3587 : vector<16xf32>
        %add3A_3589 = arith.addf %mul3A_3586, %mul3A_3588 : vector<16xf32>
        %gather3A_3590 = tpu.vector_load_idx %arg16[%add3A_3314, %broadcast_in_dim3A_3585] : memref<1024x64xf32, #tpu.memory_space<vmem>>[vector<16xi32>, vector<16xi32>], vector<16xf32>,
        %mul3A_3591 = arith.mulf %get3A_3295, %gather3A_3590 : vector<16xf32>
        %add3A_3592 = arith.addf %add3A_3589, %mul3A_3591 : vector<16xf32>
        %gather3A_3593 = tpu.vector_load_idx %arg16[%add3A_3317, %broadcast_in_dim3A_3585] : memref<1024x64xf32, #tpu.memory_space<vmem>>[vector<16xi32>, vector<16xi32>], vector<16xf32>,
        %mul3A_3594 = arith.mulf %get3A_3297, %gather3A_3593 : vector<16xf32>
        %add3A_3595 = arith.addf %add3A_3592, %mul3A_3594 : vector<16xf32>
        %gather3A_3596 = tpu.vector_load_idx %arg16[%add3A_3320, %broadcast_in_dim3A_3585] : memref<1024x64xf32, #tpu.memory_space<vmem>>[vector<16xi32>, vector<16xi32>], vector<16xf32>,
        %mul3A_3597 = arith.mulf %get3A_3299, %gather3A_3596 : vector<16xf32>
        %add3A_3598 = arith.addf %add3A_3595, %mul3A_3597 : vector<16xf32>
        %gather3A_3599 = tpu.vector_load_idx %arg16[%add3A_3323, %broadcast_in_dim3A_3585] : memref<1024x64xf32, #tpu.memory_space<vmem>>[vector<16xi32>, vector<16xi32>], vector<16xf32>,
        %mul3A_3600 = arith.mulf %get3A_3301, %gather3A_3599 : vector<16xf32>
        %add3A_3601 = arith.addf %add3A_3598, %mul3A_3600 : vector<16xf32>
        %gather3A_3602 = tpu.vector_load_idx %arg16[%add3A_3326, %broadcast_in_dim3A_3585] : memref<1024x64xf32, #tpu.memory_space<vmem>>[vector<16xi32>, vector<16xi32>], vector<16xf32>,
        %mul3A_3603 = arith.mulf %get3A_3303, %gather3A_3602 : vector<16xf32>
        %add3A_3604 = arith.addf %add3A_3601, %mul3A_3603 : vector<16xf32>
        %gather3A_3605 = tpu.vector_load_idx %arg16[%add3A_3329, %broadcast_in_dim3A_3585] : memref<1024x64xf32, #tpu.memory_space<vmem>>[vector<16xi32>, vector<16xi32>], vector<16xf32>,
        %mul3A_3606 = arith.mulf %get3A_3305, %gather3A_3605 : vector<16xf32>
        %add3A_3607 = arith.addf %add3A_3604, %mul3A_3606 : vector<16xf32>
        tpu.vector_store_idx %arg17[%add3A_3332, %broadcast_in_dim3A_3585], %add3A_3607 : memref<128x64xf32, #tpu.memory_space<vmem>>[vector<16xi32>, vector<16xi32>], vector<16xf32>,
      }
      %scan3A_3338 = arith.constant 64 : i32
      %get3A_3339 = arith.constant 384 : index
      %get3A_3340 = tpu.vector_load %arg14[%get3A_3339] {strides = array<i32>} : memref<1024xf32, #tpu.memory_space<vmem>>, vector<16xf32>,
      %get3A_3341 = arith.constant 400 : index
      %get3A_3342 = tpu.vector_load %arg14[%get3A_3341] {strides = array<i32>} : memref<1024xf32, #tpu.memory_space<vmem>>, vector<16xf32>,
      %get3A_3343 = arith.constant 416 : index
      %get3A_3344 = tpu.vector_load %arg14[%get3A_3343] {strides = array<i32>} : memref<1024xf32, #tpu.memory_space<vmem>>, vector<16xf32>,
      %get3A_3345 = arith.constant 432 : index
      %get3A_3346 = tpu.vector_load %arg14[%get3A_3345] {strides = array<i32>} : memref<1024xf32, #tpu.memory_space<vmem>>, vector<16xf32>,
      %get3A_3347 = arith.constant 448 : index
      %get3A_3348 = tpu.vector_load %arg14[%get3A_3347] {strides = array<i32>} : memref<1024xf32, #tpu.memory_space<vmem>>, vector<16xf32>,
      %get3A_3349 = arith.constant 464 : index
      %get3A_3350 = tpu.vector_load %arg14[%get3A_3349] {strides = array<i32>} : memref<1024xf32, #tpu.memory_space<vmem>>, vector<16xf32>,
      %get3A_3351 = arith.constant 480 : index
      %get3A_3352 = tpu.vector_load %arg14[%get3A_3351] {strides = array<i32>} : memref<1024xf32, #tpu.memory_space<vmem>>, vector<16xf32>,
      %get3A_3353 = arith.constant 496 : index
      %get3A_3354 = tpu.vector_load %arg14[%get3A_3353] {strides = array<i32>} : memref<1024xf32, #tpu.memory_space<vmem>>, vector<16xf32>,
      %add3A_3355 = arith.constant 384 : i32
      %add3A_3356 = vector.broadcast %add3A_3355 : i32 to vector<16xi32>
      %add3A_3357 = arith.addi %add3A_3356, %iota3A : vector<16xi32>
      %add3A_3358 = arith.constant 400 : i32
      %add3A_3359 = vector.broadcast %add3A_3358 : i32 to vector<16xi32>
      %add3A_3360 = arith.addi %add3A_3359, %iota3A : vector<16xi32>
      %add3A_3361 = arith.constant 416 : i32
      %add3A_3362 = vector.broadcast %add3A_3361 : i32 to vector<16xi32>
      %add3A_3363 = arith.addi %add3A_3362, %iota3A : vector<16xi32>
      %add3A_3364 = arith.constant 432 : i32
      %add3A_3365 = vector.broadcast %add3A_3364 : i32 to vector<16xi32>
      %add3A_3366 = arith.addi %add3A_3365, %iota3A : vector<16xi32>
      %add3A_3367 = arith.constant 448 : i32
      %add3A_3368 = vector.broadcast %add3A_3367 : i32 to vector<16xi32>
      %add3A_3369 = arith.addi %add3A_3368, %iota3A : vector<16xi32>
      %add3A_3370 = arith.constant 464 : i32
      %add3A_3371 = vector.broadcast %add3A_3370 : i32 to vector<16xi32>
      %add3A_3372 = arith.addi %add3A_3371, %iota3A : vector<16xi32>
      %add3A_3373 = arith.constant 480 : i32
      %add3A_3374 = vector.broadcast %add3A_3373 : i32 to vector<16xi32>
      %add3A_3375 = arith.addi %add3A_3374, %iota3A : vector<16xi32>
      %add3A_3376 = arith.constant 496 : i32
      %add3A_3377 = vector.broadcast %add3A_3376 : i32 to vector<16xi32>
      %add3A_3378 = arith.addi %add3A_3377, %iota3A : vector<16xi32>
      %add3A_3379 = arith.constant 48 : i32
      %add3A_3380 = vector.broadcast %add3A_3379 : i32 to vector<16xi32>
      %add3A_3381 = arith.addi %add3A_3380, %iota3A : vector<16xi32>
      %scan3A_3382 = arith.constant 0 : i32
      %scan3A_3383 = arith.constant 0 : i32
      %scan3A_3384 = arith.constant 64 : i32
      %scan3A_3385 = arith.addi %scan3A_3383, %scan3A_3384 : i32
      %scan3A_3386 = arith.constant 1 : i32
      scf.for %scan3A_3584 = %scan3A_3383 to %scan3A_3385 step %scan3A_3386  : i32 {
        %broadcast_in_dim3A_3585 = vector.broadcast %scan3A_3584 : i32 to vector<16xi32>
        %gather3A = tpu.vector_load_idx %arg16[%add3A_3357, %broadcast_in_dim3A_3585] : memref<1024x64xf32, #tpu.memory_space<vmem>>[vector<16xi32>, vector<16xi32>], vector<16xf32>,
        %mul3A_3586 = arith.mulf %get3A_3340, %gather3A : vector<16xf32>
        %gather3A_3587 = tpu.vector_load_idx %arg16[%add3A_3360, %broadcast_in_dim3A_3585] : memref<1024x64xf32, #tpu.memory_space<vmem>>[vector<16xi32>, vector<16xi32>], vector<16xf32>,
        %mul3A_3588 = arith.mulf %get3A_3342, %gather3A_3587 : vector<16xf32>
        %add3A_3589 = arith.addf %mul3A_3586, %mul3A_3588 : vector<16xf32>
        %gather3A_3590 = tpu.vector_load_idx %arg16[%add3A_3363, %broadcast_in_dim3A_3585] : memref<1024x64xf32, #tpu.memory_space<vmem>>[vector<16xi32>, vector<16xi32>], vector<16xf32>,
        %mul3A_3591 = arith.mulf %get3A_3344, %gather3A_3590 : vector<16xf32>
        %add3A_3592 = arith.addf %add3A_3589, %mul3A_3591 : vector<16xf32>
        %gather3A_3593 = tpu.vector_load_idx %arg16[%add3A_3366, %broadcast_in_dim3A_3585] : memref<1024x64xf32, #tpu.memory_space<vmem>>[vector<16xi32>, vector<16xi32>], vector<16xf32>,
        %mul3A_3594 = arith.mulf %get3A_3346, %gather3A_3593 : vector<16xf32>
        %add3A_3595 = arith.addf %add3A_3592, %mul3A_3594 : vector<16xf32>
        %gather3A_3596 = tpu.vector_load_idx %arg16[%add3A_3369, %broadcast_in_dim3A_3585] : memref<1024x64xf32, #tpu.memory_space<vmem>>[vector<16xi32>, vector<16xi32>], vector<16xf32>,
        %mul3A_3597 = arith.mulf %get3A_3348, %gather3A_3596 : vector<16xf32>
        %add3A_3598 = arith.addf %add3A_3595, %mul3A_3597 : vector<16xf32>
        %gather3A_3599 = tpu.vector_load_idx %arg16[%add3A_3372, %broadcast_in_dim3A_3585] : memref<1024x64xf32, #tpu.memory_space<vmem>>[vector<16xi32>, vector<16xi32>], vector<16xf32>,
        %mul3A_3600 = arith.mulf %get3A_3350, %gather3A_3599 : vector<16xf32>
        %add3A_3601 = arith.addf %add3A_3598, %mul3A_3600 : vector<16xf32>
        %gather3A_3602 = tpu.vector_load_idx %arg16[%add3A_3375, %broadcast_in_dim3A_3585] : memref<1024x64xf32, #tpu.memory_space<vmem>>[vector<16xi32>, vector<16xi32>], vector<16xf32>,
        %mul3A_3603 = arith.mulf %get3A_3352, %gather3A_3602 : vector<16xf32>
        %add3A_3604 = arith.addf %add3A_3601, %mul3A_3603 : vector<16xf32>
        %gather3A_3605 = tpu.vector_load_idx %arg16[%add3A_3378, %broadcast_in_dim3A_3585] : memref<1024x64xf32, #tpu.memory_space<vmem>>[vector<16xi32>, vector<16xi32>], vector<16xf32>,
        %mul3A_3606 = arith.mulf %get3A_3354, %gather3A_3605 : vector<16xf32>
        %add3A_3607 = arith.addf %add3A_3604, %mul3A_3606 : vector<16xf32>
        tpu.vector_store_idx %arg17[%add3A_3381, %broadcast_in_dim3A_3585], %add3A_3607 : memref<128x64xf32, #tpu.memory_space<vmem>>[vector<16xi32>, vector<16xi32>], vector<16xf32>,
      }
      %scan3A_3387 = arith.constant 64 : i32
      %get3A_3388 = arith.constant 512 : index
      %get3A_3389 = tpu.vector_load %arg14[%get3A_3388] {strides = array<i32>} : memref<1024xf32, #tpu.memory_space<vmem>>, vector<16xf32>,
      %get3A_3390 = arith.constant 528 : index
      %get3A_3391 = tpu.vector_load %arg14[%get3A_3390] {strides = array<i32>} : memref<1024xf32, #tpu.memory_space<vmem>>, vector<16xf32>,
      %get3A_3392 = arith.constant 544 : index
      %get3A_3393 = tpu.vector_load %arg14[%get3A_3392] {strides = array<i32>} : memref<1024xf32, #tpu.memory_space<vmem>>, vector<16xf32>,
      %get3A_3394 = arith.constant 560 : index
      %get3A_3395 = tpu.vector_load %arg14[%get3A_3394] {strides = array<i32>} : memref<1024xf32, #tpu.memory_space<vmem>>, vector<16xf32>,
      %get3A_3396 = arith.constant 576 : index
      %get3A_3397 = tpu.vector_load %arg14[%get3A_3396] {strides = array<i32>} : memref<1024xf32, #tpu.memory_space<vmem>>, vector<16xf32>,
      %get3A_3398 = arith.constant 592 : index
      %get3A_3399 = tpu.vector_load %arg14[%get3A_3398] {strides = array<i32>} : memref<1024xf32, #tpu.memory_space<vmem>>, vector<16xf32>,
      %get3A_3400 = arith.constant 608 : index
      %get3A_3401 = tpu.vector_load %arg14[%get3A_3400] {strides = array<i32>} : memref<1024xf32, #tpu.memory_space<vmem>>, vector<16xf32>,
      %get3A_3402 = arith.constant 624 : index
      %get3A_3403 = tpu.vector_load %arg14[%get3A_3402] {strides = array<i32>} : memref<1024xf32, #tpu.memory_space<vmem>>, vector<16xf32>,
      %add3A_3404 = arith.constant 512 : i32
      %add3A_3405 = vector.broadcast %add3A_3404 : i32 to vector<16xi32>
      %add3A_3406 = arith.addi %add3A_3405, %iota3A : vector<16xi32>
      %add3A_3407 = arith.constant 528 : i32
      %add3A_3408 = vector.broadcast %add3A_3407 : i32 to vector<16xi32>
      %add3A_3409 = arith.addi %add3A_3408, %iota3A : vector<16xi32>
      %add3A_3410 = arith.constant 544 : i32
      %add3A_3411 = vector.broadcast %add3A_3410 : i32 to vector<16xi32>
      %add3A_3412 = arith.addi %add3A_3411, %iota3A : vector<16xi32>
      %add3A_3413 = arith.constant 560 : i32
      %add3A_3414 = vector.broadcast %add3A_3413 : i32 to vector<16xi32>
      %add3A_3415 = arith.addi %add3A_3414, %iota3A : vector<16xi32>
      %add3A_3416 = arith.constant 576 : i32
      %add3A_3417 = vector.broadcast %add3A_3416 : i32 to vector<16xi32>
      %add3A_3418 = arith.addi %add3A_3417, %iota3A : vector<16xi32>
      %add3A_3419 = arith.constant 592 : i32
      %add3A_3420 = vector.broadcast %add3A_3419 : i32 to vector<16xi32>
      %add3A_3421 = arith.addi %add3A_3420, %iota3A : vector<16xi32>
      %add3A_3422 = arith.constant 608 : i32
      %add3A_3423 = vector.broadcast %add3A_3422 : i32 to vector<16xi32>
      %add3A_3424 = arith.addi %add3A_3423, %iota3A : vector<16xi32>
      %add3A_3425 = arith.constant 624 : i32
      %add3A_3426 = vector.broadcast %add3A_3425 : i32 to vector<16xi32>
      %add3A_3427 = arith.addi %add3A_3426, %iota3A : vector<16xi32>
      %add3A_3428 = arith.constant 64 : i32
      %add3A_3429 = vector.broadcast %add3A_3428 : i32 to vector<16xi32>
      %add3A_3430 = arith.addi %add3A_3429, %iota3A : vector<16xi32>
      %scan3A_3431 = arith.constant 0 : i32
      %scan3A_3432 = arith.constant 0 : i32
      %scan3A_3433 = arith.constant 64 : i32
      %scan3A_3434 = arith.addi %scan3A_3432, %scan3A_3433 : i32
      %scan3A_3435 = arith.constant 1 : i32
      scf.for %scan3A_3584 = %scan3A_3432 to %scan3A_3434 step %scan3A_3435  : i32 {
        %broadcast_in_dim3A_3585 = vector.broadcast %scan3A_3584 : i32 to vector<16xi32>
        %gather3A = tpu.vector_load_idx %arg16[%add3A_3406, %broadcast_in_dim3A_3585] : memref<1024x64xf32, #tpu.memory_space<vmem>>[vector<16xi32>, vector<16xi32>], vector<16xf32>,
        %mul3A_3586 = arith.mulf %get3A_3389, %gather3A : vector<16xf32>
        %gather3A_3587 = tpu.vector_load_idx %arg16[%add3A_3409, %broadcast_in_dim3A_3585] : memref<1024x64xf32, #tpu.memory_space<vmem>>[vector<16xi32>, vector<16xi32>], vector<16xf32>,
        %mul3A_3588 = arith.mulf %get3A_3391, %gather3A_3587 : vector<16xf32>
        %add3A_3589 = arith.addf %mul3A_3586, %mul3A_3588 : vector<16xf32>
        %gather3A_3590 = tpu.vector_load_idx %arg16[%add3A_3412, %broadcast_in_dim3A_3585] : memref<1024x64xf32, #tpu.memory_space<vmem>>[vector<16xi32>, vector<16xi32>], vector<16xf32>,
        %mul3A_3591 = arith.mulf %get3A_3393, %gather3A_3590 : vector<16xf32>
        %add3A_3592 = arith.addf %add3A_3589, %mul3A_3591 : vector<16xf32>
        %gather3A_3593 = tpu.vector_load_idx %arg16[%add3A_3415, %broadcast_in_dim3A_3585] : memref<1024x64xf32, #tpu.memory_space<vmem>>[vector<16xi32>, vector<16xi32>], vector<16xf32>,
        %mul3A_3594 = arith.mulf %get3A_3395, %gather3A_3593 : vector<16xf32>
        %add3A_3595 = arith.addf %add3A_3592, %mul3A_3594 : vector<16xf32>
        %gather3A_3596 = tpu.vector_load_idx %arg16[%add3A_3418, %broadcast_in_dim3A_3585] : memref<1024x64xf32, #tpu.memory_space<vmem>>[vector<16xi32>, vector<16xi32>], vector<16xf32>,
        %mul3A_3597 = arith.mulf %get3A_3397, %gather3A_3596 : vector<16xf32>
        %add3A_3598 = arith.addf %add3A_3595, %mul3A_3597 : vector<16xf32>
        %gather3A_3599 = tpu.vector_load_idx %arg16[%add3A_3421, %broadcast_in_dim3A_3585] : memref<1024x64xf32, #tpu.memory_space<vmem>>[vector<16xi32>, vector<16xi32>], vector<16xf32>,
        %mul3A_3600 = arith.mulf %get3A_3399, %gather3A_3599 : vector<16xf32>
        %add3A_3601 = arith.addf %add3A_3598, %mul3A_3600 : vector<16xf32>
        %gather3A_3602 = tpu.vector_load_idx %arg16[%add3A_3424, %broadcast_in_dim3A_3585] : memref<1024x64xf32, #tpu.memory_space<vmem>>[vector<16xi32>, vector<16xi32>], vector<16xf32>,
        %mul3A_3603 = arith.mulf %get3A_3401, %gather3A_3602 : vector<16xf32>
        %add3A_3604 = arith.addf %add3A_3601, %mul3A_3603 : vector<16xf32>
        %gather3A_3605 = tpu.vector_load_idx %arg16[%add3A_3427, %broadcast_in_dim3A_3585] : memref<1024x64xf32, #tpu.memory_space<vmem>>[vector<16xi32>, vector<16xi32>], vector<16xf32>,
        %mul3A_3606 = arith.mulf %get3A_3403, %gather3A_3605 : vector<16xf32>
        %add3A_3607 = arith.addf %add3A_3604, %mul3A_3606 : vector<16xf32>
        tpu.vector_store_idx %arg17[%add3A_3430, %broadcast_in_dim3A_3585], %add3A_3607 : memref<128x64xf32, #tpu.memory_space<vmem>>[vector<16xi32>, vector<16xi32>], vector<16xf32>,
      }
      %scan3A_3436 = arith.constant 64 : i32
      %get3A_3437 = arith.constant 640 : index
      %get3A_3438 = tpu.vector_load %arg14[%get3A_3437] {strides = array<i32>} : memref<1024xf32, #tpu.memory_space<vmem>>, vector<16xf32>,
      %get3A_3439 = arith.constant 656 : index
      %get3A_3440 = tpu.vector_load %arg14[%get3A_3439] {strides = array<i32>} : memref<1024xf32, #tpu.memory_space<vmem>>, vector<16xf32>,
      %get3A_3441 = arith.constant 672 : index
      %get3A_3442 = tpu.vector_load %arg14[%get3A_3441] {strides = array<i32>} : memref<1024xf32, #tpu.memory_space<vmem>>, vector<16xf32>,
      %get3A_3443 = arith.constant 688 : index
      %get3A_3444 = tpu.vector_load %arg14[%get3A_3443] {strides = array<i32>} : memref<1024xf32, #tpu.memory_space<vmem>>, vector<16xf32>,
      %get3A_3445 = arith.constant 704 : index
      %get3A_3446 = tpu.vector_load %arg14[%get3A_3445] {strides = array<i32>} : memref<1024xf32, #tpu.memory_space<vmem>>, vector<16xf32>,
      %get3A_3447 = arith.constant 720 : index
      %get3A_3448 = tpu.vector_load %arg14[%get3A_3447] {strides = array<i32>} : memref<1024xf32, #tpu.memory_space<vmem>>, vector<16xf32>,
      %get3A_3449 = arith.constant 736 : index
      %get3A_3450 = tpu.vector_load %arg14[%get3A_3449] {strides = array<i32>} : memref<1024xf32, #tpu.memory_space<vmem>>, vector<16xf32>,
      %get3A_3451 = arith.constant 752 : index
      %get3A_3452 = tpu.vector_load %arg14[%get3A_3451] {strides = array<i32>} : memref<1024xf32, #tpu.memory_space<vmem>>, vector<16xf32>,
      %add3A_3453 = arith.constant 640 : i32
      %add3A_3454 = vector.broadcast %add3A_3453 : i32 to vector<16xi32>
      %add3A_3455 = arith.addi %add3A_3454, %iota3A : vector<16xi32>
      %add3A_3456 = arith.constant 656 : i32
      %add3A_3457 = vector.broadcast %add3A_3456 : i32 to vector<16xi32>
      %add3A_3458 = arith.addi %add3A_3457, %iota3A : vector<16xi32>
      %add3A_3459 = arith.constant 672 : i32
      %add3A_3460 = vector.broadcast %add3A_3459 : i32 to vector<16xi32>
      %add3A_3461 = arith.addi %add3A_3460, %iota3A : vector<16xi32>
      %add3A_3462 = arith.constant 688 : i32
      %add3A_3463 = vector.broadcast %add3A_3462 : i32 to vector<16xi32>
      %add3A_3464 = arith.addi %add3A_3463, %iota3A : vector<16xi32>
      %add3A_3465 = arith.constant 704 : i32
      %add3A_3466 = vector.broadcast %add3A_3465 : i32 to vector<16xi32>
      %add3A_3467 = arith.addi %add3A_3466, %iota3A : vector<16xi32>
      %add3A_3468 = arith.constant 720 : i32
      %add3A_3469 = vector.broadcast %add3A_3468 : i32 to vector<16xi32>
      %add3A_3470 = arith.addi %add3A_3469, %iota3A : vector<16xi32>
      %add3A_3471 = arith.constant 736 : i32
      %add3A_3472 = vector.broadcast %add3A_3471 : i32 to vector<16xi32>
      %add3A_3473 = arith.addi %add3A_3472, %iota3A : vector<16xi32>
      %add3A_3474 = arith.constant 752 : i32
      %add3A_3475 = vector.broadcast %add3A_3474 : i32 to vector<16xi32>
      %add3A_3476 = arith.addi %add3A_3475, %iota3A : vector<16xi32>
      %add3A_3477 = arith.constant 80 : i32
      %add3A_3478 = vector.broadcast %add3A_3477 : i32 to vector<16xi32>
      %add3A_3479 = arith.addi %add3A_3478, %iota3A : vector<16xi32>
      %scan3A_3480 = arith.constant 0 : i32
      %scan3A_3481 = arith.constant 0 : i32
      %scan3A_3482 = arith.constant 64 : i32
      %scan3A_3483 = arith.addi %scan3A_3481, %scan3A_3482 : i32
      %scan3A_3484 = arith.constant 1 : i32
      scf.for %scan3A_3584 = %scan3A_3481 to %scan3A_3483 step %scan3A_3484  : i32 {
        %broadcast_in_dim3A_3585 = vector.broadcast %scan3A_3584 : i32 to vector<16xi32>
        %gather3A = tpu.vector_load_idx %arg16[%add3A_3455, %broadcast_in_dim3A_3585] : memref<1024x64xf32, #tpu.memory_space<vmem>>[vector<16xi32>, vector<16xi32>], vector<16xf32>,
        %mul3A_3586 = arith.mulf %get3A_3438, %gather3A : vector<16xf32>
        %gather3A_3587 = tpu.vector_load_idx %arg16[%add3A_3458, %broadcast_in_dim3A_3585] : memref<1024x64xf32, #tpu.memory_space<vmem>>[vector<16xi32>, vector<16xi32>], vector<16xf32>,
        %mul3A_3588 = arith.mulf %get3A_3440, %gather3A_3587 : vector<16xf32>
        %add3A_3589 = arith.addf %mul3A_3586, %mul3A_3588 : vector<16xf32>
        %gather3A_3590 = tpu.vector_load_idx %arg16[%add3A_3461, %broadcast_in_dim3A_3585] : memref<1024x64xf32, #tpu.memory_space<vmem>>[vector<16xi32>, vector<16xi32>], vector<16xf32>,
        %mul3A_3591 = arith.mulf %get3A_3442, %gather3A_3590 : vector<16xf32>
        %add3A_3592 = arith.addf %add3A_3589, %mul3A_3591 : vector<16xf32>
        %gather3A_3593 = tpu.vector_load_idx %arg16[%add3A_3464, %broadcast_in_dim3A_3585] : memref<1024x64xf32, #tpu.memory_space<vmem>>[vector<16xi32>, vector<16xi32>], vector<16xf32>,
        %mul3A_3594 = arith.mulf %get3A_3444, %gather3A_3593 : vector<16xf32>
        %add3A_3595 = arith.addf %add3A_3592, %mul3A_3594 : vector<16xf32>
        %gather3A_3596 = tpu.vector_load_idx %arg16[%add3A_3467, %broadcast_in_dim3A_3585] : memref<1024x64xf32, #tpu.memory_space<vmem>>[vector<16xi32>, vector<16xi32>], vector<16xf32>,
        %mul3A_3597 = arith.mulf %get3A_3446, %gather3A_3596 : vector<16xf32>
        %add3A_3598 = arith.addf %add3A_3595, %mul3A_3597 : vector<16xf32>
        %gather3A_3599 = tpu.vector_load_idx %arg16[%add3A_3470, %broadcast_in_dim3A_3585] : memref<1024x64xf32, #tpu.memory_space<vmem>>[vector<16xi32>, vector<16xi32>], vector<16xf32>,
        %mul3A_3600 = arith.mulf %get3A_3448, %gather3A_3599 : vector<16xf32>
        %add3A_3601 = arith.addf %add3A_3598, %mul3A_3600 : vector<16xf32>
        %gather3A_3602 = tpu.vector_load_idx %arg16[%add3A_3473, %broadcast_in_dim3A_3585] : memref<1024x64xf32, #tpu.memory_space<vmem>>[vector<16xi32>, vector<16xi32>], vector<16xf32>,
        %mul3A_3603 = arith.mulf %get3A_3450, %gather3A_3602 : vector<16xf32>
        %add3A_3604 = arith.addf %add3A_3601, %mul3A_3603 : vector<16xf32>
        %gather3A_3605 = tpu.vector_load_idx %arg16[%add3A_3476, %broadcast_in_dim3A_3585] : memref<1024x64xf32, #tpu.memory_space<vmem>>[vector<16xi32>, vector<16xi32>], vector<16xf32>,
        %mul3A_3606 = arith.mulf %get3A_3452, %gather3A_3605 : vector<16xf32>
        %add3A_3607 = arith.addf %add3A_3604, %mul3A_3606 : vector<16xf32>
        tpu.vector_store_idx %arg17[%add3A_3479, %broadcast_in_dim3A_3585], %add3A_3607 : memref<128x64xf32, #tpu.memory_space<vmem>>[vector<16xi32>, vector<16xi32>], vector<16xf32>,
      }
      %scan3A_3485 = arith.constant 64 : i32
      %get3A_3486 = arith.constant 768 : index
      %get3A_3487 = tpu.vector_load %arg14[%get3A_3486] {strides = array<i32>} : memref<1024xf32, #tpu.memory_space<vmem>>, vector<16xf32>,
      %get3A_3488 = arith.constant 784 : index
      %get3A_3489 = tpu.vector_load %arg14[%get3A_3488] {strides = array<i32>} : memref<1024xf32, #tpu.memory_space<vmem>>, vector<16xf32>,
      %get3A_3490 = arith.constant 800 : index
      %get3A_3491 = tpu.vector_load %arg14[%get3A_3490] {strides = array<i32>} : memref<1024xf32, #tpu.memory_space<vmem>>, vector<16xf32>,
      %get3A_3492 = arith.constant 816 : index
      %get3A_3493 = tpu.vector_load %arg14[%get3A_3492] {strides = array<i32>} : memref<1024xf32, #tpu.memory_space<vmem>>, vector<16xf32>,
      %get3A_3494 = arith.constant 832 : index
      %get3A_3495 = tpu.vector_load %arg14[%get3A_3494] {strides = array<i32>} : memref<1024xf32, #tpu.memory_space<vmem>>, vector<16xf32>,
      %get3A_3496 = arith.constant 848 : index
      %get3A_3497 = tpu.vector_load %arg14[%get3A_3496] {strides = array<i32>} : memref<1024xf32, #tpu.memory_space<vmem>>, vector<16xf32>,
      %get3A_3498 = arith.constant 864 : index
      %get3A_3499 = tpu.vector_load %arg14[%get3A_3498] {strides = array<i32>} : memref<1024xf32, #tpu.memory_space<vmem>>, vector<16xf32>,
      %get3A_3500 = arith.constant 880 : index
      %get3A_3501 = tpu.vector_load %arg14[%get3A_3500] {strides = array<i32>} : memref<1024xf32, #tpu.memory_space<vmem>>, vector<16xf32>,
      %add3A_3502 = arith.constant 768 : i32
      %add3A_3503 = vector.broadcast %add3A_3502 : i32 to vector<16xi32>
      %add3A_3504 = arith.addi %add3A_3503, %iota3A : vector<16xi32>
      %add3A_3505 = arith.constant 784 : i32
      %add3A_3506 = vector.broadcast %add3A_3505 : i32 to vector<16xi32>
      %add3A_3507 = arith.addi %add3A_3506, %iota3A : vector<16xi32>
      %add3A_3508 = arith.constant 800 : i32
      %add3A_3509 = vector.broadcast %add3A_3508 : i32 to vector<16xi32>
      %add3A_3510 = arith.addi %add3A_3509, %iota3A : vector<16xi32>
      %add3A_3511 = arith.constant 816 : i32
      %add3A_3512 = vector.broadcast %add3A_3511 : i32 to vector<16xi32>
      %add3A_3513 = arith.addi %add3A_3512, %iota3A : vector<16xi32>
      %add3A_3514 = arith.constant 832 : i32
      %add3A_3515 = vector.broadcast %add3A_3514 : i32 to vector<16xi32>
      %add3A_3516 = arith.addi %add3A_3515, %iota3A : vector<16xi32>
      %add3A_3517 = arith.constant 848 : i32
      %add3A_3518 = vector.broadcast %add3A_3517 : i32 to vector<16xi32>
      %add3A_3519 = arith.addi %add3A_3518, %iota3A : vector<16xi32>
      %add3A_3520 = arith.constant 864 : i32
      %add3A_3521 = vector.broadcast %add3A_3520 : i32 to vector<16xi32>
      %add3A_3522 = arith.addi %add3A_3521, %iota3A : vector<16xi32>
      %add3A_3523 = arith.constant 880 : i32
      %add3A_3524 = vector.broadcast %add3A_3523 : i32 to vector<16xi32>
      %add3A_3525 = arith.addi %add3A_3524, %iota3A : vector<16xi32>
      %add3A_3526 = arith.constant 96 : i32
      %add3A_3527 = vector.broadcast %add3A_3526 : i32 to vector<16xi32>
      %add3A_3528 = arith.addi %add3A_3527, %iota3A : vector<16xi32>
      %scan3A_3529 = arith.constant 0 : i32
      %scan3A_3530 = arith.constant 0 : i32
      %scan3A_3531 = arith.constant 64 : i32
      %scan3A_3532 = arith.addi %scan3A_3530, %scan3A_3531 : i32
      %scan3A_3533 = arith.constant 1 : i32
      scf.for %scan3A_3584 = %scan3A_3530 to %scan3A_3532 step %scan3A_3533  : i32 {
        %broadcast_in_dim3A_3585 = vector.broadcast %scan3A_3584 : i32 to vector<16xi32>
        %gather3A = tpu.vector_load_idx %arg16[%add3A_3504, %broadcast_in_dim3A_3585] : memref<1024x64xf32, #tpu.memory_space<vmem>>[vector<16xi32>, vector<16xi32>], vector<16xf32>,
        %mul3A_3586 = arith.mulf %get3A_3487, %gather3A : vector<16xf32>
        %gather3A_3587 = tpu.vector_load_idx %arg16[%add3A_3507, %broadcast_in_dim3A_3585] : memref<1024x64xf32, #tpu.memory_space<vmem>>[vector<16xi32>, vector<16xi32>], vector<16xf32>,
        %mul3A_3588 = arith.mulf %get3A_3489, %gather3A_3587 : vector<16xf32>
        %add3A_3589 = arith.addf %mul3A_3586, %mul3A_3588 : vector<16xf32>
        %gather3A_3590 = tpu.vector_load_idx %arg16[%add3A_3510, %broadcast_in_dim3A_3585] : memref<1024x64xf32, #tpu.memory_space<vmem>>[vector<16xi32>, vector<16xi32>], vector<16xf32>,
        %mul3A_3591 = arith.mulf %get3A_3491, %gather3A_3590 : vector<16xf32>
        %add3A_3592 = arith.addf %add3A_3589, %mul3A_3591 : vector<16xf32>
        %gather3A_3593 = tpu.vector_load_idx %arg16[%add3A_3513, %broadcast_in_dim3A_3585] : memref<1024x64xf32, #tpu.memory_space<vmem>>[vector<16xi32>, vector<16xi32>], vector<16xf32>,
        %mul3A_3594 = arith.mulf %get3A_3493, %gather3A_3593 : vector<16xf32>
        %add3A_3595 = arith.addf %add3A_3592, %mul3A_3594 : vector<16xf32>
        %gather3A_3596 = tpu.vector_load_idx %arg16[%add3A_3516, %broadcast_in_dim3A_3585] : memref<1024x64xf32, #tpu.memory_space<vmem>>[vector<16xi32>, vector<16xi32>], vector<16xf32>,
        %mul3A_3597 = arith.mulf %get3A_3495, %gather3A_3596 : vector<16xf32>
        %add3A_3598 = arith.addf %add3A_3595, %mul3A_3597 : vector<16xf32>
        %gather3A_3599 = tpu.vector_load_idx %arg16[%add3A_3519, %broadcast_in_dim3A_3585] : memref<1024x64xf32, #tpu.memory_space<vmem>>[vector<16xi32>, vector<16xi32>], vector<16xf32>,
        %mul3A_3600 = arith.mulf %get3A_3497, %gather3A_3599 : vector<16xf32>
        %add3A_3601 = arith.addf %add3A_3598, %mul3A_3600 : vector<16xf32>
        %gather3A_3602 = tpu.vector_load_idx %arg16[%add3A_3522, %broadcast_in_dim3A_3585] : memref<1024x64xf32, #tpu.memory_space<vmem>>[vector<16xi32>, vector<16xi32>], vector<16xf32>,
        %mul3A_3603 = arith.mulf %get3A_3499, %gather3A_3602 : vector<16xf32>
        %add3A_3604 = arith.addf %add3A_3601, %mul3A_3603 : vector<16xf32>
        %gather3A_3605 = tpu.vector_load_idx %arg16[%add3A_3525, %broadcast_in_dim3A_3585] : memref<1024x64xf32, #tpu.memory_space<vmem>>[vector<16xi32>, vector<16xi32>], vector<16xf32>,
        %mul3A_3606 = arith.mulf %get3A_3501, %gather3A_3605 : vector<16xf32>
        %add3A_3607 = arith.addf %add3A_3604, %mul3A_3606 : vector<16xf32>
        tpu.vector_store_idx %arg17[%add3A_3528, %broadcast_in_dim3A_3585], %add3A_3607 : memref<128x64xf32, #tpu.memory_space<vmem>>[vector<16xi32>, vector<16xi32>], vector<16xf32>,
      }
      %scan3A_3534 = arith.constant 64 : i32
      %get3A_3535 = arith.constant 896 : index
      %get3A_3536 = tpu.vector_load %arg14[%get3A_3535] {strides = array<i32>} : memref<1024xf32, #tpu.memory_space<vmem>>, vector<16xf32>,
      %get3A_3537 = arith.constant 912 : index
      %get3A_3538 = tpu.vector_load %arg14[%get3A_3537] {strides = array<i32>} : memref<1024xf32, #tpu.memory_space<vmem>>, vector<16xf32>,
      %get3A_3539 = arith.constant 928 : index
      %get3A_3540 = tpu.vector_load %arg14[%get3A_3539] {strides = array<i32>} : memref<1024xf32, #tpu.memory_space<vmem>>, vector<16xf32>,
      %get3A_3541 = arith.constant 944 : index
      %get3A_3542 = tpu.vector_load %arg14[%get3A_3541] {strides = array<i32>} : memref<1024xf32, #tpu.memory_space<vmem>>, vector<16xf32>,
      %get3A_3543 = arith.constant 960 : index
      %get3A_3544 = tpu.vector_load %arg14[%get3A_3543] {strides = array<i32>} : memref<1024xf32, #tpu.memory_space<vmem>>, vector<16xf32>,
      %get3A_3545 = arith.constant 976 : index
      %get3A_3546 = tpu.vector_load %arg14[%get3A_3545] {strides = array<i32>} : memref<1024xf32, #tpu.memory_space<vmem>>, vector<16xf32>,
      %get3A_3547 = arith.constant 992 : index
      %get3A_3548 = tpu.vector_load %arg14[%get3A_3547] {strides = array<i32>} : memref<1024xf32, #tpu.memory_space<vmem>>, vector<16xf32>,
      %get3A_3549 = arith.constant 1008 : index
      %get3A_3550 = tpu.vector_load %arg14[%get3A_3549] {strides = array<i32>} : memref<1024xf32, #tpu.memory_space<vmem>>, vector<16xf32>,
      %add3A_3551 = arith.constant 896 : i32
      %add3A_3552 = vector.broadcast %add3A_3551 : i32 to vector<16xi32>
      %add3A_3553 = arith.addi %add3A_3552, %iota3A : vector<16xi32>
      %add3A_3554 = arith.constant 912 : i32
      %add3A_3555 = vector.broadcast %add3A_3554 : i32 to vector<16xi32>
      %add3A_3556 = arith.addi %add3A_3555, %iota3A : vector<16xi32>
      %add3A_3557 = arith.constant 928 : i32
      %add3A_3558 = vector.broadcast %add3A_3557 : i32 to vector<16xi32>
      %add3A_3559 = arith.addi %add3A_3558, %iota3A : vector<16xi32>
      %add3A_3560 = arith.constant 944 : i32
      %add3A_3561 = vector.broadcast %add3A_3560 : i32 to vector<16xi32>
      %add3A_3562 = arith.addi %add3A_3561, %iota3A : vector<16xi32>
      %add3A_3563 = arith.constant 960 : i32
      %add3A_3564 = vector.broadcast %add3A_3563 : i32 to vector<16xi32>
      %add3A_3565 = arith.addi %add3A_3564, %iota3A : vector<16xi32>
      %add3A_3566 = arith.constant 976 : i32
      %add3A_3567 = vector.broadcast %add3A_3566 : i32 to vector<16xi32>
      %add3A_3568 = arith.addi %add3A_3567, %iota3A : vector<16xi32>
      %add3A_3569 = arith.constant 992 : i32
      %add3A_3570 = vector.broadcast %add3A_3569 : i32 to vector<16xi32>
      %add3A_3571 = arith.addi %add3A_3570, %iota3A : vector<16xi32>
      %add3A_3572 = arith.constant 1008 : i32
      %add3A_3573 = vector.broadcast %add3A_3572 : i32 to vector<16xi32>
      %add3A_3574 = arith.addi %add3A_3573, %iota3A : vector<16xi32>
      %add3A_3575 = arith.constant 112 : i32
      %add3A_3576 = vector.broadcast %add3A_3575 : i32 to vector<16xi32>
      %add3A_3577 = arith.addi %add3A_3576, %iota3A : vector<16xi32>
      %scan3A_3578 = arith.constant 0 : i32
      %scan3A_3579 = arith.constant 0 : i32
      %scan3A_3580 = arith.constant 64 : i32
      %scan3A_3581 = arith.addi %scan3A_3579, %scan3A_3580 : i32
      %scan3A_3582 = arith.constant 1 : i32
      scf.for %scan3A_3584 = %scan3A_3579 to %scan3A_3581 step %scan3A_3582  : i32 {
        %broadcast_in_dim3A_3585 = vector.broadcast %scan3A_3584 : i32 to vector<16xi32>
        %gather3A = tpu.vector_load_idx %arg16[%add3A_3553, %broadcast_in_dim3A_3585] : memref<1024x64xf32, #tpu.memory_space<vmem>>[vector<16xi32>, vector<16xi32>], vector<16xf32>,
        %mul3A_3586 = arith.mulf %get3A_3536, %gather3A : vector<16xf32>
        %gather3A_3587 = tpu.vector_load_idx %arg16[%add3A_3556, %broadcast_in_dim3A_3585] : memref<1024x64xf32, #tpu.memory_space<vmem>>[vector<16xi32>, vector<16xi32>], vector<16xf32>,
        %mul3A_3588 = arith.mulf %get3A_3538, %gather3A_3587 : vector<16xf32>
        %add3A_3589 = arith.addf %mul3A_3586, %mul3A_3588 : vector<16xf32>
        %gather3A_3590 = tpu.vector_load_idx %arg16[%add3A_3559, %broadcast_in_dim3A_3585] : memref<1024x64xf32, #tpu.memory_space<vmem>>[vector<16xi32>, vector<16xi32>], vector<16xf32>,
        %mul3A_3591 = arith.mulf %get3A_3540, %gather3A_3590 : vector<16xf32>
        %add3A_3592 = arith.addf %add3A_3589, %mul3A_3591 : vector<16xf32>
        %gather3A_3593 = tpu.vector_load_idx %arg16[%add3A_3562, %broadcast_in_dim3A_3585] : memref<1024x64xf32, #tpu.memory_space<vmem>>[vector<16xi32>, vector<16xi32>], vector<16xf32>,
        %mul3A_3594 = arith.mulf %get3A_3542, %gather3A_3593 : vector<16xf32>
        %add3A_3595 = arith.addf %add3A_3592, %mul3A_3594 : vector<16xf32>
        %gather3A_3596 = tpu.vector_load_idx %arg16[%add3A_3565, %broadcast_in_dim3A_3585] : memref<1024x64xf32, #tpu.memory_space<vmem>>[vector<16xi32>, vector<16xi32>], vector<16xf32>,
        %mul3A_3597 = arith.mulf %get3A_3544, %gather3A_3596 : vector<16xf32>
        %add3A_3598 = arith.addf %add3A_3595, %mul3A_3597 : vector<16xf32>
        %gather3A_3599 = tpu.vector_load_idx %arg16[%add3A_3568, %broadcast_in_dim3A_3585] : memref<1024x64xf32, #tpu.memory_space<vmem>>[vector<16xi32>, vector<16xi32>], vector<16xf32>,
        %mul3A_3600 = arith.mulf %get3A_3546, %gather3A_3599 : vector<16xf32>
        %add3A_3601 = arith.addf %add3A_3598, %mul3A_3600 : vector<16xf32>
        %gather3A_3602 = tpu.vector_load_idx %arg16[%add3A_3571, %broadcast_in_dim3A_3585] : memref<1024x64xf32, #tpu.memory_space<vmem>>[vector<16xi32>, vector<16xi32>], vector<16xf32>,
        %mul3A_3603 = arith.mulf %get3A_3548, %gather3A_3602 : vector<16xf32>
        %add3A_3604 = arith.addf %add3A_3601, %mul3A_3603 : vector<16xf32>
        %gather3A_3605 = tpu.vector_load_idx %arg16[%add3A_3574, %broadcast_in_dim3A_3585] : memref<1024x64xf32, #tpu.memory_space<vmem>>[vector<16xi32>, vector<16xi32>], vector<16xf32>,
        %mul3A_3606 = arith.mulf %get3A_3550, %gather3A_3605 : vector<16xf32>
        %add3A_3607 = arith.addf %add3A_3604, %mul3A_3606 : vector<16xf32>
        tpu.vector_store_idx %arg17[%add3A_3577, %broadcast_in_dim3A_3585], %add3A_3607 : memref<128x64xf32, #tpu.memory_space<vmem>>[vector<16xi32>, vector<16xi32>], vector<16xf32>,
      }
      %scan3A_3583 = arith.constant 64 : i32
      "tpu.region"() ({
        %run_scoped3A = tpu.sem_alloc : memref<!tpu.dma_semaphore, #tpu.memory_space<semaphore_mem>>
        %dma_start3A_3584 = arith.constant 0 : i32
        %dma_start3A_3585 = tpu.memref_slice %arg7[%add3A_11, %dma_start3A_3584] : memref<131072x64xf32, #tpu.memory_space<hbm>> -> memref<128x64xf32, #tpu.memory_space<hbm>>
        %dma_start3A_3586 = arith.constant 0 : i32
        %dma_start3A_3587 = tpu.memref_slice %arg7[%add3A_11, %dma_start3A_3586] : memref<131072x64xf32, #tpu.memory_space<hbm>> -> memref<128x64xf32, #tpu.memory_space<hbm>>
        tpu.enqueue_dma source(%arg17 : memref<128x64xf32, #tpu.memory_space<vmem>>) target(%dma_start3A_3587 : memref<128x64xf32, #tpu.memory_space<hbm>>) target_semaphore(%run_scoped3A : memref<!tpu.dma_semaphore, #tpu.memory_space<semaphore_mem>>)
        %dma_wait3A_3588 = arith.constant 0 : i32
        %dma_wait3A_3589 = tpu.memref_slice %arg7[%add3A_11, %dma_wait3A_3588] : memref<131072x64xf32, #tpu.memory_space<hbm>> -> memref<128x64xf32, #tpu.memory_space<hbm>>
        %dma_wait3A_3590 = arith.constant 0 : i32
        %dma_wait3A_3591 = tpu.memref_slice %arg7[%add3A_11, %dma_wait3A_3590] : memref<131072x64xf32, #tpu.memory_space<hbm>> -> memref<128x64xf32, #tpu.memory_space<hbm>>
        tpu.wait_dma2 semaphore(%run_scoped3A : memref<!tpu.dma_semaphore, #tpu.memory_space<semaphore_mem>>) src(%arg17 : memref<128x64xf32, #tpu.memory_space<vmem>>) dst(%dma_wait3A_3591 : memref<128x64xf32, #tpu.memory_space<hbm>>)
        tpu.yield
      }) : () -> ()
      "tpu.region"() ({
        %run_scoped3A = tpu.sem_alloc : memref<!tpu.dma_semaphore, #tpu.memory_space<semaphore_mem>>
        %dma_start3A_3584 = tpu.memref_slice %arg8[%add3A_11] : memref<131072xi32, #tpu.memory_space<hbm>> -> memref<128xi32, #tpu.memory_space<hbm>>
        %dma_start3A_3585 = tpu.memref_slice %arg8[%add3A_11] : memref<131072xi32, #tpu.memory_space<hbm>> -> memref<128xi32, #tpu.memory_space<hbm>>
        tpu.enqueue_dma source(%arg18 : memref<128xi32, #tpu.memory_space<vmem>>) target(%dma_start3A_3585 : memref<128xi32, #tpu.memory_space<hbm>>) target_semaphore(%run_scoped3A : memref<!tpu.dma_semaphore, #tpu.memory_space<semaphore_mem>>)
        %dma_wait3A_3586 = tpu.memref_slice %arg8[%add3A_11] : memref<131072xi32, #tpu.memory_space<hbm>> -> memref<128xi32, #tpu.memory_space<hbm>>
        %dma_wait3A_3587 = tpu.memref_slice %arg8[%add3A_11] : memref<131072xi32, #tpu.memory_space<hbm>> -> memref<128xi32, #tpu.memory_space<hbm>>
        tpu.wait_dma2 semaphore(%run_scoped3A : memref<!tpu.dma_semaphore, #tpu.memory_space<semaphore_mem>>) src(%arg18 : memref<128xi32, #tpu.memory_space<vmem>>) dst(%dma_wait3A_3587 : memref<128xi32, #tpu.memory_space<hbm>>)
        tpu.yield
      }) : () -> ()
    }
    %scan3A_5 = arith.constant 32 : i32
    return
  }
}

module attributes {stable_mosaic.version = 14 : i64} {
  func.func @_pe_body(%arg0: i32, %arg1: memref<512x64xf32, #tpu.memory_space<vmem>>, %arg2: memref<512x3xf32, #tpu.memory_space<vmem>>, %arg3: memref<512x639xf32, #tpu.memory_space<vmem>>) attributes {dimension_semantics = [#tpu.dimension_semantics<arbitrary>], iteration_bounds = array<i64: 256>, scalar_prefetch = 0 : i64, scratch_operands = 0 : i64, tpu.core_type = #tpu.core_type<tc>, window_params = [{transform_indices = @transform_0, window_bounds = array<i64: 512, 64>}, {transform_indices = @transform_1, window_bounds = array<i64: 512, 3>}, {transform_indices = @transform_2, window_bounds = array<i64: 512, 639>}]} {
    %get3A = arith.constant 0 : index
    %get3A_0 = arith.constant 0 : index
    %get3A_1 = vector.load %arg1[%get3A, %get3A_0] : memref<512x64xf32, #tpu.memory_space<vmem>>, vector<512x64xf32>
    %sin3A = math.sin %get3A_1 : vector<512x64xf32>
    %cos3A = math.cos %get3A_1 : vector<512x64xf32>
    %mul3A = arith.constant 2.000000e+00 : f32
    %mul3A_2 = vector.broadcast %mul3A : f32 to vector<512x64xf32>
    %mul3A_3 = arith.mulf %mul3A_2, %sin3A : vector<512x64xf32>
    %mul3A_4 = arith.mulf %mul3A_3, %cos3A : vector<512x64xf32>
    %mul3A_5 = arith.constant 2.000000e+00 : f32
    %mul3A_6 = vector.broadcast %mul3A_5 : f32 to vector<512x64xf32>
    %mul3A_7 = arith.mulf %mul3A_6, %sin3A : vector<512x64xf32>
    %mul3A_8 = arith.mulf %mul3A_7, %sin3A : vector<512x64xf32>
    %sub3A = arith.constant 1.000000e+00 : f32
    %sub3A_9 = vector.broadcast %sub3A : f32 to vector<512x64xf32>
    %sub3A_10 = arith.subf %sub3A_9, %mul3A_8 : vector<512x64xf32>
    %mul3A_11 = arith.constant 2.000000e+00 : f32
    %mul3A_12 = vector.broadcast %mul3A_11 : f32 to vector<512x64xf32>
    %mul3A_13 = arith.mulf %mul3A_12, %mul3A_4 : vector<512x64xf32>
    %mul3A_14 = arith.mulf %mul3A_13, %sub3A_10 : vector<512x64xf32>
    %mul3A_15 = arith.constant 2.000000e+00 : f32
    %mul3A_16 = vector.broadcast %mul3A_15 : f32 to vector<512x64xf32>
    %mul3A_17 = arith.mulf %mul3A_16, %mul3A_4 : vector<512x64xf32>
    %mul3A_18 = arith.mulf %mul3A_17, %mul3A_4 : vector<512x64xf32>
    %sub3A_19 = arith.constant 1.000000e+00 : f32
    %sub3A_20 = vector.broadcast %sub3A_19 : f32 to vector<512x64xf32>
    %sub3A_21 = arith.subf %sub3A_20, %mul3A_18 : vector<512x64xf32>
    %mul3A_22 = arith.constant 2.000000e+00 : f32
    %mul3A_23 = vector.broadcast %mul3A_22 : f32 to vector<512x64xf32>
    %mul3A_24 = arith.mulf %mul3A_23, %mul3A_14 : vector<512x64xf32>
    %mul3A_25 = arith.mulf %mul3A_24, %sub3A_21 : vector<512x64xf32>
    %mul3A_26 = arith.constant 2.000000e+00 : f32
    %mul3A_27 = vector.broadcast %mul3A_26 : f32 to vector<512x64xf32>
    %mul3A_28 = arith.mulf %mul3A_27, %mul3A_14 : vector<512x64xf32>
    %mul3A_29 = arith.mulf %mul3A_28, %mul3A_14 : vector<512x64xf32>
    %sub3A_30 = arith.constant 1.000000e+00 : f32
    %sub3A_31 = vector.broadcast %sub3A_30 : f32 to vector<512x64xf32>
    %sub3A_32 = arith.subf %sub3A_31, %mul3A_29 : vector<512x64xf32>
    %get3A_33 = arith.constant 0 : index
    %get3A_34 = arith.constant 0 : index
    %get3A_35 = vector.load %arg2[%get3A_33, %get3A_34] : memref<512x3xf32, #tpu.memory_space<vmem>>, vector<512x3xf32>
    %sin3A_36 = math.sin %get3A_35 : vector<512x3xf32>
    %cos3A_37 = math.cos %get3A_35 : vector<512x3xf32>
    %mul3A_38 = arith.constant 2.000000e+00 : f32
    %mul3A_39 = vector.broadcast %mul3A_38 : f32 to vector<512x3xf32>
    %mul3A_40 = arith.mulf %mul3A_39, %sin3A_36 : vector<512x3xf32>
    %mul3A_41 = arith.mulf %mul3A_40, %cos3A_37 : vector<512x3xf32>
    %mul3A_42 = arith.constant 2.000000e+00 : f32
    %mul3A_43 = vector.broadcast %mul3A_42 : f32 to vector<512x3xf32>
    %mul3A_44 = arith.mulf %mul3A_43, %sin3A_36 : vector<512x3xf32>
    %mul3A_45 = arith.mulf %mul3A_44, %sin3A_36 : vector<512x3xf32>
    %sub3A_46 = arith.constant 1.000000e+00 : f32
    %sub3A_47 = vector.broadcast %sub3A_46 : f32 to vector<512x3xf32>
    %sub3A_48 = arith.subf %sub3A_47, %mul3A_45 : vector<512x3xf32>
    %mul3A_49 = arith.constant 2.000000e+00 : f32
    %mul3A_50 = vector.broadcast %mul3A_49 : f32 to vector<512x3xf32>
    %mul3A_51 = arith.mulf %mul3A_50, %mul3A_41 : vector<512x3xf32>
    %mul3A_52 = arith.mulf %mul3A_51, %sub3A_48 : vector<512x3xf32>
    %mul3A_53 = arith.constant 2.000000e+00 : f32
    %mul3A_54 = vector.broadcast %mul3A_53 : f32 to vector<512x3xf32>
    %mul3A_55 = arith.mulf %mul3A_54, %mul3A_41 : vector<512x3xf32>
    %mul3A_56 = arith.mulf %mul3A_55, %mul3A_41 : vector<512x3xf32>
    %sub3A_57 = arith.constant 1.000000e+00 : f32
    %sub3A_58 = vector.broadcast %sub3A_57 : f32 to vector<512x3xf32>
    %sub3A_59 = arith.subf %sub3A_58, %mul3A_56 : vector<512x3xf32>
    %mul3A_60 = arith.constant 2.000000e+00 : f32
    %mul3A_61 = vector.broadcast %mul3A_60 : f32 to vector<512x3xf32>
    %mul3A_62 = arith.mulf %mul3A_61, %mul3A_52 : vector<512x3xf32>
    %mul3A_63 = arith.mulf %mul3A_62, %sub3A_59 : vector<512x3xf32>
    %mul3A_64 = arith.constant 2.000000e+00 : f32
    %mul3A_65 = vector.broadcast %mul3A_64 : f32 to vector<512x3xf32>
    %mul3A_66 = arith.mulf %mul3A_65, %mul3A_52 : vector<512x3xf32>
    %mul3A_67 = arith.mulf %mul3A_66, %mul3A_52 : vector<512x3xf32>
    %sub3A_68 = arith.constant 1.000000e+00 : f32
    %sub3A_69 = vector.broadcast %sub3A_68 : f32 to vector<512x3xf32>
    %sub3A_70 = arith.subf %sub3A_69, %mul3A_67 : vector<512x3xf32>
    %mul3A_71 = arith.constant 2.000000e+00 : f32
    %mul3A_72 = vector.broadcast %mul3A_71 : f32 to vector<512x3xf32>
    %mul3A_73 = arith.mulf %mul3A_72, %mul3A_63 : vector<512x3xf32>
    %mul3A_74 = arith.mulf %mul3A_73, %sub3A_70 : vector<512x3xf32>
    %mul3A_75 = arith.constant 2.000000e+00 : f32
    %mul3A_76 = vector.broadcast %mul3A_75 : f32 to vector<512x3xf32>
    %mul3A_77 = arith.mulf %mul3A_76, %mul3A_63 : vector<512x3xf32>
    %mul3A_78 = arith.mulf %mul3A_77, %mul3A_63 : vector<512x3xf32>
    %sub3A_79 = arith.constant 1.000000e+00 : f32
    %sub3A_80 = vector.broadcast %sub3A_79 : f32 to vector<512x3xf32>
    %sub3A_81 = arith.subf %sub3A_80, %mul3A_78 : vector<512x3xf32>
    %mul3A_82 = arith.constant 2.000000e+00 : f32
    %mul3A_83 = vector.broadcast %mul3A_82 : f32 to vector<512x3xf32>
    %mul3A_84 = arith.mulf %mul3A_83, %mul3A_74 : vector<512x3xf32>
    %mul3A_85 = arith.mulf %mul3A_84, %sub3A_81 : vector<512x3xf32>
    %mul3A_86 = arith.constant 2.000000e+00 : f32
    %mul3A_87 = vector.broadcast %mul3A_86 : f32 to vector<512x3xf32>
    %mul3A_88 = arith.mulf %mul3A_87, %mul3A_74 : vector<512x3xf32>
    %mul3A_89 = arith.mulf %mul3A_88, %mul3A_74 : vector<512x3xf32>
    %sub3A_90 = arith.constant 1.000000e+00 : f32
    %sub3A_91 = vector.broadcast %sub3A_90 : f32 to vector<512x3xf32>
    %sub3A_92 = arith.subf %sub3A_91, %mul3A_89 : vector<512x3xf32>
    %mul3A_93 = arith.constant 2.000000e+00 : f32
    %mul3A_94 = vector.broadcast %mul3A_93 : f32 to vector<512x3xf32>
    %mul3A_95 = arith.mulf %mul3A_94, %mul3A_85 : vector<512x3xf32>
    %mul3A_96 = arith.mulf %mul3A_95, %sub3A_92 : vector<512x3xf32>
    %mul3A_97 = arith.constant 2.000000e+00 : f32
    %mul3A_98 = vector.broadcast %mul3A_97 : f32 to vector<512x3xf32>
    %mul3A_99 = arith.mulf %mul3A_98, %mul3A_85 : vector<512x3xf32>
    %mul3A_100 = arith.mulf %mul3A_99, %mul3A_85 : vector<512x3xf32>
    %sub3A_101 = arith.constant 1.000000e+00 : f32
    %sub3A_102 = vector.broadcast %sub3A_101 : f32 to vector<512x3xf32>
    %sub3A_103 = arith.subf %sub3A_102, %mul3A_100 : vector<512x3xf32>
    %mul3A_104 = arith.constant 2.000000e+00 : f32
    %mul3A_105 = vector.broadcast %mul3A_104 : f32 to vector<512x3xf32>
    %mul3A_106 = arith.mulf %mul3A_105, %mul3A_96 : vector<512x3xf32>
    %mul3A_107 = arith.mulf %mul3A_106, %sub3A_103 : vector<512x3xf32>
    %mul3A_108 = arith.constant 2.000000e+00 : f32
    %mul3A_109 = vector.broadcast %mul3A_108 : f32 to vector<512x3xf32>
    %mul3A_110 = arith.mulf %mul3A_109, %mul3A_96 : vector<512x3xf32>
    %mul3A_111 = arith.mulf %mul3A_110, %mul3A_96 : vector<512x3xf32>
    %sub3A_112 = arith.constant 1.000000e+00 : f32
    %sub3A_113 = vector.broadcast %sub3A_112 : f32 to vector<512x3xf32>
    %sub3A_114 = arith.subf %sub3A_113, %mul3A_111 : vector<512x3xf32>
    %mul3A_115 = arith.constant 2.000000e+00 : f32
    %mul3A_116 = vector.broadcast %mul3A_115 : f32 to vector<512x3xf32>
    %mul3A_117 = arith.mulf %mul3A_116, %mul3A_107 : vector<512x3xf32>
    %mul3A_118 = arith.mulf %mul3A_117, %sub3A_114 : vector<512x3xf32>
    %mul3A_119 = arith.constant 2.000000e+00 : f32
    %mul3A_120 = vector.broadcast %mul3A_119 : f32 to vector<512x3xf32>
    %mul3A_121 = arith.mulf %mul3A_120, %mul3A_107 : vector<512x3xf32>
    %mul3A_122 = arith.mulf %mul3A_121, %mul3A_107 : vector<512x3xf32>
    %sub3A_123 = arith.constant 1.000000e+00 : f32
    %sub3A_124 = vector.broadcast %sub3A_123 : f32 to vector<512x3xf32>
    %sub3A_125 = arith.subf %sub3A_124, %mul3A_122 : vector<512x3xf32>
    %mul3A_126 = arith.constant 2.000000e+00 : f32
    %mul3A_127 = vector.broadcast %mul3A_126 : f32 to vector<512x3xf32>
    %mul3A_128 = arith.mulf %mul3A_127, %mul3A_118 : vector<512x3xf32>
    %mul3A_129 = arith.mulf %mul3A_128, %sub3A_125 : vector<512x3xf32>
    %mul3A_130 = arith.constant 2.000000e+00 : f32
    %mul3A_131 = vector.broadcast %mul3A_130 : f32 to vector<512x3xf32>
    %mul3A_132 = arith.mulf %mul3A_131, %mul3A_118 : vector<512x3xf32>
    %mul3A_133 = arith.mulf %mul3A_132, %mul3A_118 : vector<512x3xf32>
    %sub3A_134 = arith.constant 1.000000e+00 : f32
    %sub3A_135 = vector.broadcast %sub3A_134 : f32 to vector<512x3xf32>
    %sub3A_136 = arith.subf %sub3A_135, %mul3A_133 : vector<512x3xf32>
    %concatenate3A = tpu.concatenate %get3A_1, %sin3A, %cos3A, %mul3A_4, %sub3A_10, %mul3A_14, %sub3A_21, %mul3A_25, %sub3A_32, %get3A_35, %sin3A_36, %cos3A_37, %mul3A_41, %sub3A_48, %mul3A_52, %sub3A_59, %mul3A_63, %sub3A_70, %mul3A_74, %sub3A_81, %mul3A_85, %sub3A_92, %mul3A_96, %sub3A_103, %mul3A_107, %sub3A_114, %mul3A_118, %sub3A_125, %mul3A_129, %sub3A_136 in 1 : vector<512x64xf32>, vector<512x64xf32>, vector<512x64xf32>, vector<512x64xf32>, vector<512x64xf32>, vector<512x64xf32>, vector<512x64xf32>, vector<512x64xf32>, vector<512x64xf32>, vector<512x3xf32>, vector<512x3xf32>, vector<512x3xf32>, vector<512x3xf32>, vector<512x3xf32>, vector<512x3xf32>, vector<512x3xf32>, vector<512x3xf32>, vector<512x3xf32>, vector<512x3xf32>, vector<512x3xf32>, vector<512x3xf32>, vector<512x3xf32>, vector<512x3xf32>, vector<512x3xf32>, vector<512x3xf32>, vector<512x3xf32>, vector<512x3xf32>, vector<512x3xf32>, vector<512x3xf32>, vector<512x3xf32> -> vector<512x639xf32>
    %swap3A = arith.constant 0 : index
    %swap3A_137 = arith.constant 0 : index
    %swap3A_138 = vector.load %arg3[%swap3A, %swap3A_137] : memref<512x639xf32, #tpu.memory_space<vmem>>, vector<512x639xf32>
    tpu.vector_store %arg3[%swap3A, %swap3A_137], %concatenate3A {strides = array<i32>} : memref<512x639xf32, #tpu.memory_space<vmem>>, vector<512x639xf32>,
    return
  }
  func.func @transform_0(%arg0: i32) -> (i32, i32) {
    %c0_i32 = arith.constant 0 : i32
    %c0_i32_0 = arith.constant 0 : i32
    return %arg0, %c0_i32 : i32, i32
  }
  func.func @transform_1(%arg0: i32) -> (i32, i32) {
    %c0_i32 = arith.constant 0 : i32
    %c0_i32_0 = arith.constant 0 : i32
    return %arg0, %c0_i32 : i32, i32
  }
  func.func @transform_2(%arg0: i32) -> (i32, i32) {
    %c0_i32 = arith.constant 0 : i32
    %c0_i32_0 = arith.constant 0 : i32
    return %arg0, %c0_i32 : i32, i32
  }
}

</mosaic_0001>

<sc_bundles>
// kernel: kernel.4.cloned.1.call-start
scs
__scs_entry_jumppad:
0x0: {  	(pc) =	sbr.rel $0x88, $3  }
0x1: {  	(tag) =	ssettag $0x0;
	lr =	simm.s32 $0x1  }
0x2: {  	[smem:$0x3F9C] =	sst lr;
	_ =	strace $0xD0000000  }
0x3: {  	_ = 	snop  }
0x4: {  	_ = 	snop  }
0x5: {  	_ = 	snop  }
0x6: {  	_ = 	snop  }
0x7: {  	_ = 	snop  }
__scs_overlays_trampoline_lowered:
0x8: {  	[smem:$0x3FAB] =	sst s0  }
0x9: {  	[smem:$0x3FAC] =	sst s1  }
0xa: {  	[smem:$0x3FAD] =	sst s2  }
0xb: {  	[smem:$0x3FAE] =	sst s3  }
0xc: {  	[smem:$0x3FAF] =	sst s4  }
0xd: {  	[smem:$0x3FB0] =	sst s5  }
0xe: {  	[smem:$0x3FB1] =	sst s6  }
0xf: {  	[smem:$0x3FB2] =	sst s7  }
0x10: {  	[smem:$0x3FB3] =	sst s8  }
0x11: {  	[smem:$0x3FB4] =	sst s9;
	s0 =	simm.s32 @!p0 $0x0  }
0x12: {  	s1 =	sld [smem:$0x3F9A];
	s0 =	simm.s32 @p0 $0x1  }
0x13: {  	[smem:$0x3FB5] =	sst s0;
	s0 =	simm.s32 @!p1 $0x0  }
0x14: {  	s2 =	sld [smem:$0x3F99];
	s0 =	simm.s32 @p1 $0x1  }
0x15: {  	[smem:$0x3FB6] =	sst s0;
	s0 =	simm.s32 @!p2 $0x0  }
0x16: {  	s3 =	sld [smem:$0x3FDB];
	s0 =	simm.s32 @p2 $0x1  }
0x17: {  	s4 =	simm.s32 $0x1BF5;
	[smem:$0x3FB8] =	sst s0  }
0x18: {  	s0 =	sld [smem:$0x3F9B];
	_ =	swait.ge [sflag:s4], $0x0  }
0x19: {  	s7 =	sld [smem:$0x3F9C]  }
0x1a: {  	s8 =	sadd.s32 $0xFFFFE003, lr  }
0x1b: {  	s9 =	sadd.s32 $0xFFFFFEF7, lr;
	s5 =	simm.s32 $0xFFFFFFFF;
	p2 =	slt.u32 s8, $0xFFFFF086  }
0x1c: {  	p1 =	slt.u32 s9, $0xF7A;
	s5 =	simm.s32 @!p2 $0x0  }
0x1d: {  	s5 =	simm.s32 @p1 $0x1;
	p0 =	seq.s32 s7, s2  }
0x1e: {  	s7 =	smul.u32 @!p0 $0xF7A, s2;
	p2 =	seq.s32 @!p0 s5, $0x0  }
0x1f: {  	s9 =	smul.u32 $0xF7A, s1;
	s8 =	simm.s32 @!p0 $0x1BF5;
	p2 =	por !p2, p0  }
0x20: {  	[sflag:s8] =	ssyncset.s32 @!p0 $0xFFFFF086;
	s6 =	sadd.s32 @!p0 s3, s7;
	s7 =	simm.s32 @!p0 $0x108  }
0x21: {  	s3 =	sadd.s32 s3, s9;
	s6 =	sadd.s32 @!p0 $0x88, s6;
	s7 =	simm.s32 @p2 $0x1082  }
0x22: {  	[simem:s7], [sflag:s8] =	dma.local @!p0 [hbm:s6], $0xF7A  }
0x23: {  	s9 =	sor.u32 $0xD0000000, s2;
	s6 =	simm.s32 $0x108;
	_ =	swait.ge @!p0 [sflag:s8], $0x0  }
0x24: {  	s3 =	sadd.s32 $0x88, s3;
	s6 =	simm.s32 @!p1 $0x1082;
	[sflag:s4] =	ssyncset.s32 $0xFFFFF086  }
0x25: {  	[simem:s6], [sflag:s4] =	dma.local [hbm:s3], $0xF7A  }
0x26: {  	[smem:$0x3F9C] =	sst s1;
	(tag) =	ssettag s2;
	_ =	strace s9  }
0x27: {  	s1 =	sld [smem:$0x3FAC]  }
0x28: {  	s2 =	sld [smem:$0x3FAD]  }
0x29: {  	s4 =	sld [smem:$0x3FAF]  }
0x2a: {  	p0 =	seq.s32 s5, $0x0;
	s5 =	sld [smem:$0x3FB0]  }
0x2b: {  	s6 =	sld [smem:$0x3FB1]  }
0x2c: {  	s7 =	sld [smem:$0x3FB2]  }
0x2d: {  	s3 =	simm.s32 $0x108;
	s8 =	sld [smem:$0x3FB3]  }
0x2e: {  	s3 =	simm.s32 @!p0 $0x1082;
	s9 =	sld [smem:$0x3FB4]  }
0x2f: {  	lr =	sadd.s32 s0, s3;
	s0 =	sld [smem:$0x3FAB]  }
0x30: {  	s3 =	sld [smem:$0x3FAE]  }
0x31: {  	[smem:$0x3FB7] =	sst s10  }
0x32: {  	s10 =	sld [smem:$0x3FB5];
	_ =	sdelay $0x3  }
0x33: {  	p0 =	seq.s32 s10, $0x1;
	s10 =	sld [smem:$0x3FB7];
	_ =	sdelay $0x3  }
0x34: {  	[smem:$0x3FB7] =	sst s10  }
0x35: {  	s10 =	sld [smem:$0x3FB6];
	_ =	sdelay $0x3  }
0x36: {  	p1 =	seq.s32 s10, $0x1;
	s10 =	sld [smem:$0x3FB7];
	_ =	sdelay $0x3  }
0x37: {  	[smem:$0x3FB7] =	sst s10  }
0x38: {  	s10 =	sld [smem:$0x3FB8]  }
0x39: {  	_ = 	snop;
	(pc) =	sbr.ind lr, $3  }
0x3a: {  	_ = 	snop  }
0x3b: {  	_ = 	snop  }
0x3c: {  	p2 =	seq.s32 s10, $0x1;
	s10 =	sld [smem:$0x3FB7]  }
0x3d: {  	_ =	shalt  }
0x3e: {  	_ =	shalt  }
0x3f: {  	_ =	shalt  }
0x40: {  	_ =	shalt  }
0x41: {  	_ =	shalt  }
0x42: {  	_ =	shalt  }
0x43: {  	_ =	shalt  }
0x44: {  	_ =	shalt  }
0x45: {  	_ =	shalt  }
0x46: {  	_ =	shalt  }
0x47: {  	_ =	shalt  }
0x48: {  	_ =	shalt  }
0x49: {  	_ =	shalt  }
0x4a: {  	_ =	shalt  }
0x4b: {  	_ =	shalt  }
0x4c: {  	_ =	shalt  }
0x4d: {  	_ =	shalt  }
0x4e: {  	_ =	shalt  }
0x4f: {  	_ =	shalt  }
0x50: {  	_ =	shalt  }
0x51: {  	_ =	shalt  }
0x52: {  	_ =	shalt  }
0x53: {  	_ =	shalt  }
0x54: {  	_ =	shalt  }
0x55: {  	_ =	shalt  }
0x56: {  	_ =	shalt  }
0x57: {  	_ =	shalt  }
0x58: {  	_ =	shalt  }
0x59: {  	_ =	shalt  }
0x5a: {  	_ =	shalt  }
0x5b: {  	_ =	shalt  }
0x5c: {  	_ =	shalt  }
0x5d: {  	_ =	shalt  }
0x5e: {  	_ =	shalt  }
0x5f: {  	_ =	shalt  }
0x60: {  	_ =	shalt  }
0x61: {  	_ =	shalt  }
0x62: {  	_ =	shalt  }
0x63: {  	_ =	shalt  }
0x64: {  	_ =	shalt  }
0x65: {  	_ =	shalt  }
0x66: {  	_ =	shalt  }
0x67: {  	_ =	shalt  }
0x68: {  	_ =	shalt  }
0x69: {  	_ =	shalt  }
0x6a: {  	_ =	shalt  }
0x6b: {  	_ =	shalt  }
0x6c: {  	_ =	shalt  }
0x6d: {  	_ =	shalt  }
0x6e: {  	_ =	shalt  }
0x6f: {  	_ =	shalt  }
0x70: {  	_ =	shalt  }
0x71: {  	_ =	shalt  }
0x72: {  	_ =	shalt  }
0x73: {  	_ =	shalt  }
0x74: {  	_ =	shalt  }
0x75: {  	_ =	shalt  }
0x76: {  	_ =	shalt  }
0x77: {  	_ =	shalt  }
0x78: {  	_ =	shalt  }
0x79: {  	_ =	shalt  }
0x7a: {  	_ =	shalt  }
0x7b: {  	_ =	shalt  }
0x7c: {  	_ =	shalt  }
0x7d: {  	_ =	shalt  }
0x7e: {  	_ =	shalt  }
0x7f: {  	_ =	shalt  }
0x80: {  	_ =	shalt  }
0x81: {  	_ =	shalt  }
0x82: {  	_ =	shalt  }
0x83: {  	_ =	shalt  }
0x84: {  	_ =	shalt  }
0x85: {  	_ =	shalt  }
0x86: {  	_ =	shalt  }
0x87: {  	_ =	shalt  }
.Lfunc_end0:
.L_simem_size_0:
called_computation_lowered:
.L_overlay_start_0:
0x88: {  	s2 =	sld [smem:$0x3FD9]  }
0x89: {  	s3 =	sld [smem:$0x3FFE];
	_ =	sdelay $0x1  }
0x8a: {  	s1 =	srdreg.scid  }
0x8b: {  	s0 =	sand.u32 $0x1, s1  }
0x8c: {  	s14 =	sshll.u32 s0, $0xA;
	s2 =	sadd.s32 s3, s2  }
0x8d: {  	s2 =	sadd.s32 s2, s14  }
0x8e: {  	[smem:$0x3FC3] =	sst s2  }
0x8f: {  	_ = 	snop  }
0x90: {  	s2 =	sld [smem:$0x3FD0];
	_ =	sdelay $0x2  }
0x91: {  	s15 =	simm.s32 $0xA;
	s4 =	simm.s32 $0x10  }
0x92: {  	[smem:s4], [sflag:s15] =	dma.local [hbm:s2], $0x1  }
0x93: {  	_ =	swait.eq [sflag:s15], $0x1  }
0x94: {  	[sflag:s15] =	ssyncset.done $0x0  }
0x95: {  	[sflag:s15] =	ssyncadd.s32 $0xFFFFFFFF  }
0x96: {  	s16 =	sld [smem:$0x10];
	(tm) =	ssettm $0x1  }
0x97: {  	s17 =	sld [smem:$0x3FFB];
	_ =	sdelay $0x3  }
0x98: {  	_ =	strace s17  }
0x99: {  	s3 =	sld [smem:$0x3FFC];
	_ =	sdelay $0x3  }
0x9a: {  	_ =	strace s3  }
0x9b: {  	s3 =	sld [smem:$0x3FFD];
	_ =	sdelay $0x3  }
0x9c: {  	_ =	strace s3  }
0x9d: {  	_ =	strace $0x8FFFFFFF  }
0x9e: {  	s18 =	sld [smem:$0x3FDB];
	_ =	sdelay $0x1  }
0x9f: {  	s19 =	simm.s32 $_scs_section_size  }
0xa0: {  	s5 =	simm.s32 $_size__tile_overlayer_lowered;
	s6 =	simm.s32 $_tile_overlayer_lowered  }
0xa1: {  	s22 =	simm.s32 $0x1BFF;
	s21 =	sshll.u32 s6, $0x1;
	s3 =	sadd.s32 s19, s18  }
0xa2: {  	s7 =	simm.s32 $0x0;
	s20 =	sshll.u32 s5, $0x1;
	s5 =	sadd.s32 s21, s3  }
0xa3: {  	[timem:s7], [sflag:s22] =	dma.local [hbm:s5], s20  }
0xa4: {  	_ =	swait.ge [sflag:s22], s20  }
0xa5: {  	s4 =	ssub.s32 $0x0, s20;
	[sflag:s22] =	ssyncset.done $0x0  }
0xa6: {  	[sflag:s22] =	ssyncadd.s32 s4;
	_ =	sdelay $0x1  }
0xa7: {  	s23 =	simm.s32 $0x1B8B  }
0xa8: {  	_ =	swait.ge [sflag:s23], $0x1  }
0xa9: {  	[sflag:s23] =	ssyncset.done $0x0  }
0xaa: {  	s25 =	simm.s32 $0x1B8E;
	s24 =	sld [smem:$0x3FFE];
	[sflag:s23] =	ssyncadd.s32 $0xFFFFFFFF  }
0xab: {  	s26 =	simm.s32 $execute0_lowered;
	[smem:$0x3FD2] =	sst s25  }
0xac: {  	s5 =	sshll.u32 s26, $0x1;
	_ =	strace $0x80000046;
	[dreg:$0x1] =	wrdreg $0xFFFFFFFF  }
0xad: {  	s28 =	simm.s32 $_size_execute0_lowered;
	s3 =	sadd.s32 s3, s5;
	[dreg:$0x0] =	wrdreg $0x0  }
0xae: {  	s5 =	sshll.u32 s28, $0x1;
	[dreg:$0x2] =	wrdreg s3  }
0xaf: {  	[dreg:$0x3] =	wrdreg s5  }
0xb0: {  	[dreg:$0x4] =	wrdreg $0xC0  }
0xb1: {  	_ =	task [dreg:s7], $0x5FFFF  }
0xb2: {  	[dreg:$0x1] =	wrdreg $0xFFFFFFFF  }
0xb3: {  	[dreg:$0x0] =	wrdreg $0x60  }
0xb4: {  	[dreg:$0x2] =	wrdreg s24  }
0xb5: {  	[dreg:$0x3] =	wrdreg s16  }
0xb6: {  	[dreg:$0x4] =	wrdreg $0x9  }
0xb7: {  	_ =	task.clear_ibuf [dreg:s7], $0x5FFFF;
	_ =	strace $0x90000046  }
0xb8: {  	s29 =	simm.s32 $0x9;
	_ =	strace $0x80000048  }
0xb9: {  	_ =	swait.ge [sflag:s29], $0x1  }
0xba: {  	[sflag:s29] =	ssyncadd.s32 $0xFFFFFFFF  }
0xbb: {  	_ =	strace $0x90000048  }
0xbc: {  	_ =	sfence  }
0xbd: {  	s30 =	sld [smem:$0x0];
	_ =	sdelay $0x2  }
0xbe: {  	s31 =	sshll.u32 s1, $0xD;
	s1 =	sshrl.u32 s1, $0x2  }
0xbf: {  	s3 =	sand.u32 $0x4000, s31;
	s1 =	sadd.s32 s1, s30  }
0xc0: {  	s0 =	sor.u32 s3, s0;
	s1 =	sshll.u32 s1, $0x11  }
0xc1: {  	s0 =	sor.u32 s1, s0  }
0xc2: {  	s0 =	sadd.s32 $0x8F2B, s0  }
0xc3: {  	[sflag:s0] =	ssyncadd.remote.s32 $0x1  }
0xc4: {  	_ =	sfence.sel $0xFFFF  }
0xc5: {  	[dreg:$0x0] =	wrdreg $0xFFFFFFFF;
	(pc) =	sbr.abs _section_cstart, $3  }
0xc6: {  	[dreg:$0x1] =	wrdreg $0xFFFFFFFF  }
0xc7: {  	_ =	task.clear_ibuf [dreg:s7], $0x2FFFF;
	_ =	strace $0x9FFFFFFF  }
0xc8: {  	(tm) =	ssettm $0x7FFFFFFF  }
0xc9: {  	_ =	shalt  }
tec
execute0_lowered:
.L_overlay_start_1:
0x0: {  	(tag) =	ssettag $0x1  }
0x1: {  	s0 =	rddreg [dreg:$0x0]  }
0x2: {  	s1 =	rddreg [dreg:$0x1];
	s2 =	simm.s32 $0x0  }
0x3: {  	s5 =	srdreg.scid;
	s12 =	stileid.u32;
	s13 =	simm.s32 $0x80  }
0x4: {  	s18 =	simm.s32 $0xF00;
	s19 =	simm.s32 $0x7180;
	s20 =	simm.s32 $0xF80  }
0x5: {  	s21 =	simm.s32 $0x9180;
	s22 =	simm.s32 $0x1000;
	s23 =	simm.s32 $0xB180  }
0x6: {  	s24 =	simm.s32 $0x1080;
	s25 =	simm.s32 $0xD180;
	s28 =	simm.s32 $0xF180  }
0x7: {  	s29 =	simm.s32 $0x11180;
	s30 =	simm.s32 $0x13180;
	s14 =	simm.s32 $0x0  }
0x8: {  	[smem:$0x7FF] =	sst s2;
	s3 =	sadd.s32 $0x8E00, s0;
	s4 =	sadd.s32 $0x4E00, s0  }
0x9: {  	s5 =	sand.u32 $0x1, s5;
	s6 =	sadd.s32 $0xE00, s0;
	s7 =	sadd.s32 $0xCE00, s0  }
0xa: {  	s8 =	sadd.s32 $0x89E00, s0;
	s26 =	sshll.u32 s12, $0xD;
	s9 =	ssub.s32 $0x2, s5  }
0xb: {  	s12 =	simm.s32 $0x2;
	_ =	strace $0x80000047;
	s10 =	sshrl.u32 s9, $0x1  }
0xc: {  	s5 =	sshll.u32 s5, $0xC;
	s11 =	ssub.s32 s9, s10;
	s9 =	sadd.s32 $0x189E00, s0  }
0xd: {  	v1 =	vlaneseq.u32;
	s10 =	sor.u32 s5, s26;
	s0 =	simm.s32 $0x1;
	s31 =	smax.u32 s11, $0x1  }
0xe: {  	v0 =	vimm.s32 $0x0;
	v1 =	vmul.u32 $0x40, v1;
	s26 =	simm.s32 $0x1100;
	s11 =	simm.s32 $0x1180;
	[dreg:$0x3] =	wrdreg s31  }
.LBB2_1:
0xf: {  	[dreg:$0x4] =	wrdreg s14;
	s31 =	simm.s32 $0x0  }
.LBB2_2:
0x10: {  	s5 =	sshll.u32 s31, $0x7  }
0x11: {  	s14 =	sadd.s32 s10, s5  }
0x12: {  	s5 =	sshrl.u32 s14, $0x3  }
0x13: {  	s15 =	simm.s32 $0x0;
	s16 =	sadd.s32 s3, s5  }
0x14: {  	[tilespmem:s15], [sflag:$0x2] =	stream.linear.gather [hbm4b:s16+s15], $0x80, $0x38;
	[tilespmem:$0x13200] =	vst v63  }
0x15: {  	_ =	swait.ge [sflag:s12], $0x80  }
0x16: {  	[sflag:s12] =	ssyncset.done $0x0  }
0x17: {  	s17 =	sadd.s32 s4, s5;
	[sflag:s12] =	ssyncadd.s32 $0xFFFFFF80  }
0x18: {  	[tilespmem:s13], [sflag:$0x2] =	stream.linear.gather [hbm4b:s17+s15], $0x80, $0x38;
	[tilespmem:$0x13200] =	vst v63  }
0x19: {  	_ =	swait.ge [sflag:s12], $0x80  }
0x1a: {  	[sflag:s12] =	ssyncset.done $0x0  }
0x1b: {  	s16 =	sadd.s32 s6, s5;
	s17 =	simm.s32 $0x100;
	[sflag:s12] =	ssyncadd.s32 $0xFFFFFF80  }
0x1c: {  	[tilespmem:s17], [sflag:$0x2] =	stream.linear.gather [hbm4b:s16+s15], $0x80, $0x38;
	[tilespmem:$0x13200] =	vst v63  }
0x1d: {  	_ =	swait.ge [sflag:s12], $0x80  }
0x1e: {  	[sflag:s12] =	ssyncset.done $0x0  }
0x1f: {  	[sflag:s12] =	ssyncadd.s32 $0xFFFFFF80  }
0x20: {  	v2 =	vld [tilespmem:$0x0]  }
0x21: {  	v4 =	vld [tilespmem:$0x100]  }
0x22: {  	v3 =	vld [tilespmem:$0x80];
	_ =	sdelay $0x2  }
0x23: {  	v5 =	vtrunc.f32 v2  }
0x24: {  	v7 =	vtrunc.f32 v4;
	v5 =	vcvt.f32.s32 v5  }
0x25: {  	v6 =	vtrunc.f32 v3;
	v7 =	vcvt.f32.s32 v7  }
0x26: {  	v6 =	vcvt.f32.s32 v6;
	v8 =	vcvt.s32.f32 v5  }
0x27: {  	v9 =	vcvt.s32.f32 v7;
	vm0 =	vgt.s32 v5, $0x0;
	v10 =	vadd.s32 $0x1, v5  }
0x28: {  	v5 =	vnsel vm0, $0x0, v5;
	v2 =	vsub.f32 v2, v8;
	v8 =	vcvt.s32.f32 v6  }
0x29: {  	vm14 =	vgt.s32 v6, $0x0;
	vm4 =	vgt.s32 v7, $0x0;
	v5 =	vmin.u32 v5, $0x9F  }
0x2a: {  	vm13 =	vgt.s32 v10, $0x0;
	v5 =	vmul.u32 $0x6400, v5;
	v3 =	vsub.f32 v3, v8  }
0x2b: {  	v8 =	vsub.f32 v4, v9;
	v4 =	vnsel vm13, $0x0, v10;
	v9 =	vnsel vm14, $0x0, v6  }
0x2c: {  	v6 =	vadd.s32 $0x1, v6;
	v10 =	vadd.s32 $0x1, v7;
	v7 =	vnsel vm4, $0x0, v7  }
0x2d: {  	v11 =	vsub.f32 $1.000000000e+00, v2;
	v4 =	vmin.u32 v4, $0x9F;
	v9 =	vmin.u32 v9, $0x9F  }
0x2e: {  	vm15 =	vgt.s32 v6, $0x0;
	vm5 =	vgt.s32 v10, $0x0;
	v7 =	vmin.u32 v7, $0x9F  }
0x2f: {  	v20 =	vld [tilespmem:$0x10];
	v6 =	vnsel vm15, $0x0, v6;
	v12 =	vsub.f32 $1.000000000e+00, v3;
	v9 =	vmul.u32 $0xA0, v9  }
0x30: {  	v10 =	vnsel vm5, $0x0, v10;
	v13 =	vsub.f32 $1.000000000e+00, v8;
	v4 =	vmul.u32 $0x6400, v4  }
0x31: {  	v6 =	vmin.u32 v6, $0x9F;
	v19 =	vmin.u32 v10, $0x9F;
	v10 =	vmul.f32 v3, v11  }
0x32: {  	v14 =	vadd.s32 v5, v9;
	v15 =	vmul.f32 v12, v11;
	v6 =	vmul.u32 $0xA0, v6  }
0x33: {  	v9 =	vadd.s32 v9, v4;
	v11 =	vmul.f32 v12, v2;
	v2 =	vmul.f32 v3, v2  }
0x34: {  	v3 =	vtrunc.f32 v20;
	v21 =	vadd.s32 v7, v14;
	v23 =	vadd.s32 v19, v14  }
0x35: {  	v12 =	vld [tilespmem:$0x110];
	v26 =	vmul.f32 v13, v10;
	v17 =	vmul.f32 v8, v10;
	v16 =	vadd.s32 v7, v9  }
0x36: {  	v22 =	vmul.f32 v13, v15;
	v24 =	vmul.f32 v15, v8;
	v5 =	vadd.s32 v5, v6  }
0x37: {  	v14 =	vmul.f32 v13, v11;
	v25 =	vadd.s32 v7, v5;
	v18 =	vadd.s32 v19, v5;
	v5 =	vld [tilespmem:$0x90]  }
0x38: {  	v10 =	vadd.s32 v19, v9;
	v15 =	vcvt.f32.s32 v3;
	v9 =	vmul.f32 v11, v8  }
0x39: {  	v4 =	vadd.s32 v4, v6;
	v3 =	vmul.f32 v13, v2;
	v2 =	vmul.f32 v8, v2  }
0x3a: {  	v7 =	vadd.s32 v7, v4;
	v4 =	vadd.s32 v19, v4;
	v13 =	vtrunc.f32 v12  }
0x3b: {  	v11 =	vcvt.s32.f32 v15;
	v19 =	vadd.s32 $0x1, v15;
	v8 =	vcvt.f32.s32 v13  }
0x3c: {  	vm6 =	vgt.s32 v15, $0x0;
	vm7 =	vgt.s32 v19, $0x0;
	v6 =	vtrunc.f32 v5  }
0x3d: {  	v11 =	vsub.f32 v20, v11;
	v20 =	vcvt.s32.f32 v8;
	v6 =	vcvt.f32.s32 v6  }
0x3e: {  	v15 =	vnsel vm6, $0x0, v15;
	v19 =	vnsel vm7, $0x0, v19  }
0x3f: {  	v28 =	vsub.f32 v12, v20;
	v13 =	vcvt.s32.f32 v6;
	vm8 =	vgt.s32 v6, $0x0  }
0x40: {  	vm10 =	vgt.s32 v8, $0x0;
	v27 =	vadd.s32 $0x1, v6;
	v6 =	vnsel vm8, $0x0, v6  }
0x41: {  	vm9 =	vgt.s32 v27, $0x0;
	v29 =	vsub.f32 $1.000000000e+00, v28;
	v5 =	vsub.f32 v5, v13  }
0x42: {  	v12 =	vnsel vm9, $0x0, v27;
	v13 =	vmin.u32 v15, $0x9F;
	v15 =	vmin.u32 v19, $0x9F  }
0x43: {  	v19 =	vnsel vm10, $0x0, v8;
	v6 =	vmin.u32 v6, $0x9F;
	v8 =	vadd.s32 $0x1, v8  }
0x44: {  	v12 =	vmin.u32 v12, $0x9F;
	v62 =	vmin.u32 v19, $0x9F;
	v19 =	vsub.f32 $1.000000000e+00, v11  }
0x45: {  	v34 =	vld [tilespmem:$0x20];
	vm11 =	vgt.s32 v8, $0x0;
	v13 =	vmul.u32 $0x6400, v13;
	v6 =	vmul.u32 $0xA0, v6  }
0x46: {  	v35 =	vld [tilespmem:$0xA0];
	v37 =	vmul.u32 $0x6400, v15;
	v20 =	vsub.f32 $1.000000000e+00, v5;
	v8 =	vnsel vm11, $0x0, v8  }
0x47: {  	v12 =	vmul.u32 $0xA0, v12;
	v8 =	vmin.u32 v8, $0x9F;
	v31 =	vadd.s32 v13, v6  }
0x48: {  	v41 =	vadd.s32 v6, v37;
	v30 =	vmul.f32 v20, v19;
	v32 =	vadd.s32 v62, v31  }
0x49: {  	v31 =	vadd.s32 v8, v31;
	v19 =	vmul.f32 v5, v19;
	v15 =	vmul.f32 v20, v11  }
0x4a: {  	v38 =	vld [tilespmem:$0x120];
	v13 =	vadd.s32 v13, v12;
	v5 =	vmul.f32 v5, v11;
	v11 =	vtrunc.f32 v34  }
0x4b: {  	v20 =	vadd.s32 v62, v41;
	v63 =	vcvt.f32.s32 v11;
	v11 =	vtrunc.f32 v35  }
0x4c: {  	v37 =	vadd.s32 v37, v12;
	v33 =	vmul.f32 v29, v30;
	v30 =	vmul.f32 v30, v28  }
0x4d: {  	v36 =	vadd.s32 v62, v13;
	v39 =	vmul.f32 v29, v19;
	v19 =	vmul.f32 v28, v19  }
0x4e: {  	v40 =	vadd.s32 v8, v13;
	v13 =	vmul.f32 v29, v15;
	v6 =	vmul.f32 v15, v28  }
0x4f: {  	v12 =	vadd.s32 v62, v37;
	v42 =	vcvt.f32.s32 v11;
	v11 =	vtrunc.f32 v38  }
0x50: {  	v15 =	vadd.s32 v8, v41;
	v45 =	vcvt.f32.s32 v11;
	v43 =	vcvt.s32.f32 v63  }
0x51: {  	v44 =	vld [tilespmem:$0x130];
	v8 =	vadd.s32 v8, v37;
	v11 =	vmul.f32 v29, v5;
	v5 =	vmul.f32 v28, v5  }
0x52: {  	vm12 =	vgt.s32 v63, $0x0;
	v48 =	vadd.s32 $0x1, v63;
	v46 =	vcvt.s32.f32 v42  }
0x53: {  	v49 =	vnsel vm12, $0x0, v63;
	vm13 =	vgt.s32 v48, $0x0;
	vm14 =	vgt.s32 v42, $0x0  }
0x54: {  	v62 =	vld [tilespmem:$0xB0];
	v50 =	vadd.s32 $0x1, v42;
	v28 =	vsub.f32 v34, v43;
	v47 =	vcvt.s32.f32 v45  }
0x55: {  	v37 =	vmin.u32 v49, $0x9F;
	v51 =	vnsel vm14, $0x0, v42;
	vm15 =	vgt.s32 v50, $0x0  }
0x56: {  	[tilespmem:$0x190] =	vst v23;
	vm4 =	vgt.s32 v45, $0x0;
	v23 =	vadd.s32 $0x1, v45;
	v49 =	vtrunc.f32 v44  }
0x57: {  	v61 =	vld [tilespmem:$0x30];
	v29 =	vsub.f32 v35, v46;
	v35 =	vnsel vm13, $0x0, v48;
	v52 =	vnsel vm15, $0x0, v50  }
0x58: {  	[tilespmem:$0x980] =	vst v22;
	v22 =	vmin.u32 v51, $0x9F;
	v53 =	vnsel vm4, $0x0, v45;
	vm5 =	vgt.s32 v23, $0x0  }
0x59: {  	[tilespmem:$0x180] =	vst v21;
	v56 =	vmul.u32 $0x6400, v37;
	v48 =	vtrunc.f32 v62;
	v34 =	vsub.f32 v38, v47  }
0x5a: {  	[tilespmem:$0x1C0] =	vst v16;
	v21 =	vmin.u32 v35, $0x9F;
	v35 =	vmin.u32 v52, $0x9F;
	v54 =	vsub.f32 $1.000000000e+00, v28  }
0x5b: {  	[tilespmem:$0x1D0] =	vst v10;
	v22 =	vmul.u32 $0xA0, v22;
	v23 =	vnsel vm5, $0x0, v23;
	v59 =	vmin.u32 v53, $0x9F  }
0x5c: {  	[tilespmem:$0x990] =	vst v24;
	v47 =	vtrunc.f32 v61;
	v24 =	vcvt.f32.s32 v48;
	v55 =	vsub.f32 $1.000000000e+00, v29  }
0x5d: {  	[tilespmem:$0x9A0] =	vst v26;
	v23 =	vmin.u32 v23, $0x9F;
	v35 =	vmul.u32 $0xA0, v35;
	v21 =	vmul.u32 $0x6400, v21  }
0x5e: {  	[tilespmem:$0x9B0] =	vst v17;
	v57 =	vsub.f32 $1.000000000e+00, v34;
	v60 =	vadd.s32 v56, v22;
	v27 =	vmul.f32 v29, v54  }
0x5f: {  	[tilespmem:$0x1B0] =	vst v18;
	v52 =	vcvt.s32.f32 v24;
	vm8 =	vgt.s32 v24, $0x0;
	v58 =	vmul.f32 v55, v54  }
0x60: {  	[tilespmem:$0x9C0] =	vst v14;
	v18 =	vadd.s32 v59, v60;
	v17 =	vadd.s32 v23, v60;
	v16 =	vadd.s32 v56, v35  }
0x61: {  	[tilespmem:$0x1E0] =	vst v7;
	v63 =	vmul.f32 v55, v28;
	v22 =	vadd.s32 v22, v21;
	v7 =	vadd.s32 v21, v35  }
0x62: {  	[tilespmem:$0x9E0] =	vst v3;
	v21 =	vcvt.f32.s32 v47;
	v55 =	vnsel vm8, $0x0, v24;
	v24 =	vadd.s32 $0x1, v24  }
0x63: {  	[tilespmem:$0x1F0] =	vst v4;
	v14 =	vadd.s32 v59, v16;
	v41 =	vmul.f32 v57, v27;
	v16 =	vadd.s32 v23, v16  }
0x64: {  	[tilespmem:$0x9F0] =	vst v2;
	v10 =	vmul.f32 v34, v27;
	v45 =	vadd.s32 v59, v22;
	v3 =	vadd.s32 v23, v22  }
0x65: {  	[tilespmem:$0x220] =	vst v36;
	v36 =	vld [tilespmem:$0x140];
	v22 =	vmul.f32 v29, v28;
	v4 =	vadd.s32 v59, v7;
	v2 =	vadd.s32 v23, v7  }
0x66: {  	[tilespmem:$0x1A0] =	vst v25;
	v23 =	vcvt.f32.s32 v49;
	v26 =	vsub.f32 v62, v52;
	v42 =	vmul.f32 v57, v58  }
0x67: {  	[tilespmem:$0xA10] =	vst v30;
	v30 =	vmin.u32 v55, $0x9F;
	v37 =	vmul.f32 v58, v34;
	v27 =	vmul.f32 v57, v63  }
0x68: {  	[tilespmem:$0x9D0] =	vst v9;
	vm9 =	vgt.s32 v24, $0x0;
	v9 =	vmul.f32 v63, v34;
	v50 =	vcvt.s32.f32 v21  }
0x69: {  	[tilespmem:$0x200] =	vst v32;
	vm6 =	vgt.s32 v21, $0x0;
	v54 =	vadd.s32 $0x1, v21;
	v24 =	vnsel vm9, $0x0, v24  }
0x6a: {  	v30 =	vmul.u32 $0xA0, v30;
	[tilespmem:$0x2A0] =	vst v14;
	v14 =	vtrunc.f32 v36;
	v7 =	vmul.f32 v57, v22  }
0x6b: {  	[tilespmem:$0x210] =	vst v31;
	v22 =	vmul.f32 v34, v22;
	v53 =	vcvt.s32.f32 v23;
	v21 =	vnsel vm6, $0x0, v21  }
0x6c: {  	[tilespmem:$0x240] =	vst v20;
	vm7 =	vgt.s32 v54, $0x0;
	vm10 =	vgt.s32 v23, $0x0;
	v56 =	vadd.s32 $0x1, v23  }
0x6d: {  	[tilespmem:$0xA40] =	vst v13;
	v20 =	vsub.f32 $1.000000000e+00, v26;
	v13 =	vmin.u32 v24, $0x9F;
	v14 =	vcvt.f32.s32 v14  }
0x6e: {  	[tilespmem:$0x230] =	vst v40;
	v51 =	vsub.f32 v61, v50;
	v29 =	vnsel vm7, $0x0, v54;
	v21 =	vmin.u32 v21, $0x9F  }
0x6f: {  	[tilespmem:$0xA30] =	vst v19;
	v49 =	vld [tilespmem:$0x50];
	v19 =	vnsel vm10, $0x0, v23;
	vm11 =	vgt.s32 v56, $0x0;
	v13 =	vmul.u32 $0xA0, v13  }
0x70: {  	[tilespmem:$0x260] =	vst v12;
	v28 =	vsub.f32 v44, v53;
	v29 =	vmin.u32 v29, $0x9F;
	v21 =	vmul.u32 $0x6400, v21  }
0x71: {  	[tilespmem:$0xAB0] =	vst v10;
	v19 =	vmin.u32 v19, $0x9F;
	v57 =	vnsel vm11, $0x0, v56;
	v10 =	vcvt.s32.f32 v14  }
0x72: {  	v61 =	vld [tilespmem:$0x40];
	vm4 =	vgt.s32 v14, $0x0;
	[tilespmem:$0xAE0] =	vst v7;
	v7 =	vadd.s32 $0x1, v14;
	v23 =	vsub.f32 $1.000000000e+00, v51  }
0x73: {  	[tilespmem:$0xA50] =	vst v6;
	v50 =	vld [tilespmem:$0xD0];
	v6 =	vmin.u32 v57, $0x9F;
	v29 =	vmul.u32 $0x6400, v29;
	v25 =	vmul.f32 v26, v51  }
0x74: {  	[tilespmem:$0x2C0] =	vst v45;
	v45 =	vnsel vm4, $0x0, v14;
	vm5 =	vgt.s32 v7, $0x0;
	v53 =	vtrunc.f32 v49  }
0x75: {  	[tilespmem:$0x250] =	vst v15;
	v15 =	vsub.f32 $1.000000000e+00, v28;
	v58 =	vadd.s32 v21, v30;
	v21 =	vadd.s32 v21, v13  }
0x76: {  	[tilespmem:$0x2D0] =	vst v3;
	v3 =	vsub.f32 v36, v10;
	v7 =	vnsel vm5, $0x0, v7;
	v59 =	vmul.f32 v20, v23  }
0x77: {  	[tilespmem:$0x270] =	vst v8;
	v60 =	vadd.s32 v19, v58;
	v23 =	vmul.f32 v26, v23;
	v20 =	vmul.f32 v20, v51  }
0x78: {  	[tilespmem:$0xA00] =	vst v33;
	v63 =	vld [tilespmem:$0xC0];
	v31 =	vadd.s32 v6, v58;
	v38 =	vtrunc.f32 v61;
	v54 =	vtrunc.f32 v50  }
0x79: {  	[tilespmem:$0xA60] =	vst v11;
	v8 =	vadd.s32 v19, v21;
	v12 =	vmul.f32 v15, v59;
	v11 =	vmul.f32 v59, v28  }
0x7a: {  	[tilespmem:$0xA70] =	vst v5;
	v21 =	vadd.s32 v6, v21;
	v62 =	vmul.f32 v15, v23;
	v5 =	vmul.f32 v28, v23  }
0x7b: {  	[tilespmem:$0xA20] =	vst v39;
	v13 =	vadd.s32 v29, v13;
	v39 =	vmul.f32 v15, v20;
	v26 =	vcvt.f32.s32 v38  }
0x7c: {  	[tilespmem:$0x290] =	vst v17;
	v23 =	vadd.s32 v30, v29;
	v17 =	vmul.f32 v20, v28;
	v15 =	vmul.f32 v15, v25  }
0x7d: {  	[tilespmem:$0x280] =	vst v18;
	v51 =	vld [tilespmem:$0x150];
	v20 =	vtrunc.f32 v63;
	v18 =	vadd.s32 v19, v23;
	v23 =	vadd.s32 v6, v23  }
0x7e: {  	[tilespmem:$0x2B0] =	vst v16;
	v58 =	vld [tilespmem:$0x60];
	v19 =	vadd.s32 v19, v13;
	v6 =	vadd.s32 v6, v13;
	v13 =	vcvt.f32.s32 v20  }
0x7f: {  	[tilespmem:$0xA80] =	vst v42;
	v7 =	vmin.u32 v7, $0x9F;
	v20 =	vmul.f32 v28, v25;
	v40 =	vcvt.s32.f32 v26  }
0x80: {  	vm12 =	vgt.s32 v26, $0x0;
	v42 =	vadd.s32 $0x1, v26;
	[tilespmem:$0xB30] =	vst v5;
	v5 =	vcvt.f32.s32 v53  }
0x81: {  	[tilespmem:$0x340] =	vst v18;
	v18 =	vcvt.f32.s32 v54;
	v16 =	vcvt.s32.f32 v13;
	v26 =	vnsel vm12, $0x0, v26  }
0x82: {  	[tilespmem:$0xAA0] =	vst v41;
	vm13 =	vgt.s32 v42, $0x0;
	vm14 =	vgt.s32 v13, $0x0;
	v43 =	vadd.s32 $0x1, v13  }
0x83: {  	[tilespmem:$0xB20] =	vst v62;
	v55 =	vtrunc.f32 v51;
	v62 =	vtrunc.f32 v58;
	v41 =	vsub.f32 v61, v40  }
0x84: {  	[tilespmem:$0x2E0] =	vst v4;
	v28 =	vnsel vm13, $0x0, v42;
	v13 =	vnsel vm14, $0x0, v13;
	vm15 =	vgt.s32 v43, $0x0  }
0x85: {  	[tilespmem:$0xAD0] =	vst v9;
	v9 =	vmin.u32 v26, $0x9F;
	v25 =	vcvt.f32.s32 v55;
	v56 =	vcvt.s32.f32 v5  }
0x86: {  	[tilespmem:$0x360] =	vst v19;
	vm6 =	vgt.s32 v5, $0x0;
	v19 =	vadd.s32 $0x1, v5;
	vm8 =	vgt.s32 v18, $0x0  }
0x87: {  	[tilespmem:$0x2F0] =	vst v2;
	v16 =	vsub.f32 v63, v16;
	v10 =	vnsel vm15, $0x0, v43;
	v44 =	vmin.u32 v28, $0x9F  }
0x88: {  	[tilespmem:$0xA90] =	vst v37;
	v4 =	vmin.u32 v13, $0x9F;
	v13 =	vmin.u32 v45, $0x9F;
	v2 =	vmul.u32 $0x6400, v9  }
0x89: {  	[tilespmem:$0xAC0] =	vst v27;
	v9 =	vsub.f32 $1.000000000e+00, v3;
	v5 =	vnsel vm6, $0x0, v5;
	vm7 =	vgt.s32 v19, $0x0  }
0x8a: {  	[tilespmem:$0xB50] =	vst v17;
	v10 =	vmin.u32 v10, $0x9F;
	v14 =	vsub.f32 $1.000000000e+00, v41;
	v4 =	vmul.u32 $0xA0, v4  }
0x8b: {  	[tilespmem:$0x370] =	vst v6;
	v26 =	vmul.u32 $0x6400, v44;
	v17 =	vcvt.s32.f32 v25;
	v6 =	vnsel vm7, $0x0, v19  }
0x8c: {  	[tilespmem:$0xAF0] =	vst v22;
	v5 =	vmin.u32 v5, $0x9F;
	vm10 =	vgt.s32 v25, $0x0;
	v19 =	vadd.s32 $0x1, v25  }
0x8d: {  	[tilespmem:$0x300] =	vst v60;
	v46 =	vsub.f32 $1.000000000e+00, v16;
	v10 =	vmul.u32 $0xA0, v10;
	v6 =	vmin.u32 v6, $0x9F  }
0x8e: {  	[tilespmem:$0x310] =	vst v31;
	vm11 =	vgt.s32 v19, $0x0;
	v5 =	vmul.u32 $0x6400, v5;
	v47 =	vadd.s32 v2, v4  }
0x8f: {  	[tilespmem:$0xB60] =	vst v15;
	v4 =	vadd.s32 v4, v26;
	v15 =	vsub.f32 v51, v17;
	v17 =	vadd.s32 $0x1, v18  }
0x90: {  	[tilespmem:$0xB00] =	vst v12;
	v22 =	vmul.f32 v46, v14;
	v12 =	vadd.s32 v13, v47;
	v24 =	vadd.s32 v7, v47  }
0x91: {  	[tilespmem:$0x320] =	vst v8;
	v2 =	vadd.s32 v2, v10;
	v14 =	vmul.f32 v16, v14;
	v27 =	vmul.f32 v46, v41  }
0x92: {  	[tilespmem:$0x330] =	vst v21;
	v21 =	vadd.s32 v13, v4;
	v16 =	vmul.f32 v16, v41;
	v4 =	vadd.s32 v7, v4  }
0x93: {  	[tilespmem:$0xB10] =	vst v11;
	v10 =	vadd.s32 v26, v10;
	v11 =	vadd.s32 v13, v2;
	v2 =	vadd.s32 v7, v2  }
0x94: {  	[tilespmem:$0xB40] =	vst v39;
	v13 =	vadd.s32 v13, v10;
	v7 =	vadd.s32 v7, v10;
	v10 =	vcvt.s32.f32 v18  }
0x95: {  	[tilespmem:$0x350] =	vst v23;
	v6 =	vmul.u32 $0x6400, v6;
	v48 =	vmul.f32 v9, v22;
	v22 =	vmul.f32 v22, v3  }
0x96: {  	[tilespmem:$0xB70] =	vst v20;
	vm9 =	vgt.s32 v17, $0x0;
	v8 =	vmul.f32 v9, v14;
	v14 =	vmul.f32 v3, v14  }
0x97: {  	v18 =	vnsel vm8, $0x0, v18;
	[tilespmem:$0x380] =	vst v12;
	v52 =	vmul.f32 v9, v27;
	v27 =	vmul.f32 v27, v3  }
0x98: {  	v12 =	vnsel vm9, $0x0, v17;
	[tilespmem:$0x390] =	vst v24;
	v9 =	vmul.f32 v9, v16;
	v3 =	vmul.f32 v3, v16  }
0x99: {  	[tilespmem:$0x3C0] =	vst v21;
	v16 =	vsub.f32 v49, v56;
	v17 =	vmin.u32 v18, $0x9F;
	v12 =	vmin.u32 v12, $0x9F  }
0x9a: {  	v18 =	vnsel vm10, $0x0, v25;
	[tilespmem:$0x3A0] =	vst v11;
	v11 =	vnsel vm11, $0x0, v19;
	v19 =	vsub.f32 $1.000000000e+00, v15  }
0x9b: {  	[tilespmem:$0x3D0] =	vst v4;
	v10 =	vsub.f32 v50, v10;
	v17 =	vmul.u32 $0xA0, v17;
	v12 =	vmul.u32 $0xA0, v12  }
0x9c: {  	v60 =	vld [tilespmem:$0x160];
	v11 =	vmin.u32 v11, $0x9F;
	v20 =	vsub.f32 $1.000000000e+00, v16;
	[tilespmem:$0xBA0] =	vst v8;
	v8 =	vmin.u32 v18, $0x9F  }
0x9d: {  	[tilespmem:$0x3B0] =	vst v2;
	v23 =	vsub.f32 $1.000000000e+00, v10;
	v18 =	vadd.s32 v5, v17;
	v5 =	vadd.s32 v5, v12  }
0x9e: {  	[tilespmem:$0x3E0] =	vst v13;
	v17 =	vadd.s32 v17, v6;
	v6 =	vadd.s32 v6, v12;
	v12 =	vcvt.f32.s32 v62  }
0x9f: {  	[tilespmem:$0xB90] =	vst v22;
	v2 =	vadd.s32 v8, v18;
	v61 =	vadd.s32 v8, v17;
	v22 =	vmul.f32 v23, v20  }
0xa0: {  	[tilespmem:$0x3F0] =	vst v7;
	v7 =	vadd.s32 v8, v6;
	v20 =	vmul.f32 v10, v20;
	v21 =	vmul.f32 v23, v16  }
0xa1: {  	[tilespmem:$0xB80] =	vst v48;
	v23 =	vadd.s32 v8, v5;
	v10 =	vmul.f32 v10, v16;
	v8 =	vtrunc.f32 v60  }
0xa2: {  	[tilespmem:$0xBB0] =	vst v14;
	v14 =	vadd.s32 v11, v18;
	v16 =	vcvt.s32.f32 v12;
	v8 =	vcvt.f32.s32 v8  }
0xa3: {  	[tilespmem:$0xBE0] =	vst v9;
	v9 =	vadd.s32 v11, v17;
	v57 =	vmul.f32 v19, v22;
	v18 =	vmul.f32 v22, v15  }
0xa4: {  	[tilespmem:$0xBF0] =	vst v3;
	v3 =	vadd.s32 v11, v6;
	v22 =	vld [tilespmem:$0xE0];
	v59 =	vmul.f32 v19, v20;
	v4 =	vmul.f32 v15, v20  }
0xa5: {  	[tilespmem:$0xBC0] =	vst v52;
	v5 =	vadd.s32 v11, v5;
	v20 =	vmul.f32 v19, v21;
	v21 =	vmul.f32 v21, v15  }
0xa6: {  	[tilespmem:$0x400] =	vst v2;
	vm12 =	vgt.s32 v12, $0x0;
	v6 =	vmul.f32 v19, v10;
	v2 =	vmul.f32 v15, v10  }
0xa7: {  	[tilespmem:$0xBD0] =	vst v27;
	v10 =	vsub.f32 v58, v16;
	v16 =	vadd.s32 $0x1, v12;
	v12 =	vnsel vm12, $0x0, v12  }
0xa8: {  	[tilespmem:$0x410] =	vst v14;
	v15 =	vcvt.s32.f32 v8;
	vm13 =	vgt.s32 v16, $0x0;
	vm4 =	vgt.s32 v8, $0x0  }
0xa9: {  	v12 =	vmin.u32 v12, $0x9F;
	[tilespmem:$0xC30] =	vst v4;
	v4 =	vnsel vm4, $0x0, v8;
	v13 =	vtrunc.f32 v22  }
0xaa: {  	[tilespmem:$0x440] =	vst v61;
	v14 =	vsub.f32 v60, v15;
	v15 =	vnsel vm13, $0x0, v16;
	v13 =	vcvt.f32.s32 v13  }
0xab: {  	[tilespmem:$0x450] =	vst v9;
	v12 =	vmul.u32 $0x6400, v12;
	v4 =	vmin.u32 v4, $0x9F;
	v15 =	vmin.u32 v15, $0x9F  }
0xac: {  	[tilespmem:$0x460] =	vst v7;
	v9 =	vsub.f32 $1.000000000e+00, v14;
	v11 =	vcvt.s32.f32 v13;
	vm14 =	vgt.s32 v13, $0x0  }
0xad: {  	[tilespmem:$0x470] =	vst v3;
	v15 =	vmul.u32 $0x6400, v15;
	v16 =	vnsel vm14, $0x0, v13;
	v13 =	vadd.s32 $0x1, v13  }
0xae: {  	[tilespmem:$0x430] =	vst v5;
	v11 =	vsub.f32 v22, v11;
	v16 =	vmin.u32 v16, $0x9F;
	vm15 =	vgt.s32 v13, $0x0  }
0xaf: {  	[tilespmem:$0xC50] =	vst v21;
	v21 =	vld [tilespmem:$0x70];
	v5 =	vnsel vm15, $0x0, v13;
	v13 =	vadd.s32 $0x1, v8;
	v16 =	vmul.u32 $0xA0, v16  }
0xb0: {  	[tilespmem:$0x420] =	vst v23;
	v8 =	vsub.f32 $1.000000000e+00, v10;
	vm5 =	vgt.s32 v13, $0x0;
	v17 =	vsub.f32 $1.000000000e+00, v11  }
0xb1: {  	[tilespmem:$0xC10] =	vst v18;
	v5 =	vmin.u32 v5, $0x9F;
	v13 =	vnsel vm5, $0x0, v13;
	v18 =	vadd.s32 v12, v16  }
0xb2: {  	[tilespmem:$0xC00] =	vst v57;
	v5 =	vmul.u32 $0xA0, v5;
	v19 =	vmul.f32 v17, v8;
	v13 =	vmin.u32 v13, $0x9F  }
0xb3: {  	[tilespmem:$0xC40] =	vst v20;
	v20 =	vadd.s32 v4, v18;
	v8 =	vmul.f32 v11, v8;
	v17 =	vmul.f32 v17, v10  }
0xb4: {  	[tilespmem:$0xC20] =	vst v59;
	v10 =	vmul.f32 v11, v10;
	v11 =	vtrunc.f32 v21;
	v18 =	vadd.s32 v13, v18  }
0xb5: {  	[tilespmem:$0xC60] =	vst v6;
	v12 =	vadd.s32 v12, v5;
	v11 =	vcvt.f32.s32 v11;
	v7 =	vmul.f32 v9, v19  }
0xb6: {  	v23 =	vld [tilespmem:$0x170];
	[tilespmem:$0xC70] =	vst v2;
	v6 =	vmul.f32 v19, v14;
	v3 =	vadd.s32 v4, v12;
	v22 =	vmul.f32 v9, v8  }
0xb7: {  	[tilespmem:$0x480] =	vst v20;
	v19 =	vld [tilespmem:$0xF0];
	v2 =	vadd.s32 v13, v12;
	v8 =	vmul.f32 v14, v8;
	v12 =	vmul.f32 v9, v17  }
0xb8: {  	v16 =	vadd.s32 v16, v15;
	v17 =	vmul.f32 v17, v14;
	[tilespmem:$0x490] =	vst v18;
	v9 =	vmul.f32 v9, v10  }
0xb9: {  	v5 =	vadd.s32 v15, v5;
	v10 =	vmul.f32 v14, v10;
	v15 =	vcvt.s32.f32 v11;
	[tilespmem:$0x4A0] =	vst v3  }
0xba: {  	v3 =	vadd.s32 v4, v5;
	v5 =	vadd.s32 v13, v5;
	vm6 =	vgt.s32 v11, $0x0;
	[tilespmem:$0xC80] =	vst v7  }
0xbb: {  	v7 =	vadd.s32 v4, v16;
	v16 =	vadd.s32 v13, v16;
	[tilespmem:$0xC90] =	vst v6;
	v6 =	vtrunc.f32 v23  }
0xbc: {  	[tilespmem:$0xCB0] =	vst v8;
	v8 =	vnsel vm6, $0x0, v11;
	v6 =	vcvt.f32.s32 v6;
	v18 =	vtrunc.f32 v19  }
0xbd: {  	[tilespmem:$0x4B0] =	vst v2;
	v13 =	vsub.f32 v21, v15;
	v8 =	vmin.u32 v8, $0x9F;
	v4 =	vcvt.f32.s32 v18  }
0xbe: {  	[tilespmem:$0xCA0] =	vst v22;
	v8 =	vmul.u32 $0x6400, v8;
	v14 =	vcvt.s32.f32 v6;
	vm9 =	vgt.s32 v6, $0x0  }
0xbf: {  	[tilespmem:$0x4E0] =	vst v3;
	v3 =	vnsel vm9, $0x0, v6;
	v6 =	vadd.s32 $0x1, v6;
	v2 =	vcvt.s32.f32 v4  }
0xc0: {  	[tilespmem:$0x4C0] =	vst v7;
	v7 =	vsub.f32 v23, v14;
	v14 =	vsub.f32 $1.000000000e+00, v13;
	vm7 =	vgt.s32 v4, $0x0  }
0xc1: {  	[tilespmem:$0xCC0] =	vst v12;
	v15 =	vadd.s32 $0x1, v4;
	v4 =	vnsel vm7, $0x0, v4;
	v2 =	vsub.f32 v19, v2  }
0xc2: {  	[tilespmem:$0xCD0] =	vst v17;
	vm10 =	vgt.s32 v6, $0x0;
	vm8 =	vgt.s32 v15, $0x0;
	v4 =	vmin.u32 v4, $0x9F  }
0xc3: {  	[tilespmem:$0xCE0] =	vst v9;
	v12 =	vnsel vm8, $0x0, v15;
	v4 =	vmul.u32 $0xA0, v4;
	v15 =	vsub.f32 $1.000000000e+00, v2  }
0xc4: {  	v11 =	vadd.s32 $0x1, v11;
	[tilespmem:$0x4F0] =	vst v5;
	v3 =	vmin.u32 v3, $0x9F;
	v6 =	vnsel vm10, $0x0, v6  }
0xc5: {  	[tilespmem:$0x4D0] =	vst v16;
	v9 =	vsub.f32 $1.000000000e+00, v7;
	v5 =	vadd.s32 v8, v4;
	v16 =	vmul.f32 v15, v14  }
0xc6: {  	[tilespmem:$0xCF0] =	vst v10;
	v6 =	vmin.u32 v6, $0x9F;
	v12 =	vmin.u32 v12, $0x9F;
	v10 =	vadd.s32 v3, v5  }
0xc7: {  	v5 =	vadd.s32 v6, v5;
	[tilespmem:$0x500] =	vst v10;
	v10 =	vmul.u32 $0xA0, v12;
	v17 =	vmul.f32 v9, v16  }
0xc8: {  	vm11 =	vgt.s32 v11, $0x0;
	[tilespmem:$0x510] =	vst v5;
	v12 =	vmul.f32 v16, v7  }
0xc9: {  	v11 =	vnsel vm11, $0x0, v11;
	v14 =	vmul.f32 v2, v14;
	v5 =	vadd.s32 v8, v10;
	[tilespmem:$0xD00] =	vst v17  }
0xca: {  	v8 =	vmin.u32 v11, $0x9F;
	[tilespmem:$0xD10] =	vst v12;
	v11 =	vadd.s32 v3, v5  }
0xcb: {  	v12 =	vmul.f32 v9, v14;
	v8 =	vmul.u32 $0x6400, v8;
	v5 =	vadd.s32 v6, v5;
	[tilespmem:$0x520] =	vst v11  }
0xcc: {  	v11 =	vmul.f32 v7, v14;
	[tilespmem:$0x530] =	vst v5  }
0xcd: {  	[tilespmem:$0xD20] =	vst v12;
	v12 =	vmul.f32 v15, v13;
	v4 =	vadd.s32 v4, v8  }
0xce: {  	[tilespmem:$0xD30] =	vst v11;
	v5 =	vadd.s32 v3, v4  }
0xcf: {  	v4 =	vadd.s32 v6, v4;
	v11 =	vmul.f32 v9, v12;
	[tilespmem:$0x540] =	vst v5  }
0xd0: {  	v5 =	vmul.f32 v12, v7;
	[tilespmem:$0x550] =	vst v4  }
0xd1: {  	v2 =	vmul.f32 v2, v13;
	v4 =	vadd.s32 v8, v10;
	[tilespmem:$0xD40] =	vst v11  }
0xd2: {  	v3 =	vadd.s32 v3, v4;
	[tilespmem:$0xD50] =	vst v5  }
0xd3: {  	v5 =	vmul.f32 v9, v2;
	[tilespmem:$0x560] =	vst v3;
	v3 =	vadd.s32 v6, v4  }
0xd4: {  	v2 =	vmul.f32 v7, v2;
	[tilespmem:$0x570] =	vst v3  }
0xd5: {  	[tilespmem:$0xD60] =	vst v5  }
0xd6: {  	s16 =	simm.s32 $0x180;
	s17 =	simm.s32 $0x580;
	[tilespmem:$0xD70] =	vst v2  }
0xd7: {  	[tilespmem:s17], [sflag:$0x1] =	stream.indirect.gather [hbm4b:s7+s13], $0x1, s16, s13, $0xb8;
	[tilespmem:$0x13200] =	vst v63  }
0xd8: {  	s16 =	simm.s32 $0x200;
	s17 =	simm.s32 $0x600  }
0xd9: {  	[tilespmem:s17], [sflag:$0x1] =	stream.indirect.gather [hbm4b:s7+s13], $0x1, s16, s13, $0xb8;
	[tilespmem:$0x13200] =	vst v63  }
0xda: {  	s16 =	simm.s32 $0x280;
	s17 =	simm.s32 $0x680  }
0xdb: {  	[tilespmem:s17], [sflag:$0x1] =	stream.indirect.gather [hbm4b:s7+s13], $0x1, s16, s13, $0xb8;
	[tilespmem:$0x13200] =	vst v63  }
0xdc: {  	s16 =	simm.s32 $0x300;
	s17 =	simm.s32 $0x700  }
0xdd: {  	[tilespmem:s17], [sflag:$0x1] =	stream.indirect.gather [hbm4b:s7+s13], $0x1, s16, s13, $0xb8;
	[tilespmem:$0x13200] =	vst v63  }
0xde: {  	s16 =	simm.s32 $0x380;
	s17 =	simm.s32 $0x780  }
0xdf: {  	[tilespmem:s17], [sflag:$0x1] =	stream.indirect.gather [hbm4b:s7+s13], $0x1, s16, s13, $0xb8;
	[tilespmem:$0x13200] =	vst v63  }
0xe0: {  	s16 =	simm.s32 $0x400;
	s17 =	simm.s32 $0x800  }
0xe1: {  	[tilespmem:s17], [sflag:$0x1] =	stream.indirect.gather [hbm4b:s7+s13], $0x1, s16, s13, $0xb8;
	[tilespmem:$0x13200] =	vst v63  }
0xe2: {  	s16 =	simm.s32 $0x480;
	s17 =	simm.s32 $0x880  }
0xe3: {  	[tilespmem:s17], [sflag:$0x1] =	stream.indirect.gather [hbm4b:s7+s13], $0x1, s16, s13, $0xb8;
	[tilespmem:$0x13200] =	vst v63  }
0xe4: {  	s16 =	simm.s32 $0x500;
	s17 =	simm.s32 $0x900  }
0xe5: {  	[tilespmem:s17], [sflag:$0x1] =	stream.indirect.gather [hbm4b:s7+s13], $0x1, s16, s13, $0xb8;
	[tilespmem:$0x13200] =	vst v63  }
0xe6: {  	_ =	swait.ge [sflag:s0], $0x80  }
0xe7: {  	[sflag:s0] =	ssyncset.done $0x0  }
0xe8: {  	[sflag:s0] =	ssyncadd.s32 $0xFFFFFF80  }
0xe9: {  	_ =	swait.ge [sflag:s0], $0x80  }
0xea: {  	[sflag:s0] =	ssyncset.done $0x0  }
0xeb: {  	[sflag:s0] =	ssyncadd.s32 $0xFFFFFF80  }
0xec: {  	_ =	swait.ge [sflag:s0], $0x80  }
0xed: {  	[sflag:s0] =	ssyncset.done $0x0  }
0xee: {  	[sflag:s0] =	ssyncadd.s32 $0xFFFFFF80  }
0xef: {  	_ =	swait.ge [sflag:s0], $0x80  }
0xf0: {  	[sflag:s0] =	ssyncset.done $0x0  }
0xf1: {  	[sflag:s0] =	ssyncadd.s32 $0xFFFFFF80  }
0xf2: {  	_ =	swait.ge [sflag:s0], $0x80  }
0xf3: {  	[sflag:s0] =	ssyncset.done $0x0  }
0xf4: {  	[sflag:s0] =	ssyncadd.s32 $0xFFFFFF80  }
0xf5: {  	_ =	swait.ge [sflag:s0], $0x80  }
0xf6: {  	[sflag:s0] =	ssyncset.done $0x0  }
0xf7: {  	[sflag:s0] =	ssyncadd.s32 $0xFFFFFF80  }
0xf8: {  	_ =	swait.ge [sflag:s0], $0x80  }
0xf9: {  	[sflag:s0] =	ssyncset.done $0x0  }
0xfa: {  	[sflag:s0] =	ssyncadd.s32 $0xFFFFFF80  }
0xfb: {  	_ =	swait.ge [sflag:s0], $0x80  }
0xfc: {  	[sflag:s0] =	ssyncset.done $0x0  }
0xfd: {  	[sflag:s0] =	ssyncadd.s32 $0xFFFFFF80  }
0xfe: {  	v2 =	vld [tilespmem:$0x580]  }
0xff: {  	v3 =	vld [tilespmem:$0x980]  }
0x100: {  	v4 =	vld [tilespmem:$0x590]  }
0x101: {  	v5 =	vld [tilespmem:$0x990]  }
0x102: {  	v6 =	vld [tilespmem:$0x5A0]  }
0x103: {  	v7 =	vld [tilespmem:$0x9A0]  }
0x104: {  	v8 =	vld [tilespmem:$0x5B0]  }
0x105: {  	v9 =	vld [tilespmem:$0x9B0];
	vm12 =	vgt.s32 v2, $0xFFFFFFFF  }
0x106: {  	v10 =	vld [tilespmem:$0x5C0];
	vm13 =	vgt.s32 v2, $0x0;
	v3 =	vnsel vm12, $0x0, v3  }
0x107: {  	v11 =	vld [tilespmem:$0x9C0];
	vm14 =	vgt.s32 v4, $0xFFFFFFFF;
	[tilespmem:$0x980] =	vst v3;
	v3 =	vnsel vm13, $0x0, v2  }
0x108: {  	v12 =	vld [tilespmem:$0x5F0];
	vm15 =	vgt.s32 v4, $0x0;
	[tilespmem:$0xD80] =	vst v3;
	v3 =	vnsel vm14, $0x0, v5  }
0x109: {  	vm4 =	vgt.s32 v6, $0xFFFFFFFF;
	v5 =	vld [tilespmem:$0x5E0];
	[tilespmem:$0x990] =	vst v3;
	v3 =	vnsel vm15, $0x0, v4  }
0x10a: {  	vm5 =	vgt.s32 v6, $0x0;
	[tilespmem:$0xD90] =	vst v3;
	v3 =	vnsel vm4, $0x0, v7;
	v7 =	vld [tilespmem:$0x5D0]  }
0x10b: {  	v13 =	vld [tilespmem:$0x9D0];
	vm6 =	vgt.s32 v8, $0xFFFFFFFF;
	[tilespmem:$0x9A0] =	vst v3;
	v3 =	vnsel vm5, $0x0, v6  }
0x10c: {  	vm7 =	vgt.s32 v8, $0x0;
	[tilespmem:$0xDA0] =	vst v3;
	v3 =	vnsel vm6, $0x0, v9  }
0x10d: {  	vm8 =	vgt.s32 v10, $0xFFFFFFFF;
	v9 =	vld [tilespmem:$0x9E0];
	[tilespmem:$0x9B0] =	vst v3;
	v3 =	vnsel vm7, $0x0, v8  }
0x10e: {  	v14 =	vld [tilespmem:$0x9F0];
	vm9 =	vgt.s32 v10, $0x0;
	[tilespmem:$0xDB0] =	vst v3;
	v3 =	vnsel vm8, $0x0, v11;
	v11 =	vand.u32 v5, v12  }
0x10f: {  	v15 =	vld [tilespmem:$0x600];
	[tilespmem:$0x9C0] =	vst v3;
	v3 =	vnsel vm9, $0x0, v10;
	vm10 =	vgt.s32 v7, $0xFFFFFFFF;
	v11 =	vand.u32 v7, v11  }
0x110: {  	vm11 =	vgt.s32 v7, $0x0;
	[tilespmem:$0xDC0] =	vst v3;
	v3 =	vnsel vm10, $0x0, v13;
	v10 =	vand.u32 v10, v11;
	v11 =	vld [tilespmem:$0xA00]  }
0x111: {  	vm12 =	vgt.s32 v5, $0xFFFFFFFF;
	[tilespmem:$0x9D0] =	vst v3;
	v3 =	vnsel vm11, $0x0, v7;
	v7 =	vand.u32 v8, v10;
	v8 =	vld [tilespmem:$0x610]  }
0x112: {  	vm13 =	vgt.s32 v5, $0x0;
	v10 =	vld [tilespmem:$0xA40];
	[tilespmem:$0xDD0] =	vst v3;
	v3 =	vnsel vm12, $0x0, v9;
	v6 =	vand.u32 v6, v7  }
0x113: {  	vm14 =	vgt.s32 v12, $0xFFFFFFFF;
	v7 =	vld [tilespmem:$0xA10];
	[tilespmem:$0x9E0] =	vst v3;
	v3 =	vnsel vm13, $0x0, v5;
	v4 =	vand.u32 v4, v6  }
0x114: {  	vm15 =	vgt.s32 v12, $0x0;
	v9 =	vld [tilespmem:$0x640];
	[tilespmem:$0xDE0] =	vst v3;
	v3 =	vnsel vm14, $0x0, v14;
	v2 =	vand.u32 v2, v4  }
0x115: {  	v5 =	vld [tilespmem:$0x620];
	[tilespmem:$0x9F0] =	vst v3;
	v3 =	vnsel vm15, $0x0, v12;
	vm4 =	vgt.s32 v2, $0xFFFFFFFF  }
0x116: {  	vm5 =	vgt.s32 v15, $0xFFFFFFFF;
	v4 =	vld [tilespmem:$0xA20];
	[tilespmem:$0xDF0] =	vst v3;
	v3 =	vsel vm4, $0x1, v0  }
0x117: {  	vm6 =	vgt.s32 v15, $0x0;
	v2 =	vld [tilespmem:$0x630];
	[tilespmem:$0x13180] =	vst v3;
	v3 =	vnsel vm5, $0x0, v11  }
0x118: {  	v6 =	vld [tilespmem:$0xA30];
	vm7 =	vgt.s32 v8, $0xFFFFFFFF;
	[tilespmem:$0xA00] =	vst v3;
	v3 =	vnsel vm6, $0x0, v15  }
0x119: {  	vm8 =	vgt.s32 v8, $0x0;
	v11 =	vld [tilespmem:$0x670];
	[tilespmem:$0xE00] =	vst v3;
	v3 =	vnsel vm7, $0x0, v7  }
0x11a: {  	vm9 =	vgt.s32 v5, $0xFFFFFFFF;
	v7 =	vld [tilespmem:$0x660];
	[tilespmem:$0xA10] =	vst v3;
	v3 =	vnsel vm8, $0x0, v8  }
0x11b: {  	vm10 =	vgt.s32 v5, $0x0;
	[tilespmem:$0xE10] =	vst v3;
	v3 =	vnsel vm9, $0x0, v4;
	v4 =	vld [tilespmem:$0x650]  }
0x11c: {  	v12 =	vld [tilespmem:$0xA50];
	vm11 =	vgt.s32 v2, $0xFFFFFFFF;
	[tilespmem:$0xA20] =	vst v3;
	v3 =	vnsel vm10, $0x0, v5  }
0x11d: {  	vm12 =	vgt.s32 v2, $0x0;
	[tilespmem:$0xE20] =	vst v3;
	v3 =	vnsel vm11, $0x0, v6  }
0x11e: {  	vm13 =	vgt.s32 v9, $0xFFFFFFFF;
	v6 =	vld [tilespmem:$0xA60];
	[tilespmem:$0xA30] =	vst v3;
	v3 =	vnsel vm12, $0x0, v2  }
0x11f: {  	v13 =	vld [tilespmem:$0xA70];
	vm14 =	vgt.s32 v9, $0x0;
	[tilespmem:$0xE30] =	vst v3;
	v3 =	vnsel vm13, $0x0, v10;
	v10 =	vand.u32 v7, v11  }
0x120: {  	v14 =	vld [tilespmem:$0x680];
	[tilespmem:$0xA40] =	vst v3;
	v3 =	vnsel vm14, $0x0, v9;
	vm15 =	vgt.s32 v4, $0xFFFFFFFF;
	v10 =	vand.u32 v4, v10  }
0x121: {  	vm4 =	vgt.s32 v4, $0x0;
	[tilespmem:$0xE40] =	vst v3;
	v3 =	vnsel vm15, $0x0, v12;
	v9 =	vand.u32 v9, v10;
	v10 =	vld [tilespmem:$0xA80]  }
0x122: {  	vm5 =	vgt.s32 v7, $0xFFFFFFFF;
	[tilespmem:$0xA50] =	vst v3;
	v3 =	vnsel vm4, $0x0, v4;
	v2 =	vand.u32 v2, v9;
	v4 =	vld [tilespmem:$0x690]  }
0x123: {  	vm6 =	vgt.s32 v7, $0x0;
	v9 =	vld [tilespmem:$0x6C0];
	[tilespmem:$0xE50] =	vst v3;
	v3 =	vnsel vm5, $0x0, v6;
	v2 =	vand.u32 v5, v2  }
0x124: {  	vm7 =	vgt.s32 v11, $0xFFFFFFFF;
	v5 =	vld [tilespmem:$0xA90];
	[tilespmem:$0xA60] =	vst v3;
	v3 =	vnsel vm6, $0x0, v7;
	v2 =	vand.u32 v8, v2  }
0x125: {  	vm8 =	vgt.s32 v11, $0x0;
	v6 =	vld [tilespmem:$0x6A0];
	[tilespmem:$0xE60] =	vst v3;
	v3 =	vnsel vm7, $0x0, v13;
	v2 =	vand.u32 v15, v2  }
0x126: {  	v7 =	vld [tilespmem:$0xAA0];
	[tilespmem:$0xA70] =	vst v3;
	v3 =	vnsel vm8, $0x0, v11;
	vm9 =	vgt.s32 v2, $0xFFFFFFFF  }
0x127: {  	vm10 =	vgt.s32 v14, $0xFFFFFFFF;
	v8 =	vld [tilespmem:$0xAB0];
	[tilespmem:$0xE70] =	vst v3;
	v3 =	vsel vm9, $0x1, v0  }
0x128: {  	vm11 =	vgt.s32 v14, $0x0;
	v2 =	vld [tilespmem:$0x6B0];
	[tilespmem:$0x13190] =	vst v3;
	v3 =	vnsel vm10, $0x0, v10  }
0x129: {  	v11 =	vld [tilespmem:$0x6F0];
	vm12 =	vgt.s32 v4, $0xFFFFFFFF;
	[tilespmem:$0xA80] =	vst v3;
	v3 =	vnsel vm11, $0x0, v14  }
0x12a: {  	vm13 =	vgt.s32 v4, $0x0;
	v10 =	vld [tilespmem:$0xAC0];
	[tilespmem:$0xE80] =	vst v3;
	v3 =	vnsel vm12, $0x0, v5  }
0x12b: {  	vm14 =	vgt.s32 v6, $0xFFFFFFFF;
	v5 =	vld [tilespmem:$0x6E0];
	[tilespmem:$0xA90] =	vst v3;
	v3 =	vnsel vm13, $0x0, v4  }
0x12c: {  	vm15 =	vgt.s32 v6, $0x0;
	[tilespmem:$0xE90] =	vst v3;
	v3 =	vnsel vm14, $0x0, v7;
	v7 =	vld [tilespmem:$0x6D0]  }
0x12d: {  	v12 =	vld [tilespmem:$0xAD0];
	vm4 =	vgt.s32 v2, $0xFFFFFFFF;
	[tilespmem:$0xAA0] =	vst v3;
	v3 =	vnsel vm15, $0x0, v6  }
0x12e: {  	vm5 =	vgt.s32 v2, $0x0;
	[tilespmem:$0xEA0] =	vst v3;
	v3 =	vnsel vm4, $0x0, v8  }
0x12f: {  	vm6 =	vgt.s32 v9, $0xFFFFFFFF;
	v8 =	vld [tilespmem:$0xAE0];
	[tilespmem:$0xAB0] =	vst v3;
	v3 =	vnsel vm5, $0x0, v2  }
0x130: {  	v13 =	vld [tilespmem:$0xAF0];
	vm7 =	vgt.s32 v9, $0x0;
	[tilespmem:$0xEB0] =	vst v3;
	v3 =	vnsel vm6, $0x0, v10;
	v10 =	vand.u32 v5, v11  }
0x131: {  	v15 =	vld [tilespmem:$0x700];
	[tilespmem:$0xAC0] =	vst v3;
	v3 =	vnsel vm7, $0x0, v9;
	vm8 =	vgt.s32 v7, $0xFFFFFFFF;
	v10 =	vand.u32 v7, v10  }
0x132: {  	vm9 =	vgt.s32 v7, $0x0;
	[tilespmem:$0xEC0] =	vst v3;
	v3 =	vnsel vm8, $0x0, v12;
	v9 =	vand.u32 v9, v10;
	v10 =	vld [tilespmem:$0xB00]  }
0x133: {  	vm10 =	vgt.s32 v5, $0xFFFFFFFF;
	[tilespmem:$0xAD0] =	vst v3;
	v3 =	vnsel vm9, $0x0, v7;
	v2 =	vand.u32 v2, v9;
	v7 =	vld [tilespmem:$0x710]  }
0x134: {  	vm11 =	vgt.s32 v5, $0x0;
	v9 =	vld [tilespmem:$0x740];
	[tilespmem:$0xED0] =	vst v3;
	v3 =	vnsel vm10, $0x0, v8;
	v2 =	vand.u32 v6, v2  }
0x135: {  	vm12 =	vgt.s32 v11, $0xFFFFFFFF;
	v6 =	vld [tilespmem:$0xB10];
	[tilespmem:$0xAE0] =	vst v3;
	v3 =	vnsel vm11, $0x0, v5;
	v2 =	vand.u32 v4, v2  }
0x136: {  	vm13 =	vgt.s32 v11, $0x0;
	v8 =	vld [tilespmem:$0xB30];
	[tilespmem:$0xEE0] =	vst v3;
	v3 =	vnsel vm12, $0x0, v13;
	v2 =	vand.u32 v14, v2  }
0x137: {  	v4 =	vld [tilespmem:$0x720];
	[tilespmem:$0xAF0] =	vst v3;
	v3 =	vnsel vm13, $0x0, v11;
	vm14 =	vgt.s32 v2, $0xFFFFFFFF  }
0x138: {  	vm15 =	vgt.s32 v15, $0xFFFFFFFF;
	v5 =	vld [tilespmem:$0xB20];
	[tilespmem:$0xEF0] =	vst v3;
	v3 =	vsel vm14, $0x1, v0  }
0x139: {  	vm4 =	vgt.s32 v15, $0x0;
	v2 =	vld [tilespmem:$0x730];
	[tilespmem:$0x131A0] =	vst v3;
	v3 =	vnsel vm15, $0x0, v10  }
0x13a: {  	v11 =	vld [tilespmem:$0x770];
	vm5 =	vgt.s32 v7, $0xFFFFFFFF;
	[tilespmem:$0xB00] =	vst v3;
	v3 =	vnsel vm4, $0x0, v15  }
0x13b: {  	vm6 =	vgt.s32 v7, $0x0;
	v10 =	vld [tilespmem:$0xB40];
	[tilespmem:$0xF00] =	vst v3;
	v3 =	vnsel vm5, $0x0, v6  }
0x13c: {  	vm7 =	vgt.s32 v4, $0xFFFFFFFF;
	v6 =	vld [tilespmem:$0x760];
	[tilespmem:$0xB10] =	vst v3;
	v3 =	vnsel vm6, $0x0, v7  }
0x13d: {  	vm8 =	vgt.s32 v4, $0x0;
	[tilespmem:$0xF10] =	vst v3;
	v3 =	vnsel vm7, $0x0, v5;
	v5 =	vld [tilespmem:$0x750]  }
0x13e: {  	v12 =	vld [tilespmem:$0xB50];
	vm9 =	vgt.s32 v2, $0xFFFFFFFF;
	[tilespmem:$0xB20] =	vst v3;
	v3 =	vnsel vm8, $0x0, v4  }
0x13f: {  	vm10 =	vgt.s32 v2, $0x0;
	[tilespmem:$0xF20] =	vst v3;
	v3 =	vnsel vm9, $0x0, v8  }
0x140: {  	vm11 =	vgt.s32 v9, $0xFFFFFFFF;
	v8 =	vld [tilespmem:$0xB60];
	[tilespmem:$0xB30] =	vst v3;
	v3 =	vnsel vm10, $0x0, v2  }
0x141: {  	v13 =	vld [tilespmem:$0xB70];
	vm12 =	vgt.s32 v9, $0x0;
	[tilespmem:$0xF30] =	vst v3;
	v3 =	vnsel vm11, $0x0, v10;
	v10 =	vand.u32 v6, v11  }
0x142: {  	v14 =	vld [tilespmem:$0x780];
	[tilespmem:$0xB40] =	vst v3;
	v3 =	vnsel vm12, $0x0, v9;
	vm13 =	vgt.s32 v5, $0xFFFFFFFF;
	v10 =	vand.u32 v5, v10  }
0x143: {  	vm14 =	vgt.s32 v5, $0x0;
	[tilespmem:$0xF40] =	vst v3;
	v3 =	vnsel vm13, $0x0, v12;
	v9 =	vand.u32 v9, v10;
	v10 =	vld [tilespmem:$0xB80]  }
0x144: {  	vm15 =	vgt.s32 v6, $0xFFFFFFFF;
	[tilespmem:$0xB50] =	vst v3;
	v3 =	vnsel vm14, $0x0, v5;
	v2 =	vand.u32 v2, v9;
	v5 =	vld [tilespmem:$0x790]  }
0x145: {  	vm4 =	vgt.s32 v6, $0x0;
	v9 =	vld [tilespmem:$0x7C0];
	[tilespmem:$0xF50] =	vst v3;
	v3 =	vnsel vm15, $0x0, v8;
	v2 =	vand.u32 v4, v2  }
0x146: {  	vm5 =	vgt.s32 v11, $0xFFFFFFFF;
	v4 =	vld [tilespmem:$0xB90];
	[tilespmem:$0xB60] =	vst v3;
	v3 =	vnsel vm4, $0x0, v6;
	v2 =	vand.u32 v7, v2  }
0x147: {  	vm6 =	vgt.s32 v11, $0x0;
	v8 =	vld [tilespmem:$0xBB0];
	[tilespmem:$0xF60] =	vst v3;
	v3 =	vnsel vm5, $0x0, v13;
	v2 =	vand.u32 v15, v2  }
0x148: {  	v6 =	vld [tilespmem:$0x7A0];
	[tilespmem:$0xB70] =	vst v3;
	v3 =	vnsel vm6, $0x0, v11;
	vm7 =	vgt.s32 v2, $0xFFFFFFFF  }
0x149: {  	vm8 =	vgt.s32 v14, $0xFFFFFFFF;
	v7 =	vld [tilespmem:$0xBA0];
	[tilespmem:$0xF70] =	vst v3;
	v3 =	vsel vm7, $0x1, v0  }
0x14a: {  	vm9 =	vgt.s32 v14, $0x0;
	v2 =	vld [tilespmem:$0x7B0];
	[tilespmem:$0x131B0] =	vst v3;
	v3 =	vnsel vm8, $0x0, v10  }
0x14b: {  	v11 =	vld [tilespmem:$0x7F0];
	vm10 =	vgt.s32 v5, $0xFFFFFFFF;
	[tilespmem:$0xB80] =	vst v3;
	v3 =	vnsel vm9, $0x0, v14  }
0x14c: {  	vm11 =	vgt.s32 v5, $0x0;
	v10 =	vld [tilespmem:$0xBC0];
	[tilespmem:$0xF80] =	vst v3;
	v3 =	vnsel vm10, $0x0, v4  }
0x14d: {  	vm12 =	vgt.s32 v6, $0xFFFFFFFF;
	v4 =	vld [tilespmem:$0x7E0];
	[tilespmem:$0xB90] =	vst v3;
	v3 =	vnsel vm11, $0x0, v5  }
0x14e: {  	vm13 =	vgt.s32 v6, $0x0;
	[tilespmem:$0xF90] =	vst v3;
	v3 =	vnsel vm12, $0x0, v7;
	v7 =	vld [tilespmem:$0x7D0]  }
0x14f: {  	v12 =	vld [tilespmem:$0xBD0];
	vm14 =	vgt.s32 v2, $0xFFFFFFFF;
	[tilespmem:$0xBA0] =	vst v3;
	v3 =	vnsel vm13, $0x0, v6  }
0x150: {  	vm15 =	vgt.s32 v2, $0x0;
	[tilespmem:$0xFA0] =	vst v3;
	v3 =	vnsel vm14, $0x0, v8  }
0x151: {  	vm4 =	vgt.s32 v9, $0xFFFFFFFF;
	v8 =	vld [tilespmem:$0xBE0];
	[tilespmem:$0xBB0] =	vst v3;
	v3 =	vnsel vm15, $0x0, v2  }
0x152: {  	v13 =	vld [tilespmem:$0xBF0];
	vm5 =	vgt.s32 v9, $0x0;
	[tilespmem:$0xFB0] =	vst v3;
	v3 =	vnsel vm4, $0x0, v10;
	v10 =	vand.u32 v4, v11  }
0x153: {  	v15 =	vld [tilespmem:$0x800];
	[tilespmem:$0xBC0] =	vst v3;
	v3 =	vnsel vm5, $0x0, v9;
	vm6 =	vgt.s32 v7, $0xFFFFFFFF;
	v10 =	vand.u32 v7, v10  }
0x154: {  	vm7 =	vgt.s32 v7, $0x0;
	[tilespmem:$0xFC0] =	vst v3;
	v3 =	vnsel vm6, $0x0, v12;
	v9 =	vand.u32 v9, v10;
	v10 =	vld [tilespmem:$0xC00]  }
0x155: {  	vm8 =	vgt.s32 v4, $0xFFFFFFFF;
	[tilespmem:$0xBD0] =	vst v3;
	v3 =	vnsel vm7, $0x0, v7;
	v2 =	vand.u32 v2, v9;
	v7 =	vld [tilespmem:$0x810]  }
0x156: {  	vm9 =	vgt.s32 v4, $0x0;
	v9 =	vld [tilespmem:$0x840];
	[tilespmem:$0xFD0] =	vst v3;
	v3 =	vnsel vm8, $0x0, v8;
	v2 =	vand.u32 v6, v2  }
0x157: {  	vm10 =	vgt.s32 v11, $0xFFFFFFFF;
	v6 =	vld [tilespmem:$0xC10];
	[tilespmem:$0xBE0] =	vst v3;
	v3 =	vnsel vm9, $0x0, v4;
	v2 =	vand.u32 v5, v2  }
0x158: {  	vm11 =	vgt.s32 v11, $0x0;
	v8 =	vld [tilespmem:$0xC30];
	[tilespmem:$0xFE0] =	vst v3;
	v3 =	vnsel vm10, $0x0, v13;
	v2 =	vand.u32 v14, v2  }
0x159: {  	v4 =	vld [tilespmem:$0x820];
	[tilespmem:$0xBF0] =	vst v3;
	v3 =	vnsel vm11, $0x0, v11;
	vm12 =	vgt.s32 v2, $0xFFFFFFFF  }
0x15a: {  	vm13 =	vgt.s32 v15, $0xFFFFFFFF;
	v5 =	vld [tilespmem:$0xC20];
	[tilespmem:$0xFF0] =	vst v3;
	v3 =	vsel vm12, $0x1, v0  }
0x15b: {  	vm14 =	vgt.s32 v15, $0x0;
	v2 =	vld [tilespmem:$0x830];
	[tilespmem:$0x131C0] =	vst v3;
	v3 =	vnsel vm13, $0x0, v10  }
0x15c: {  	v11 =	vld [tilespmem:$0x870];
	vm15 =	vgt.s32 v7, $0xFFFFFFFF;
	[tilespmem:$0xC00] =	vst v3;
	v3 =	vnsel vm14, $0x0, v15  }
0x15d: {  	vm4 =	vgt.s32 v7, $0x0;
	v10 =	vld [tilespmem:$0xC40];
	[tilespmem:$0x1000] =	vst v3;
	v3 =	vnsel vm15, $0x0, v6  }
0x15e: {  	vm5 =	vgt.s32 v4, $0xFFFFFFFF;
	v6 =	vld [tilespmem:$0x860];
	[tilespmem:$0xC10] =	vst v3;
	v3 =	vnsel vm4, $0x0, v7  }
0x15f: {  	vm6 =	vgt.s32 v4, $0x0;
	[tilespmem:$0x1010] =	vst v3;
	v3 =	vnsel vm5, $0x0, v5;
	v5 =	vld [tilespmem:$0x850]  }
0x160: {  	v12 =	vld [tilespmem:$0xC50];
	vm7 =	vgt.s32 v2, $0xFFFFFFFF;
	[tilespmem:$0xC20] =	vst v3;
	v3 =	vnsel vm6, $0x0, v4  }
0x161: {  	vm8 =	vgt.s32 v2, $0x0;
	[tilespmem:$0x1020] =	vst v3;
	v3 =	vnsel vm7, $0x0, v8  }
0x162: {  	vm9 =	vgt.s32 v9, $0xFFFFFFFF;
	v8 =	vld [tilespmem:$0xC60];
	[tilespmem:$0xC30] =	vst v3;
	v3 =	vnsel vm8, $0x0, v2  }
0x163: {  	v13 =	vld [tilespmem:$0xC70];
	vm10 =	vgt.s32 v9, $0x0;
	[tilespmem:$0x1030] =	vst v3;
	v3 =	vnsel vm9, $0x0, v10;
	v10 =	vand.u32 v6, v11  }
0x164: {  	v14 =	vld [tilespmem:$0x880];
	[tilespmem:$0xC40] =	vst v3;
	v3 =	vnsel vm10, $0x0, v9;
	vm11 =	vgt.s32 v5, $0xFFFFFFFF;
	v10 =	vand.u32 v5, v10  }
0x165: {  	vm12 =	vgt.s32 v5, $0x0;
	[tilespmem:$0x1040] =	vst v3;
	v3 =	vnsel vm11, $0x0, v12;
	v9 =	vand.u32 v9, v10;
	v10 =	vld [tilespmem:$0xC80]  }
0x166: {  	vm13 =	vgt.s32 v6, $0xFFFFFFFF;
	[tilespmem:$0xC50] =	vst v3;
	v3 =	vnsel vm12, $0x0, v5;
	v2 =	vand.u32 v2, v9;
	v5 =	vld [tilespmem:$0x890]  }
0x167: {  	vm14 =	vgt.s32 v6, $0x0;
	v9 =	vld [tilespmem:$0x8C0];
	[tilespmem:$0x1050] =	vst v3;
	v3 =	vnsel vm13, $0x0, v8;
	v2 =	vand.u32 v4, v2  }
0x168: {  	vm15 =	vgt.s32 v11, $0xFFFFFFFF;
	v4 =	vld [tilespmem:$0xC90];
	[tilespmem:$0xC60] =	vst v3;
	v3 =	vnsel vm14, $0x0, v6;
	v2 =	vand.u32 v7, v2  }
0x169: {  	vm4 =	vgt.s32 v11, $0x0;
	v8 =	vld [tilespmem:$0xCB0];
	[tilespmem:$0x1060] =	vst v3;
	v3 =	vnsel vm15, $0x0, v13;
	v2 =	vand.u32 v15, v2  }
0x16a: {  	v6 =	vld [tilespmem:$0x8A0];
	[tilespmem:$0xC70] =	vst v3;
	v3 =	vnsel vm4, $0x0, v11;
	vm5 =	vgt.s32 v2, $0xFFFFFFFF  }
0x16b: {  	vm6 =	vgt.s32 v14, $0xFFFFFFFF;
	v7 =	vld [tilespmem:$0xCA0];
	[tilespmem:$0x1070] =	vst v3;
	v3 =	vsel vm5, $0x1, v0  }
0x16c: {  	vm7 =	vgt.s32 v14, $0x0;
	v2 =	vld [tilespmem:$0x8B0];
	[tilespmem:$0x131D0] =	vst v3;
	v3 =	vnsel vm6, $0x0, v10  }
0x16d: {  	v11 =	vld [tilespmem:$0x8F0];
	vm8 =	vgt.s32 v5, $0xFFFFFFFF;
	[tilespmem:$0xC80] =	vst v3;
	v3 =	vnsel vm7, $0x0, v14  }
0x16e: {  	vm9 =	vgt.s32 v5, $0x0;
	v10 =	vld [tilespmem:$0xCC0];
	[tilespmem:$0x1080] =	vst v3;
	v3 =	vnsel vm8, $0x0, v4  }
0x16f: {  	vm10 =	vgt.s32 v6, $0xFFFFFFFF;
	v4 =	vld [tilespmem:$0x8E0];
	[tilespmem:$0xC90] =	vst v3;
	v3 =	vnsel vm9, $0x0, v5  }
0x170: {  	vm11 =	vgt.s32 v6, $0x0;
	[tilespmem:$0x1090] =	vst v3;
	v3 =	vnsel vm10, $0x0, v7;
	v7 =	vld [tilespmem:$0x8D0]  }
0x171: {  	v12 =	vld [tilespmem:$0xCD0];
	vm12 =	vgt.s32 v2, $0xFFFFFFFF;
	[tilespmem:$0xCA0] =	vst v3;
	v3 =	vnsel vm11, $0x0, v6  }
0x172: {  	vm13 =	vgt.s32 v2, $0x0;
	[tilespmem:$0x10A0] =	vst v3;
	v3 =	vnsel vm12, $0x0, v8  }
0x173: {  	vm14 =	vgt.s32 v9, $0xFFFFFFFF;
	v8 =	vld [tilespmem:$0xCE0];
	[tilespmem:$0xCB0] =	vst v3;
	v3 =	vnsel vm13, $0x0, v2  }
0x174: {  	v13 =	vld [tilespmem:$0xCF0];
	vm15 =	vgt.s32 v9, $0x0;
	[tilespmem:$0x10B0] =	vst v3;
	v3 =	vnsel vm14, $0x0, v10;
	v10 =	vand.u32 v4, v11  }
0x175: {  	v15 =	vld [tilespmem:$0x900];
	[tilespmem:$0xCC0] =	vst v3;
	v3 =	vnsel vm15, $0x0, v9;
	vm4 =	vgt.s32 v7, $0xFFFFFFFF;
	v10 =	vand.u32 v7, v10  }
0x176: {  	vm5 =	vgt.s32 v7, $0x0;
	[tilespmem:$0x10C0] =	vst v3;
	v3 =	vnsel vm4, $0x0, v12;
	v9 =	vand.u32 v9, v10;
	v10 =	vld [tilespmem:$0xD00]  }
0x177: {  	vm6 =	vgt.s32 v4, $0xFFFFFFFF;
	[tilespmem:$0xCD0] =	vst v3;
	v3 =	vnsel vm5, $0x0, v7;
	v2 =	vand.u32 v2, v9;
	v7 =	vld [tilespmem:$0x910]  }
0x178: {  	vm7 =	vgt.s32 v4, $0x0;
	v9 =	vld [tilespmem:$0x940];
	[tilespmem:$0x10D0] =	vst v3;
	v3 =	vnsel vm6, $0x0, v8;
	v2 =	vand.u32 v6, v2  }
0x179: {  	vm8 =	vgt.s32 v11, $0xFFFFFFFF;
	v6 =	vld [tilespmem:$0xD10];
	[tilespmem:$0xCE0] =	vst v3;
	v3 =	vnsel vm7, $0x0, v4;
	v2 =	vand.u32 v5, v2  }
0x17a: {  	vm9 =	vgt.s32 v11, $0x0;
	v8 =	vld [tilespmem:$0xD30];
	[tilespmem:$0x10E0] =	vst v3;
	v3 =	vnsel vm8, $0x0, v13;
	v2 =	vand.u32 v14, v2  }
0x17b: {  	v4 =	vld [tilespmem:$0x920];
	[tilespmem:$0xCF0] =	vst v3;
	v3 =	vnsel vm9, $0x0, v11;
	vm10 =	vgt.s32 v2, $0xFFFFFFFF  }
0x17c: {  	vm11 =	vgt.s32 v15, $0xFFFFFFFF;
	v5 =	vld [tilespmem:$0xD20];
	[tilespmem:$0x10F0] =	vst v3;
	v3 =	vsel vm10, $0x1, v0  }
0x17d: {  	vm12 =	vgt.s32 v15, $0x0;
	v2 =	vld [tilespmem:$0x930];
	[tilespmem:$0x131E0] =	vst v3;
	v3 =	vnsel vm11, $0x0, v10  }
0x17e: {  	v11 =	vld [tilespmem:$0x970];
	vm13 =	vgt.s32 v7, $0xFFFFFFFF;
	[tilespmem:$0xD00] =	vst v3;
	v3 =	vnsel vm12, $0x0, v15  }
0x17f: {  	vm14 =	vgt.s32 v7, $0x0;
	v10 =	vld [tilespmem:$0xD40];
	[tilespmem:$0x1100] =	vst v3;
	v3 =	vnsel vm13, $0x0, v6  }
0x180: {  	vm15 =	vgt.s32 v4, $0xFFFFFFFF;
	v6 =	vld [tilespmem:$0x960];
	[tilespmem:$0xD10] =	vst v3;
	v3 =	vnsel vm14, $0x0, v7  }
0x181: {  	vm4 =	vgt.s32 v4, $0x0;
	[tilespmem:$0x1110] =	vst v3;
	v3 =	vnsel vm15, $0x0, v5;
	v5 =	vld [tilespmem:$0x950]  }
0x182: {  	v12 =	vld [tilespmem:$0xD50];
	vm5 =	vgt.s32 v2, $0xFFFFFFFF;
	[tilespmem:$0xD20] =	vst v3;
	v3 =	vnsel vm4, $0x0, v4  }
0x183: {  	vm6 =	vgt.s32 v2, $0x0;
	[tilespmem:$0x1120] =	vst v3;
	v3 =	vnsel vm5, $0x0, v8  }
0x184: {  	vm7 =	vgt.s32 v9, $0xFFFFFFFF;
	v8 =	vld [tilespmem:$0xD60];
	[tilespmem:$0xD30] =	vst v3;
	v3 =	vnsel vm6, $0x0, v2  }
0x185: {  	vm8 =	vgt.s32 v9, $0x0;
	[tilespmem:$0x1130] =	vst v3;
	v3 =	vnsel vm7, $0x0, v10;
	v10 =	vand.u32 v6, v11  }
0x186: {  	v13 =	vld [tilespmem:$0xD70];
	[tilespmem:$0xD40] =	vst v3;
	v3 =	vnsel vm8, $0x0, v9;
	vm9 =	vgt.s32 v5, $0xFFFFFFFF;
	v10 =	vand.u32 v5, v10  }
0x187: {  	vm10 =	vgt.s32 v5, $0x0;
	[tilespmem:$0x1140] =	vst v3;
	v3 =	vnsel vm9, $0x0, v12;
	v9 =	vand.u32 v9, v10  }
0x188: {  	vm11 =	vgt.s32 v6, $0xFFFFFFFF;
	[tilespmem:$0xD50] =	vst v3;
	v3 =	vnsel vm10, $0x0, v5;
	v2 =	vand.u32 v2, v9  }
0x189: {  	vm12 =	vgt.s32 v6, $0x0;
	[tilespmem:$0x1150] =	vst v3;
	v3 =	vnsel vm11, $0x0, v8;
	v2 =	vand.u32 v4, v2  }
0x18a: {  	vm13 =	vgt.s32 v11, $0xFFFFFFFF;
	[tilespmem:$0xD60] =	vst v3;
	v3 =	vnsel vm12, $0x0, v6;
	v2 =	vand.u32 v7, v2  }
0x18b: {  	vm14 =	vgt.s32 v11, $0x0;
	[tilespmem:$0x1160] =	vst v3;
	v3 =	vnsel vm13, $0x0, v13;
	v2 =	vand.u32 v15, v2  }
0x18c: {  	[tilespmem:$0xD70] =	vst v3;
	v3 =	vnsel vm14, $0x0, v11;
	vm15 =	vgt.s32 v2, $0xFFFFFFFF  }
0x18d: {  	[tilespmem:$0x1170] =	vst v3;
	v2 =	vsel vm15, $0x1, v0  }
0x18e: {  	s17 =	simm.s32 $0xD80;
	[tilespmem:$0x131F0] =	vst v2  }
0x18f: {  	[tilespmem:s11], [sflag:$0x1] =	stream.indirect.gather [hbm4b:s1+s13], $0x40, s17, s13, $0xb8;
	[tilespmem:$0x13200] =	vst v63  }
0x190: {  	s16 =	simm.s32 $0xE00;
	s17 =	simm.s32 $0x3180  }
0x191: {  	[tilespmem:s17], [sflag:$0x1] =	stream.indirect.gather [hbm4b:s1+s13], $0x40, s16, s13, $0xb8;
	[tilespmem:$0x13200] =	vst v63  }
0x192: {  	s16 =	simm.s32 $0xE80;
	s17 =	simm.s32 $0x5180  }
0x193: {  	[tilespmem:s17], [sflag:$0x1] =	stream.indirect.gather [hbm4b:s1+s13], $0x40, s16, s13, $0xb8;
	[tilespmem:$0x13200] =	vst v63  }
0x194: {  	_ = 	snop  }
0x195: {  	[tilespmem:s19], [sflag:$0x1] =	stream.indirect.gather [hbm4b:s1+s13], $0x40, s18, s13, $0xb8;
	[tilespmem:$0x13200] =	vst v63  }
0x196: {  	_ = 	snop  }
0x197: {  	[tilespmem:s21], [sflag:$0x1] =	stream.indirect.gather [hbm4b:s1+s13], $0x40, s20, s13, $0xb8;
	[tilespmem:$0x13200] =	vst v63  }
0x198: {  	_ = 	snop  }
0x199: {  	[tilespmem:s23], [sflag:$0x1] =	stream.indirect.gather [hbm4b:s1+s13], $0x40, s22, s13, $0xb8;
	[tilespmem:$0x13200] =	vst v63  }
0x19a: {  	_ = 	snop  }
0x19b: {  	[tilespmem:s25], [sflag:$0x1] =	stream.indirect.gather [hbm4b:s1+s13], $0x40, s24, s13, $0xb8;
	[tilespmem:$0x13200] =	vst v63  }
0x19c: {  	_ = 	snop  }
0x19d: {  	[tilespmem:s28], [sflag:$0x1] =	stream.indirect.gather [hbm4b:s1+s13], $0x40, s26, s13, $0xb8;
	[tilespmem:$0x13200] =	vst v63  }
0x19e: {  	_ =	swait.ge [sflag:s0], $0x2000  }
0x19f: {  	[sflag:s0] =	ssyncset.done $0x0  }
0x1a0: {  	[sflag:s0] =	ssyncadd.s32 $0xFFFFE000  }
0x1a1: {  	_ =	swait.ge [sflag:s0], $0x2000  }
0x1a2: {  	[sflag:s0] =	ssyncset.done $0x0  }
0x1a3: {  	[sflag:s0] =	ssyncadd.s32 $0xFFFFE000  }
0x1a4: {  	_ =	swait.ge [sflag:s0], $0x2000  }
0x1a5: {  	[sflag:s0] =	ssyncset.done $0x0  }
0x1a6: {  	[sflag:s0] =	ssyncadd.s32 $0xFFFFE000  }
0x1a7: {  	_ =	swait.ge [sflag:s0], $0x2000  }
0x1a8: {  	[sflag:s0] =	ssyncset.done $0x0  }
0x1a9: {  	[sflag:s0] =	ssyncadd.s32 $0xFFFFE000  }
0x1aa: {  	_ =	swait.ge [sflag:s0], $0x2000  }
0x1ab: {  	[sflag:s0] =	ssyncset.done $0x0  }
0x1ac: {  	[sflag:s0] =	ssyncadd.s32 $0xFFFFE000  }
0x1ad: {  	_ =	swait.ge [sflag:s0], $0x2000  }
0x1ae: {  	[sflag:s0] =	ssyncset.done $0x0  }
0x1af: {  	v2 =	vmov s15;
	[sflag:s0] =	ssyncadd.s32 $0xFFFFE000  }
0x1b0: {  	v2 =	vand.u32 $0x3F, v2;
	_ =	swait.ge [sflag:s0], $0x2000  }
0x1b1: {  	v16 =	vbroadcast v2, $0x0;
	[sflag:s0] =	ssyncset.done $0x0  }
0x1b2: {  	[sflag:s0] =	ssyncadd.s32 $0xFFFFE000  }
0x1b3: {  	v8 =	vor.u32 $0x400, v1;
	v14 =	vor.u32 v1, v16;
	_ =	swait.ge [sflag:s0], $0x2000  }
0x1b4: {  	v2 =	vor.u32 v8, v16;
	[sflag:s0] =	ssyncset.done $0x0  }
0x1b5: {  	v7 =	vor.u32 $0x800, v1;
	[sflag:s0] =	ssyncadd.s32 $0xFFFFE000  }
0x1b6: {  	v3 =	vor.u32 v7, v16;
	v9 =	vld [tilespmem:$0x980]  }
0x1b7: {  	v6 =	vor.u32 $0xC00, v1;
	v10 =	vld [tilespmem:$0x990]  }
0x1b8: {  	v13 =	vor.u32 v6, v16;
	v15 =	vld.idx.msk [tilespmem:v14+s11+$0x0], $0xffff  }
0x1b9: {  	v2 =	vld.idx.msk [tilespmem:v2+s11+$0x0], $0xffff  }
0x1ba: {  	v5 =	vor.u32 $0x1000, v1;
	v11 =	vld [tilespmem:$0x9A0]  }
0x1bb: {  	v17 =	vor.u32 v5, v16;
	v18 =	vld.idx.msk [tilespmem:v3+s11+$0x0], $0xffff  }
0x1bc: {  	v4 =	vor.u32 $0x1400, v1;
	v12 =	vld [tilespmem:$0x9B0]  }
0x1bd: {  	v19 =	vor.u32 v4, v16;
	v20 =	vld.idx.msk [tilespmem:v13+s11+$0x0], $0xffff  }
0x1be: {  	v3 =	vor.u32 $0x1800, v1;
	v21 =	vmul.f32 v15, v9;
	v22 =	vmul.f32 v2, v10  }
0x1bf: {  	v13 =	vld [tilespmem:$0x9C0];
	v23 =	vor.u32 v3, v16  }
0x1c0: {  	v63 =	vld.idx.msk [tilespmem:v17+s11+$0x0], $0xffff;
	v2 =	vor.u32 $0x1C00, v1;
	v18 =	vmul.f32 v18, v11;
	v17 =	vadd.f32 v22, v21  }
0x1c1: {  	v15 =	vld [tilespmem:$0x9D0];
	v21 =	vor.u32 v2, v16  }
0x1c2: {  	v22 =	vld.idx.msk [tilespmem:v19+s11+$0x0], $0xffff;
	v19 =	vmul.f32 v20, v12;
	v18 =	vadd.f32 v18, v17  }
0x1c3: {  	v17 =	vld [tilespmem:$0x9E0]  }
0x1c4: {  	v20 =	vadd.f32 v19, v18;
	v19 =	vld.idx.msk [tilespmem:v23+s11+$0x0], $0xffff  }
0x1c5: {  	v24 =	vmul.f32 v63, v13;
	v16 =	vld [tilespmem:$0x9F0]  }
0x1c6: {  	s17 =	simm.s32 $0x1;
	v18 =	vld.idx.msk [tilespmem:v21+s11+$0x0], $0xffff  }
0x1c7: {  	v23 =	vmov s17;
	v21 =	vmul.f32 v22, v15;
	v20 =	vadd.f32 v24, v20  }
0x1c8: {  	s15 =	simm.s32 $0x2;
	v22 =	vand.u32 $0x3F, v23  }
.LBB2_3:
0x1c9: {  	p0 =	sne.s32 s15, $0x3F;
	v22 =	vbroadcast v22, $0x0;
	v20 =	vadd.f32 v21, v20;
	v19 =	vmul.f32 v19, v17;
	_ =	sdelay $0x1  }
0x1ca: {  	v18 =	vmul.f32 v18, v16;
	v21 =	vor.u32 v1, v22;
	v19 =	vadd.f32 v19, v20  }
0x1cb: {  	v20 =	vor.u32 v8, v22  }
0x1cc: {  	v18 =	vadd.f32 v18, v19  }
0x1cd: {  	v19 =	vor.u32 v7, v22  }
0x1ce: {  	[tilespmem:v14+s29+$0x0] =	vst.idx.msk $0xffff, v18;
	v14 =	vmov v21  }
0x1cf: {  	v18 =	vld.idx.msk [tilespmem:v21+s11+$0x0], $0xffff;
	v21 =	vor.u32 v6, v22  }
0x1d0: {  	v20 =	vld.idx.msk [tilespmem:v20+s11+$0x0], $0xffff  }
0x1d1: {  	v23 =	vor.u32 v5, v22  }
0x1d2: {  	v19 =	vld.idx.msk [tilespmem:v19+s11+$0x0], $0xffff  }
0x1d3: {  	v24 =	vor.u32 v4, v22  }
0x1d4: {  	v21 =	vld.idx.msk [tilespmem:v21+s11+$0x0], $0xffff  }
0x1d5: {  	v25 =	vor.u32 v3, v22  }
0x1d6: {  	v18 =	vmul.f32 v18, v9;
	v20 =	vmul.f32 v20, v10;
	v23 =	vld.idx.msk [tilespmem:v23+s11+$0x0], $0xffff  }
0x1d7: {  	v22 =	vor.u32 v2, v22  }
0x1d8: {  	v18 =	vadd.f32 v20, v18;
	v19 =	vmul.f32 v19, v11;
	v24 =	vld.idx.msk [tilespmem:v24+s11+$0x0], $0xffff;
	_ =	sdelay $0x1  }
0x1d9: {  	v18 =	vadd.f32 v19, v18;
	v20 =	vmul.f32 v21, v12;
	v19 =	vld.idx.msk [tilespmem:v25+s11+$0x0], $0xffff  }
.Ltmp0:
0x1da: {  	(pc) =	sbr.rel @p0 .LBB2_3-.Ltmp0, $3  }
0x1db: {  	v20 =	vadd.f32 v20, v18;
	v21 =	vmul.f32 v23, v13;
	v18 =	vld.idx.msk [tilespmem:v22+s11+$0x0], $0xffff;
	_ =	sdelay $0x1  }
0x1dc: {  	v22 =	vmov s15;
	v20 =	vadd.f32 v21, v20;
	v21 =	vmul.f32 v24, v15  }
0x1dd: {  	s15 =	sadd.s32 $0x1, s15;
	v22 =	vand.u32 $0x3F, v22  }
0x1de: {  	v22 =	vbroadcast v22, $0x0;
	v20 =	vadd.f32 v21, v20;
	v19 =	vmul.f32 v19, v17;
	_ =	sdelay $0x1  }
0x1df: {  	v18 =	vmul.f32 v18, v16;
	v21 =	vor.u32 v1, v22;
	v19 =	vadd.f32 v19, v20  }
0x1e0: {  	v20 =	vor.u32 v8, v22  }
0x1e1: {  	v18 =	vadd.f32 v18, v19  }
0x1e2: {  	v19 =	vor.u32 v7, v22  }
0x1e3: {  	[tilespmem:v14+s29+$0x0] =	vst.idx.msk $0xffff, v18  }
0x1e4: {  	v18 =	vor.u32 v6, v22;
	v14 =	vld.idx.msk [tilespmem:v21+s11+$0x0], $0xffff  }
0x1e5: {  	v20 =	vld.idx.msk [tilespmem:v20+s11+$0x0], $0xffff  }
0x1e6: {  	v23 =	vor.u32 v5, v22  }
0x1e7: {  	v19 =	vld.idx.msk [tilespmem:v19+s11+$0x0], $0xffff  }
0x1e8: {  	v24 =	vor.u32 v4, v22  }
0x1e9: {  	v18 =	vld.idx.msk [tilespmem:v18+s11+$0x0], $0xffff  }
0x1ea: {  	v25 =	vor.u32 v3, v22;
	v9 =	vmul.f32 v14, v9;
	v10 =	vmul.f32 v20, v10  }
0x1eb: {  	v14 =	vld.idx.msk [tilespmem:v23+s11+$0x0], $0xffff  }
0x1ec: {  	v20 =	vor.u32 v2, v22;
	v9 =	vadd.f32 v10, v9;
	v10 =	vmul.f32 v19, v11  }
0x1ed: {  	v11 =	vld.idx.msk [tilespmem:v24+s11+$0x0], $0xffff  }
0x1ee: {  	v9 =	vadd.f32 v10, v9;
	v10 =	vmul.f32 v18, v12  }
0x1ef: {  	v12 =	vld.idx.msk [tilespmem:v25+s11+$0x0], $0xffff  }
0x1f0: {  	v9 =	vadd.f32 v10, v9;
	v10 =	vmul.f32 v14, v13  }
0x1f1: {  	v13 =	vld.idx.msk [tilespmem:v20+s11+$0x0], $0xffff  }
0x1f2: {  	v9 =	vadd.f32 v10, v9;
	v10 =	vmul.f32 v11, v15  }
0x1f3: {  	s15 =	simm.s32 $0x0  }
0x1f4: {  	v11 =	vmov s15;
	v9 =	vadd.f32 v10, v9;
	v10 =	vmul.f32 v12, v17  }
0x1f5: {  	v11 =	vand.u32 $0x3F, v11  }
0x1f6: {  	v22 =	vbroadcast v11, $0x0;
	v9 =	vadd.f32 v10, v9;
	v10 =	vmul.f32 v13, v16  }
0x1f7: {  	v17 =	vor.u32 $0x2000, v1  }
0x1f8: {  	v15 =	vor.u32 $0x2400, v1;
	v11 =	vor.u32 v17, v22;
	v9 =	vadd.f32 v10, v9  }
0x1f9: {  	v12 =	vor.u32 v15, v22  }
0x1fa: {  	v18 =	vor.u32 $0x2800, v1;
	[tilespmem:v21+s29+$0x0] =	vst.idx.msk $0xffff, v9  }
0x1fb: {  	v13 =	vor.u32 v18, v22;
	v9 =	vld [tilespmem:$0xA00]  }
0x1fc: {  	v19 =	vor.u32 $0x2C00, v1;
	v10 =	vld [tilespmem:$0xA10]  }
0x1fd: {  	v16 =	vor.u32 v19, v22;
	v14 =	vld.idx.msk [tilespmem:v11+s11+$0x0], $0xffff  }
0x1fe: {  	v20 =	vld.idx.msk [tilespmem:v12+s11+$0x0], $0xffff  }
0x1ff: {  	v21 =	vor.u32 $0x3000, v1;
	v11 =	vld [tilespmem:$0xA20]  }
0x200: {  	v23 =	vor.u32 $0x3400, v1;
	v25 =	vor.u32 v21, v22;
	v26 =	vld.idx.msk [tilespmem:v13+s11+$0x0], $0xffff  }
0x201: {  	v27 =	vor.u32 v23, v22;
	v12 =	vld [tilespmem:$0xA30]  }
0x202: {  	v16 =	vld.idx.msk [tilespmem:v16+s11+$0x0], $0xffff  }
0x203: {  	v24 =	vor.u32 $0x3800, v1;
	v28 =	vmul.f32 v14, v9;
	v20 =	vmul.f32 v20, v10  }
0x204: {  	v29 =	vor.u32 v24, v22;
	v13 =	vld [tilespmem:$0xA40]  }
0x205: {  	v30 =	vld.idx.msk [tilespmem:v25+s11+$0x0], $0xffff;
	v25 =	vor.u32 $0x3C00, v1;
	v26 =	vmul.f32 v26, v11;
	v20 =	vadd.f32 v20, v28  }
0x206: {  	v31 =	vld.idx.msk [tilespmem:v27+s11+$0x0], $0xffff;
	v28 =	vor.u32 v25, v22  }
0x207: {  	v14 =	vld [tilespmem:$0xA50];
	v27 =	vmul.f32 v16, v12;
	v26 =	vadd.f32 v26, v20  }
0x208: {  	v20 =	vld [tilespmem:$0xA60]  }
0x209: {  	v32 =	vadd.f32 v27, v26;
	v27 =	vld.idx.msk [tilespmem:v29+s11+$0x0], $0xffff  }
0x20a: {  	v16 =	vld [tilespmem:$0xA70];
	v30 =	vmul.f32 v30, v13  }
0x20b: {  	s17 =	simm.s32 $0x1;
	v26 =	vld.idx.msk [tilespmem:v28+s11+$0x0], $0xffff  }
0x20c: {  	v33 =	vmov s17;
	v29 =	vmul.f32 v31, v14;
	v28 =	vadd.f32 v30, v32  }
0x20d: {  	s15 =	simm.s32 $0x2;
	v30 =	vand.u32 $0x3F, v33  }
.LBB2_5:
0x20e: {  	p0 =	sne.s32 s15, $0x3F;
	v30 =	vbroadcast v30, $0x0;
	v28 =	vadd.f32 v29, v28;
	v27 =	vmul.f32 v27, v20  }
0x20f: {  	v29 =	vor.u32 v8, v22  }
0x210: {  	v26 =	vmul.f32 v26, v16;
	v31 =	vor.u32 v17, v30;
	v27 =	vadd.f32 v27, v28;
	v22 =	vmovc v30  }
0x211: {  	v28 =	vor.u32 v15, v22  }
0x212: {  	v26 =	vadd.f32 v26, v27  }
0x213: {  	v27 =	vor.u32 v18, v22  }
0x214: {  	[tilespmem:v29+s29+$0x0] =	vst.idx.msk $0xffff, v26  }
0x215: {  	v29 =	vor.u32 v19, v22;
	v26 =	vld.idx.msk [tilespmem:v31+s11+$0x0], $0xffff  }
0x216: {  	v28 =	vld.idx.msk [tilespmem:v28+s11+$0x0], $0xffff  }
0x217: {  	v30 =	vor.u32 v21, v22  }
0x218: {  	v27 =	vld.idx.msk [tilespmem:v27+s11+$0x0], $0xffff  }
0x219: {  	v31 =	vor.u32 v23, v22  }
0x21a: {  	v29 =	vld.idx.msk [tilespmem:v29+s11+$0x0], $0xffff  }
0x21b: {  	v32 =	vor.u32 v24, v22  }
0x21c: {  	v26 =	vmul.f32 v26, v9;
	v28 =	vmul.f32 v28, v10;
	v30 =	vld.idx.msk [tilespmem:v30+s11+$0x0], $0xffff  }
0x21d: {  	v33 =	vor.u32 v25, v22  }
0x21e: {  	v26 =	vadd.f32 v28, v26;
	v27 =	vmul.f32 v27, v11;
	v31 =	vld.idx.msk [tilespmem:v31+s11+$0x0], $0xffff;
	_ =	sdelay $0x1  }
0x21f: {  	v26 =	vadd.f32 v27, v26;
	v28 =	vmul.f32 v29, v12;
	v27 =	vld.idx.msk [tilespmem:v32+s11+$0x0], $0xffff  }
.Ltmp1:
0x220: {  	(pc) =	sbr.rel @p0 .LBB2_5-.Ltmp1, $3  }
0x221: {  	v28 =	vadd.f32 v28, v26;
	v29 =	vmul.f32 v30, v13;
	v26 =	vld.idx.msk [tilespmem:v33+s11+$0x0], $0xffff;
	_ =	sdelay $0x1  }
0x222: {  	v30 =	vmov s15;
	v28 =	vadd.f32 v29, v28;
	v29 =	vmul.f32 v31, v14  }
0x223: {  	s15 =	sadd.s32 $0x1, s15;
	v30 =	vand.u32 $0x3F, v30  }
0x224: {  	v30 =	vbroadcast v30, $0x0;
	v28 =	vadd.f32 v29, v28;
	v27 =	vmul.f32 v27, v20  }
0x225: {  	v22 =	vor.u32 v8, v22  }
0x226: {  	v26 =	vmul.f32 v26, v16;
	v17 =	vor.u32 v17, v30;
	v27 =	vadd.f32 v27, v28  }
0x227: {  	v15 =	vor.u32 v15, v30  }
0x228: {  	v26 =	vadd.f32 v26, v27  }
0x229: {  	v18 =	vor.u32 v18, v30  }
0x22a: {  	[tilespmem:v22+s29+$0x0] =	vst.idx.msk $0xffff, v26  }
0x22b: {  	v19 =	vor.u32 v19, v30;
	v17 =	vld.idx.msk [tilespmem:v17+s11+$0x0], $0xffff  }
0x22c: {  	v15 =	vld.idx.msk [tilespmem:v15+s11+$0x0], $0xffff  }
0x22d: {  	v21 =	vor.u32 v21, v30  }
0x22e: {  	v18 =	vld.idx.msk [tilespmem:v18+s11+$0x0], $0xffff  }
0x22f: {  	v22 =	vor.u32 v23, v30  }
0x230: {  	v19 =	vld.idx.msk [tilespmem:v19+s11+$0x0], $0xffff  }
0x231: {  	v23 =	vor.u32 v24, v30;
	v9 =	vmul.f32 v17, v9;
	v10 =	vmul.f32 v15, v10  }
0x232: {  	v15 =	vld.idx.msk [tilespmem:v21+s11+$0x0], $0xffff  }
0x233: {  	v17 =	vor.u32 v25, v30;
	v9 =	vadd.f32 v10, v9;
	v10 =	vmul.f32 v18, v11  }
0x234: {  	v11 =	vld.idx.msk [tilespmem:v22+s11+$0x0], $0xffff  }
0x235: {  	v9 =	vadd.f32 v10, v9;
	v10 =	vmul.f32 v19, v12  }
0x236: {  	v12 =	vld.idx.msk [tilespmem:v23+s11+$0x0], $0xffff  }
0x237: {  	v9 =	vadd.f32 v10, v9;
	v10 =	vmul.f32 v15, v13  }
0x238: {  	v13 =	vld.idx.msk [tilespmem:v17+s11+$0x0], $0xffff  }
0x239: {  	v9 =	vadd.f32 v10, v9;
	v10 =	vmul.f32 v11, v14  }
0x23a: {  	s15 =	simm.s32 $0x0  }
0x23b: {  	v11 =	vmov s15;
	v9 =	vadd.f32 v10, v9;
	v10 =	vmul.f32 v12, v20  }
0x23c: {  	v8 =	vor.u32 v8, v30;
	v11 =	vand.u32 $0x3F, v11  }
0x23d: {  	v21 =	vbroadcast v11, $0x0;
	v9 =	vadd.f32 v10, v9;
	v10 =	vmul.f32 v13, v16  }
0x23e: {  	v14 =	vor.u32 $0x4400, v1  }
0x23f: {  	v16 =	vor.u32 $0x4000, v1;
	v11 =	vor.u32 v14, v21;
	v9 =	vadd.f32 v10, v9  }
0x240: {  	v17 =	vor.u32 $0x4800, v1;
	v10 =	vor.u32 v16, v21  }
0x241: {  	v12 =	vor.u32 v17, v21;
	[tilespmem:v8+s29+$0x0] =	vst.idx.msk $0xffff, v9  }
0x242: {  	v8 =	vld [tilespmem:$0xA80]  }
0x243: {  	v18 =	vor.u32 $0x4C00, v1;
	v9 =	vld [tilespmem:$0xA90]  }
0x244: {  	v15 =	vor.u32 v18, v21;
	v19 =	vld.idx.msk [tilespmem:v11+s11+$0x0], $0xffff  }
0x245: {  	v13 =	vld.idx.msk [tilespmem:v10+s11+$0x0], $0xffff  }
0x246: {  	v20 =	vor.u32 $0x5000, v1;
	v25 =	vld.idx.msk [tilespmem:v12+s11+$0x0], $0xffff  }
0x247: {  	v22 =	vor.u32 $0x5400, v1;
	v24 =	vor.u32 v20, v21;
	v10 =	vld [tilespmem:$0xAA0]  }
0x248: {  	v26 =	vor.u32 v22, v21;
	v11 =	vld [tilespmem:$0xAB0]  }
0x249: {  	v15 =	vld.idx.msk [tilespmem:v15+s11+$0x0], $0xffff  }
0x24a: {  	v23 =	vor.u32 $0x5800, v1;
	v19 =	vmul.f32 v19, v9;
	v27 =	vmul.f32 v13, v8  }
0x24b: {  	v28 =	vor.u32 v23, v21;
	v12 =	vld [tilespmem:$0xAC0]  }
0x24c: {  	v29 =	vld.idx.msk [tilespmem:v24+s11+$0x0], $0xffff;
	v24 =	vor.u32 $0x5C00, v1;
	v25 =	vmul.f32 v25, v10;
	v19 =	vadd.f32 v19, v27  }
0x24d: {  	v30 =	vld.idx.msk [tilespmem:v26+s11+$0x0], $0xffff;
	v27 =	vor.u32 v24, v21  }
0x24e: {  	v26 =	vmul.f32 v15, v11;
	v13 =	vld [tilespmem:$0xAD0];
	v25 =	vadd.f32 v25, v19  }
0x24f: {  	v19 =	vld [tilespmem:$0xAE0]  }
0x250: {  	v31 =	vadd.f32 v26, v25;
	v26 =	vld.idx.msk [tilespmem:v28+s11+$0x0], $0xffff  }
0x251: {  	v15 =	vld [tilespmem:$0xAF0];
	v29 =	vmul.f32 v29, v12  }
0x252: {  	s17 =	simm.s32 $0x1;
	v25 =	vld.idx.msk [tilespmem:v27+s11+$0x0], $0xffff  }
0x253: {  	v32 =	vmov s17;
	v28 =	vmul.f32 v30, v13;
	v27 =	vadd.f32 v29, v31  }
0x254: {  	s15 =	simm.s32 $0x2;
	v29 =	vand.u32 $0x3F, v32  }
.LBB2_7:
0x255: {  	p0 =	sne.s32 s15, $0x3F;
	v29 =	vbroadcast v29, $0x0;
	v27 =	vadd.f32 v28, v27;
	v26 =	vmul.f32 v26, v19  }
0x256: {  	v28 =	vor.u32 v7, v21  }
0x257: {  	v25 =	vmul.f32 v25, v15;
	v30 =	vor.u32 v16, v29;
	v26 =	vadd.f32 v26, v27;
	v21 =	vmovc v29  }
0x258: {  	v27 =	vor.u32 v14, v21  }
0x259: {  	v25 =	vadd.f32 v25, v26  }
0x25a: {  	v26 =	vor.u32 v17, v21  }
0x25b: {  	[tilespmem:v28+s29+$0x0] =	vst.idx.msk $0xffff, v25  }
0x25c: {  	v28 =	vor.u32 v18, v21;
	v25 =	vld.idx.msk [tilespmem:v30+s11+$0x0], $0xffff  }
0x25d: {  	v27 =	vld.idx.msk [tilespmem:v27+s11+$0x0], $0xffff  }
0x25e: {  	v29 =	vor.u32 v20, v21  }
0x25f: {  	v26 =	vld.idx.msk [tilespmem:v26+s11+$0x0], $0xffff  }
0x260: {  	v30 =	vor.u32 v22, v21  }
0x261: {  	v28 =	vld.idx.msk [tilespmem:v28+s11+$0x0], $0xffff  }
0x262: {  	v31 =	vor.u32 v23, v21  }
0x263: {  	v25 =	vmul.f32 v25, v8;
	v27 =	vmul.f32 v27, v9;
	v29 =	vld.idx.msk [tilespmem:v29+s11+$0x0], $0xffff  }
0x264: {  	v32 =	vor.u32 v24, v21  }
0x265: {  	v25 =	vadd.f32 v27, v25;
	v26 =	vmul.f32 v26, v10;
	v30 =	vld.idx.msk [tilespmem:v30+s11+$0x0], $0xffff;
	_ =	sdelay $0x1  }
0x266: {  	v25 =	vadd.f32 v26, v25;
	v27 =	vmul.f32 v28, v11;
	v26 =	vld.idx.msk [tilespmem:v31+s11+$0x0], $0xffff  }
.Ltmp2:
0x267: {  	(pc) =	sbr.rel @p0 .LBB2_7-.Ltmp2, $3  }
0x268: {  	v27 =	vadd.f32 v27, v25;
	v28 =	vmul.f32 v29, v12;
	v25 =	vld.idx.msk [tilespmem:v32+s11+$0x0], $0xffff;
	_ =	sdelay $0x1  }
0x269: {  	v29 =	vmov s15;
	v27 =	vadd.f32 v28, v27;
	v28 =	vmul.f32 v30, v13  }
0x26a: {  	s15 =	sadd.s32 $0x1, s15;
	v29 =	vand.u32 $0x3F, v29  }
0x26b: {  	v29 =	vbroadcast v29, $0x0;
	v27 =	vadd.f32 v28, v27;
	v26 =	vmul.f32 v26, v19  }
0x26c: {  	v21 =	vor.u32 v7, v21  }
0x26d: {  	v25 =	vmul.f32 v25, v15;
	v16 =	vor.u32 v16, v29;
	v26 =	vadd.f32 v26, v27  }
0x26e: {  	v14 =	vor.u32 v14, v29  }
0x26f: {  	v25 =	vadd.f32 v25, v26  }
0x270: {  	v17 =	vor.u32 v17, v29  }
0x271: {  	[tilespmem:v21+s29+$0x0] =	vst.idx.msk $0xffff, v25  }
0x272: {  	v18 =	vor.u32 v18, v29;
	v16 =	vld.idx.msk [tilespmem:v16+s11+$0x0], $0xffff  }
0x273: {  	v14 =	vld.idx.msk [tilespmem:v14+s11+$0x0], $0xffff  }
0x274: {  	v20 =	vor.u32 v20, v29  }
0x275: {  	v17 =	vld.idx.msk [tilespmem:v17+s11+$0x0], $0xffff  }
0x276: {  	v21 =	vor.u32 v22, v29  }
0x277: {  	v18 =	vld.idx.msk [tilespmem:v18+s11+$0x0], $0xffff  }
0x278: {  	v22 =	vor.u32 v23, v29;
	v8 =	vmul.f32 v16, v8;
	v9 =	vmul.f32 v14, v9  }
0x279: {  	v14 =	vld.idx.msk [tilespmem:v20+s11+$0x0], $0xffff  }
0x27a: {  	v16 =	vor.u32 v24, v29;
	v8 =	vadd.f32 v9, v8;
	v9 =	vmul.f32 v17, v10  }
0x27b: {  	v10 =	vld.idx.msk [tilespmem:v21+s11+$0x0], $0xffff  }
0x27c: {  	v8 =	vadd.f32 v9, v8;
	v9 =	vmul.f32 v18, v11  }
0x27d: {  	v11 =	vld.idx.msk [tilespmem:v22+s11+$0x0], $0xffff  }
0x27e: {  	v8 =	vadd.f32 v9, v8;
	v9 =	vmul.f32 v14, v12  }
0x27f: {  	v12 =	vld.idx.msk [tilespmem:v16+s11+$0x0], $0xffff  }
0x280: {  	v8 =	vadd.f32 v9, v8;
	v9 =	vmul.f32 v10, v13  }
0x281: {  	s15 =	simm.s32 $0x0  }
0x282: {  	v10 =	vmov s15;
	v8 =	vadd.f32 v9, v8;
	v9 =	vmul.f32 v11, v19  }
0x283: {  	v7 =	vor.u32 v7, v29;
	v10 =	vand.u32 $0x3F, v10  }
0x284: {  	v20 =	vbroadcast v10, $0x0;
	v8 =	vadd.f32 v9, v8;
	v9 =	vmul.f32 v12, v15  }
0x285: {  	v13 =	vor.u32 $0x6400, v1  }
0x286: {  	v15 =	vor.u32 $0x6000, v1;
	v10 =	vor.u32 v13, v20;
	v8 =	vadd.f32 v9, v8  }
0x287: {  	v16 =	vor.u32 $0x6800, v1;
	v9 =	vor.u32 v15, v20  }
0x288: {  	v11 =	vor.u32 v16, v20;
	[tilespmem:v7+s29+$0x0] =	vst.idx.msk $0xffff, v8  }
0x289: {  	v7 =	vld [tilespmem:$0xB00]  }
0x28a: {  	v17 =	vor.u32 $0x6C00, v1;
	v8 =	vld [tilespmem:$0xB10]  }
0x28b: {  	v14 =	vor.u32 v17, v20;
	v18 =	vld.idx.msk [tilespmem:v10+s11+$0x0], $0xffff  }
0x28c: {  	v12 =	vld.idx.msk [tilespmem:v9+s11+$0x0], $0xffff  }
0x28d: {  	v19 =	vor.u32 $0x7000, v1;
	v24 =	vld.idx.msk [tilespmem:v11+s11+$0x0], $0xffff  }
0x28e: {  	v21 =	vor.u32 $0x7400, v1;
	v23 =	vor.u32 v19, v20;
	v9 =	vld [tilespmem:$0xB20]  }
0x28f: {  	v25 =	vor.u32 v21, v20;
	v10 =	vld [tilespmem:$0xB30]  }
0x290: {  	v14 =	vld.idx.msk [tilespmem:v14+s11+$0x0], $0xffff  }
0x291: {  	v22 =	vor.u32 $0x7800, v1;
	v18 =	vmul.f32 v18, v8;
	v26 =	vmul.f32 v12, v7  }
0x292: {  	v27 =	vor.u32 v22, v20;
	v11 =	vld [tilespmem:$0xB40]  }
0x293: {  	v28 =	vld.idx.msk [tilespmem:v23+s11+$0x0], $0xffff;
	v23 =	vor.u32 $0x7C00, v1;
	v24 =	vmul.f32 v24, v9;
	v18 =	vadd.f32 v18, v26  }
0x294: {  	v29 =	vld.idx.msk [tilespmem:v25+s11+$0x0], $0xffff;
	v26 =	vor.u32 v23, v20  }
0x295: {  	v25 =	vmul.f32 v14, v10;
	v12 =	vld [tilespmem:$0xB50];
	v24 =	vadd.f32 v24, v18  }
0x296: {  	v18 =	vld [tilespmem:$0xB60]  }
0x297: {  	v30 =	vadd.f32 v25, v24;
	v25 =	vld.idx.msk [tilespmem:v27+s11+$0x0], $0xffff  }
0x298: {  	v14 =	vld [tilespmem:$0xB70];
	v28 =	vmul.f32 v28, v11  }
0x299: {  	s17 =	simm.s32 $0x1;
	v24 =	vld.idx.msk [tilespmem:v26+s11+$0x0], $0xffff  }
0x29a: {  	v31 =	vmov s17;
	v27 =	vmul.f32 v29, v12;
	v26 =	vadd.f32 v28, v30  }
0x29b: {  	s15 =	simm.s32 $0x2;
	v28 =	vand.u32 $0x3F, v31  }
.LBB2_9:
0x29c: {  	p0 =	sne.s32 s15, $0x3F;
	v28 =	vbroadcast v28, $0x0;
	v26 =	vadd.f32 v27, v26;
	v25 =	vmul.f32 v25, v18  }
0x29d: {  	v27 =	vor.u32 v6, v20  }
0x29e: {  	v24 =	vmul.f32 v24, v14;
	v29 =	vor.u32 v15, v28;
	v25 =	vadd.f32 v25, v26;
	v20 =	vmovc v28  }
0x29f: {  	v26 =	vor.u32 v13, v20  }
0x2a0: {  	v24 =	vadd.f32 v24, v25  }
0x2a1: {  	v25 =	vor.u32 v16, v20  }
0x2a2: {  	[tilespmem:v27+s29+$0x0] =	vst.idx.msk $0xffff, v24  }
0x2a3: {  	v27 =	vor.u32 v17, v20;
	v24 =	vld.idx.msk [tilespmem:v29+s11+$0x0], $0xffff  }
0x2a4: {  	v26 =	vld.idx.msk [tilespmem:v26+s11+$0x0], $0xffff  }
0x2a5: {  	v28 =	vor.u32 v19, v20  }
0x2a6: {  	v25 =	vld.idx.msk [tilespmem:v25+s11+$0x0], $0xffff  }
0x2a7: {  	v29 =	vor.u32 v21, v20  }
0x2a8: {  	v27 =	vld.idx.msk [tilespmem:v27+s11+$0x0], $0xffff  }
0x2a9: {  	v30 =	vor.u32 v22, v20  }
0x2aa: {  	v24 =	vmul.f32 v24, v7;
	v26 =	vmul.f32 v26, v8;
	v28 =	vld.idx.msk [tilespmem:v28+s11+$0x0], $0xffff  }
0x2ab: {  	v31 =	vor.u32 v23, v20  }
0x2ac: {  	v24 =	vadd.f32 v26, v24;
	v25 =	vmul.f32 v25, v9;
	v29 =	vld.idx.msk [tilespmem:v29+s11+$0x0], $0xffff;
	_ =	sdelay $0x1  }
0x2ad: {  	v24 =	vadd.f32 v25, v24;
	v26 =	vmul.f32 v27, v10;
	v25 =	vld.idx.msk [tilespmem:v30+s11+$0x0], $0xffff  }
.Ltmp3:
0x2ae: {  	(pc) =	sbr.rel @p0 .LBB2_9-.Ltmp3, $3  }
0x2af: {  	v26 =	vadd.f32 v26, v24;
	v27 =	vmul.f32 v28, v11;
	v24 =	vld.idx.msk [tilespmem:v31+s11+$0x0], $0xffff;
	_ =	sdelay $0x1  }
0x2b0: {  	v28 =	vmov s15;
	v26 =	vadd.f32 v27, v26;
	v27 =	vmul.f32 v29, v12  }
0x2b1: {  	s15 =	sadd.s32 $0x1, s15;
	v28 =	vand.u32 $0x3F, v28  }
0x2b2: {  	v28 =	vbroadcast v28, $0x0;
	v26 =	vadd.f32 v27, v26;
	v25 =	vmul.f32 v25, v18  }
0x2b3: {  	v20 =	vor.u32 v6, v20  }
0x2b4: {  	v24 =	vmul.f32 v24, v14;
	v15 =	vor.u32 v15, v28;
	v25 =	vadd.f32 v25, v26  }
0x2b5: {  	v13 =	vor.u32 v13, v28  }
0x2b6: {  	v24 =	vadd.f32 v24, v25  }
0x2b7: {  	v16 =	vor.u32 v16, v28  }
0x2b8: {  	[tilespmem:v20+s29+$0x0] =	vst.idx.msk $0xffff, v24  }
0x2b9: {  	v17 =	vor.u32 v17, v28;
	v15 =	vld.idx.msk [tilespmem:v15+s11+$0x0], $0xffff  }
0x2ba: {  	v13 =	vld.idx.msk [tilespmem:v13+s11+$0x0], $0xffff  }
0x2bb: {  	v19 =	vor.u32 v19, v28  }
0x2bc: {  	v16 =	vld.idx.msk [tilespmem:v16+s11+$0x0], $0xffff  }
0x2bd: {  	v20 =	vor.u32 v21, v28  }
0x2be: {  	v17 =	vld.idx.msk [tilespmem:v17+s11+$0x0], $0xffff  }
0x2bf: {  	v21 =	vor.u32 v22, v28;
	v7 =	vmul.f32 v15, v7;
	v8 =	vmul.f32 v13, v8  }
0x2c0: {  	v13 =	vld.idx.msk [tilespmem:v19+s11+$0x0], $0xffff  }
0x2c1: {  	v15 =	vor.u32 v23, v28;
	v7 =	vadd.f32 v8, v7;
	v8 =	vmul.f32 v16, v9  }
0x2c2: {  	v9 =	vld.idx.msk [tilespmem:v20+s11+$0x0], $0xffff  }
0x2c3: {  	v7 =	vadd.f32 v8, v7;
	v8 =	vmul.f32 v17, v10  }
0x2c4: {  	v10 =	vld.idx.msk [tilespmem:v21+s11+$0x0], $0xffff  }
0x2c5: {  	v7 =	vadd.f32 v8, v7;
	v8 =	vmul.f32 v13, v11  }
0x2c6: {  	v11 =	vld.idx.msk [tilespmem:v15+s11+$0x0], $0xffff  }
0x2c7: {  	v7 =	vadd.f32 v8, v7;
	v8 =	vmul.f32 v9, v12  }
0x2c8: {  	s15 =	simm.s32 $0x0  }
0x2c9: {  	v9 =	vmov s15;
	v7 =	vadd.f32 v8, v7;
	v8 =	vmul.f32 v10, v18  }
0x2ca: {  	v6 =	vor.u32 v6, v28;
	v9 =	vand.u32 $0x3F, v9  }
0x2cb: {  	v19 =	vbroadcast v9, $0x0;
	v7 =	vadd.f32 v8, v7;
	v8 =	vmul.f32 v11, v14  }
0x2cc: {  	v12 =	vor.u32 $0x8400, v1  }
0x2cd: {  	v14 =	vor.u32 $0x8000, v1;
	v9 =	vor.u32 v12, v19;
	v7 =	vadd.f32 v8, v7  }
0x2ce: {  	v15 =	vor.u32 $0x8800, v1;
	v8 =	vor.u32 v14, v19  }
0x2cf: {  	v10 =	vor.u32 v15, v19;
	[tilespmem:v6+s29+$0x0] =	vst.idx.msk $0xffff, v7  }
0x2d0: {  	v6 =	vld [tilespmem:$0xB80]  }
0x2d1: {  	v16 =	vor.u32 $0x8C00, v1;
	v7 =	vld [tilespmem:$0xB90]  }
0x2d2: {  	v13 =	vor.u32 v16, v19;
	v17 =	vld.idx.msk [tilespmem:v9+s11+$0x0], $0xffff  }
0x2d3: {  	v11 =	vld.idx.msk [tilespmem:v8+s11+$0x0], $0xffff  }
0x2d4: {  	v18 =	vor.u32 $0x9000, v1;
	v23 =	vld.idx.msk [tilespmem:v10+s11+$0x0], $0xffff  }
0x2d5: {  	v20 =	vor.u32 $0x9400, v1;
	v22 =	vor.u32 v18, v19;
	v8 =	vld [tilespmem:$0xBA0]  }
0x2d6: {  	v24 =	vor.u32 v20, v19;
	v9 =	vld [tilespmem:$0xBB0]  }
0x2d7: {  	v13 =	vld.idx.msk [tilespmem:v13+s11+$0x0], $0xffff  }
0x2d8: {  	v21 =	vor.u32 $0x9800, v1;
	v17 =	vmul.f32 v17, v7;
	v25 =	vmul.f32 v11, v6  }
0x2d9: {  	v26 =	vor.u32 v21, v19;
	v10 =	vld [tilespmem:$0xBC0]  }
0x2da: {  	v27 =	vld.idx.msk [tilespmem:v22+s11+$0x0], $0xffff;
	v22 =	vor.u32 $0x9C00, v1;
	v23 =	vmul.f32 v23, v8;
	v17 =	vadd.f32 v17, v25  }
0x2db: {  	v28 =	vld.idx.msk [tilespmem:v24+s11+$0x0], $0xffff;
	v25 =	vor.u32 v22, v19  }
0x2dc: {  	v24 =	vmul.f32 v13, v9;
	v11 =	vld [tilespmem:$0xBD0];
	v23 =	vadd.f32 v23, v17  }
0x2dd: {  	v17 =	vld [tilespmem:$0xBE0]  }
0x2de: {  	v29 =	vadd.f32 v24, v23;
	v24 =	vld.idx.msk [tilespmem:v26+s11+$0x0], $0xffff  }
0x2df: {  	v13 =	vld [tilespmem:$0xBF0];
	v27 =	vmul.f32 v27, v10  }
0x2e0: {  	s17 =	simm.s32 $0x1;
	v23 =	vld.idx.msk [tilespmem:v25+s11+$0x0], $0xffff  }
0x2e1: {  	v30 =	vmov s17;
	v26 =	vmul.f32 v28, v11;
	v25 =	vadd.f32 v27, v29  }
0x2e2: {  	s15 =	simm.s32 $0x2;
	v27 =	vand.u32 $0x3F, v30  }
.LBB2_11:
0x2e3: {  	p0 =	sne.s32 s15, $0x3F;
	v27 =	vbroadcast v27, $0x0;
	v25 =	vadd.f32 v26, v25;
	v24 =	vmul.f32 v24, v17  }
0x2e4: {  	v26 =	vor.u32 v5, v19  }
0x2e5: {  	v23 =	vmul.f32 v23, v13;
	v28 =	vor.u32 v14, v27;
	v24 =	vadd.f32 v24, v25;
	v19 =	vmovc v27  }
0x2e6: {  	v25 =	vor.u32 v12, v19  }
0x2e7: {  	v23 =	vadd.f32 v23, v24  }
0x2e8: {  	v24 =	vor.u32 v15, v19  }
0x2e9: {  	[tilespmem:v26+s29+$0x0] =	vst.idx.msk $0xffff, v23  }
0x2ea: {  	v26 =	vor.u32 v16, v19;
	v23 =	vld.idx.msk [tilespmem:v28+s11+$0x0], $0xffff  }
0x2eb: {  	v25 =	vld.idx.msk [tilespmem:v25+s11+$0x0], $0xffff  }
0x2ec: {  	v27 =	vor.u32 v18, v19  }
0x2ed: {  	v24 =	vld.idx.msk [tilespmem:v24+s11+$0x0], $0xffff  }
0x2ee: {  	v28 =	vor.u32 v20, v19  }
0x2ef: {  	v26 =	vld.idx.msk [tilespmem:v26+s11+$0x0], $0xffff  }
0x2f0: {  	v29 =	vor.u32 v21, v19  }
0x2f1: {  	v23 =	vmul.f32 v23, v6;
	v25 =	vmul.f32 v25, v7;
	v27 =	vld.idx.msk [tilespmem:v27+s11+$0x0], $0xffff  }
0x2f2: {  	v30 =	vor.u32 v22, v19  }
0x2f3: {  	v23 =	vadd.f32 v25, v23;
	v24 =	vmul.f32 v24, v8;
	v28 =	vld.idx.msk [tilespmem:v28+s11+$0x0], $0xffff;
	_ =	sdelay $0x1  }
0x2f4: {  	v23 =	vadd.f32 v24, v23;
	v25 =	vmul.f32 v26, v9;
	v24 =	vld.idx.msk [tilespmem:v29+s11+$0x0], $0xffff  }
.Ltmp4:
0x2f5: {  	(pc) =	sbr.rel @p0 .LBB2_11-.Ltmp4, $3  }
0x2f6: {  	v25 =	vadd.f32 v25, v23;
	v26 =	vmul.f32 v27, v10;
	v23 =	vld.idx.msk [tilespmem:v30+s11+$0x0], $0xffff;
	_ =	sdelay $0x1  }
0x2f7: {  	v27 =	vmov s15;
	v25 =	vadd.f32 v26, v25;
	v26 =	vmul.f32 v28, v11  }
0x2f8: {  	s15 =	sadd.s32 $0x1, s15;
	v27 =	vand.u32 $0x3F, v27  }
0x2f9: {  	v27 =	vbroadcast v27, $0x0;
	v25 =	vadd.f32 v26, v25;
	v24 =	vmul.f32 v24, v17  }
0x2fa: {  	v19 =	vor.u32 v5, v19  }
0x2fb: {  	v23 =	vmul.f32 v23, v13;
	v14 =	vor.u32 v14, v27;
	v24 =	vadd.f32 v24, v25  }
0x2fc: {  	v12 =	vor.u32 v12, v27  }
0x2fd: {  	v23 =	vadd.f32 v23, v24  }
0x2fe: {  	v15 =	vor.u32 v15, v27  }
0x2ff: {  	[tilespmem:v19+s29+$0x0] =	vst.idx.msk $0xffff, v23  }
0x300: {  	v16 =	vor.u32 v16, v27;
	v14 =	vld.idx.msk [tilespmem:v14+s11+$0x0], $0xffff  }
0x301: {  	v12 =	vld.idx.msk [tilespmem:v12+s11+$0x0], $0xffff  }
0x302: {  	v18 =	vor.u32 v18, v27  }
0x303: {  	v15 =	vld.idx.msk [tilespmem:v15+s11+$0x0], $0xffff  }
0x304: {  	v19 =	vor.u32 v20, v27  }
0x305: {  	v16 =	vld.idx.msk [tilespmem:v16+s11+$0x0], $0xffff  }
0x306: {  	v20 =	vor.u32 v21, v27;
	v6 =	vmul.f32 v14, v6;
	v7 =	vmul.f32 v12, v7  }
0x307: {  	v12 =	vld.idx.msk [tilespmem:v18+s11+$0x0], $0xffff  }
0x308: {  	v14 =	vor.u32 v22, v27;
	v6 =	vadd.f32 v7, v6;
	v7 =	vmul.f32 v15, v8  }
0x309: {  	v8 =	vld.idx.msk [tilespmem:v19+s11+$0x0], $0xffff  }
0x30a: {  	v6 =	vadd.f32 v7, v6;
	v7 =	vmul.f32 v16, v9  }
0x30b: {  	v9 =	vld.idx.msk [tilespmem:v20+s11+$0x0], $0xffff  }
0x30c: {  	v6 =	vadd.f32 v7, v6;
	v7 =	vmul.f32 v12, v10  }
0x30d: {  	v10 =	vld.idx.msk [tilespmem:v14+s11+$0x0], $0xffff  }
0x30e: {  	v6 =	vadd.f32 v7, v6;
	v7 =	vmul.f32 v8, v11  }
0x30f: {  	s15 =	simm.s32 $0x0  }
0x310: {  	v8 =	vmov s15;
	v6 =	vadd.f32 v7, v6;
	v7 =	vmul.f32 v9, v17  }
0x311: {  	v5 =	vor.u32 v5, v27;
	v8 =	vand.u32 $0x3F, v8  }
0x312: {  	v18 =	vbroadcast v8, $0x0;
	v6 =	vadd.f32 v7, v6;
	v7 =	vmul.f32 v10, v13  }
0x313: {  	v11 =	vor.u32 $0xA400, v1  }
0x314: {  	v13 =	vor.u32 $0xA000, v1;
	v8 =	vor.u32 v11, v18;
	v6 =	vadd.f32 v7, v6  }
0x315: {  	v14 =	vor.u32 $0xA800, v1;
	v7 =	vor.u32 v13, v18  }
0x316: {  	v9 =	vor.u32 v14, v18;
	[tilespmem:v5+s29+$0x0] =	vst.idx.msk $0xffff, v6  }
0x317: {  	v5 =	vld [tilespmem:$0xC00]  }
0x318: {  	v15 =	vor.u32 $0xAC00, v1;
	v6 =	vld [tilespmem:$0xC10]  }
0x319: {  	v12 =	vor.u32 v15, v18;
	v16 =	vld.idx.msk [tilespmem:v8+s11+$0x0], $0xffff  }
0x31a: {  	v10 =	vld.idx.msk [tilespmem:v7+s11+$0x0], $0xffff  }
0x31b: {  	v17 =	vor.u32 $0xB000, v1;
	v22 =	vld.idx.msk [tilespmem:v9+s11+$0x0], $0xffff  }
0x31c: {  	v19 =	vor.u32 $0xB400, v1;
	v21 =	vor.u32 v17, v18;
	v7 =	vld [tilespmem:$0xC20]  }
0x31d: {  	v23 =	vor.u32 v19, v18;
	v8 =	vld [tilespmem:$0xC30]  }
0x31e: {  	v12 =	vld.idx.msk [tilespmem:v12+s11+$0x0], $0xffff  }
0x31f: {  	v20 =	vor.u32 $0xB800, v1;
	v16 =	vmul.f32 v16, v6;
	v24 =	vmul.f32 v10, v5  }
0x320: {  	v25 =	vor.u32 v20, v18;
	v9 =	vld [tilespmem:$0xC40]  }
0x321: {  	v26 =	vld.idx.msk [tilespmem:v21+s11+$0x0], $0xffff;
	v21 =	vor.u32 $0xBC00, v1;
	v22 =	vmul.f32 v22, v7;
	v16 =	vadd.f32 v16, v24  }
0x322: {  	v27 =	vld.idx.msk [tilespmem:v23+s11+$0x0], $0xffff;
	v24 =	vor.u32 v21, v18  }
0x323: {  	v23 =	vmul.f32 v12, v8;
	v10 =	vld [tilespmem:$0xC50];
	v22 =	vadd.f32 v22, v16  }
0x324: {  	v16 =	vld [tilespmem:$0xC60]  }
0x325: {  	v28 =	vadd.f32 v23, v22;
	v23 =	vld.idx.msk [tilespmem:v25+s11+$0x0], $0xffff  }
0x326: {  	v12 =	vld [tilespmem:$0xC70];
	v26 =	vmul.f32 v26, v9  }
0x327: {  	s17 =	simm.s32 $0x1;
	v22 =	vld.idx.msk [tilespmem:v24+s11+$0x0], $0xffff  }
0x328: {  	v29 =	vmov s17;
	v25 =	vmul.f32 v27, v10;
	v24 =	vadd.f32 v26, v28  }
0x329: {  	s15 =	simm.s32 $0x2;
	v26 =	vand.u32 $0x3F, v29  }
.LBB2_13:
0x32a: {  	p0 =	sne.s32 s15, $0x3F;
	v26 =	vbroadcast v26, $0x0;
	v24 =	vadd.f32 v25, v24;
	v23 =	vmul.f32 v23, v16  }
0x32b: {  	v25 =	vor.u32 v4, v18  }
0x32c: {  	v22 =	vmul.f32 v22, v12;
	v27 =	vor.u32 v13, v26;
	v23 =	vadd.f32 v23, v24;
	v18 =	vmovc v26  }
0x32d: {  	v24 =	vor.u32 v11, v18  }
0x32e: {  	v22 =	vadd.f32 v22, v23  }
0x32f: {  	v23 =	vor.u32 v14, v18  }
0x330: {  	[tilespmem:v25+s29+$0x0] =	vst.idx.msk $0xffff, v22  }
0x331: {  	v25 =	vor.u32 v15, v18;
	v22 =	vld.idx.msk [tilespmem:v27+s11+$0x0], $0xffff  }
0x332: {  	v24 =	vld.idx.msk [tilespmem:v24+s11+$0x0], $0xffff  }
0x333: {  	v26 =	vor.u32 v17, v18  }
0x334: {  	v23 =	vld.idx.msk [tilespmem:v23+s11+$0x0], $0xffff  }
0x335: {  	v27 =	vor.u32 v19, v18  }
0x336: {  	v25 =	vld.idx.msk [tilespmem:v25+s11+$0x0], $0xffff  }
0x337: {  	v28 =	vor.u32 v20, v18  }
0x338: {  	v22 =	vmul.f32 v22, v5;
	v24 =	vmul.f32 v24, v6;
	v26 =	vld.idx.msk [tilespmem:v26+s11+$0x0], $0xffff  }
0x339: {  	v29 =	vor.u32 v21, v18  }
0x33a: {  	v22 =	vadd.f32 v24, v22;
	v23 =	vmul.f32 v23, v7;
	v27 =	vld.idx.msk [tilespmem:v27+s11+$0x0], $0xffff;
	_ =	sdelay $0x1  }
0x33b: {  	v22 =	vadd.f32 v23, v22;
	v24 =	vmul.f32 v25, v8;
	v23 =	vld.idx.msk [tilespmem:v28+s11+$0x0], $0xffff  }
.Ltmp5:
0x33c: {  	(pc) =	sbr.rel @p0 .LBB2_13-.Ltmp5, $3  }
0x33d: {  	v24 =	vadd.f32 v24, v22;
	v25 =	vmul.f32 v26, v9;
	v22 =	vld.idx.msk [tilespmem:v29+s11+$0x0], $0xffff;
	_ =	sdelay $0x1  }
0x33e: {  	v26 =	vmov s15;
	v24 =	vadd.f32 v25, v24;
	v25 =	vmul.f32 v27, v10  }
0x33f: {  	s15 =	sadd.s32 $0x1, s15;
	v26 =	vand.u32 $0x3F, v26  }
0x340: {  	v26 =	vbroadcast v26, $0x0;
	v24 =	vadd.f32 v25, v24;
	v23 =	vmul.f32 v23, v16  }
0x341: {  	v18 =	vor.u32 v4, v18  }
0x342: {  	v22 =	vmul.f32 v22, v12;
	v13 =	vor.u32 v13, v26;
	v23 =	vadd.f32 v23, v24  }
0x343: {  	v11 =	vor.u32 v11, v26  }
0x344: {  	v22 =	vadd.f32 v22, v23  }
0x345: {  	v14 =	vor.u32 v14, v26  }
0x346: {  	[tilespmem:v18+s29+$0x0] =	vst.idx.msk $0xffff, v22  }
0x347: {  	v15 =	vor.u32 v15, v26;
	v13 =	vld.idx.msk [tilespmem:v13+s11+$0x0], $0xffff  }
0x348: {  	v11 =	vld.idx.msk [tilespmem:v11+s11+$0x0], $0xffff  }
0x349: {  	v17 =	vor.u32 v17, v26  }
0x34a: {  	v14 =	vld.idx.msk [tilespmem:v14+s11+$0x0], $0xffff  }
0x34b: {  	v18 =	vor.u32 v19, v26  }
0x34c: {  	v15 =	vld.idx.msk [tilespmem:v15+s11+$0x0], $0xffff  }
0x34d: {  	v19 =	vor.u32 v20, v26;
	v5 =	vmul.f32 v13, v5;
	v6 =	vmul.f32 v11, v6  }
0x34e: {  	v11 =	vld.idx.msk [tilespmem:v17+s11+$0x0], $0xffff  }
0x34f: {  	v13 =	vor.u32 v21, v26;
	v5 =	vadd.f32 v6, v5;
	v6 =	vmul.f32 v14, v7  }
0x350: {  	v7 =	vld.idx.msk [tilespmem:v18+s11+$0x0], $0xffff  }
0x351: {  	v5 =	vadd.f32 v6, v5;
	v6 =	vmul.f32 v15, v8  }
0x352: {  	v8 =	vld.idx.msk [tilespmem:v19+s11+$0x0], $0xffff  }
0x353: {  	v5 =	vadd.f32 v6, v5;
	v6 =	vmul.f32 v11, v9  }
0x354: {  	v9 =	vld.idx.msk [tilespmem:v13+s11+$0x0], $0xffff  }
0x355: {  	v5 =	vadd.f32 v6, v5;
	v6 =	vmul.f32 v7, v10  }
0x356: {  	s15 =	simm.s32 $0x0  }
0x357: {  	v7 =	vmov s15;
	v5 =	vadd.f32 v6, v5;
	v6 =	vmul.f32 v8, v16  }
0x358: {  	v4 =	vor.u32 v4, v26;
	v7 =	vand.u32 $0x3F, v7  }
0x359: {  	v17 =	vbroadcast v7, $0x0;
	v5 =	vadd.f32 v6, v5;
	v6 =	vmul.f32 v9, v12  }
0x35a: {  	v10 =	vor.u32 $0xC400, v1  }
0x35b: {  	v12 =	vor.u32 $0xC000, v1;
	v7 =	vor.u32 v10, v17;
	v5 =	vadd.f32 v6, v5  }
0x35c: {  	v13 =	vor.u32 $0xC800, v1;
	v6 =	vor.u32 v12, v17  }
0x35d: {  	v8 =	vor.u32 v13, v17;
	[tilespmem:v4+s29+$0x0] =	vst.idx.msk $0xffff, v5  }
0x35e: {  	v4 =	vld [tilespmem:$0xC80]  }
0x35f: {  	v14 =	vor.u32 $0xCC00, v1;
	v5 =	vld [tilespmem:$0xC90]  }
0x360: {  	v11 =	vor.u32 v14, v17;
	v15 =	vld.idx.msk [tilespmem:v7+s11+$0x0], $0xffff  }
0x361: {  	v9 =	vld.idx.msk [tilespmem:v6+s11+$0x0], $0xffff  }
0x362: {  	v16 =	vor.u32 $0xD000, v1;
	v21 =	vld.idx.msk [tilespmem:v8+s11+$0x0], $0xffff  }
0x363: {  	v18 =	vor.u32 $0xD400, v1;
	v20 =	vor.u32 v16, v17;
	v6 =	vld [tilespmem:$0xCA0]  }
0x364: {  	v22 =	vor.u32 v18, v17;
	v7 =	vld [tilespmem:$0xCB0]  }
0x365: {  	v11 =	vld.idx.msk [tilespmem:v11+s11+$0x0], $0xffff  }
0x366: {  	v19 =	vor.u32 $0xD800, v1;
	v15 =	vmul.f32 v15, v5;
	v23 =	vmul.f32 v9, v4  }
0x367: {  	v24 =	vor.u32 v19, v17;
	v8 =	vld [tilespmem:$0xCC0]  }
0x368: {  	v25 =	vld.idx.msk [tilespmem:v20+s11+$0x0], $0xffff;
	v20 =	vor.u32 $0xDC00, v1;
	v21 =	vmul.f32 v21, v6;
	v15 =	vadd.f32 v15, v23  }
0x369: {  	v26 =	vld.idx.msk [tilespmem:v22+s11+$0x0], $0xffff;
	v23 =	vor.u32 v20, v17  }
0x36a: {  	v22 =	vmul.f32 v11, v7;
	v9 =	vld [tilespmem:$0xCD0];
	v21 =	vadd.f32 v21, v15  }
0x36b: {  	v15 =	vld [tilespmem:$0xCE0]  }
0x36c: {  	v27 =	vadd.f32 v22, v21;
	v22 =	vld.idx.msk [tilespmem:v24+s11+$0x0], $0xffff  }
0x36d: {  	v11 =	vld [tilespmem:$0xCF0];
	v25 =	vmul.f32 v25, v8  }
0x36e: {  	s17 =	simm.s32 $0x1;
	v21 =	vld.idx.msk [tilespmem:v23+s11+$0x0], $0xffff  }
0x36f: {  	v28 =	vmov s17;
	v24 =	vmul.f32 v26, v9;
	v23 =	vadd.f32 v25, v27  }
0x370: {  	s15 =	simm.s32 $0x2;
	v25 =	vand.u32 $0x3F, v28  }
.LBB2_15:
0x371: {  	p0 =	sne.s32 s15, $0x3F;
	v25 =	vbroadcast v25, $0x0;
	v23 =	vadd.f32 v24, v23;
	v22 =	vmul.f32 v22, v15  }
0x372: {  	v24 =	vor.u32 v3, v17  }
0x373: {  	v21 =	vmul.f32 v21, v11;
	v26 =	vor.u32 v12, v25;
	v22 =	vadd.f32 v22, v23;
	v17 =	vmovc v25  }
0x374: {  	v23 =	vor.u32 v10, v17  }
0x375: {  	v21 =	vadd.f32 v21, v22  }
0x376: {  	v22 =	vor.u32 v13, v17  }
0x377: {  	[tilespmem:v24+s29+$0x0] =	vst.idx.msk $0xffff, v21  }
0x378: {  	v24 =	vor.u32 v14, v17;
	v21 =	vld.idx.msk [tilespmem:v26+s11+$0x0], $0xffff  }
0x379: {  	v23 =	vld.idx.msk [tilespmem:v23+s11+$0x0], $0xffff  }
0x37a: {  	v25 =	vor.u32 v16, v17  }
0x37b: {  	v22 =	vld.idx.msk [tilespmem:v22+s11+$0x0], $0xffff  }
0x37c: {  	v26 =	vor.u32 v18, v17  }
0x37d: {  	v24 =	vld.idx.msk [tilespmem:v24+s11+$0x0], $0xffff  }
0x37e: {  	v27 =	vor.u32 v19, v17  }
0x37f: {  	v21 =	vmul.f32 v21, v4;
	v23 =	vmul.f32 v23, v5;
	v25 =	vld.idx.msk [tilespmem:v25+s11+$0x0], $0xffff  }
0x380: {  	v28 =	vor.u32 v20, v17  }
0x381: {  	v21 =	vadd.f32 v23, v21;
	v22 =	vmul.f32 v22, v6;
	v26 =	vld.idx.msk [tilespmem:v26+s11+$0x0], $0xffff;
	_ =	sdelay $0x1  }
0x382: {  	v21 =	vadd.f32 v22, v21;
	v23 =	vmul.f32 v24, v7;
	v22 =	vld.idx.msk [tilespmem:v27+s11+$0x0], $0xffff  }
.Ltmp6:
0x383: {  	(pc) =	sbr.rel @p0 .LBB2_15-.Ltmp6, $3  }
0x384: {  	v23 =	vadd.f32 v23, v21;
	v24 =	vmul.f32 v25, v8;
	v21 =	vld.idx.msk [tilespmem:v28+s11+$0x0], $0xffff;
	_ =	sdelay $0x1  }
0x385: {  	v25 =	vmov s15;
	v23 =	vadd.f32 v24, v23;
	v24 =	vmul.f32 v26, v9  }
0x386: {  	s15 =	sadd.s32 $0x1, s15;
	v25 =	vand.u32 $0x3F, v25  }
0x387: {  	v25 =	vbroadcast v25, $0x0;
	v23 =	vadd.f32 v24, v23;
	v22 =	vmul.f32 v22, v15  }
0x388: {  	v17 =	vor.u32 v3, v17  }
0x389: {  	v21 =	vmul.f32 v21, v11;
	v12 =	vor.u32 v12, v25;
	v22 =	vadd.f32 v22, v23  }
0x38a: {  	v10 =	vor.u32 v10, v25  }
0x38b: {  	v21 =	vadd.f32 v21, v22  }
0x38c: {  	v13 =	vor.u32 v13, v25  }
0x38d: {  	[tilespmem:v17+s29+$0x0] =	vst.idx.msk $0xffff, v21  }
0x38e: {  	v14 =	vor.u32 v14, v25;
	v12 =	vld.idx.msk [tilespmem:v12+s11+$0x0], $0xffff  }
0x38f: {  	v10 =	vld.idx.msk [tilespmem:v10+s11+$0x0], $0xffff  }
0x390: {  	v16 =	vor.u32 v16, v25  }
0x391: {  	v13 =	vld.idx.msk [tilespmem:v13+s11+$0x0], $0xffff  }
0x392: {  	v17 =	vor.u32 v18, v25  }
0x393: {  	v14 =	vld.idx.msk [tilespmem:v14+s11+$0x0], $0xffff  }
0x394: {  	v18 =	vor.u32 v19, v25;
	v4 =	vmul.f32 v12, v4;
	v5 =	vmul.f32 v10, v5  }
0x395: {  	v10 =	vld.idx.msk [tilespmem:v16+s11+$0x0], $0xffff  }
0x396: {  	v12 =	vor.u32 v20, v25;
	v4 =	vadd.f32 v5, v4;
	v5 =	vmul.f32 v13, v6  }
0x397: {  	v6 =	vld.idx.msk [tilespmem:v17+s11+$0x0], $0xffff  }
0x398: {  	v4 =	vadd.f32 v5, v4;
	v5 =	vmul.f32 v14, v7  }
0x399: {  	v7 =	vld.idx.msk [tilespmem:v18+s11+$0x0], $0xffff  }
0x39a: {  	v4 =	vadd.f32 v5, v4;
	v5 =	vmul.f32 v10, v8  }
0x39b: {  	v8 =	vld.idx.msk [tilespmem:v12+s11+$0x0], $0xffff  }
0x39c: {  	v4 =	vadd.f32 v5, v4;
	v5 =	vmul.f32 v6, v9  }
0x39d: {  	s15 =	simm.s32 $0x0  }
0x39e: {  	v6 =	vmov s15;
	v4 =	vadd.f32 v5, v4;
	v5 =	vmul.f32 v7, v15  }
0x39f: {  	v3 =	vor.u32 v3, v25;
	v6 =	vand.u32 $0x3F, v6  }
0x3a0: {  	v15 =	vbroadcast v6, $0x0;
	v4 =	vadd.f32 v5, v4;
	v5 =	vmul.f32 v8, v11  }
0x3a1: {  	v9 =	vor.u32 $0xE400, v1  }
0x3a2: {  	v10 =	vor.u32 $0xE000, v1;
	v6 =	vor.u32 v9, v15;
	v4 =	vadd.f32 v5, v4  }
0x3a3: {  	v11 =	vor.u32 $0xE800, v1;
	v5 =	vor.u32 v10, v15  }
0x3a4: {  	v7 =	vor.u32 v11, v15;
	[tilespmem:v3+s29+$0x0] =	vst.idx.msk $0xffff, v4  }
0x3a5: {  	v3 =	vld [tilespmem:$0xD00]  }
0x3a6: {  	v12 =	vor.u32 $0xEC00, v1;
	v4 =	vld [tilespmem:$0xD10]  }
0x3a7: {  	v13 =	vor.u32 v12, v15;
	v16 =	vld.idx.msk [tilespmem:v6+s11+$0x0], $0xffff  }
0x3a8: {  	v14 =	vor.u32 $0xF000, v1;
	v8 =	vld.idx.msk [tilespmem:v5+s11+$0x0], $0xffff  }
0x3a9: {  	v19 =	vor.u32 v14, v15;
	v20 =	vld.idx.msk [tilespmem:v7+s11+$0x0], $0xffff  }
0x3aa: {  	v17 =	vor.u32 $0xF400, v1;
	v5 =	vld [tilespmem:$0xD20]  }
0x3ab: {  	v21 =	vor.u32 v17, v15;
	v6 =	vld [tilespmem:$0xD30]  }
0x3ac: {  	v13 =	vld.idx.msk [tilespmem:v13+s11+$0x0], $0xffff  }
0x3ad: {  	v18 =	vor.u32 $0xF800, v1;
	v16 =	vmul.f32 v16, v4;
	v22 =	vmul.f32 v8, v3  }
0x3ae: {  	v23 =	vor.u32 v18, v15;
	v24 =	vld.idx.msk [tilespmem:v19+s11+$0x0], $0xffff  }
0x3af: {  	v19 =	vor.u32 $0xFC00, v1;
	v7 =	vld [tilespmem:$0xD40];
	v20 =	vmul.f32 v20, v5;
	v16 =	vadd.f32 v16, v22  }
0x3b0: {  	v25 =	vld.idx.msk [tilespmem:v21+s11+$0x0], $0xffff;
	v22 =	vor.u32 v19, v15  }
0x3b1: {  	v21 =	vmul.f32 v13, v6;
	v8 =	vld [tilespmem:$0xD50];
	v20 =	vadd.f32 v20, v16  }
0x3b2: {  	v16 =	vld [tilespmem:$0xD60]  }
0x3b3: {  	v26 =	vadd.f32 v21, v20;
	v21 =	vld.idx.msk [tilespmem:v23+s11+$0x0], $0xffff  }
0x3b4: {  	v13 =	vld [tilespmem:$0xD70];
	v24 =	vmul.f32 v24, v7  }
0x3b5: {  	s17 =	simm.s32 $0x1;
	v20 =	vld.idx.msk [tilespmem:v22+s11+$0x0], $0xffff  }
0x3b6: {  	v27 =	vmov s17;
	v23 =	vmul.f32 v25, v8;
	v22 =	vadd.f32 v24, v26  }
0x3b7: {  	s15 =	simm.s32 $0x2;
	v24 =	vand.u32 $0x3F, v27  }
.LBB2_17:
0x3b8: {  	p0 =	sne.s32 s15, $0x3F;
	v24 =	vbroadcast v24, $0x0;
	v22 =	vadd.f32 v23, v22;
	v21 =	vmul.f32 v21, v16  }
0x3b9: {  	v23 =	vor.u32 v2, v15  }
0x3ba: {  	v20 =	vmul.f32 v20, v13;
	v25 =	vor.u32 v10, v24;
	v21 =	vadd.f32 v21, v22;
	v15 =	vmovc v24  }
0x3bb: {  	v22 =	vor.u32 v9, v15  }
0x3bc: {  	v20 =	vadd.f32 v20, v21  }
0x3bd: {  	v21 =	vor.u32 v11, v15  }
0x3be: {  	[tilespmem:v23+s29+$0x0] =	vst.idx.msk $0xffff, v20  }
0x3bf: {  	v23 =	vor.u32 v12, v15;
	v20 =	vld.idx.msk [tilespmem:v25+s11+$0x0], $0xffff  }
0x3c0: {  	v22 =	vld.idx.msk [tilespmem:v22+s11+$0x0], $0xffff  }
0x3c1: {  	v24 =	vor.u32 v14, v15  }
0x3c2: {  	v21 =	vld.idx.msk [tilespmem:v21+s11+$0x0], $0xffff  }
0x3c3: {  	v25 =	vor.u32 v17, v15  }
0x3c4: {  	v23 =	vld.idx.msk [tilespmem:v23+s11+$0x0], $0xffff  }
0x3c5: {  	v26 =	vor.u32 v18, v15  }
0x3c6: {  	v20 =	vmul.f32 v20, v3;
	v22 =	vmul.f32 v22, v4;
	v24 =	vld.idx.msk [tilespmem:v24+s11+$0x0], $0xffff  }
0x3c7: {  	v27 =	vor.u32 v19, v15  }
0x3c8: {  	v20 =	vadd.f32 v22, v20;
	v21 =	vmul.f32 v21, v5;
	v25 =	vld.idx.msk [tilespmem:v25+s11+$0x0], $0xffff;
	_ =	sdelay $0x1  }
0x3c9: {  	v20 =	vadd.f32 v21, v20;
	v22 =	vmul.f32 v23, v6;
	v21 =	vld.idx.msk [tilespmem:v26+s11+$0x0], $0xffff  }
.Ltmp7:
0x3ca: {  	(pc) =	sbr.rel @p0 .LBB2_17-.Ltmp7, $3  }
0x3cb: {  	v22 =	vadd.f32 v22, v20;
	v23 =	vmul.f32 v24, v7;
	v20 =	vld.idx.msk [tilespmem:v27+s11+$0x0], $0xffff;
	_ =	sdelay $0x1  }
0x3cc: {  	v24 =	vmov s15;
	v22 =	vadd.f32 v23, v22;
	v23 =	vmul.f32 v25, v8  }
0x3cd: {  	s15 =	sadd.s32 $0x1, s15;
	v24 =	vand.u32 $0x3F, v24  }
0x3ce: {  	v24 =	vbroadcast v24, $0x0;
	v22 =	vadd.f32 v23, v22;
	v21 =	vmul.f32 v21, v16  }
0x3cf: {  	v15 =	vor.u32 v2, v15  }
0x3d0: {  	v20 =	vmul.f32 v20, v13;
	v10 =	vor.u32 v10, v24;
	v21 =	vadd.f32 v21, v22  }
0x3d1: {  	v9 =	vor.u32 v9, v24  }
0x3d2: {  	v20 =	vadd.f32 v20, v21  }
0x3d3: {  	v11 =	vor.u32 v11, v24  }
0x3d4: {  	[tilespmem:v15+s29+$0x0] =	vst.idx.msk $0xffff, v20  }
0x3d5: {  	v12 =	vor.u32 v12, v24;
	v10 =	vld.idx.msk [tilespmem:v10+s11+$0x0], $0xffff  }
0x3d6: {  	v9 =	vld.idx.msk [tilespmem:v9+s11+$0x0], $0xffff  }
0x3d7: {  	v14 =	vor.u32 v14, v24  }
0x3d8: {  	v11 =	vld.idx.msk [tilespmem:v11+s11+$0x0], $0xffff  }
0x3d9: {  	v51 =	vor.u32 v17, v24  }
0x3da: {  	v12 =	vld.idx.msk [tilespmem:v12+s11+$0x0], $0xffff  }
0x3db: {  	v52 =	vor.u32 v18, v24;
	v3 =	vmul.f32 v10, v3;
	v4 =	vmul.f32 v9, v4  }
0x3dc: {  	v53 =	vld.idx.msk [tilespmem:v14+s11+$0x0], $0xffff  }
0x3dd: {  	v54 =	vor.u32 v19, v24;
	v55 =	vmul.f32 v11, v5;
	v3 =	vadd.f32 v4, v3  }
0x3de: {  	v56 =	vld.idx.msk [tilespmem:v51+s11+$0x0], $0xffff  }
0x3df: {  	v57 =	vmul.f32 v12, v6;
	v3 =	vadd.f32 v55, v3  }
0x3e0: {  	v58 =	vld.idx.msk [tilespmem:v52+s11+$0x0], $0xffff  }
0x3e1: {  	v59 =	vmul.f32 v53, v7;
	v3 =	vadd.f32 v57, v3  }
0x3e2: {  	v60 =	vld.idx.msk [tilespmem:v54+s11+$0x0], $0xffff  }
0x3e3: {  	v61 =	vmul.f32 v56, v8;
	v3 =	vadd.f32 v59, v3;
	_ =	sdelay $0x1  }
0x3e4: {  	v62 =	vmul.f32 v58, v16;
	v3 =	vadd.f32 v61, v3  }
0x3e5: {  	v2 =	vor.u32 v2, v24  }
0x3e6: {  	v63 =	vmul.f32 v60, v13;
	v3 =	vadd.f32 v62, v3;
	_ =	sdelay $0x1  }
0x3e7: {  	v3 =	vadd.f32 v63, v3  }
0x3e8: {  	s14 =	sshll.u32 s14, $0x3  }
0x3e9: {  	s14 =	sadd.s32 s8, s14;
	[tilespmem:v2+s29+$0x0] =	vst.idx.msk $0xffff, v3  }
0x3ea: {  	[hbm4b:s14+s2] =	stream.linear.scatter [tilespmem:s29], [sflag:$0x2], $0x2000, $0x38;
	[tilespmem:$0x13200] =	vst v63  }
0x3eb: {  	s31 =	sadd.s32 $0x1, s31;
	_ =	swait.ge [sflag:s12], $0x2000  }
0x3ec: {  	p0 =	sne.s32 s31, $0x20;
	[sflag:s12] =	ssyncset.done $0x0  }
.Ltmp8:
0x3ed: {  	s5 =	sadd.s32 s9, s5;
	[sflag:s12] =	ssyncadd.s32 $0xFFFFE000;
	(pc) =	sbr.rel @p0 .LBB2_2-.Ltmp8, $4  }
0x3ee: {  	[hbm4b:s5+s2] =	stream.linear.scatter [tilespmem:s30], [sflag:$0x2], $0x80, $0x38;
	[tilespmem:$0x13200] =	vst v63  }
0x3ef: {  	_ =	swait.ge [sflag:s12], $0x80  }
0x3f0: {  	[sflag:s12] =	ssyncset.done $0x0  }
0x3f1: {  	[sflag:s12] =	ssyncadd.s32 $0xFFFFFF80  }
0x3f2: {  	s14 =	rddreg [dreg:$0x4]  }
0x3f3: {  	s5 =	rddreg [dreg:$0x3];
	s14 =	sadd.s32 $0x1, s14  }
0x3f4: {  	p0 =	sne.s32 s14, s5  }
.Ltmp9:
0x3f5: {  	_ = 	snop;
	(pc) =	sbr.rel @p0 .LBB2_1-.Ltmp9, $1  }
0x3f6: {  	_ =	sdelay $0x3  }
0x3f7: {  	_ =	sfence.sel $0x180000  }
0x3f8: {  	[bflag:$0x0] =	sbarrier.arrive $0xFFFF  }
0x3f9: {  	_ =	strace $0x90000047  }
0x3fa: {  	s0 =	stileid.u32;
	[bflag:$0x2] =	sbarrier.arrive $0xFFFF  }
0x3fb: {  	p0 =	sne.s32 s0, $0x0;
	s0 =	rddreg [dreg:$0x2]  }
0x3fc: {  	s0 =	sadd.s32 @!p0 $0x100000, s0  }
0x3fd: {  	[sflag:s0] =	ssyncadd.tile.s32 @!p0 $0x1;
	_ =	shalt  }
.Lfunc_end2:
_tile_overlayer_lowered:
.L_overlay_start_2:
0x3fe: {  	(tag) =	ssettag $0x2  }
0x3ff: {  	s0 =	rddreg [dreg:$0x0];
	s2 =	stileid.u32  }
0x400: {  	s1 =	rddreg [dreg:$0x1];
	p0 =	sne.s32 s2, $0x0  }
0x401: {  	s3 =	rddreg [dreg:$0x2];
	[bflag:$0x3] =	sbarrier.arrive $0xFFFF;
	s2 =	simm.s32 @!p0 $0x1C02  }
0x402: {  	[timem:s3], [sflag:s2] =	dma.local @!p0 [hbm:s0], s1  }
0x403: {  	s0 =	simm.s32 @!p0 $0x2  }
0x404: {  	_ =	swait.ge @!p0 [sflag:s0], s1  }
0x405: {  	s1 =	ssub.s32 @!p0 $0x0, s1;
	[sflag:s0] =	ssyncset.done @!p0 $0x0  }
0x406: {  	[sflag:s0] =	ssyncadd.s32 @!p0 s1  }
0x407: {  	[bflag:$0x3] =	sbarrier.arrive $0xFFFF  }
0x408: {  	_ =	shalt  }

</sc_bundles>
